<compile_context>
chip_gen: v7x
topology: tpu7x:2x2x1
jax: 0.10.2.dev20260603
libtpu: 0.0.44.dev20260713+nightly
codegen_flags: <defaults>
</compile_context>

<pallas_src>
import functools

import jax
import jax.numpy as jnp
from jax import lax
from jax.experimental import pallas as pl
from jax.experimental.pallas import tpu as pltpu
from jax.experimental.pallas import tpu_sc as plsc

N = 10000
E = 320000
D = 128
DH = D // 2
NC = 2
NS = 16
CH = 128
SB = 8
NCHT = 2560
CPT = NCHT // NS
EPAD = NCHT * CH
CPP = 32
SPP = CPP // SB
NPH = CPT // CPP
NDUMP = 8
NPAD = N + NDUMP
ZR = 1000
NZW = N // ZR
NRING = 2


def _sc_aggregate(xh, src2, dst2, zrows, zdeg, ones):
    mesh = plsc.VectorSubcoreMesh(core_axis_name="c", subcore_axis_name="s")

    @functools.partial(
        pl.kernel,
        out_type=(
            jax.ShapeDtypeStruct((NC, N, DH), jnp.float32),
            jax.ShapeDtypeStruct((NC * N,), jnp.float32),
        ),
        mesh=mesh,
        scratch_types=[
            pltpu.VMEM_SHARED((N, DH), jnp.float32),
            pltpu.VMEM_SHARED((NPAD, DH), jnp.float32),
            pltpu.VMEM_SHARED((NPAD,), jnp.float32),
            pltpu.VMEM((CPP, CH), jnp.int32),
            pltpu.VMEM((CPP, CH), jnp.int32),
            pltpu.VMEM((CH, DH), jnp.float32),
            pltpu.VMEM((CH, DH), jnp.float32),
            pltpu.VMEM((CH,), jnp.float32),
            pltpu.VMEM((ZR,), jnp.float32),
            pltpu.SemaphoreType.DMA,
            pltpu.SemaphoreType.DMA,
            pltpu.SemaphoreType.DMA,
            pltpu.SemaphoreType.DMA,
        ],
    )
    def k(x_hbm, src_hbm, dst_hbm, zr_hbm, zd_hbm, on_hbm,
          acc_out, deg_out, x_sh, acc_sh, deg_sh, sidx, didx,
          rb0, rb1, ones_v, stgd,
          g0, g1, s0, s1):
        cid = lax.axis_index("c")
        sid = lax.axis_index("s")
        rbufs = (rb0, rb1)
        gsems = (g0, g1)
        ssems = (s0, s1)

        pltpu.sync_copy(on_hbm, ones_v)

        @pl.when(sid < NZW)
        def _():
            pltpu.sync_copy(zd_hbm, stgd)
            pltpu.sync_copy(stgd, deg_sh.at[pl.ds(sid * ZR, ZR)])
            rem = ZR - (ZR // CH) * CH
            for j in range(ZR // CH):
                row0 = sid * ZR + j * CH
                pltpu.sync_copy(x_hbm.at[cid, pl.ds(row0, CH)], rb0)
                pltpu.sync_copy(rb0, x_sh.at[pl.ds(row0, CH)])
            row0 = sid * ZR + (ZR // CH) * CH
            pltpu.sync_copy(x_hbm.at[cid, pl.ds(row0, rem)],
                            rb0.at[pl.ds(0, rem)])
            pltpu.sync_copy(rb0.at[pl.ds(0, rem)], x_sh.at[pl.ds(row0, rem)])
            pltpu.sync_copy(zr_hbm, rb0)
            for j in range(ZR // CH):
                row0 = sid * ZR + j * CH
                pltpu.sync_copy(rb0, acc_sh.at[pl.ds(row0, CH)])
            row0 = sid * ZR + (ZR // CH) * CH
            pltpu.sync_copy(rb0.at[pl.ds(0, rem)], acc_sh.at[pl.ds(row0, rem)])

        @pl.when(sid >= NZW)
        def _():
            pltpu.sync_copy(zr_hbm, rb0)

        @pl.when(sid == 0)
        def _():
            pltpu.sync_copy(rb0.at[pl.ds(0, NDUMP)], acc_sh.at[pl.ds(N, NDUMP)])
            pltpu.sync_copy(stgd.at[pl.ds(0, NDUMP)], deg_sh.at[pl.ds(N, NDUMP)])
        plsc.subcore_barrier()

        def gather_cp(t, r):
            return pltpu.make_async_copy(
                x_sh.at[sidx.at[t]], rbufs[r], gsems[r])

        def scatter_cp(t, r):
            return pltpu.make_async_copy(
                rbufs[r], acc_sh.at[didx.at[t]], ssems[r])

        def phase(cbase):
            pltpu.sync_copy(src_hbm.at[pl.ds(cbase, CPP)], sidx)
            pltpu.sync_copy(dst_hbm.at[pl.ds(cbase, CPP)], didx)

            @pl.loop(0, SPP)
            def _(s):
                for j in range(SB):
                    r = j % NRING
                    t = s * SB + j
                    if j >= NRING:
                        scatter_cp(t - NRING, r).wait()
                    else:
                        @pl.when(s > 0)
                        def _():
                            scatter_cp(t - NRING, r).wait()
                    gather_cp(t, r).start()
                    r1 = (j + 1) % NRING
                    if j >= 1:
                        gather_cp(t - 1, r1).wait()
                        scatter_cp(t - 1, r1).start(add=True)
                    else:
                        @pl.when(s > 0)
                        def _():
                            gather_cp(t - 1, r1).wait()
                            scatter_cp(t - 1, r1).start(add=True)

            tl = CPP - 1
            gather_cp(tl, tl % NRING).wait()
            scatter_cp(tl, tl % NRING).start(add=True)
            scatter_cp(tl - 1, (tl - 1) % NRING).wait()
            scatter_cp(tl, tl % NRING).wait()

            @pl.loop(0, CPP // 2)
            def _(i):
                pltpu.sync_copy(ones_v, deg_sh.at[didx.at[2 * i + cid]],
                                add=True)

        for h in range(NPH):
            phase(sid * CPT + h * CPP)

        plsc.subcore_barrier()

        @pl.when(sid < NZW)
        def _():
            pltpu.sync_copy(deg_sh.at[pl.ds(sid * ZR, ZR)], stgd)
            pltpu.sync_copy(stgd, deg_out.at[pl.ds(cid * N + sid * ZR, ZR)])
            for j in range(ZR // CH + 1):
                row0 = j * CH
                nrow = min(CH, ZR - row0)
                pltpu.sync_copy(acc_sh.at[pl.ds(sid * ZR + row0, nrow)],
                                rb1.at[pl.ds(0, nrow)])
                pltpu.sync_copy(rb1.at[pl.ds(0, nrow)],
                                acc_out.at[cid, pl.ds(sid * ZR + row0, nrow)])

    return k(xh, src2, dst2, zrows, zdeg, ones)


def _tc_update(acc, degT, x, wl_t, wr_t, b):
    R = 1000
    G = N // R

    def body(acc_ref, deg_ref, x_ref, wl_ref, wr_ref, b_ref, o_ref):
        a = jnp.concatenate([acc_ref[0], acc_ref[1]], axis=1)
        d = deg_ref[:, 0:1] + deg_ref[:, 1:2]
        r = 1.0 / jnp.maximum(d, 1.0)
        aggr = a * r
        out = (jnp.dot(aggr, wl_ref[...], preferred_element_type=jnp.float32)
               + jnp.dot(x_ref[...], wr_ref[...],
                         preferred_element_type=jnp.float32)
               + b_ref[...])
        o_ref[...] = jnp.maximum(out, 0.0)

    return pl.pallas_call(
        body,
        grid=(G,),
        in_specs=[
            pl.BlockSpec((2, R, DH), lambda i: (0, i, 0)),
            pl.BlockSpec((R, 2), lambda i: (i, 0)),
            pl.BlockSpec((R, D), lambda i: (i, 0)),
            pl.BlockSpec((D, D), lambda i: (0, 0)),
            pl.BlockSpec((D, D), lambda i: (0, 0)),
            pl.BlockSpec((1, D), lambda i: (0, 0)),
        ],
        out_specs=pl.BlockSpec((R, D), lambda i: (i, 0)),
        out_shape=jax.ShapeDtypeStruct((N, D), jnp.float32),
    )(acc, degT, x, wl_t, wr_t, b)


def kernel(x, edge_index, W_l, b_l, W_r):
    src = edge_index[0]
    dst = edge_index[1]
    npd = EPAD - E
    srcp = jnp.concatenate([src, jnp.zeros((npd,), jnp.int32)])
    src2 = srcp.reshape(EPAD // CH, CH)
    dstp = jnp.concatenate(
        [dst, N + (jnp.arange(npd, dtype=jnp.int32) % NDUMP)])
    dst2 = dstp.reshape(EPAD // CH, CH)
    xh = jnp.stack([x[:, :DH], x[:, DH:]])
    zrows = jnp.zeros((CH, DH), jnp.float32)
    zdeg = jnp.zeros((ZR,), jnp.float32)
    ones = jnp.ones((CH,), jnp.float32)
    acc, deg = _sc_aggregate(xh, src2, dst2, zrows, zdeg, ones)
    degT = deg.reshape(NC, N).T
    return _tc_update(acc, degT, x, W_l.T, W_r.T, b_l[None, :])

# --- scband reference (transcript-rebuilt; emitter-appended) ---
"""Pipeline reference for scband-gnnconv-12850542149846 (READ-ONLY COPY).

The authoritative reference and input builder live on the scoring server;
editing this copy changes nothing except your own understanding.
"""

import jax, jax.numpy as jnp
import numpy as np

N = 10000
E = 320000
D_IN = 128
D_OUT = 128


def setup_inputs(seed: int = 0) -> dict:
    key = jax.random.key(seed)
    k1, k2, k3, k4, k5 = jax.random.split(key, 5)
    x = jax.random.normal(k1, (N, D_IN), dtype=jnp.float32)
    edge_index = jax.random.randint(k2, (2, E), 0, N, dtype=jnp.int32)
    # SAGEConv(aggr='mean') parameters: lin_l (neighbor transform, with bias),
    # lin_r (root transform, no bias) -- matches torch_geometric SAGEConv defaults.
    scale = 1.0 / np.sqrt(D_IN)
    W_l = jax.random.normal(k3, (D_OUT, D_IN), dtype=jnp.float32) * scale
    b_l = jax.random.normal(k4, (D_OUT,), dtype=jnp.float32) * 0.01
    W_r = jax.random.normal(k5, (D_OUT, D_IN), dtype=jnp.float32) * scale
    return {"x": x, "edge_index": edge_index, "W_l": W_l, "b_l": b_l, "W_r": W_r}


def reference(x, edge_index, W_l, b_l, W_r):
    src = edge_index[0]
    dst = edge_index[1]
    # message: gather source-node features along edges
    msgs = jnp.take(x, src, axis=0)
    # aggregate: mean over incoming edges per destination node (scatter-add + degree normalize)
    summed = jax.ops.segment_sum(msgs, dst, num_segments=N)
    deg = jax.ops.segment_sum(jnp.ones((E,), dtype=x.dtype), dst, num_segments=N)
    aggr = summed / jnp.clip(deg, 1.0, None)[:, None]
    # update: lin_l(aggr) + lin_r(x), then ReLU (GNNConv wrapper)
    out = aggr @ W_l.T + b_l + x @ W_r.T
    return jax.nn.relu(out)

if __name__ == "__main__":
    import jax
    _d = setup_inputs()
    print(jax.jit(kernel)(*tuple(_d.values())))

</pallas_src>

<mosaic_0001>
#map = affine_map<(d0, d1) -> (0, 0, 0)>
#map1 = affine_map<(d0, d1) -> (0, 0)>
#map2 = affine_map<(d0, d1) -> (0)>
module attributes {stable_mosaic.version = 14 : i64} {
  func.func @k(%arg0: i32, %arg1: i32, %arg2: memref<2x10000x64xf32, #tpu.memory_space<hbm>>, %arg3: memref<2560x128xi32, #tpu.memory_space<hbm>>, %arg4: memref<2560x128xi32, #tpu.memory_space<hbm>>, %arg5: memref<128x64xf32, #tpu.memory_space<hbm>>, %arg6: memref<1000xf32, #tpu.memory_space<hbm>>, %arg7: memref<128xf32, #tpu.memory_space<hbm>>, %arg8: memref<2x10000x64xf32, #tpu.memory_space<hbm>>, %arg9: memref<20000xf32, #tpu.memory_space<hbm>>, %arg10: memref<10000x64xf32, #tpu.memory_space<vmem_shared>>, %arg11: memref<10008x64xf32, #tpu.memory_space<vmem_shared>>, %arg12: memref<10008xf32, #tpu.memory_space<vmem_shared>>, %arg13: memref<32x128xi32, #tpu.memory_space<vmem>>, %arg14: memref<32x128xi32, #tpu.memory_space<vmem>>, %arg15: memref<128x64xf32, #tpu.memory_space<vmem>>, %arg16: memref<128x64xf32, #tpu.memory_space<vmem>>, %arg17: memref<128xf32, #tpu.memory_space<vmem>>, %arg18: memref<1000xf32, #tpu.memory_space<vmem>>, %arg19: memref<!tpu.dma_semaphore, #tpu.memory_space<semaphore_mem>>, %arg20: memref<!tpu.dma_semaphore, #tpu.memory_space<semaphore_mem>>, %arg21: memref<!tpu.dma_semaphore, #tpu.memory_space<semaphore_mem>>, %arg22: memref<!tpu.dma_semaphore, #tpu.memory_space<semaphore_mem>>) attributes {dimension_semantics = [#tpu.dimension_semantics<core_parallel>, #tpu.dimension_semantics<subcore_parallel>], iteration_bounds = array<i64: 2, 16>, scalar_prefetch = 0 : i64, scratch_operands = 13 : i64, tpu.core_type = #tpu.core_type<sc_vector_subcore>, window_params = [{transform_indices = #map}, {transform_indices = #map1}, {transform_indices = #map1}, {transform_indices = #map1}, {transform_indices = #map2}, {transform_indices = #map2}, {transform_indices = #map}, {transform_indices = #map2}]} {
    "tpu.region"() ({
      %run_scoped3A = tpu.sem_alloc : memref<!tpu.dma_semaphore, #tpu.memory_space<semaphore_mem>>
      tpu.enqueue_dma source(%arg7 : memref<128xf32, #tpu.memory_space<hbm>>) target(%arg17 : memref<128xf32, #tpu.memory_space<vmem>>) target_semaphore(%run_scoped3A : memref<!tpu.dma_semaphore, #tpu.memory_space<semaphore_mem>>)
      tpu.wait_dma2 semaphore(%run_scoped3A : memref<!tpu.dma_semaphore, #tpu.memory_space<semaphore_mem>>) src(%arg7 : memref<128xf32, #tpu.memory_space<hbm>>) dst(%arg17 : memref<128xf32, #tpu.memory_space<vmem>>)
      tpu.yield
    }) : () -> ()
    %lt3A = arith.constant 10 : i32
    %lt3A_0 = arith.cmpi slt, %arg1, %lt3A : i32
    %convert_element_type3A = arith.extui %lt3A_0 : i1 to i32
    %cond3A = arith.constant 0 : i32
    %cond3A_1 = arith.cmpi ne, %convert_element_type3A, %cond3A : i32
    scf.if %cond3A_1 {
      "tpu.region"() ({
        %run_scoped3A = tpu.sem_alloc : memref<!tpu.dma_semaphore, #tpu.memory_space<semaphore_mem>>
        tpu.enqueue_dma source(%arg6 : memref<1000xf32, #tpu.memory_space<hbm>>) target(%arg18 : memref<1000xf32, #tpu.memory_space<vmem>>) target_semaphore(%run_scoped3A : memref<!tpu.dma_semaphore, #tpu.memory_space<semaphore_mem>>)
        tpu.wait_dma2 semaphore(%run_scoped3A : memref<!tpu.dma_semaphore, #tpu.memory_space<semaphore_mem>>) src(%arg6 : memref<1000xf32, #tpu.memory_space<hbm>>) dst(%arg18 : memref<1000xf32, #tpu.memory_space<vmem>>)
        tpu.yield
      }) : () -> ()
      %mul3A_221 = arith.constant 1000 : i32
      %mul3A_222 = arith.muli %arg1, %mul3A_221 : i32
      "tpu.region"() ({
        %run_scoped3A = tpu.sem_alloc : memref<!tpu.dma_semaphore, #tpu.memory_space<semaphore_mem>>
        %dma_start3A_287 = tpu.memref_slice %arg12[%mul3A_222] : memref<10008xf32, #tpu.memory_space<vmem_shared>> -> memref<1000xf32, #tpu.memory_space<vmem_shared>>
        %dma_start3A_288 = tpu.memref_slice %arg12[%mul3A_222] : memref<10008xf32, #tpu.memory_space<vmem_shared>> -> memref<1000xf32, #tpu.memory_space<vmem_shared>>
        tpu.enqueue_dma source(%arg18 : memref<1000xf32, #tpu.memory_space<vmem>>) target(%dma_start3A_288 : memref<1000xf32, #tpu.memory_space<vmem_shared>>) target_semaphore(%run_scoped3A : memref<!tpu.dma_semaphore, #tpu.memory_space<semaphore_mem>>)
        %dma_wait3A_289 = tpu.memref_slice %arg12[%mul3A_222] : memref<10008xf32, #tpu.memory_space<vmem_shared>> -> memref<1000xf32, #tpu.memory_space<vmem_shared>>
        %dma_wait3A_290 = tpu.memref_slice %arg12[%mul3A_222] : memref<10008xf32, #tpu.memory_space<vmem_shared>> -> memref<1000xf32, #tpu.memory_space<vmem_shared>>
        tpu.wait_dma2 semaphore(%run_scoped3A : memref<!tpu.dma_semaphore, #tpu.memory_space<semaphore_mem>>) src(%arg18 : memref<1000xf32, #tpu.memory_space<vmem>>) dst(%dma_wait3A_290 : memref<1000xf32, #tpu.memory_space<vmem_shared>>)
        tpu.yield
      }) : () -> ()
      %mul3A_223 = arith.constant 1000 : i32
      %mul3A_224 = arith.muli %arg1, %mul3A_223 : i32
      %add3A_225 = arith.constant 0 : i32
      %add3A_226 = arith.addi %mul3A_224, %add3A_225 : i32
      "tpu.region"() ({
        %run_scoped3A = tpu.sem_alloc : memref<!tpu.dma_semaphore, #tpu.memory_space<semaphore_mem>>
        %dma_start3A_287 = arith.constant 0 : i32
        %dma_start3A_288 = tpu.memref_slice %arg2[%arg0, %add3A_226, %dma_start3A_287] : memref<2x10000x64xf32, #tpu.memory_space<hbm>> -> memref<1x128x64xf32, #tpu.memory_space<hbm>>
        %dma_start3A_289 = tpu.memref_squeeze %dma_start3A_288 : memref<1x128x64xf32, #tpu.memory_space<hbm>> -> memref<128x64xf32, #tpu.memory_space<hbm>>
        %dma_start3A_290 = arith.constant 0 : i32
        %dma_start3A_291 = tpu.memref_slice %arg2[%arg0, %add3A_226, %dma_start3A_290] : memref<2x10000x64xf32, #tpu.memory_space<hbm>> -> memref<1x128x64xf32, #tpu.memory_space<hbm>>
        %dma_start3A_292 = tpu.memref_squeeze %dma_start3A_291 : memref<1x128x64xf32, #tpu.memory_space<hbm>> -> memref<128x64xf32, #tpu.memory_space<hbm>>
        tpu.enqueue_dma source(%dma_start3A_292 : memref<128x64xf32, #tpu.memory_space<hbm>>) target(%arg15 : memref<128x64xf32, #tpu.memory_space<vmem>>) target_semaphore(%run_scoped3A : memref<!tpu.dma_semaphore, #tpu.memory_space<semaphore_mem>>)
        %dma_wait3A_293 = arith.constant 0 : i32
        %dma_wait3A_294 = tpu.memref_slice %arg2[%arg0, %add3A_226, %dma_wait3A_293] : memref<2x10000x64xf32, #tpu.memory_space<hbm>> -> memref<1x128x64xf32, #tpu.memory_space<hbm>>
        %dma_wait3A_295 = tpu.memref_squeeze %dma_wait3A_294 : memref<1x128x64xf32, #tpu.memory_space<hbm>> -> memref<128x64xf32, #tpu.memory_space<hbm>>
        %dma_wait3A_296 = arith.constant 0 : i32
        %dma_wait3A_297 = tpu.memref_slice %arg2[%arg0, %add3A_226, %dma_wait3A_296] : memref<2x10000x64xf32, #tpu.memory_space<hbm>> -> memref<1x128x64xf32, #tpu.memory_space<hbm>>
        %dma_wait3A_298 = tpu.memref_squeeze %dma_wait3A_297 : memref<1x128x64xf32, #tpu.memory_space<hbm>> -> memref<128x64xf32, #tpu.memory_space<hbm>>
        tpu.wait_dma2 semaphore(%run_scoped3A : memref<!tpu.dma_semaphore, #tpu.memory_space<semaphore_mem>>) src(%dma_wait3A_298 : memref<128x64xf32, #tpu.memory_space<hbm>>) dst(%arg15 : memref<128x64xf32, #tpu.memory_space<vmem>>)
        tpu.yield
      }) : () -> ()
      "tpu.region"() ({
        %run_scoped3A = tpu.sem_alloc : memref<!tpu.dma_semaphore, #tpu.memory_space<semaphore_mem>>
        %dma_start3A_287 = arith.constant 0 : i32
        %dma_start3A_288 = tpu.memref_slice %arg10[%add3A_226, %dma_start3A_287] : memref<10000x64xf32, #tpu.memory_space<vmem_shared>> -> memref<128x64xf32, #tpu.memory_space<vmem_shared>>
        %dma_start3A_289 = arith.constant 0 : i32
        %dma_start3A_290 = tpu.memref_slice %arg10[%add3A_226, %dma_start3A_289] : memref<10000x64xf32, #tpu.memory_space<vmem_shared>> -> memref<128x64xf32, #tpu.memory_space<vmem_shared>>
        tpu.enqueue_dma source(%arg15 : memref<128x64xf32, #tpu.memory_space<vmem>>) target(%dma_start3A_290 : memref<128x64xf32, #tpu.memory_space<vmem_shared>>) target_semaphore(%run_scoped3A : memref<!tpu.dma_semaphore, #tpu.memory_space<semaphore_mem>>)
        %dma_wait3A_291 = arith.constant 0 : i32
        %dma_wait3A_292 = tpu.memref_slice %arg10[%add3A_226, %dma_wait3A_291] : memref<10000x64xf32, #tpu.memory_space<vmem_shared>> -> memref<128x64xf32, #tpu.memory_space<vmem_shared>>
        %dma_wait3A_293 = arith.constant 0 : i32
        %dma_wait3A_294 = tpu.memref_slice %arg10[%add3A_226, %dma_wait3A_293] : memref<10000x64xf32, #tpu.memory_space<vmem_shared>> -> memref<128x64xf32, #tpu.memory_space<vmem_shared>>
        tpu.wait_dma2 semaphore(%run_scoped3A : memref<!tpu.dma_semaphore, #tpu.memory_space<semaphore_mem>>) src(%arg15 : memref<128x64xf32, #tpu.memory_space<vmem>>) dst(%dma_wait3A_294 : memref<128x64xf32, #tpu.memory_space<vmem_shared>>)
        tpu.yield
      }) : () -> ()
      %mul3A_227 = arith.constant 1000 : i32
      %mul3A_228 = arith.muli %arg1, %mul3A_227 : i32
      %add3A_229 = arith.constant 128 : i32
      %add3A_230 = arith.addi %mul3A_228, %add3A_229 : i32
      "tpu.region"() ({
        %run_scoped3A = tpu.sem_alloc : memref<!tpu.dma_semaphore, #tpu.memory_space<semaphore_mem>>
        %dma_start3A_287 = arith.constant 0 : i32
        %dma_start3A_288 = tpu.memref_slice %arg2[%arg0, %add3A_230, %dma_start3A_287] : memref<2x10000x64xf32, #tpu.memory_space<hbm>> -> memref<1x128x64xf32, #tpu.memory_space<hbm>>
        %dma_start3A_289 = tpu.memref_squeeze %dma_start3A_288 : memref<1x128x64xf32, #tpu.memory_space<hbm>> -> memref<128x64xf32, #tpu.memory_space<hbm>>
        %dma_start3A_290 = arith.constant 0 : i32
        %dma_start3A_291 = tpu.memref_slice %arg2[%arg0, %add3A_230, %dma_start3A_290] : memref<2x10000x64xf32, #tpu.memory_space<hbm>> -> memref<1x128x64xf32, #tpu.memory_space<hbm>>
        %dma_start3A_292 = tpu.memref_squeeze %dma_start3A_291 : memref<1x128x64xf32, #tpu.memory_space<hbm>> -> memref<128x64xf32, #tpu.memory_space<hbm>>
        tpu.enqueue_dma source(%dma_start3A_292 : memref<128x64xf32, #tpu.memory_space<hbm>>) target(%arg15 : memref<128x64xf32, #tpu.memory_space<vmem>>) target_semaphore(%run_scoped3A : memref<!tpu.dma_semaphore, #tpu.memory_space<semaphore_mem>>)
        %dma_wait3A_293 = arith.constant 0 : i32
        %dma_wait3A_294 = tpu.memref_slice %arg2[%arg0, %add3A_230, %dma_wait3A_293] : memref<2x10000x64xf32, #tpu.memory_space<hbm>> -> memref<1x128x64xf32, #tpu.memory_space<hbm>>
        %dma_wait3A_295 = tpu.memref_squeeze %dma_wait3A_294 : memref<1x128x64xf32, #tpu.memory_space<hbm>> -> memref<128x64xf32, #tpu.memory_space<hbm>>
        %dma_wait3A_296 = arith.constant 0 : i32
        %dma_wait3A_297 = tpu.memref_slice %arg2[%arg0, %add3A_230, %dma_wait3A_296] : memref<2x10000x64xf32, #tpu.memory_space<hbm>> -> memref<1x128x64xf32, #tpu.memory_space<hbm>>
        %dma_wait3A_298 = tpu.memref_squeeze %dma_wait3A_297 : memref<1x128x64xf32, #tpu.memory_space<hbm>> -> memref<128x64xf32, #tpu.memory_space<hbm>>
        tpu.wait_dma2 semaphore(%run_scoped3A : memref<!tpu.dma_semaphore, #tpu.memory_space<semaphore_mem>>) src(%dma_wait3A_298 : memref<128x64xf32, #tpu.memory_space<hbm>>) dst(%arg15 : memref<128x64xf32, #tpu.memory_space<vmem>>)
        tpu.yield
      }) : () -> ()
      "tpu.region"() ({
        %run_scoped3A = tpu.sem_alloc : memref<!tpu.dma_semaphore, #tpu.memory_space<semaphore_mem>>
        %dma_start3A_287 = arith.constant 0 : i32
        %dma_start3A_288 = tpu.memref_slice %arg10[%add3A_230, %dma_start3A_287] : memref<10000x64xf32, #tpu.memory_space<vmem_shared>> -> memref<128x64xf32, #tpu.memory_space<vmem_shared>>
        %dma_start3A_289 = arith.constant 0 : i32
        %dma_start3A_290 = tpu.memref_slice %arg10[%add3A_230, %dma_start3A_289] : memref<10000x64xf32, #tpu.memory_space<vmem_shared>> -> memref<128x64xf32, #tpu.memory_space<vmem_shared>>
        tpu.enqueue_dma source(%arg15 : memref<128x64xf32, #tpu.memory_space<vmem>>) target(%dma_start3A_290 : memref<128x64xf32, #tpu.memory_space<vmem_shared>>) target_semaphore(%run_scoped3A : memref<!tpu.dma_semaphore, #tpu.memory_space<semaphore_mem>>)
        %dma_wait3A_291 = arith.constant 0 : i32
        %dma_wait3A_292 = tpu.memref_slice %arg10[%add3A_230, %dma_wait3A_291] : memref<10000x64xf32, #tpu.memory_space<vmem_shared>> -> memref<128x64xf32, #tpu.memory_space<vmem_shared>>
        %dma_wait3A_293 = arith.constant 0 : i32
        %dma_wait3A_294 = tpu.memref_slice %arg10[%add3A_230, %dma_wait3A_293] : memref<10000x64xf32, #tpu.memory_space<vmem_shared>> -> memref<128x64xf32, #tpu.memory_space<vmem_shared>>
        tpu.wait_dma2 semaphore(%run_scoped3A : memref<!tpu.dma_semaphore, #tpu.memory_space<semaphore_mem>>) src(%arg15 : memref<128x64xf32, #tpu.memory_space<vmem>>) dst(%dma_wait3A_294 : memref<128x64xf32, #tpu.memory_space<vmem_shared>>)
        tpu.yield
      }) : () -> ()
      %mul3A_231 = arith.constant 1000 : i32
      %mul3A_232 = arith.muli %arg1, %mul3A_231 : i32
      %add3A_233 = arith.constant 256 : i32
      %add3A_234 = arith.addi %mul3A_232, %add3A_233 : i32
      "tpu.region"() ({
        %run_scoped3A = tpu.sem_alloc : memref<!tpu.dma_semaphore, #tpu.memory_space<semaphore_mem>>
        %dma_start3A_287 = arith.constant 0 : i32
        %dma_start3A_288 = tpu.memref_slice %arg2[%arg0, %add3A_234, %dma_start3A_287] : memref<2x10000x64xf32, #tpu.memory_space<hbm>> -> memref<1x128x64xf32, #tpu.memory_space<hbm>>
        %dma_start3A_289 = tpu.memref_squeeze %dma_start3A_288 : memref<1x128x64xf32, #tpu.memory_space<hbm>> -> memref<128x64xf32, #tpu.memory_space<hbm>>
        %dma_start3A_290 = arith.constant 0 : i32
        %dma_start3A_291 = tpu.memref_slice %arg2[%arg0, %add3A_234, %dma_start3A_290] : memref<2x10000x64xf32, #tpu.memory_space<hbm>> -> memref<1x128x64xf32, #tpu.memory_space<hbm>>
        %dma_start3A_292 = tpu.memref_squeeze %dma_start3A_291 : memref<1x128x64xf32, #tpu.memory_space<hbm>> -> memref<128x64xf32, #tpu.memory_space<hbm>>
        tpu.enqueue_dma source(%dma_start3A_292 : memref<128x64xf32, #tpu.memory_space<hbm>>) target(%arg15 : memref<128x64xf32, #tpu.memory_space<vmem>>) target_semaphore(%run_scoped3A : memref<!tpu.dma_semaphore, #tpu.memory_space<semaphore_mem>>)
        %dma_wait3A_293 = arith.constant 0 : i32
        %dma_wait3A_294 = tpu.memref_slice %arg2[%arg0, %add3A_234, %dma_wait3A_293] : memref<2x10000x64xf32, #tpu.memory_space<hbm>> -> memref<1x128x64xf32, #tpu.memory_space<hbm>>
        %dma_wait3A_295 = tpu.memref_squeeze %dma_wait3A_294 : memref<1x128x64xf32, #tpu.memory_space<hbm>> -> memref<128x64xf32, #tpu.memory_space<hbm>>
        %dma_wait3A_296 = arith.constant 0 : i32
        %dma_wait3A_297 = tpu.memref_slice %arg2[%arg0, %add3A_234, %dma_wait3A_296] : memref<2x10000x64xf32, #tpu.memory_space<hbm>> -> memref<1x128x64xf32, #tpu.memory_space<hbm>>
        %dma_wait3A_298 = tpu.memref_squeeze %dma_wait3A_297 : memref<1x128x64xf32, #tpu.memory_space<hbm>> -> memref<128x64xf32, #tpu.memory_space<hbm>>
        tpu.wait_dma2 semaphore(%run_scoped3A : memref<!tpu.dma_semaphore, #tpu.memory_space<semaphore_mem>>) src(%dma_wait3A_298 : memref<128x64xf32, #tpu.memory_space<hbm>>) dst(%arg15 : memref<128x64xf32, #tpu.memory_space<vmem>>)
        tpu.yield
      }) : () -> ()
      "tpu.region"() ({
        %run_scoped3A = tpu.sem_alloc : memref<!tpu.dma_semaphore, #tpu.memory_space<semaphore_mem>>
        %dma_start3A_287 = arith.constant 0 : i32
        %dma_start3A_288 = tpu.memref_slice %arg10[%add3A_234, %dma_start3A_287] : memref<10000x64xf32, #tpu.memory_space<vmem_shared>> -> memref<128x64xf32, #tpu.memory_space<vmem_shared>>
        %dma_start3A_289 = arith.constant 0 : i32
        %dma_start3A_290 = tpu.memref_slice %arg10[%add3A_234, %dma_start3A_289] : memref<10000x64xf32, #tpu.memory_space<vmem_shared>> -> memref<128x64xf32, #tpu.memory_space<vmem_shared>>
        tpu.enqueue_dma source(%arg15 : memref<128x64xf32, #tpu.memory_space<vmem>>) target(%dma_start3A_290 : memref<128x64xf32, #tpu.memory_space<vmem_shared>>) target_semaphore(%run_scoped3A : memref<!tpu.dma_semaphore, #tpu.memory_space<semaphore_mem>>)
        %dma_wait3A_291 = arith.constant 0 : i32
        %dma_wait3A_292 = tpu.memref_slice %arg10[%add3A_234, %dma_wait3A_291] : memref<10000x64xf32, #tpu.memory_space<vmem_shared>> -> memref<128x64xf32, #tpu.memory_space<vmem_shared>>
        %dma_wait3A_293 = arith.constant 0 : i32
        %dma_wait3A_294 = tpu.memref_slice %arg10[%add3A_234, %dma_wait3A_293] : memref<10000x64xf32, #tpu.memory_space<vmem_shared>> -> memref<128x64xf32, #tpu.memory_space<vmem_shared>>
        tpu.wait_dma2 semaphore(%run_scoped3A : memref<!tpu.dma_semaphore, #tpu.memory_space<semaphore_mem>>) src(%arg15 : memref<128x64xf32, #tpu.memory_space<vmem>>) dst(%dma_wait3A_294 : memref<128x64xf32, #tpu.memory_space<vmem_shared>>)
        tpu.yield
      }) : () -> ()
      %mul3A_235 = arith.constant 1000 : i32
      %mul3A_236 = arith.muli %arg1, %mul3A_235 : i32
      %add3A_237 = arith.constant 384 : i32
      %add3A_238 = arith.addi %mul3A_236, %add3A_237 : i32
      "tpu.region"() ({
        %run_scoped3A = tpu.sem_alloc : memref<!tpu.dma_semaphore, #tpu.memory_space<semaphore_mem>>
        %dma_start3A_287 = arith.constant 0 : i32
        %dma_start3A_288 = tpu.memref_slice %arg2[%arg0, %add3A_238, %dma_start3A_287] : memref<2x10000x64xf32, #tpu.memory_space<hbm>> -> memref<1x128x64xf32, #tpu.memory_space<hbm>>
        %dma_start3A_289 = tpu.memref_squeeze %dma_start3A_288 : memref<1x128x64xf32, #tpu.memory_space<hbm>> -> memref<128x64xf32, #tpu.memory_space<hbm>>
        %dma_start3A_290 = arith.constant 0 : i32
        %dma_start3A_291 = tpu.memref_slice %arg2[%arg0, %add3A_238, %dma_start3A_290] : memref<2x10000x64xf32, #tpu.memory_space<hbm>> -> memref<1x128x64xf32, #tpu.memory_space<hbm>>
        %dma_start3A_292 = tpu.memref_squeeze %dma_start3A_291 : memref<1x128x64xf32, #tpu.memory_space<hbm>> -> memref<128x64xf32, #tpu.memory_space<hbm>>
        tpu.enqueue_dma source(%dma_start3A_292 : memref<128x64xf32, #tpu.memory_space<hbm>>) target(%arg15 : memref<128x64xf32, #tpu.memory_space<vmem>>) target_semaphore(%run_scoped3A : memref<!tpu.dma_semaphore, #tpu.memory_space<semaphore_mem>>)
        %dma_wait3A_293 = arith.constant 0 : i32
        %dma_wait3A_294 = tpu.memref_slice %arg2[%arg0, %add3A_238, %dma_wait3A_293] : memref<2x10000x64xf32, #tpu.memory_space<hbm>> -> memref<1x128x64xf32, #tpu.memory_space<hbm>>
        %dma_wait3A_295 = tpu.memref_squeeze %dma_wait3A_294 : memref<1x128x64xf32, #tpu.memory_space<hbm>> -> memref<128x64xf32, #tpu.memory_space<hbm>>
        %dma_wait3A_296 = arith.constant 0 : i32
        %dma_wait3A_297 = tpu.memref_slice %arg2[%arg0, %add3A_238, %dma_wait3A_296] : memref<2x10000x64xf32, #tpu.memory_space<hbm>> -> memref<1x128x64xf32, #tpu.memory_space<hbm>>
        %dma_wait3A_298 = tpu.memref_squeeze %dma_wait3A_297 : memref<1x128x64xf32, #tpu.memory_space<hbm>> -> memref<128x64xf32, #tpu.memory_space<hbm>>
        tpu.wait_dma2 semaphore(%run_scoped3A : memref<!tpu.dma_semaphore, #tpu.memory_space<semaphore_mem>>) src(%dma_wait3A_298 : memref<128x64xf32, #tpu.memory_space<hbm>>) dst(%arg15 : memref<128x64xf32, #tpu.memory_space<vmem>>)
        tpu.yield
      }) : () -> ()
      "tpu.region"() ({
        %run_scoped3A = tpu.sem_alloc : memref<!tpu.dma_semaphore, #tpu.memory_space<semaphore_mem>>
        %dma_start3A_287 = arith.constant 0 : i32
        %dma_start3A_288 = tpu.memref_slice %arg10[%add3A_238, %dma_start3A_287] : memref<10000x64xf32, #tpu.memory_space<vmem_shared>> -> memref<128x64xf32, #tpu.memory_space<vmem_shared>>
        %dma_start3A_289 = arith.constant 0 : i32
        %dma_start3A_290 = tpu.memref_slice %arg10[%add3A_238, %dma_start3A_289] : memref<10000x64xf32, #tpu.memory_space<vmem_shared>> -> memref<128x64xf32, #tpu.memory_space<vmem_shared>>
        tpu.enqueue_dma source(%arg15 : memref<128x64xf32, #tpu.memory_space<vmem>>) target(%dma_start3A_290 : memref<128x64xf32, #tpu.memory_space<vmem_shared>>) target_semaphore(%run_scoped3A : memref<!tpu.dma_semaphore, #tpu.memory_space<semaphore_mem>>)
        %dma_wait3A_291 = arith.constant 0 : i32
        %dma_wait3A_292 = tpu.memref_slice %arg10[%add3A_238, %dma_wait3A_291] : memref<10000x64xf32, #tpu.memory_space<vmem_shared>> -> memref<128x64xf32, #tpu.memory_space<vmem_shared>>
        %dma_wait3A_293 = arith.constant 0 : i32
        %dma_wait3A_294 = tpu.memref_slice %arg10[%add3A_238, %dma_wait3A_293] : memref<10000x64xf32, #tpu.memory_space<vmem_shared>> -> memref<128x64xf32, #tpu.memory_space<vmem_shared>>
        tpu.wait_dma2 semaphore(%run_scoped3A : memref<!tpu.dma_semaphore, #tpu.memory_space<semaphore_mem>>) src(%arg15 : memref<128x64xf32, #tpu.memory_space<vmem>>) dst(%dma_wait3A_294 : memref<128x64xf32, #tpu.memory_space<vmem_shared>>)
        tpu.yield
      }) : () -> ()
      %mul3A_239 = arith.constant 1000 : i32
      %mul3A_240 = arith.muli %arg1, %mul3A_239 : i32
      %add3A_241 = arith.constant 512 : i32
      %add3A_242 = arith.addi %mul3A_240, %add3A_241 : i32
      "tpu.region"() ({
        %run_scoped3A = tpu.sem_alloc : memref<!tpu.dma_semaphore, #tpu.memory_space<semaphore_mem>>
        %dma_start3A_287 = arith.constant 0 : i32
        %dma_start3A_288 = tpu.memref_slice %arg2[%arg0, %add3A_242, %dma_start3A_287] : memref<2x10000x64xf32, #tpu.memory_space<hbm>> -> memref<1x128x64xf32, #tpu.memory_space<hbm>>
        %dma_start3A_289 = tpu.memref_squeeze %dma_start3A_288 : memref<1x128x64xf32, #tpu.memory_space<hbm>> -> memref<128x64xf32, #tpu.memory_space<hbm>>
        %dma_start3A_290 = arith.constant 0 : i32
        %dma_start3A_291 = tpu.memref_slice %arg2[%arg0, %add3A_242, %dma_start3A_290] : memref<2x10000x64xf32, #tpu.memory_space<hbm>> -> memref<1x128x64xf32, #tpu.memory_space<hbm>>
        %dma_start3A_292 = tpu.memref_squeeze %dma_start3A_291 : memref<1x128x64xf32, #tpu.memory_space<hbm>> -> memref<128x64xf32, #tpu.memory_space<hbm>>
        tpu.enqueue_dma source(%dma_start3A_292 : memref<128x64xf32, #tpu.memory_space<hbm>>) target(%arg15 : memref<128x64xf32, #tpu.memory_space<vmem>>) target_semaphore(%run_scoped3A : memref<!tpu.dma_semaphore, #tpu.memory_space<semaphore_mem>>)
        %dma_wait3A_293 = arith.constant 0 : i32
        %dma_wait3A_294 = tpu.memref_slice %arg2[%arg0, %add3A_242, %dma_wait3A_293] : memref<2x10000x64xf32, #tpu.memory_space<hbm>> -> memref<1x128x64xf32, #tpu.memory_space<hbm>>
        %dma_wait3A_295 = tpu.memref_squeeze %dma_wait3A_294 : memref<1x128x64xf32, #tpu.memory_space<hbm>> -> memref<128x64xf32, #tpu.memory_space<hbm>>
        %dma_wait3A_296 = arith.constant 0 : i32
        %dma_wait3A_297 = tpu.memref_slice %arg2[%arg0, %add3A_242, %dma_wait3A_296] : memref<2x10000x64xf32, #tpu.memory_space<hbm>> -> memref<1x128x64xf32, #tpu.memory_space<hbm>>
        %dma_wait3A_298 = tpu.memref_squeeze %dma_wait3A_297 : memref<1x128x64xf32, #tpu.memory_space<hbm>> -> memref<128x64xf32, #tpu.memory_space<hbm>>
        tpu.wait_dma2 semaphore(%run_scoped3A : memref<!tpu.dma_semaphore, #tpu.memory_space<semaphore_mem>>) src(%dma_wait3A_298 : memref<128x64xf32, #tpu.memory_space<hbm>>) dst(%arg15 : memref<128x64xf32, #tpu.memory_space<vmem>>)
        tpu.yield
      }) : () -> ()
      "tpu.region"() ({
        %run_scoped3A = tpu.sem_alloc : memref<!tpu.dma_semaphore, #tpu.memory_space<semaphore_mem>>
        %dma_start3A_287 = arith.constant 0 : i32
        %dma_start3A_288 = tpu.memref_slice %arg10[%add3A_242, %dma_start3A_287] : memref<10000x64xf32, #tpu.memory_space<vmem_shared>> -> memref<128x64xf32, #tpu.memory_space<vmem_shared>>
        %dma_start3A_289 = arith.constant 0 : i32
        %dma_start3A_290 = tpu.memref_slice %arg10[%add3A_242, %dma_start3A_289] : memref<10000x64xf32, #tpu.memory_space<vmem_shared>> -> memref<128x64xf32, #tpu.memory_space<vmem_shared>>
        tpu.enqueue_dma source(%arg15 : memref<128x64xf32, #tpu.memory_space<vmem>>) target(%dma_start3A_290 : memref<128x64xf32, #tpu.memory_space<vmem_shared>>) target_semaphore(%run_scoped3A : memref<!tpu.dma_semaphore, #tpu.memory_space<semaphore_mem>>)
        %dma_wait3A_291 = arith.constant 0 : i32
        %dma_wait3A_292 = tpu.memref_slice %arg10[%add3A_242, %dma_wait3A_291] : memref<10000x64xf32, #tpu.memory_space<vmem_shared>> -> memref<128x64xf32, #tpu.memory_space<vmem_shared>>
        %dma_wait3A_293 = arith.constant 0 : i32
        %dma_wait3A_294 = tpu.memref_slice %arg10[%add3A_242, %dma_wait3A_293] : memref<10000x64xf32, #tpu.memory_space<vmem_shared>> -> memref<128x64xf32, #tpu.memory_space<vmem_shared>>
        tpu.wait_dma2 semaphore(%run_scoped3A : memref<!tpu.dma_semaphore, #tpu.memory_space<semaphore_mem>>) src(%arg15 : memref<128x64xf32, #tpu.memory_space<vmem>>) dst(%dma_wait3A_294 : memref<128x64xf32, #tpu.memory_space<vmem_shared>>)
        tpu.yield
      }) : () -> ()
      %mul3A_243 = arith.constant 1000 : i32
      %mul3A_244 = arith.muli %arg1, %mul3A_243 : i32
      %add3A_245 = arith.constant 640 : i32
      %add3A_246 = arith.addi %mul3A_244, %add3A_245 : i32
      "tpu.region"() ({
        %run_scoped3A = tpu.sem_alloc : memref<!tpu.dma_semaphore, #tpu.memory_space<semaphore_mem>>
        %dma_start3A_287 = arith.constant 0 : i32
        %dma_start3A_288 = tpu.memref_slice %arg2[%arg0, %add3A_246, %dma_start3A_287] : memref<2x10000x64xf32, #tpu.memory_space<hbm>> -> memref<1x128x64xf32, #tpu.memory_space<hbm>>
        %dma_start3A_289 = tpu.memref_squeeze %dma_start3A_288 : memref<1x128x64xf32, #tpu.memory_space<hbm>> -> memref<128x64xf32, #tpu.memory_space<hbm>>
        %dma_start3A_290 = arith.constant 0 : i32
        %dma_start3A_291 = tpu.memref_slice %arg2[%arg0, %add3A_246, %dma_start3A_290] : memref<2x10000x64xf32, #tpu.memory_space<hbm>> -> memref<1x128x64xf32, #tpu.memory_space<hbm>>
        %dma_start3A_292 = tpu.memref_squeeze %dma_start3A_291 : memref<1x128x64xf32, #tpu.memory_space<hbm>> -> memref<128x64xf32, #tpu.memory_space<hbm>>
        tpu.enqueue_dma source(%dma_start3A_292 : memref<128x64xf32, #tpu.memory_space<hbm>>) target(%arg15 : memref<128x64xf32, #tpu.memory_space<vmem>>) target_semaphore(%run_scoped3A : memref<!tpu.dma_semaphore, #tpu.memory_space<semaphore_mem>>)
        %dma_wait3A_293 = arith.constant 0 : i32
        %dma_wait3A_294 = tpu.memref_slice %arg2[%arg0, %add3A_246, %dma_wait3A_293] : memref<2x10000x64xf32, #tpu.memory_space<hbm>> -> memref<1x128x64xf32, #tpu.memory_space<hbm>>
        %dma_wait3A_295 = tpu.memref_squeeze %dma_wait3A_294 : memref<1x128x64xf32, #tpu.memory_space<hbm>> -> memref<128x64xf32, #tpu.memory_space<hbm>>
        %dma_wait3A_296 = arith.constant 0 : i32
        %dma_wait3A_297 = tpu.memref_slice %arg2[%arg0, %add3A_246, %dma_wait3A_296] : memref<2x10000x64xf32, #tpu.memory_space<hbm>> -> memref<1x128x64xf32, #tpu.memory_space<hbm>>
        %dma_wait3A_298 = tpu.memref_squeeze %dma_wait3A_297 : memref<1x128x64xf32, #tpu.memory_space<hbm>> -> memref<128x64xf32, #tpu.memory_space<hbm>>
        tpu.wait_dma2 semaphore(%run_scoped3A : memref<!tpu.dma_semaphore, #tpu.memory_space<semaphore_mem>>) src(%dma_wait3A_298 : memref<128x64xf32, #tpu.memory_space<hbm>>) dst(%arg15 : memref<128x64xf32, #tpu.memory_space<vmem>>)
        tpu.yield
      }) : () -> ()
      "tpu.region"() ({
        %run_scoped3A = tpu.sem_alloc : memref<!tpu.dma_semaphore, #tpu.memory_space<semaphore_mem>>
        %dma_start3A_287 = arith.constant 0 : i32
        %dma_start3A_288 = tpu.memref_slice %arg10[%add3A_246, %dma_start3A_287] : memref<10000x64xf32, #tpu.memory_space<vmem_shared>> -> memref<128x64xf32, #tpu.memory_space<vmem_shared>>
        %dma_start3A_289 = arith.constant 0 : i32
        %dma_start3A_290 = tpu.memref_slice %arg10[%add3A_246, %dma_start3A_289] : memref<10000x64xf32, #tpu.memory_space<vmem_shared>> -> memref<128x64xf32, #tpu.memory_space<vmem_shared>>
        tpu.enqueue_dma source(%arg15 : memref<128x64xf32, #tpu.memory_space<vmem>>) target(%dma_start3A_290 : memref<128x64xf32, #tpu.memory_space<vmem_shared>>) target_semaphore(%run_scoped3A : memref<!tpu.dma_semaphore, #tpu.memory_space<semaphore_mem>>)
        %dma_wait3A_291 = arith.constant 0 : i32
        %dma_wait3A_292 = tpu.memref_slice %arg10[%add3A_246, %dma_wait3A_291] : memref<10000x64xf32, #tpu.memory_space<vmem_shared>> -> memref<128x64xf32, #tpu.memory_space<vmem_shared>>
        %dma_wait3A_293 = arith.constant 0 : i32
        %dma_wait3A_294 = tpu.memref_slice %arg10[%add3A_246, %dma_wait3A_293] : memref<10000x64xf32, #tpu.memory_space<vmem_shared>> -> memref<128x64xf32, #tpu.memory_space<vmem_shared>>
        tpu.wait_dma2 semaphore(%run_scoped3A : memref<!tpu.dma_semaphore, #tpu.memory_space<semaphore_mem>>) src(%arg15 : memref<128x64xf32, #tpu.memory_space<vmem>>) dst(%dma_wait3A_294 : memref<128x64xf32, #tpu.memory_space<vmem_shared>>)
        tpu.yield
      }) : () -> ()
      %mul3A_247 = arith.constant 1000 : i32
      %mul3A_248 = arith.muli %arg1, %mul3A_247 : i32
      %add3A_249 = arith.constant 768 : i32
      %add3A_250 = arith.addi %mul3A_248, %add3A_249 : i32
      "tpu.region"() ({
        %run_scoped3A = tpu.sem_alloc : memref<!tpu.dma_semaphore, #tpu.memory_space<semaphore_mem>>
        %dma_start3A_287 = arith.constant 0 : i32
        %dma_start3A_288 = tpu.memref_slice %arg2[%arg0, %add3A_250, %dma_start3A_287] : memref<2x10000x64xf32, #tpu.memory_space<hbm>> -> memref<1x128x64xf32, #tpu.memory_space<hbm>>
        %dma_start3A_289 = tpu.memref_squeeze %dma_start3A_288 : memref<1x128x64xf32, #tpu.memory_space<hbm>> -> memref<128x64xf32, #tpu.memory_space<hbm>>
        %dma_start3A_290 = arith.constant 0 : i32
        %dma_start3A_291 = tpu.memref_slice %arg2[%arg0, %add3A_250, %dma_start3A_290] : memref<2x10000x64xf32, #tpu.memory_space<hbm>> -> memref<1x128x64xf32, #tpu.memory_space<hbm>>
        %dma_start3A_292 = tpu.memref_squeeze %dma_start3A_291 : memref<1x128x64xf32, #tpu.memory_space<hbm>> -> memref<128x64xf32, #tpu.memory_space<hbm>>
        tpu.enqueue_dma source(%dma_start3A_292 : memref<128x64xf32, #tpu.memory_space<hbm>>) target(%arg15 : memref<128x64xf32, #tpu.memory_space<vmem>>) target_semaphore(%run_scoped3A : memref<!tpu.dma_semaphore, #tpu.memory_space<semaphore_mem>>)
        %dma_wait3A_293 = arith.constant 0 : i32
        %dma_wait3A_294 = tpu.memref_slice %arg2[%arg0, %add3A_250, %dma_wait3A_293] : memref<2x10000x64xf32, #tpu.memory_space<hbm>> -> memref<1x128x64xf32, #tpu.memory_space<hbm>>
        %dma_wait3A_295 = tpu.memref_squeeze %dma_wait3A_294 : memref<1x128x64xf32, #tpu.memory_space<hbm>> -> memref<128x64xf32, #tpu.memory_space<hbm>>
        %dma_wait3A_296 = arith.constant 0 : i32
        %dma_wait3A_297 = tpu.memref_slice %arg2[%arg0, %add3A_250, %dma_wait3A_296] : memref<2x10000x64xf32, #tpu.memory_space<hbm>> -> memref<1x128x64xf32, #tpu.memory_space<hbm>>
        %dma_wait3A_298 = tpu.memref_squeeze %dma_wait3A_297 : memref<1x128x64xf32, #tpu.memory_space<hbm>> -> memref<128x64xf32, #tpu.memory_space<hbm>>
        tpu.wait_dma2 semaphore(%run_scoped3A : memref<!tpu.dma_semaphore, #tpu.memory_space<semaphore_mem>>) src(%dma_wait3A_298 : memref<128x64xf32, #tpu.memory_space<hbm>>) dst(%arg15 : memref<128x64xf32, #tpu.memory_space<vmem>>)
        tpu.yield
      }) : () -> ()
      "tpu.region"() ({
        %run_scoped3A = tpu.sem_alloc : memref<!tpu.dma_semaphore, #tpu.memory_space<semaphore_mem>>
        %dma_start3A_287 = arith.constant 0 : i32
        %dma_start3A_288 = tpu.memref_slice %arg10[%add3A_250, %dma_start3A_287] : memref<10000x64xf32, #tpu.memory_space<vmem_shared>> -> memref<128x64xf32, #tpu.memory_space<vmem_shared>>
        %dma_start3A_289 = arith.constant 0 : i32
        %dma_start3A_290 = tpu.memref_slice %arg10[%add3A_250, %dma_start3A_289] : memref<10000x64xf32, #tpu.memory_space<vmem_shared>> -> memref<128x64xf32, #tpu.memory_space<vmem_shared>>
        tpu.enqueue_dma source(%arg15 : memref<128x64xf32, #tpu.memory_space<vmem>>) target(%dma_start3A_290 : memref<128x64xf32, #tpu.memory_space<vmem_shared>>) target_semaphore(%run_scoped3A : memref<!tpu.dma_semaphore, #tpu.memory_space<semaphore_mem>>)
        %dma_wait3A_291 = arith.constant 0 : i32
        %dma_wait3A_292 = tpu.memref_slice %arg10[%add3A_250, %dma_wait3A_291] : memref<10000x64xf32, #tpu.memory_space<vmem_shared>> -> memref<128x64xf32, #tpu.memory_space<vmem_shared>>
        %dma_wait3A_293 = arith.constant 0 : i32
        %dma_wait3A_294 = tpu.memref_slice %arg10[%add3A_250, %dma_wait3A_293] : memref<10000x64xf32, #tpu.memory_space<vmem_shared>> -> memref<128x64xf32, #tpu.memory_space<vmem_shared>>
        tpu.wait_dma2 semaphore(%run_scoped3A : memref<!tpu.dma_semaphore, #tpu.memory_space<semaphore_mem>>) src(%arg15 : memref<128x64xf32, #tpu.memory_space<vmem>>) dst(%dma_wait3A_294 : memref<128x64xf32, #tpu.memory_space<vmem_shared>>)
        tpu.yield
      }) : () -> ()
      %mul3A_251 = arith.constant 1000 : i32
      %mul3A_252 = arith.muli %arg1, %mul3A_251 : i32
      %add3A_253 = arith.constant 896 : i32
      %add3A_254 = arith.addi %mul3A_252, %add3A_253 : i32
      "tpu.region"() ({
        %run_scoped3A = tpu.sem_alloc : memref<!tpu.dma_semaphore, #tpu.memory_space<semaphore_mem>>
        %dma_start3A_287 = arith.constant 0 : i32
        %dma_start3A_288 = arith.constant 0 : i32
        %dma_start3A_289 = tpu.memref_slice %arg15[%dma_start3A_287, %dma_start3A_288] : memref<128x64xf32, #tpu.memory_space<vmem>> -> memref<104x64xf32, #tpu.memory_space<vmem>>
        %dma_start3A_290 = arith.constant 0 : i32
        %dma_start3A_291 = tpu.memref_slice %arg2[%arg0, %add3A_254, %dma_start3A_290] : memref<2x10000x64xf32, #tpu.memory_space<hbm>> -> memref<1x104x64xf32, #tpu.memory_space<hbm>>
        %dma_start3A_292 = tpu.memref_squeeze %dma_start3A_291 : memref<1x104x64xf32, #tpu.memory_space<hbm>> -> memref<104x64xf32, #tpu.memory_space<hbm>>
        %dma_start3A_293 = arith.constant 0 : i32
        %dma_start3A_294 = arith.constant 0 : i32
        %dma_start3A_295 = tpu.memref_slice %arg15[%dma_start3A_293, %dma_start3A_294] : memref<128x64xf32, #tpu.memory_space<vmem>> -> memref<104x64xf32, #tpu.memory_space<vmem>>
        %dma_start3A_296 = arith.constant 0 : i32
        %dma_start3A_297 = tpu.memref_slice %arg2[%arg0, %add3A_254, %dma_start3A_296] : memref<2x10000x64xf32, #tpu.memory_space<hbm>> -> memref<1x104x64xf32, #tpu.memory_space<hbm>>
        %dma_start3A_298 = tpu.memref_squeeze %dma_start3A_297 : memref<1x104x64xf32, #tpu.memory_space<hbm>> -> memref<104x64xf32, #tpu.memory_space<hbm>>
        tpu.enqueue_dma source(%dma_start3A_298 : memref<104x64xf32, #tpu.memory_space<hbm>>) target(%dma_start3A_295 : memref<104x64xf32, #tpu.memory_space<vmem>>) target_semaphore(%run_scoped3A : memref<!tpu.dma_semaphore, #tpu.memory_space<semaphore_mem>>)
        %dma_wait3A_299 = arith.constant 0 : i32
        %dma_wait3A_300 = arith.constant 0 : i32
        %dma_wait3A_301 = tpu.memref_slice %arg15[%dma_wait3A_299, %dma_wait3A_300] : memref<128x64xf32, #tpu.memory_space<vmem>> -> memref<104x64xf32, #tpu.memory_space<vmem>>
        %dma_wait3A_302 = arith.constant 0 : i32
        %dma_wait3A_303 = tpu.memref_slice %arg2[%arg0, %add3A_254, %dma_wait3A_302] : memref<2x10000x64xf32, #tpu.memory_space<hbm>> -> memref<1x104x64xf32, #tpu.memory_space<hbm>>
        %dma_wait3A_304 = tpu.memref_squeeze %dma_wait3A_303 : memref<1x104x64xf32, #tpu.memory_space<hbm>> -> memref<104x64xf32, #tpu.memory_space<hbm>>
        %dma_wait3A_305 = arith.constant 0 : i32
        %dma_wait3A_306 = arith.constant 0 : i32
        %dma_wait3A_307 = tpu.memref_slice %arg15[%dma_wait3A_305, %dma_wait3A_306] : memref<128x64xf32, #tpu.memory_space<vmem>> -> memref<104x64xf32, #tpu.memory_space<vmem>>
        %dma_wait3A_308 = arith.constant 0 : i32
        %dma_wait3A_309 = tpu.memref_slice %arg2[%arg0, %add3A_254, %dma_wait3A_308] : memref<2x10000x64xf32, #tpu.memory_space<hbm>> -> memref<1x104x64xf32, #tpu.memory_space<hbm>>
        %dma_wait3A_310 = tpu.memref_squeeze %dma_wait3A_309 : memref<1x104x64xf32, #tpu.memory_space<hbm>> -> memref<104x64xf32, #tpu.memory_space<hbm>>
        tpu.wait_dma2 semaphore(%run_scoped3A : memref<!tpu.dma_semaphore, #tpu.memory_space<semaphore_mem>>) src(%dma_wait3A_310 : memref<104x64xf32, #tpu.memory_space<hbm>>) dst(%dma_wait3A_307 : memref<104x64xf32, #tpu.memory_space<vmem>>)
        tpu.yield
      }) : () -> ()
      "tpu.region"() ({
        %run_scoped3A = tpu.sem_alloc : memref<!tpu.dma_semaphore, #tpu.memory_space<semaphore_mem>>
        %dma_start3A_287 = arith.constant 0 : i32
        %dma_start3A_288 = arith.constant 0 : i32
        %dma_start3A_289 = tpu.memref_slice %arg15[%dma_start3A_287, %dma_start3A_288] : memref<128x64xf32, #tpu.memory_space<vmem>> -> memref<104x64xf32, #tpu.memory_space<vmem>>
        %dma_start3A_290 = arith.constant 0 : i32
        %dma_start3A_291 = tpu.memref_slice %arg10[%add3A_254, %dma_start3A_290] : memref<10000x64xf32, #tpu.memory_space<vmem_shared>> -> memref<104x64xf32, #tpu.memory_space<vmem_shared>>
        %dma_start3A_292 = arith.constant 0 : i32
        %dma_start3A_293 = tpu.memref_slice %arg10[%add3A_254, %dma_start3A_292] : memref<10000x64xf32, #tpu.memory_space<vmem_shared>> -> memref<104x64xf32, #tpu.memory_space<vmem_shared>>
        %dma_start3A_294 = arith.constant 0 : i32
        %dma_start3A_295 = arith.constant 0 : i32
        %dma_start3A_296 = tpu.memref_slice %arg15[%dma_start3A_294, %dma_start3A_295] : memref<128x64xf32, #tpu.memory_space<vmem>> -> memref<104x64xf32, #tpu.memory_space<vmem>>
        tpu.enqueue_dma source(%dma_start3A_296 : memref<104x64xf32, #tpu.memory_space<vmem>>) target(%dma_start3A_293 : memref<104x64xf32, #tpu.memory_space<vmem_shared>>) target_semaphore(%run_scoped3A : memref<!tpu.dma_semaphore, #tpu.memory_space<semaphore_mem>>)
        %dma_wait3A_297 = arith.constant 0 : i32
        %dma_wait3A_298 = arith.constant 0 : i32
        %dma_wait3A_299 = tpu.memref_slice %arg15[%dma_wait3A_297, %dma_wait3A_298] : memref<128x64xf32, #tpu.memory_space<vmem>> -> memref<104x64xf32, #tpu.memory_space<vmem>>
        %dma_wait3A_300 = arith.constant 0 : i32
        %dma_wait3A_301 = tpu.memref_slice %arg10[%add3A_254, %dma_wait3A_300] : memref<10000x64xf32, #tpu.memory_space<vmem_shared>> -> memref<104x64xf32, #tpu.memory_space<vmem_shared>>
        %dma_wait3A_302 = arith.constant 0 : i32
        %dma_wait3A_303 = tpu.memref_slice %arg10[%add3A_254, %dma_wait3A_302] : memref<10000x64xf32, #tpu.memory_space<vmem_shared>> -> memref<104x64xf32, #tpu.memory_space<vmem_shared>>
        %dma_wait3A_304 = arith.constant 0 : i32
        %dma_wait3A_305 = arith.constant 0 : i32
        %dma_wait3A_306 = tpu.memref_slice %arg15[%dma_wait3A_304, %dma_wait3A_305] : memref<128x64xf32, #tpu.memory_space<vmem>> -> memref<104x64xf32, #tpu.memory_space<vmem>>
        tpu.wait_dma2 semaphore(%run_scoped3A : memref<!tpu.dma_semaphore, #tpu.memory_space<semaphore_mem>>) src(%dma_wait3A_306 : memref<104x64xf32, #tpu.memory_space<vmem>>) dst(%dma_wait3A_303 : memref<104x64xf32, #tpu.memory_space<vmem_shared>>)
        tpu.yield
      }) : () -> ()
      "tpu.region"() ({
        %run_scoped3A = tpu.sem_alloc : memref<!tpu.dma_semaphore, #tpu.memory_space<semaphore_mem>>
        tpu.enqueue_dma source(%arg5 : memref<128x64xf32, #tpu.memory_space<hbm>>) target(%arg15 : memref<128x64xf32, #tpu.memory_space<vmem>>) target_semaphore(%run_scoped3A : memref<!tpu.dma_semaphore, #tpu.memory_space<semaphore_mem>>)
        tpu.wait_dma2 semaphore(%run_scoped3A : memref<!tpu.dma_semaphore, #tpu.memory_space<semaphore_mem>>) src(%arg5 : memref<128x64xf32, #tpu.memory_space<hbm>>) dst(%arg15 : memref<128x64xf32, #tpu.memory_space<vmem>>)
        tpu.yield
      }) : () -> ()
      %mul3A_255 = arith.constant 1000 : i32
      %mul3A_256 = arith.muli %arg1, %mul3A_255 : i32
      %add3A_257 = arith.constant 0 : i32
      %add3A_258 = arith.addi %mul3A_256, %add3A_257 : i32
      "tpu.region"() ({
        %run_scoped3A = tpu.sem_alloc : memref<!tpu.dma_semaphore, #tpu.memory_space<semaphore_mem>>
        %dma_start3A_287 = arith.constant 0 : i32
        %dma_start3A_288 = tpu.memref_slice %arg11[%add3A_258, %dma_start3A_287] : memref<10008x64xf32, #tpu.memory_space<vmem_shared>> -> memref<128x64xf32, #tpu.memory_space<vmem_shared>>
        %dma_start3A_289 = arith.constant 0 : i32
        %dma_start3A_290 = tpu.memref_slice %arg11[%add3A_258, %dma_start3A_289] : memref<10008x64xf32, #tpu.memory_space<vmem_shared>> -> memref<128x64xf32, #tpu.memory_space<vmem_shared>>
        tpu.enqueue_dma source(%arg15 : memref<128x64xf32, #tpu.memory_space<vmem>>) target(%dma_start3A_290 : memref<128x64xf32, #tpu.memory_space<vmem_shared>>) target_semaphore(%run_scoped3A : memref<!tpu.dma_semaphore, #tpu.memory_space<semaphore_mem>>)
        %dma_wait3A_291 = arith.constant 0 : i32
        %dma_wait3A_292 = tpu.memref_slice %arg11[%add3A_258, %dma_wait3A_291] : memref<10008x64xf32, #tpu.memory_space<vmem_shared>> -> memref<128x64xf32, #tpu.memory_space<vmem_shared>>
        %dma_wait3A_293 = arith.constant 0 : i32
        %dma_wait3A_294 = tpu.memref_slice %arg11[%add3A_258, %dma_wait3A_293] : memref<10008x64xf32, #tpu.memory_space<vmem_shared>> -> memref<128x64xf32, #tpu.memory_space<vmem_shared>>
        tpu.wait_dma2 semaphore(%run_scoped3A : memref<!tpu.dma_semaphore, #tpu.memory_space<semaphore_mem>>) src(%arg15 : memref<128x64xf32, #tpu.memory_space<vmem>>) dst(%dma_wait3A_294 : memref<128x64xf32, #tpu.memory_space<vmem_shared>>)
        tpu.yield
      }) : () -> ()
      %mul3A_259 = arith.constant 1000 : i32
      %mul3A_260 = arith.muli %arg1, %mul3A_259 : i32
      %add3A_261 = arith.constant 128 : i32
      %add3A_262 = arith.addi %mul3A_260, %add3A_261 : i32
      "tpu.region"() ({
        %run_scoped3A = tpu.sem_alloc : memref<!tpu.dma_semaphore, #tpu.memory_space<semaphore_mem>>
        %dma_start3A_287 = arith.constant 0 : i32
        %dma_start3A_288 = tpu.memref_slice %arg11[%add3A_262, %dma_start3A_287] : memref<10008x64xf32, #tpu.memory_space<vmem_shared>> -> memref<128x64xf32, #tpu.memory_space<vmem_shared>>
        %dma_start3A_289 = arith.constant 0 : i32
        %dma_start3A_290 = tpu.memref_slice %arg11[%add3A_262, %dma_start3A_289] : memref<10008x64xf32, #tpu.memory_space<vmem_shared>> -> memref<128x64xf32, #tpu.memory_space<vmem_shared>>
        tpu.enqueue_dma source(%arg15 : memref<128x64xf32, #tpu.memory_space<vmem>>) target(%dma_start3A_290 : memref<128x64xf32, #tpu.memory_space<vmem_shared>>) target_semaphore(%run_scoped3A : memref<!tpu.dma_semaphore, #tpu.memory_space<semaphore_mem>>)
        %dma_wait3A_291 = arith.constant 0 : i32
        %dma_wait3A_292 = tpu.memref_slice %arg11[%add3A_262, %dma_wait3A_291] : memref<10008x64xf32, #tpu.memory_space<vmem_shared>> -> memref<128x64xf32, #tpu.memory_space<vmem_shared>>
        %dma_wait3A_293 = arith.constant 0 : i32
        %dma_wait3A_294 = tpu.memref_slice %arg11[%add3A_262, %dma_wait3A_293] : memref<10008x64xf32, #tpu.memory_space<vmem_shared>> -> memref<128x64xf32, #tpu.memory_space<vmem_shared>>
        tpu.wait_dma2 semaphore(%run_scoped3A : memref<!tpu.dma_semaphore, #tpu.memory_space<semaphore_mem>>) src(%arg15 : memref<128x64xf32, #tpu.memory_space<vmem>>) dst(%dma_wait3A_294 : memref<128x64xf32, #tpu.memory_space<vmem_shared>>)
        tpu.yield
      }) : () -> ()
      %mul3A_263 = arith.constant 1000 : i32
      %mul3A_264 = arith.muli %arg1, %mul3A_263 : i32
      %add3A_265 = arith.constant 256 : i32
      %add3A_266 = arith.addi %mul3A_264, %add3A_265 : i32
      "tpu.region"() ({
        %run_scoped3A = tpu.sem_alloc : memref<!tpu.dma_semaphore, #tpu.memory_space<semaphore_mem>>
        %dma_start3A_287 = arith.constant 0 : i32
        %dma_start3A_288 = tpu.memref_slice %arg11[%add3A_266, %dma_start3A_287] : memref<10008x64xf32, #tpu.memory_space<vmem_shared>> -> memref<128x64xf32, #tpu.memory_space<vmem_shared>>
        %dma_start3A_289 = arith.constant 0 : i32
        %dma_start3A_290 = tpu.memref_slice %arg11[%add3A_266, %dma_start3A_289] : memref<10008x64xf32, #tpu.memory_space<vmem_shared>> -> memref<128x64xf32, #tpu.memory_space<vmem_shared>>
        tpu.enqueue_dma source(%arg15 : memref<128x64xf32, #tpu.memory_space<vmem>>) target(%dma_start3A_290 : memref<128x64xf32, #tpu.memory_space<vmem_shared>>) target_semaphore(%run_scoped3A : memref<!tpu.dma_semaphore, #tpu.memory_space<semaphore_mem>>)
        %dma_wait3A_291 = arith.constant 0 : i32
        %dma_wait3A_292 = tpu.memref_slice %arg11[%add3A_266, %dma_wait3A_291] : memref<10008x64xf32, #tpu.memory_space<vmem_shared>> -> memref<128x64xf32, #tpu.memory_space<vmem_shared>>
        %dma_wait3A_293 = arith.constant 0 : i32
        %dma_wait3A_294 = tpu.memref_slice %arg11[%add3A_266, %dma_wait3A_293] : memref<10008x64xf32, #tpu.memory_space<vmem_shared>> -> memref<128x64xf32, #tpu.memory_space<vmem_shared>>
        tpu.wait_dma2 semaphore(%run_scoped3A : memref<!tpu.dma_semaphore, #tpu.memory_space<semaphore_mem>>) src(%arg15 : memref<128x64xf32, #tpu.memory_space<vmem>>) dst(%dma_wait3A_294 : memref<128x64xf32, #tpu.memory_space<vmem_shared>>)
        tpu.yield
      }) : () -> ()
      %mul3A_267 = arith.constant 1000 : i32
      %mul3A_268 = arith.muli %arg1, %mul3A_267 : i32
      %add3A_269 = arith.constant 384 : i32
      %add3A_270 = arith.addi %mul3A_268, %add3A_269 : i32
      "tpu.region"() ({
        %run_scoped3A = tpu.sem_alloc : memref<!tpu.dma_semaphore, #tpu.memory_space<semaphore_mem>>
        %dma_start3A_287 = arith.constant 0 : i32
        %dma_start3A_288 = tpu.memref_slice %arg11[%add3A_270, %dma_start3A_287] : memref<10008x64xf32, #tpu.memory_space<vmem_shared>> -> memref<128x64xf32, #tpu.memory_space<vmem_shared>>
        %dma_start3A_289 = arith.constant 0 : i32
        %dma_start3A_290 = tpu.memref_slice %arg11[%add3A_270, %dma_start3A_289] : memref<10008x64xf32, #tpu.memory_space<vmem_shared>> -> memref<128x64xf32, #tpu.memory_space<vmem_shared>>
        tpu.enqueue_dma source(%arg15 : memref<128x64xf32, #tpu.memory_space<vmem>>) target(%dma_start3A_290 : memref<128x64xf32, #tpu.memory_space<vmem_shared>>) target_semaphore(%run_scoped3A : memref<!tpu.dma_semaphore, #tpu.memory_space<semaphore_mem>>)
        %dma_wait3A_291 = arith.constant 0 : i32
        %dma_wait3A_292 = tpu.memref_slice %arg11[%add3A_270, %dma_wait3A_291] : memref<10008x64xf32, #tpu.memory_space<vmem_shared>> -> memref<128x64xf32, #tpu.memory_space<vmem_shared>>
        %dma_wait3A_293 = arith.constant 0 : i32
        %dma_wait3A_294 = tpu.memref_slice %arg11[%add3A_270, %dma_wait3A_293] : memref<10008x64xf32, #tpu.memory_space<vmem_shared>> -> memref<128x64xf32, #tpu.memory_space<vmem_shared>>
        tpu.wait_dma2 semaphore(%run_scoped3A : memref<!tpu.dma_semaphore, #tpu.memory_space<semaphore_mem>>) src(%arg15 : memref<128x64xf32, #tpu.memory_space<vmem>>) dst(%dma_wait3A_294 : memref<128x64xf32, #tpu.memory_space<vmem_shared>>)
        tpu.yield
      }) : () -> ()
      %mul3A_271 = arith.constant 1000 : i32
      %mul3A_272 = arith.muli %arg1, %mul3A_271 : i32
      %add3A_273 = arith.constant 512 : i32
      %add3A_274 = arith.addi %mul3A_272, %add3A_273 : i32
      "tpu.region"() ({
        %run_scoped3A = tpu.sem_alloc : memref<!tpu.dma_semaphore, #tpu.memory_space<semaphore_mem>>
        %dma_start3A_287 = arith.constant 0 : i32
        %dma_start3A_288 = tpu.memref_slice %arg11[%add3A_274, %dma_start3A_287] : memref<10008x64xf32, #tpu.memory_space<vmem_shared>> -> memref<128x64xf32, #tpu.memory_space<vmem_shared>>
        %dma_start3A_289 = arith.constant 0 : i32
        %dma_start3A_290 = tpu.memref_slice %arg11[%add3A_274, %dma_start3A_289] : memref<10008x64xf32, #tpu.memory_space<vmem_shared>> -> memref<128x64xf32, #tpu.memory_space<vmem_shared>>
        tpu.enqueue_dma source(%arg15 : memref<128x64xf32, #tpu.memory_space<vmem>>) target(%dma_start3A_290 : memref<128x64xf32, #tpu.memory_space<vmem_shared>>) target_semaphore(%run_scoped3A : memref<!tpu.dma_semaphore, #tpu.memory_space<semaphore_mem>>)
        %dma_wait3A_291 = arith.constant 0 : i32
        %dma_wait3A_292 = tpu.memref_slice %arg11[%add3A_274, %dma_wait3A_291] : memref<10008x64xf32, #tpu.memory_space<vmem_shared>> -> memref<128x64xf32, #tpu.memory_space<vmem_shared>>
        %dma_wait3A_293 = arith.constant 0 : i32
        %dma_wait3A_294 = tpu.memref_slice %arg11[%add3A_274, %dma_wait3A_293] : memref<10008x64xf32, #tpu.memory_space<vmem_shared>> -> memref<128x64xf32, #tpu.memory_space<vmem_shared>>
        tpu.wait_dma2 semaphore(%run_scoped3A : memref<!tpu.dma_semaphore, #tpu.memory_space<semaphore_mem>>) src(%arg15 : memref<128x64xf32, #tpu.memory_space<vmem>>) dst(%dma_wait3A_294 : memref<128x64xf32, #tpu.memory_space<vmem_shared>>)
        tpu.yield
      }) : () -> ()
      %mul3A_275 = arith.constant 1000 : i32
      %mul3A_276 = arith.muli %arg1, %mul3A_275 : i32
      %add3A_277 = arith.constant 640 : i32
      %add3A_278 = arith.addi %mul3A_276, %add3A_277 : i32
      "tpu.region"() ({
        %run_scoped3A = tpu.sem_alloc : memref<!tpu.dma_semaphore, #tpu.memory_space<semaphore_mem>>
        %dma_start3A_287 = arith.constant 0 : i32
        %dma_start3A_288 = tpu.memref_slice %arg11[%add3A_278, %dma_start3A_287] : memref<10008x64xf32, #tpu.memory_space<vmem_shared>> -> memref<128x64xf32, #tpu.memory_space<vmem_shared>>
        %dma_start3A_289 = arith.constant 0 : i32
        %dma_start3A_290 = tpu.memref_slice %arg11[%add3A_278, %dma_start3A_289] : memref<10008x64xf32, #tpu.memory_space<vmem_shared>> -> memref<128x64xf32, #tpu.memory_space<vmem_shared>>
        tpu.enqueue_dma source(%arg15 : memref<128x64xf32, #tpu.memory_space<vmem>>) target(%dma_start3A_290 : memref<128x64xf32, #tpu.memory_space<vmem_shared>>) target_semaphore(%run_scoped3A : memref<!tpu.dma_semaphore, #tpu.memory_space<semaphore_mem>>)
        %dma_wait3A_291 = arith.constant 0 : i32
        %dma_wait3A_292 = tpu.memref_slice %arg11[%add3A_278, %dma_wait3A_291] : memref<10008x64xf32, #tpu.memory_space<vmem_shared>> -> memref<128x64xf32, #tpu.memory_space<vmem_shared>>
        %dma_wait3A_293 = arith.constant 0 : i32
        %dma_wait3A_294 = tpu.memref_slice %arg11[%add3A_278, %dma_wait3A_293] : memref<10008x64xf32, #tpu.memory_space<vmem_shared>> -> memref<128x64xf32, #tpu.memory_space<vmem_shared>>
        tpu.wait_dma2 semaphore(%run_scoped3A : memref<!tpu.dma_semaphore, #tpu.memory_space<semaphore_mem>>) src(%arg15 : memref<128x64xf32, #tpu.memory_space<vmem>>) dst(%dma_wait3A_294 : memref<128x64xf32, #tpu.memory_space<vmem_shared>>)
        tpu.yield
      }) : () -> ()
      %mul3A_279 = arith.constant 1000 : i32
      %mul3A_280 = arith.muli %arg1, %mul3A_279 : i32
      %add3A_281 = arith.constant 768 : i32
      %add3A_282 = arith.addi %mul3A_280, %add3A_281 : i32
      "tpu.region"() ({
        %run_scoped3A = tpu.sem_alloc : memref<!tpu.dma_semaphore, #tpu.memory_space<semaphore_mem>>
        %dma_start3A_287 = arith.constant 0 : i32
        %dma_start3A_288 = tpu.memref_slice %arg11[%add3A_282, %dma_start3A_287] : memref<10008x64xf32, #tpu.memory_space<vmem_shared>> -> memref<128x64xf32, #tpu.memory_space<vmem_shared>>
        %dma_start3A_289 = arith.constant 0 : i32
        %dma_start3A_290 = tpu.memref_slice %arg11[%add3A_282, %dma_start3A_289] : memref<10008x64xf32, #tpu.memory_space<vmem_shared>> -> memref<128x64xf32, #tpu.memory_space<vmem_shared>>
        tpu.enqueue_dma source(%arg15 : memref<128x64xf32, #tpu.memory_space<vmem>>) target(%dma_start3A_290 : memref<128x64xf32, #tpu.memory_space<vmem_shared>>) target_semaphore(%run_scoped3A : memref<!tpu.dma_semaphore, #tpu.memory_space<semaphore_mem>>)
        %dma_wait3A_291 = arith.constant 0 : i32
        %dma_wait3A_292 = tpu.memref_slice %arg11[%add3A_282, %dma_wait3A_291] : memref<10008x64xf32, #tpu.memory_space<vmem_shared>> -> memref<128x64xf32, #tpu.memory_space<vmem_shared>>
        %dma_wait3A_293 = arith.constant 0 : i32
        %dma_wait3A_294 = tpu.memref_slice %arg11[%add3A_282, %dma_wait3A_293] : memref<10008x64xf32, #tpu.memory_space<vmem_shared>> -> memref<128x64xf32, #tpu.memory_space<vmem_shared>>
        tpu.wait_dma2 semaphore(%run_scoped3A : memref<!tpu.dma_semaphore, #tpu.memory_space<semaphore_mem>>) src(%arg15 : memref<128x64xf32, #tpu.memory_space<vmem>>) dst(%dma_wait3A_294 : memref<128x64xf32, #tpu.memory_space<vmem_shared>>)
        tpu.yield
      }) : () -> ()
      %mul3A_283 = arith.constant 1000 : i32
      %mul3A_284 = arith.muli %arg1, %mul3A_283 : i32
      %add3A_285 = arith.constant 896 : i32
      %add3A_286 = arith.addi %mul3A_284, %add3A_285 : i32
      "tpu.region"() ({
        %run_scoped3A = tpu.sem_alloc : memref<!tpu.dma_semaphore, #tpu.memory_space<semaphore_mem>>
        %dma_start3A_287 = arith.constant 0 : i32
        %dma_start3A_288 = arith.constant 0 : i32
        %dma_start3A_289 = tpu.memref_slice %arg15[%dma_start3A_287, %dma_start3A_288] : memref<128x64xf32, #tpu.memory_space<vmem>> -> memref<104x64xf32, #tpu.memory_space<vmem>>
        %dma_start3A_290 = arith.constant 0 : i32
        %dma_start3A_291 = tpu.memref_slice %arg11[%add3A_286, %dma_start3A_290] : memref<10008x64xf32, #tpu.memory_space<vmem_shared>> -> memref<104x64xf32, #tpu.memory_space<vmem_shared>>
        %dma_start3A_292 = arith.constant 0 : i32
        %dma_start3A_293 = tpu.memref_slice %arg11[%add3A_286, %dma_start3A_292] : memref<10008x64xf32, #tpu.memory_space<vmem_shared>> -> memref<104x64xf32, #tpu.memory_space<vmem_shared>>
        %dma_start3A_294 = arith.constant 0 : i32
        %dma_start3A_295 = arith.constant 0 : i32
        %dma_start3A_296 = tpu.memref_slice %arg15[%dma_start3A_294, %dma_start3A_295] : memref<128x64xf32, #tpu.memory_space<vmem>> -> memref<104x64xf32, #tpu.memory_space<vmem>>
        tpu.enqueue_dma source(%dma_start3A_296 : memref<104x64xf32, #tpu.memory_space<vmem>>) target(%dma_start3A_293 : memref<104x64xf32, #tpu.memory_space<vmem_shared>>) target_semaphore(%run_scoped3A : memref<!tpu.dma_semaphore, #tpu.memory_space<semaphore_mem>>)
        %dma_wait3A_297 = arith.constant 0 : i32
        %dma_wait3A_298 = arith.constant 0 : i32
        %dma_wait3A_299 = tpu.memref_slice %arg15[%dma_wait3A_297, %dma_wait3A_298] : memref<128x64xf32, #tpu.memory_space<vmem>> -> memref<104x64xf32, #tpu.memory_space<vmem>>
        %dma_wait3A_300 = arith.constant 0 : i32
        %dma_wait3A_301 = tpu.memref_slice %arg11[%add3A_286, %dma_wait3A_300] : memref<10008x64xf32, #tpu.memory_space<vmem_shared>> -> memref<104x64xf32, #tpu.memory_space<vmem_shared>>
        %dma_wait3A_302 = arith.constant 0 : i32
        %dma_wait3A_303 = tpu.memref_slice %arg11[%add3A_286, %dma_wait3A_302] : memref<10008x64xf32, #tpu.memory_space<vmem_shared>> -> memref<104x64xf32, #tpu.memory_space<vmem_shared>>
        %dma_wait3A_304 = arith.constant 0 : i32
        %dma_wait3A_305 = arith.constant 0 : i32
        %dma_wait3A_306 = tpu.memref_slice %arg15[%dma_wait3A_304, %dma_wait3A_305] : memref<128x64xf32, #tpu.memory_space<vmem>> -> memref<104x64xf32, #tpu.memory_space<vmem>>
        tpu.wait_dma2 semaphore(%run_scoped3A : memref<!tpu.dma_semaphore, #tpu.memory_space<semaphore_mem>>) src(%dma_wait3A_306 : memref<104x64xf32, #tpu.memory_space<vmem>>) dst(%dma_wait3A_303 : memref<104x64xf32, #tpu.memory_space<vmem_shared>>)
        tpu.yield
      }) : () -> ()
    } else {
    }
    %ge3A = arith.constant 10 : i32
    %ge3A_2 = arith.cmpi sge, %arg1, %ge3A : i32
    %convert_element_type3A_3 = arith.extui %ge3A_2 : i1 to i32
    %cond3A_4 = arith.constant 0 : i32
    %cond3A_5 = arith.cmpi ne, %convert_element_type3A_3, %cond3A_4 : i32
    scf.if %cond3A_5 {
      "tpu.region"() ({
        %run_scoped3A = tpu.sem_alloc : memref<!tpu.dma_semaphore, #tpu.memory_space<semaphore_mem>>
        tpu.enqueue_dma source(%arg5 : memref<128x64xf32, #tpu.memory_space<hbm>>) target(%arg15 : memref<128x64xf32, #tpu.memory_space<vmem>>) target_semaphore(%run_scoped3A : memref<!tpu.dma_semaphore, #tpu.memory_space<semaphore_mem>>)
        tpu.wait_dma2 semaphore(%run_scoped3A : memref<!tpu.dma_semaphore, #tpu.memory_space<semaphore_mem>>) src(%arg5 : memref<128x64xf32, #tpu.memory_space<hbm>>) dst(%arg15 : memref<128x64xf32, #tpu.memory_space<vmem>>)
        tpu.yield
      }) : () -> ()
    } else {
    }
    %eq3A = arith.constant 0 : i32
    %eq3A_6 = arith.cmpi eq, %arg1, %eq3A : i32
    %convert_element_type3A_7 = arith.extui %eq3A_6 : i1 to i32
    %cond3A_8 = arith.constant 0 : i32
    %cond3A_9 = arith.cmpi ne, %convert_element_type3A_7, %cond3A_8 : i32
    scf.if %cond3A_9 {
      "tpu.region"() ({
        %run_scoped3A = tpu.sem_alloc : memref<!tpu.dma_semaphore, #tpu.memory_space<semaphore_mem>>
        %dma_start3A_221 = arith.constant 0 : i32
        %dma_start3A_222 = arith.constant 0 : i32
        %dma_start3A_223 = tpu.memref_slice %arg15[%dma_start3A_221, %dma_start3A_222] : memref<128x64xf32, #tpu.memory_space<vmem>> -> memref<8x64xf32, #tpu.memory_space<vmem>>
        %dma_start3A_224 = arith.constant 10000 : i32
        %dma_start3A_225 = arith.constant 0 : i32
        %dma_start3A_226 = tpu.memref_slice %arg11[%dma_start3A_224, %dma_start3A_225] : memref<10008x64xf32, #tpu.memory_space<vmem_shared>> -> memref<8x64xf32, #tpu.memory_space<vmem_shared>>
        %dma_start3A_227 = arith.constant 10000 : i32
        %dma_start3A_228 = arith.constant 0 : i32
        %dma_start3A_229 = tpu.memref_slice %arg11[%dma_start3A_227, %dma_start3A_228] : memref<10008x64xf32, #tpu.memory_space<vmem_shared>> -> memref<8x64xf32, #tpu.memory_space<vmem_shared>>
        %dma_start3A_230 = arith.constant 0 : i32
        %dma_start3A_231 = arith.constant 0 : i32
        %dma_start3A_232 = tpu.memref_slice %arg15[%dma_start3A_230, %dma_start3A_231] : memref<128x64xf32, #tpu.memory_space<vmem>> -> memref<8x64xf32, #tpu.memory_space<vmem>>
        tpu.enqueue_dma source(%dma_start3A_232 : memref<8x64xf32, #tpu.memory_space<vmem>>) target(%dma_start3A_229 : memref<8x64xf32, #tpu.memory_space<vmem_shared>>) target_semaphore(%run_scoped3A : memref<!tpu.dma_semaphore, #tpu.memory_space<semaphore_mem>>)
        %dma_wait3A_233 = arith.constant 0 : i32
        %dma_wait3A_234 = arith.constant 0 : i32
        %dma_wait3A_235 = tpu.memref_slice %arg15[%dma_wait3A_233, %dma_wait3A_234] : memref<128x64xf32, #tpu.memory_space<vmem>> -> memref<8x64xf32, #tpu.memory_space<vmem>>
        %dma_wait3A_236 = arith.constant 10000 : i32
        %dma_wait3A_237 = arith.constant 0 : i32
        %dma_wait3A_238 = tpu.memref_slice %arg11[%dma_wait3A_236, %dma_wait3A_237] : memref<10008x64xf32, #tpu.memory_space<vmem_shared>> -> memref<8x64xf32, #tpu.memory_space<vmem_shared>>
        %dma_wait3A_239 = arith.constant 10000 : i32
        %dma_wait3A_240 = arith.constant 0 : i32
        %dma_wait3A_241 = tpu.memref_slice %arg11[%dma_wait3A_239, %dma_wait3A_240] : memref<10008x64xf32, #tpu.memory_space<vmem_shared>> -> memref<8x64xf32, #tpu.memory_space<vmem_shared>>
        %dma_wait3A_242 = arith.constant 0 : i32
        %dma_wait3A_243 = arith.constant 0 : i32
        %dma_wait3A_244 = tpu.memref_slice %arg15[%dma_wait3A_242, %dma_wait3A_243] : memref<128x64xf32, #tpu.memory_space<vmem>> -> memref<8x64xf32, #tpu.memory_space<vmem>>
        tpu.wait_dma2 semaphore(%run_scoped3A : memref<!tpu.dma_semaphore, #tpu.memory_space<semaphore_mem>>) src(%dma_wait3A_244 : memref<8x64xf32, #tpu.memory_space<vmem>>) dst(%dma_wait3A_241 : memref<8x64xf32, #tpu.memory_space<vmem_shared>>)
        tpu.yield
      }) : () -> ()
      "tpu.region"() ({
        %run_scoped3A = tpu.sem_alloc : memref<!tpu.dma_semaphore, #tpu.memory_space<semaphore_mem>>
        %dma_start3A_221 = arith.constant 0 : i32
        %dma_start3A_222 = tpu.memref_slice %arg18[%dma_start3A_221] : memref<1000xf32, #tpu.memory_space<vmem>> -> memref<8xf32, #tpu.memory_space<vmem>>
        %dma_start3A_223 = arith.constant 10000 : i32
        %dma_start3A_224 = tpu.memref_slice %arg12[%dma_start3A_223] : memref<10008xf32, #tpu.memory_space<vmem_shared>> -> memref<8xf32, #tpu.memory_space<vmem_shared>>
        %dma_start3A_225 = arith.constant 10000 : i32
        %dma_start3A_226 = tpu.memref_slice %arg12[%dma_start3A_225] : memref<10008xf32, #tpu.memory_space<vmem_shared>> -> memref<8xf32, #tpu.memory_space<vmem_shared>>
        %dma_start3A_227 = arith.constant 0 : i32
        %dma_start3A_228 = tpu.memref_slice %arg18[%dma_start3A_227] : memref<1000xf32, #tpu.memory_space<vmem>> -> memref<8xf32, #tpu.memory_space<vmem>>
        tpu.enqueue_dma source(%dma_start3A_228 : memref<8xf32, #tpu.memory_space<vmem>>) target(%dma_start3A_226 : memref<8xf32, #tpu.memory_space<vmem_shared>>) target_semaphore(%run_scoped3A : memref<!tpu.dma_semaphore, #tpu.memory_space<semaphore_mem>>)
        %dma_wait3A_229 = arith.constant 0 : i32
        %dma_wait3A_230 = tpu.memref_slice %arg18[%dma_wait3A_229] : memref<1000xf32, #tpu.memory_space<vmem>> -> memref<8xf32, #tpu.memory_space<vmem>>
        %dma_wait3A_231 = arith.constant 10000 : i32
        %dma_wait3A_232 = tpu.memref_slice %arg12[%dma_wait3A_231] : memref<10008xf32, #tpu.memory_space<vmem_shared>> -> memref<8xf32, #tpu.memory_space<vmem_shared>>
        %dma_wait3A_233 = arith.constant 10000 : i32
        %dma_wait3A_234 = tpu.memref_slice %arg12[%dma_wait3A_233] : memref<10008xf32, #tpu.memory_space<vmem_shared>> -> memref<8xf32, #tpu.memory_space<vmem_shared>>
        %dma_wait3A_235 = arith.constant 0 : i32
        %dma_wait3A_236 = tpu.memref_slice %arg18[%dma_wait3A_235] : memref<1000xf32, #tpu.memory_space<vmem>> -> memref<8xf32, #tpu.memory_space<vmem>>
        tpu.wait_dma2 semaphore(%run_scoped3A : memref<!tpu.dma_semaphore, #tpu.memory_space<semaphore_mem>>) src(%dma_wait3A_236 : memref<8xf32, #tpu.memory_space<vmem>>) dst(%dma_wait3A_234 : memref<8xf32, #tpu.memory_space<vmem_shared>>)
        tpu.yield
      }) : () -> ()
    } else {
    }
    %barrier3A = arith.constant 0 : index
    tpu.barrier barrier_id(%barrier3A)
    %mul3A = arith.constant 160 : i32
    %mul3A_10 = arith.muli %arg1, %mul3A : i32
    %add3A = arith.constant 0 : i32
    %add3A_11 = arith.addi %mul3A_10, %add3A : i32
    "tpu.region"() ({
      %run_scoped3A = tpu.sem_alloc : memref<!tpu.dma_semaphore, #tpu.memory_space<semaphore_mem>>
      %dma_start3A_221 = arith.constant 0 : i32
      %dma_start3A_222 = tpu.memref_slice %arg3[%add3A_11, %dma_start3A_221] : memref<2560x128xi32, #tpu.memory_space<hbm>> -> memref<32x128xi32, #tpu.memory_space<hbm>>
      %dma_start3A_223 = arith.constant 0 : i32
      %dma_start3A_224 = tpu.memref_slice %arg3[%add3A_11, %dma_start3A_223] : memref<2560x128xi32, #tpu.memory_space<hbm>> -> memref<32x128xi32, #tpu.memory_space<hbm>>
      tpu.enqueue_dma source(%dma_start3A_224 : memref<32x128xi32, #tpu.memory_space<hbm>>) target(%arg13 : memref<32x128xi32, #tpu.memory_space<vmem>>) target_semaphore(%run_scoped3A : memref<!tpu.dma_semaphore, #tpu.memory_space<semaphore_mem>>)
      %dma_wait3A_225 = arith.constant 0 : i32
      %dma_wait3A_226 = tpu.memref_slice %arg3[%add3A_11, %dma_wait3A_225] : memref<2560x128xi32, #tpu.memory_space<hbm>> -> memref<32x128xi32, #tpu.memory_space<hbm>>
      %dma_wait3A_227 = arith.constant 0 : i32
      %dma_wait3A_228 = tpu.memref_slice %arg3[%add3A_11, %dma_wait3A_227] : memref<2560x128xi32, #tpu.memory_space<hbm>> -> memref<32x128xi32, #tpu.memory_space<hbm>>
      tpu.wait_dma2 semaphore(%run_scoped3A : memref<!tpu.dma_semaphore, #tpu.memory_space<semaphore_mem>>) src(%dma_wait3A_228 : memref<32x128xi32, #tpu.memory_space<hbm>>) dst(%arg13 : memref<32x128xi32, #tpu.memory_space<vmem>>)
      tpu.yield
    }) : () -> ()
    "tpu.region"() ({
      %run_scoped3A = tpu.sem_alloc : memref<!tpu.dma_semaphore, #tpu.memory_space<semaphore_mem>>
      %dma_start3A_221 = arith.constant 0 : i32
      %dma_start3A_222 = tpu.memref_slice %arg4[%add3A_11, %dma_start3A_221] : memref<2560x128xi32, #tpu.memory_space<hbm>> -> memref<32x128xi32, #tpu.memory_space<hbm>>
      %dma_start3A_223 = arith.constant 0 : i32
      %dma_start3A_224 = tpu.memref_slice %arg4[%add3A_11, %dma_start3A_223] : memref<2560x128xi32, #tpu.memory_space<hbm>> -> memref<32x128xi32, #tpu.memory_space<hbm>>
      tpu.enqueue_dma source(%dma_start3A_224 : memref<32x128xi32, #tpu.memory_space<hbm>>) target(%arg14 : memref<32x128xi32, #tpu.memory_space<vmem>>) target_semaphore(%run_scoped3A : memref<!tpu.dma_semaphore, #tpu.memory_space<semaphore_mem>>)
      %dma_wait3A_225 = arith.constant 0 : i32
      %dma_wait3A_226 = tpu.memref_slice %arg4[%add3A_11, %dma_wait3A_225] : memref<2560x128xi32, #tpu.memory_space<hbm>> -> memref<32x128xi32, #tpu.memory_space<hbm>>
      %dma_wait3A_227 = arith.constant 0 : i32
      %dma_wait3A_228 = tpu.memref_slice %arg4[%add3A_11, %dma_wait3A_227] : memref<2560x128xi32, #tpu.memory_space<hbm>> -> memref<32x128xi32, #tpu.memory_space<hbm>>
      tpu.wait_dma2 semaphore(%run_scoped3A : memref<!tpu.dma_semaphore, #tpu.memory_space<semaphore_mem>>) src(%dma_wait3A_228 : memref<32x128xi32, #tpu.memory_space<hbm>>) dst(%arg14 : memref<32x128xi32, #tpu.memory_space<vmem>>)
      tpu.yield
    }) : () -> ()
    %scan3A = arith.constant 0 : i32
    %scan3A_12 = arith.constant 4 : i32
    %scan3A_13 = arith.addi %scan3A, %scan3A_12 : i32
    %scan3A_14 = arith.constant 1 : i32
    scf.for %scan3A_221 = %scan3A to %scan3A_13 step %scan3A_14  : i32 {
      %mul3A_222 = arith.constant 1 : i32
      %mul3A_223 = arith.muli %scan3A_221, %mul3A_222 : i32
      %add3A_224 = arith.constant 0 : i32
      %add3A_225 = arith.addi %add3A_224, %mul3A_223 : i32
      %mul3A_226 = arith.constant 8 : i32
      %mul3A_227 = arith.muli %add3A_225, %mul3A_226 : i32
      %add3A_228 = arith.constant 0 : i32
      %add3A_229 = arith.addi %mul3A_227, %add3A_228 : i32
      %gt3A = arith.constant 0 : i32
      %gt3A_230 = arith.cmpi sgt, %add3A_225, %gt3A : i32
      %convert_element_type3A_231 = arith.extui %gt3A_230 : i1 to i32
      %cond3A_232 = arith.constant 0 : i32
      %cond3A_233 = arith.cmpi ne, %convert_element_type3A_231, %cond3A_232 : i32
      scf.if %cond3A_233 {
        %sub3A_479 = arith.constant 2 : i32
        %sub3A_480 = arith.subi %add3A_229, %sub3A_479 : i32
        %dma_wait3A_481 = arith.constant 0 : i32
        %dma_wait3A_482 = tpu.memref_slice %arg14[%sub3A_480, %dma_wait3A_481] : memref<32x128xi32, #tpu.memory_space<vmem>> -> memref<1x128xi32, #tpu.memory_space<vmem>>
        %dma_wait3A_483 = tpu.memref_squeeze %dma_wait3A_482 : memref<1x128xi32, #tpu.memory_space<vmem>> -> memref<128xi32, #tpu.memory_space<vmem>>
        %dma_wait3A_484 = arith.constant 0 : i32
        %dma_wait3A_485 = arith.constant 0 : i32
        %dma_wait3A_486 = tpu.memref_slice %arg11[%dma_wait3A_484, %dma_wait3A_485] : memref<10008x64xf32, #tpu.memory_space<vmem_shared>> -> memref<10008x64xf32, #tpu.memory_space<vmem_shared>>
        tpu.wait_indirect_dma semaphore(%arg21 : memref<!tpu.dma_semaphore, #tpu.memory_space<semaphore_mem>>) src(%arg15 : memref<128x64xf32, #tpu.memory_space<vmem>>) dst(%dma_wait3A_486 : memref<10008x64xf32, #tpu.memory_space<vmem_shared>>)
      } else {
      }
      %dma_start3A_234 = arith.constant 0 : i32
      %dma_start3A_235 = tpu.memref_slice %arg13[%add3A_229, %dma_start3A_234] : memref<32x128xi32, #tpu.memory_space<vmem>> -> memref<1x128xi32, #tpu.memory_space<vmem>>
      %dma_start3A_236 = tpu.memref_squeeze %dma_start3A_235 : memref<1x128xi32, #tpu.memory_space<vmem>> -> memref<128xi32, #tpu.memory_space<vmem>>
      %dma_start3A_237 = arith.constant 0 : i32
      %dma_start3A_238 = arith.constant 0 : i32
      %dma_start3A_239 = tpu.memref_slice %arg10[%dma_start3A_237, %dma_start3A_238] : memref<10000x64xf32, #tpu.memory_space<vmem_shared>> -> memref<10000x64xf32, #tpu.memory_space<vmem_shared>>
      tpu.enqueue_indirect_dma source(%dma_start3A_239 : memref<10000x64xf32, #tpu.memory_space<vmem_shared>>) target(%arg15 : memref<128x64xf32, #tpu.memory_space<vmem>>) offsets(%dma_start3A_236 : memref<128xi32, #tpu.memory_space<vmem>>) semaphore(%arg19 : memref<!tpu.dma_semaphore, #tpu.memory_space<semaphore_mem>>)
      %gt3A_240 = arith.constant 0 : i32
      %gt3A_241 = arith.cmpi sgt, %add3A_225, %gt3A_240 : i32
      %convert_element_type3A_242 = arith.extui %gt3A_241 : i1 to i32
      %cond3A_243 = arith.constant 0 : i32
      %cond3A_244 = arith.cmpi ne, %convert_element_type3A_242, %cond3A_243 : i32
      scf.if %cond3A_244 {
        %sub3A_479 = arith.constant 1 : i32
        %sub3A_480 = arith.subi %add3A_229, %sub3A_479 : i32
        %dma_wait3A_481 = arith.constant 0 : i32
        %dma_wait3A_482 = tpu.memref_slice %arg13[%sub3A_480, %dma_wait3A_481] : memref<32x128xi32, #tpu.memory_space<vmem>> -> memref<1x128xi32, #tpu.memory_space<vmem>>
        %dma_wait3A_483 = tpu.memref_squeeze %dma_wait3A_482 : memref<1x128xi32, #tpu.memory_space<vmem>> -> memref<128xi32, #tpu.memory_space<vmem>>
        %dma_wait3A_484 = arith.constant 0 : i32
        %dma_wait3A_485 = arith.constant 0 : i32
        %dma_wait3A_486 = tpu.memref_slice %arg10[%dma_wait3A_484, %dma_wait3A_485] : memref<10000x64xf32, #tpu.memory_space<vmem_shared>> -> memref<10000x64xf32, #tpu.memory_space<vmem_shared>>
        tpu.wait_indirect_dma semaphore(%arg20 : memref<!tpu.dma_semaphore, #tpu.memory_space<semaphore_mem>>) src(%dma_wait3A_486 : memref<10000x64xf32, #tpu.memory_space<vmem_shared>>) dst(%arg16 : memref<128x64xf32, #tpu.memory_space<vmem>>)
        %sub3A_487 = arith.constant 1 : i32
        %sub3A_488 = arith.subi %add3A_229, %sub3A_487 : i32
        %dma_start3A_489 = arith.constant 0 : i32
        %dma_start3A_490 = tpu.memref_slice %arg14[%sub3A_488, %dma_start3A_489] : memref<32x128xi32, #tpu.memory_space<vmem>> -> memref<1x128xi32, #tpu.memory_space<vmem>>
        %dma_start3A_491 = tpu.memref_squeeze %dma_start3A_490 : memref<1x128xi32, #tpu.memory_space<vmem>> -> memref<128xi32, #tpu.memory_space<vmem>>
        %dma_start3A_492 = arith.constant 0 : i32
        %dma_start3A_493 = arith.constant 0 : i32
        %dma_start3A_494 = tpu.memref_slice %arg11[%dma_start3A_492, %dma_start3A_493] : memref<10008x64xf32, #tpu.memory_space<vmem_shared>> -> memref<10008x64xf32, #tpu.memory_space<vmem_shared>>
        tpu.enqueue_indirect_dma source(%arg16 : memref<128x64xf32, #tpu.memory_space<vmem>>) target(%dma_start3A_494 : memref<10008x64xf32, #tpu.memory_space<vmem_shared>>) offsets(%dma_start3A_491 : memref<128xi32, #tpu.memory_space<vmem>>) semaphore(%arg22 : memref<!tpu.dma_semaphore, #tpu.memory_space<semaphore_mem>>) {add = true}
      } else {
      }
      %mul3A_245 = arith.constant 8 : i32
      %mul3A_246 = arith.muli %add3A_225, %mul3A_245 : i32
      %add3A_247 = arith.constant 1 : i32
      %add3A_248 = arith.addi %mul3A_246, %add3A_247 : i32
      %gt3A_249 = arith.constant 0 : i32
      %gt3A_250 = arith.cmpi sgt, %add3A_225, %gt3A_249 : i32
      %convert_element_type3A_251 = arith.extui %gt3A_250 : i1 to i32
      %cond3A_252 = arith.constant 0 : i32
      %cond3A_253 = arith.cmpi ne, %convert_element_type3A_251, %cond3A_252 : i32
      scf.if %cond3A_253 {
        %sub3A_479 = arith.constant 2 : i32
        %sub3A_480 = arith.subi %add3A_248, %sub3A_479 : i32
        %dma_wait3A_481 = arith.constant 0 : i32
        %dma_wait3A_482 = tpu.memref_slice %arg14[%sub3A_480, %dma_wait3A_481] : memref<32x128xi32, #tpu.memory_space<vmem>> -> memref<1x128xi32, #tpu.memory_space<vmem>>
        %dma_wait3A_483 = tpu.memref_squeeze %dma_wait3A_482 : memref<1x128xi32, #tpu.memory_space<vmem>> -> memref<128xi32, #tpu.memory_space<vmem>>
        %dma_wait3A_484 = arith.constant 0 : i32
        %dma_wait3A_485 = arith.constant 0 : i32
        %dma_wait3A_486 = tpu.memref_slice %arg11[%dma_wait3A_484, %dma_wait3A_485] : memref<10008x64xf32, #tpu.memory_space<vmem_shared>> -> memref<10008x64xf32, #tpu.memory_space<vmem_shared>>
        tpu.wait_indirect_dma semaphore(%arg22 : memref<!tpu.dma_semaphore, #tpu.memory_space<semaphore_mem>>) src(%arg16 : memref<128x64xf32, #tpu.memory_space<vmem>>) dst(%dma_wait3A_486 : memref<10008x64xf32, #tpu.memory_space<vmem_shared>>)
      } else {
      }
      %dma_start3A_254 = arith.constant 0 : i32
      %dma_start3A_255 = tpu.memref_slice %arg13[%add3A_248, %dma_start3A_254] : memref<32x128xi32, #tpu.memory_space<vmem>> -> memref<1x128xi32, #tpu.memory_space<vmem>>
      %dma_start3A_256 = tpu.memref_squeeze %dma_start3A_255 : memref<1x128xi32, #tpu.memory_space<vmem>> -> memref<128xi32, #tpu.memory_space<vmem>>
      %dma_start3A_257 = arith.constant 0 : i32
      %dma_start3A_258 = arith.constant 0 : i32
      %dma_start3A_259 = tpu.memref_slice %arg10[%dma_start3A_257, %dma_start3A_258] : memref<10000x64xf32, #tpu.memory_space<vmem_shared>> -> memref<10000x64xf32, #tpu.memory_space<vmem_shared>>
      tpu.enqueue_indirect_dma source(%dma_start3A_259 : memref<10000x64xf32, #tpu.memory_space<vmem_shared>>) target(%arg16 : memref<128x64xf32, #tpu.memory_space<vmem>>) offsets(%dma_start3A_256 : memref<128xi32, #tpu.memory_space<vmem>>) semaphore(%arg20 : memref<!tpu.dma_semaphore, #tpu.memory_space<semaphore_mem>>)
      %sub3A = arith.constant 1 : i32
      %sub3A_260 = arith.subi %add3A_248, %sub3A : i32
      %dma_wait3A_261 = arith.constant 0 : i32
      %dma_wait3A_262 = tpu.memref_slice %arg13[%sub3A_260, %dma_wait3A_261] : memref<32x128xi32, #tpu.memory_space<vmem>> -> memref<1x128xi32, #tpu.memory_space<vmem>>
      %dma_wait3A_263 = tpu.memref_squeeze %dma_wait3A_262 : memref<1x128xi32, #tpu.memory_space<vmem>> -> memref<128xi32, #tpu.memory_space<vmem>>
      %dma_wait3A_264 = arith.constant 0 : i32
      %dma_wait3A_265 = arith.constant 0 : i32
      %dma_wait3A_266 = tpu.memref_slice %arg10[%dma_wait3A_264, %dma_wait3A_265] : memref<10000x64xf32, #tpu.memory_space<vmem_shared>> -> memref<10000x64xf32, #tpu.memory_space<vmem_shared>>
      tpu.wait_indirect_dma semaphore(%arg19 : memref<!tpu.dma_semaphore, #tpu.memory_space<semaphore_mem>>) src(%dma_wait3A_266 : memref<10000x64xf32, #tpu.memory_space<vmem_shared>>) dst(%arg15 : memref<128x64xf32, #tpu.memory_space<vmem>>)
      %sub3A_267 = arith.constant 1 : i32
      %sub3A_268 = arith.subi %add3A_248, %sub3A_267 : i32
      %dma_start3A_269 = arith.constant 0 : i32
      %dma_start3A_270 = tpu.memref_slice %arg14[%sub3A_268, %dma_start3A_269] : memref<32x128xi32, #tpu.memory_space<vmem>> -> memref<1x128xi32, #tpu.memory_space<vmem>>
      %dma_start3A_271 = tpu.memref_squeeze %dma_start3A_270 : memref<1x128xi32, #tpu.memory_space<vmem>> -> memref<128xi32, #tpu.memory_space<vmem>>
      %dma_start3A_272 = arith.constant 0 : i32
      %dma_start3A_273 = arith.constant 0 : i32
      %dma_start3A_274 = tpu.memref_slice %arg11[%dma_start3A_272, %dma_start3A_273] : memref<10008x64xf32, #tpu.memory_space<vmem_shared>> -> memref<10008x64xf32, #tpu.memory_space<vmem_shared>>
      tpu.enqueue_indirect_dma source(%arg15 : memref<128x64xf32, #tpu.memory_space<vmem>>) target(%dma_start3A_274 : memref<10008x64xf32, #tpu.memory_space<vmem_shared>>) offsets(%dma_start3A_271 : memref<128xi32, #tpu.memory_space<vmem>>) semaphore(%arg21 : memref<!tpu.dma_semaphore, #tpu.memory_space<semaphore_mem>>) {add = true}
      %mul3A_275 = arith.constant 8 : i32
      %mul3A_276 = arith.muli %add3A_225, %mul3A_275 : i32
      %add3A_277 = arith.constant 2 : i32
      %add3A_278 = arith.addi %mul3A_276, %add3A_277 : i32
      %sub3A_279 = arith.constant 2 : i32
      %sub3A_280 = arith.subi %add3A_278, %sub3A_279 : i32
      %dma_wait3A_281 = arith.constant 0 : i32
      %dma_wait3A_282 = tpu.memref_slice %arg14[%sub3A_280, %dma_wait3A_281] : memref<32x128xi32, #tpu.memory_space<vmem>> -> memref<1x128xi32, #tpu.memory_space<vmem>>
      %dma_wait3A_283 = tpu.memref_squeeze %dma_wait3A_282 : memref<1x128xi32, #tpu.memory_space<vmem>> -> memref<128xi32, #tpu.memory_space<vmem>>
      %dma_wait3A_284 = arith.constant 0 : i32
      %dma_wait3A_285 = arith.constant 0 : i32
      %dma_wait3A_286 = tpu.memref_slice %arg11[%dma_wait3A_284, %dma_wait3A_285] : memref<10008x64xf32, #tpu.memory_space<vmem_shared>> -> memref<10008x64xf32, #tpu.memory_space<vmem_shared>>
      tpu.wait_indirect_dma semaphore(%arg21 : memref<!tpu.dma_semaphore, #tpu.memory_space<semaphore_mem>>) src(%arg15 : memref<128x64xf32, #tpu.memory_space<vmem>>) dst(%dma_wait3A_286 : memref<10008x64xf32, #tpu.memory_space<vmem_shared>>)
      %dma_start3A_287 = arith.constant 0 : i32
      %dma_start3A_288 = tpu.memref_slice %arg13[%add3A_278, %dma_start3A_287] : memref<32x128xi32, #tpu.memory_space<vmem>> -> memref<1x128xi32, #tpu.memory_space<vmem>>
      %dma_start3A_289 = tpu.memref_squeeze %dma_start3A_288 : memref<1x128xi32, #tpu.memory_space<vmem>> -> memref<128xi32, #tpu.memory_space<vmem>>
      %dma_start3A_290 = arith.constant 0 : i32
      %dma_start3A_291 = arith.constant 0 : i32
      %dma_start3A_292 = tpu.memref_slice %arg10[%dma_start3A_290, %dma_start3A_291] : memref<10000x64xf32, #tpu.memory_space<vmem_shared>> -> memref<10000x64xf32, #tpu.memory_space<vmem_shared>>
      tpu.enqueue_indirect_dma source(%dma_start3A_292 : memref<10000x64xf32, #tpu.memory_space<vmem_shared>>) target(%arg15 : memref<128x64xf32, #tpu.memory_space<vmem>>) offsets(%dma_start3A_289 : memref<128xi32, #tpu.memory_space<vmem>>) semaphore(%arg19 : memref<!tpu.dma_semaphore, #tpu.memory_space<semaphore_mem>>)
      %sub3A_293 = arith.constant 1 : i32
      %sub3A_294 = arith.subi %add3A_278, %sub3A_293 : i32
      %dma_wait3A_295 = arith.constant 0 : i32
      %dma_wait3A_296 = tpu.memref_slice %arg13[%sub3A_294, %dma_wait3A_295] : memref<32x128xi32, #tpu.memory_space<vmem>> -> memref<1x128xi32, #tpu.memory_space<vmem>>
      %dma_wait3A_297 = tpu.memref_squeeze %dma_wait3A_296 : memref<1x128xi32, #tpu.memory_space<vmem>> -> memref<128xi32, #tpu.memory_space<vmem>>
      %dma_wait3A_298 = arith.constant 0 : i32
      %dma_wait3A_299 = arith.constant 0 : i32
      %dma_wait3A_300 = tpu.memref_slice %arg10[%dma_wait3A_298, %dma_wait3A_299] : memref<10000x64xf32, #tpu.memory_space<vmem_shared>> -> memref<10000x64xf32, #tpu.memory_space<vmem_shared>>
      tpu.wait_indirect_dma semaphore(%arg20 : memref<!tpu.dma_semaphore, #tpu.memory_space<semaphore_mem>>) src(%dma_wait3A_300 : memref<10000x64xf32, #tpu.memory_space<vmem_shared>>) dst(%arg16 : memref<128x64xf32, #tpu.memory_space<vmem>>)
      %sub3A_301 = arith.constant 1 : i32
      %sub3A_302 = arith.subi %add3A_278, %sub3A_301 : i32
      %dma_start3A_303 = arith.constant 0 : i32
      %dma_start3A_304 = tpu.memref_slice %arg14[%sub3A_302, %dma_start3A_303] : memref<32x128xi32, #tpu.memory_space<vmem>> -> memref<1x128xi32, #tpu.memory_space<vmem>>
      %dma_start3A_305 = tpu.memref_squeeze %dma_start3A_304 : memref<1x128xi32, #tpu.memory_space<vmem>> -> memref<128xi32, #tpu.memory_space<vmem>>
      %dma_start3A_306 = arith.constant 0 : i32
      %dma_start3A_307 = arith.constant 0 : i32
      %dma_start3A_308 = tpu.memref_slice %arg11[%dma_start3A_306, %dma_start3A_307] : memref<10008x64xf32, #tpu.memory_space<vmem_shared>> -> memref<10008x64xf32, #tpu.memory_space<vmem_shared>>
      tpu.enqueue_indirect_dma source(%arg16 : memref<128x64xf32, #tpu.memory_space<vmem>>) target(%dma_start3A_308 : memref<10008x64xf32, #tpu.memory_space<vmem_shared>>) offsets(%dma_start3A_305 : memref<128xi32, #tpu.memory_space<vmem>>) semaphore(%arg22 : memref<!tpu.dma_semaphore, #tpu.memory_space<semaphore_mem>>) {add = true}
      %mul3A_309 = arith.constant 8 : i32
      %mul3A_310 = arith.muli %add3A_225, %mul3A_309 : i32
      %add3A_311 = arith.constant 3 : i32
      %add3A_312 = arith.addi %mul3A_310, %add3A_311 : i32
      %sub3A_313 = arith.constant 2 : i32
      %sub3A_314 = arith.subi %add3A_312, %sub3A_313 : i32
      %dma_wait3A_315 = arith.constant 0 : i32
      %dma_wait3A_316 = tpu.memref_slice %arg14[%sub3A_314, %dma_wait3A_315] : memref<32x128xi32, #tpu.memory_space<vmem>> -> memref<1x128xi32, #tpu.memory_space<vmem>>
      %dma_wait3A_317 = tpu.memref_squeeze %dma_wait3A_316 : memref<1x128xi32, #tpu.memory_space<vmem>> -> memref<128xi32, #tpu.memory_space<vmem>>
      %dma_wait3A_318 = arith.constant 0 : i32
      %dma_wait3A_319 = arith.constant 0 : i32
      %dma_wait3A_320 = tpu.memref_slice %arg11[%dma_wait3A_318, %dma_wait3A_319] : memref<10008x64xf32, #tpu.memory_space<vmem_shared>> -> memref<10008x64xf32, #tpu.memory_space<vmem_shared>>
      tpu.wait_indirect_dma semaphore(%arg22 : memref<!tpu.dma_semaphore, #tpu.memory_space<semaphore_mem>>) src(%arg16 : memref<128x64xf32, #tpu.memory_space<vmem>>) dst(%dma_wait3A_320 : memref<10008x64xf32, #tpu.memory_space<vmem_shared>>)
      %dma_start3A_321 = arith.constant 0 : i32
      %dma_start3A_322 = tpu.memref_slice %arg13[%add3A_312, %dma_start3A_321] : memref<32x128xi32, #tpu.memory_space<vmem>> -> memref<1x128xi32, #tpu.memory_space<vmem>>
      %dma_start3A_323 = tpu.memref_squeeze %dma_start3A_322 : memref<1x128xi32, #tpu.memory_space<vmem>> -> memref<128xi32, #tpu.memory_space<vmem>>
      %dma_start3A_324 = arith.constant 0 : i32
      %dma_start3A_325 = arith.constant 0 : i32
      %dma_start3A_326 = tpu.memref_slice %arg10[%dma_start3A_324, %dma_start3A_325] : memref<10000x64xf32, #tpu.memory_space<vmem_shared>> -> memref<10000x64xf32, #tpu.memory_space<vmem_shared>>
      tpu.enqueue_indirect_dma source(%dma_start3A_326 : memref<10000x64xf32, #tpu.memory_space<vmem_shared>>) target(%arg16 : memref<128x64xf32, #tpu.memory_space<vmem>>) offsets(%dma_start3A_323 : memref<128xi32, #tpu.memory_space<vmem>>) semaphore(%arg20 : memref<!tpu.dma_semaphore, #tpu.memory_space<semaphore_mem>>)
      %sub3A_327 = arith.constant 1 : i32
      %sub3A_328 = arith.subi %add3A_312, %sub3A_327 : i32
      %dma_wait3A_329 = arith.constant 0 : i32
      %dma_wait3A_330 = tpu.memref_slice %arg13[%sub3A_328, %dma_wait3A_329] : memref<32x128xi32, #tpu.memory_space<vmem>> -> memref<1x128xi32, #tpu.memory_space<vmem>>
      %dma_wait3A_331 = tpu.memref_squeeze %dma_wait3A_330 : memref<1x128xi32, #tpu.memory_space<vmem>> -> memref<128xi32, #tpu.memory_space<vmem>>
      %dma_wait3A_332 = arith.constant 0 : i32
      %dma_wait3A_333 = arith.constant 0 : i32
      %dma_wait3A_334 = tpu.memref_slice %arg10[%dma_wait3A_332, %dma_wait3A_333] : memref<10000x64xf32, #tpu.memory_space<vmem_shared>> -> memref<10000x64xf32, #tpu.memory_space<vmem_shared>>
      tpu.wait_indirect_dma semaphore(%arg19 : memref<!tpu.dma_semaphore, #tpu.memory_space<semaphore_mem>>) src(%dma_wait3A_334 : memref<10000x64xf32, #tpu.memory_space<vmem_shared>>) dst(%arg15 : memref<128x64xf32, #tpu.memory_space<vmem>>)
      %sub3A_335 = arith.constant 1 : i32
      %sub3A_336 = arith.subi %add3A_312, %sub3A_335 : i32
      %dma_start3A_337 = arith.constant 0 : i32
      %dma_start3A_338 = tpu.memref_slice %arg14[%sub3A_336, %dma_start3A_337] : memref<32x128xi32, #tpu.memory_space<vmem>> -> memref<1x128xi32, #tpu.memory_space<vmem>>
      %dma_start3A_339 = tpu.memref_squeeze %dma_start3A_338 : memref<1x128xi32, #tpu.memory_space<vmem>> -> memref<128xi32, #tpu.memory_space<vmem>>
      %dma_start3A_340 = arith.constant 0 : i32
      %dma_start3A_341 = arith.constant 0 : i32
      %dma_start3A_342 = tpu.memref_slice %arg11[%dma_start3A_340, %dma_start3A_341] : memref<10008x64xf32, #tpu.memory_space<vmem_shared>> -> memref<10008x64xf32, #tpu.memory_space<vmem_shared>>
      tpu.enqueue_indirect_dma source(%arg15 : memref<128x64xf32, #tpu.memory_space<vmem>>) target(%dma_start3A_342 : memref<10008x64xf32, #tpu.memory_space<vmem_shared>>) offsets(%dma_start3A_339 : memref<128xi32, #tpu.memory_space<vmem>>) semaphore(%arg21 : memref<!tpu.dma_semaphore, #tpu.memory_space<semaphore_mem>>) {add = true}
      %mul3A_343 = arith.constant 8 : i32
      %mul3A_344 = arith.muli %add3A_225, %mul3A_343 : i32
      %add3A_345 = arith.constant 4 : i32
      %add3A_346 = arith.addi %mul3A_344, %add3A_345 : i32
      %sub3A_347 = arith.constant 2 : i32
      %sub3A_348 = arith.subi %add3A_346, %sub3A_347 : i32
      %dma_wait3A_349 = arith.constant 0 : i32
      %dma_wait3A_350 = tpu.memref_slice %arg14[%sub3A_348, %dma_wait3A_349] : memref<32x128xi32, #tpu.memory_space<vmem>> -> memref<1x128xi32, #tpu.memory_space<vmem>>
      %dma_wait3A_351 = tpu.memref_squeeze %dma_wait3A_350 : memref<1x128xi32, #tpu.memory_space<vmem>> -> memref<128xi32, #tpu.memory_space<vmem>>
      %dma_wait3A_352 = arith.constant 0 : i32
      %dma_wait3A_353 = arith.constant 0 : i32
      %dma_wait3A_354 = tpu.memref_slice %arg11[%dma_wait3A_352, %dma_wait3A_353] : memref<10008x64xf32, #tpu.memory_space<vmem_shared>> -> memref<10008x64xf32, #tpu.memory_space<vmem_shared>>
      tpu.wait_indirect_dma semaphore(%arg21 : memref<!tpu.dma_semaphore, #tpu.memory_space<semaphore_mem>>) src(%arg15 : memref<128x64xf32, #tpu.memory_space<vmem>>) dst(%dma_wait3A_354 : memref<10008x64xf32, #tpu.memory_space<vmem_shared>>)
      %dma_start3A_355 = arith.constant 0 : i32
      %dma_start3A_356 = tpu.memref_slice %arg13[%add3A_346, %dma_start3A_355] : memref<32x128xi32, #tpu.memory_space<vmem>> -> memref<1x128xi32, #tpu.memory_space<vmem>>
      %dma_start3A_357 = tpu.memref_squeeze %dma_start3A_356 : memref<1x128xi32, #tpu.memory_space<vmem>> -> memref<128xi32, #tpu.memory_space<vmem>>
      %dma_start3A_358 = arith.constant 0 : i32
      %dma_start3A_359 = arith.constant 0 : i32
      %dma_start3A_360 = tpu.memref_slice %arg10[%dma_start3A_358, %dma_start3A_359] : memref<10000x64xf32, #tpu.memory_space<vmem_shared>> -> memref<10000x64xf32, #tpu.memory_space<vmem_shared>>
      tpu.enqueue_indirect_dma source(%dma_start3A_360 : memref<10000x64xf32, #tpu.memory_space<vmem_shared>>) target(%arg15 : memref<128x64xf32, #tpu.memory_space<vmem>>) offsets(%dma_start3A_357 : memref<128xi32, #tpu.memory_space<vmem>>) semaphore(%arg19 : memref<!tpu.dma_semaphore, #tpu.memory_space<semaphore_mem>>)
      %sub3A_361 = arith.constant 1 : i32
      %sub3A_362 = arith.subi %add3A_346, %sub3A_361 : i32
      %dma_wait3A_363 = arith.constant 0 : i32
      %dma_wait3A_364 = tpu.memref_slice %arg13[%sub3A_362, %dma_wait3A_363] : memref<32x128xi32, #tpu.memory_space<vmem>> -> memref<1x128xi32, #tpu.memory_space<vmem>>
      %dma_wait3A_365 = tpu.memref_squeeze %dma_wait3A_364 : memref<1x128xi32, #tpu.memory_space<vmem>> -> memref<128xi32, #tpu.memory_space<vmem>>
      %dma_wait3A_366 = arith.constant 0 : i32
      %dma_wait3A_367 = arith.constant 0 : i32
      %dma_wait3A_368 = tpu.memref_slice %arg10[%dma_wait3A_366, %dma_wait3A_367] : memref<10000x64xf32, #tpu.memory_space<vmem_shared>> -> memref<10000x64xf32, #tpu.memory_space<vmem_shared>>
      tpu.wait_indirect_dma semaphore(%arg20 : memref<!tpu.dma_semaphore, #tpu.memory_space<semaphore_mem>>) src(%dma_wait3A_368 : memref<10000x64xf32, #tpu.memory_space<vmem_shared>>) dst(%arg16 : memref<128x64xf32, #tpu.memory_space<vmem>>)
      %sub3A_369 = arith.constant 1 : i32
      %sub3A_370 = arith.subi %add3A_346, %sub3A_369 : i32
      %dma_start3A_371 = arith.constant 0 : i32
      %dma_start3A_372 = tpu.memref_slice %arg14[%sub3A_370, %dma_start3A_371] : memref<32x128xi32, #tpu.memory_space<vmem>> -> memref<1x128xi32, #tpu.memory_space<vmem>>
      %dma_start3A_373 = tpu.memref_squeeze %dma_start3A_372 : memref<1x128xi32, #tpu.memory_space<vmem>> -> memref<128xi32, #tpu.memory_space<vmem>>
      %dma_start3A_374 = arith.constant 0 : i32
      %dma_start3A_375 = arith.constant 0 : i32
      %dma_start3A_376 = tpu.memref_slice %arg11[%dma_start3A_374, %dma_start3A_375] : memref<10008x64xf32, #tpu.memory_space<vmem_shared>> -> memref<10008x64xf32, #tpu.memory_space<vmem_shared>>
      tpu.enqueue_indirect_dma source(%arg16 : memref<128x64xf32, #tpu.memory_space<vmem>>) target(%dma_start3A_376 : memref<10008x64xf32, #tpu.memory_space<vmem_shared>>) offsets(%dma_start3A_373 : memref<128xi32, #tpu.memory_space<vmem>>) semaphore(%arg22 : memref<!tpu.dma_semaphore, #tpu.memory_space<semaphore_mem>>) {add = true}
      %mul3A_377 = arith.constant 8 : i32
      %mul3A_378 = arith.muli %add3A_225, %mul3A_377 : i32
      %add3A_379 = arith.constant 5 : i32
      %add3A_380 = arith.addi %mul3A_378, %add3A_379 : i32
      %sub3A_381 = arith.constant 2 : i32
      %sub3A_382 = arith.subi %add3A_380, %sub3A_381 : i32
      %dma_wait3A_383 = arith.constant 0 : i32
      %dma_wait3A_384 = tpu.memref_slice %arg14[%sub3A_382, %dma_wait3A_383] : memref<32x128xi32, #tpu.memory_space<vmem>> -> memref<1x128xi32, #tpu.memory_space<vmem>>
      %dma_wait3A_385 = tpu.memref_squeeze %dma_wait3A_384 : memref<1x128xi32, #tpu.memory_space<vmem>> -> memref<128xi32, #tpu.memory_space<vmem>>
      %dma_wait3A_386 = arith.constant 0 : i32
      %dma_wait3A_387 = arith.constant 0 : i32
      %dma_wait3A_388 = tpu.memref_slice %arg11[%dma_wait3A_386, %dma_wait3A_387] : memref<10008x64xf32, #tpu.memory_space<vmem_shared>> -> memref<10008x64xf32, #tpu.memory_space<vmem_shared>>
      tpu.wait_indirect_dma semaphore(%arg22 : memref<!tpu.dma_semaphore, #tpu.memory_space<semaphore_mem>>) src(%arg16 : memref<128x64xf32, #tpu.memory_space<vmem>>) dst(%dma_wait3A_388 : memref<10008x64xf32, #tpu.memory_space<vmem_shared>>)
      %dma_start3A_389 = arith.constant 0 : i32
      %dma_start3A_390 = tpu.memref_slice %arg13[%add3A_380, %dma_start3A_389] : memref<32x128xi32, #tpu.memory_space<vmem>> -> memref<1x128xi32, #tpu.memory_space<vmem>>
      %dma_start3A_391 = tpu.memref_squeeze %dma_start3A_390 : memref<1x128xi32, #tpu.memory_space<vmem>> -> memref<128xi32, #tpu.memory_space<vmem>>
      %dma_start3A_392 = arith.constant 0 : i32
      %dma_start3A_393 = arith.constant 0 : i32
      %dma_start3A_394 = tpu.memref_slice %arg10[%dma_start3A_392, %dma_start3A_393] : memref<10000x64xf32, #tpu.memory_space<vmem_shared>> -> memref<10000x64xf32, #tpu.memory_space<vmem_shared>>
      tpu.enqueue_indirect_dma source(%dma_start3A_394 : memref<10000x64xf32, #tpu.memory_space<vmem_shared>>) target(%arg16 : memref<128x64xf32, #tpu.memory_space<vmem>>) offsets(%dma_start3A_391 : memref<128xi32, #tpu.memory_space<vmem>>) semaphore(%arg20 : memref<!tpu.dma_semaphore, #tpu.memory_space<semaphore_mem>>)
      %sub3A_395 = arith.constant 1 : i32
      %sub3A_396 = arith.subi %add3A_380, %sub3A_395 : i32
      %dma_wait3A_397 = arith.constant 0 : i32
      %dma_wait3A_398 = tpu.memref_slice %arg13[%sub3A_396, %dma_wait3A_397] : memref<32x128xi32, #tpu.memory_space<vmem>> -> memref<1x128xi32, #tpu.memory_space<vmem>>
      %dma_wait3A_399 = tpu.memref_squeeze %dma_wait3A_398 : memref<1x128xi32, #tpu.memory_space<vmem>> -> memref<128xi32, #tpu.memory_space<vmem>>
      %dma_wait3A_400 = arith.constant 0 : i32
      %dma_wait3A_401 = arith.constant 0 : i32
      %dma_wait3A_402 = tpu.memref_slice %arg10[%dma_wait3A_400, %dma_wait3A_401] : memref<10000x64xf32, #tpu.memory_space<vmem_shared>> -> memref<10000x64xf32, #tpu.memory_space<vmem_shared>>
      tpu.wait_indirect_dma semaphore(%arg19 : memref<!tpu.dma_semaphore, #tpu.memory_space<semaphore_mem>>) src(%dma_wait3A_402 : memref<10000x64xf32, #tpu.memory_space<vmem_shared>>) dst(%arg15 : memref<128x64xf32, #tpu.memory_space<vmem>>)
      %sub3A_403 = arith.constant 1 : i32
      %sub3A_404 = arith.subi %add3A_380, %sub3A_403 : i32
      %dma_start3A_405 = arith.constant 0 : i32
      %dma_start3A_406 = tpu.memref_slice %arg14[%sub3A_404, %dma_start3A_405] : memref<32x128xi32, #tpu.memory_space<vmem>> -> memref<1x128xi32, #tpu.memory_space<vmem>>
      %dma_start3A_407 = tpu.memref_squeeze %dma_start3A_406 : memref<1x128xi32, #tpu.memory_space<vmem>> -> memref<128xi32, #tpu.memory_space<vmem>>
      %dma_start3A_408 = arith.constant 0 : i32
      %dma_start3A_409 = arith.constant 0 : i32
      %dma_start3A_410 = tpu.memref_slice %arg11[%dma_start3A_408, %dma_start3A_409] : memref<10008x64xf32, #tpu.memory_space<vmem_shared>> -> memref<10008x64xf32, #tpu.memory_space<vmem_shared>>
      tpu.enqueue_indirect_dma source(%arg15 : memref<128x64xf32, #tpu.memory_space<vmem>>) target(%dma_start3A_410 : memref<10008x64xf32, #tpu.memory_space<vmem_shared>>) offsets(%dma_start3A_407 : memref<128xi32, #tpu.memory_space<vmem>>) semaphore(%arg21 : memref<!tpu.dma_semaphore, #tpu.memory_space<semaphore_mem>>) {add = true}
      %mul3A_411 = arith.constant 8 : i32
      %mul3A_412 = arith.muli %add3A_225, %mul3A_411 : i32
      %add3A_413 = arith.constant 6 : i32
      %add3A_414 = arith.addi %mul3A_412, %add3A_413 : i32
      %sub3A_415 = arith.constant 2 : i32
      %sub3A_416 = arith.subi %add3A_414, %sub3A_415 : i32
      %dma_wait3A_417 = arith.constant 0 : i32
      %dma_wait3A_418 = tpu.memref_slice %arg14[%sub3A_416, %dma_wait3A_417] : memref<32x128xi32, #tpu.memory_space<vmem>> -> memref<1x128xi32, #tpu.memory_space<vmem>>
      %dma_wait3A_419 = tpu.memref_squeeze %dma_wait3A_418 : memref<1x128xi32, #tpu.memory_space<vmem>> -> memref<128xi32, #tpu.memory_space<vmem>>
      %dma_wait3A_420 = arith.constant 0 : i32
      %dma_wait3A_421 = arith.constant 0 : i32
      %dma_wait3A_422 = tpu.memref_slice %arg11[%dma_wait3A_420, %dma_wait3A_421] : memref<10008x64xf32, #tpu.memory_space<vmem_shared>> -> memref<10008x64xf32, #tpu.memory_space<vmem_shared>>
      tpu.wait_indirect_dma semaphore(%arg21 : memref<!tpu.dma_semaphore, #tpu.memory_space<semaphore_mem>>) src(%arg15 : memref<128x64xf32, #tpu.memory_space<vmem>>) dst(%dma_wait3A_422 : memref<10008x64xf32, #tpu.memory_space<vmem_shared>>)
      %dma_start3A_423 = arith.constant 0 : i32
      %dma_start3A_424 = tpu.memref_slice %arg13[%add3A_414, %dma_start3A_423] : memref<32x128xi32, #tpu.memory_space<vmem>> -> memref<1x128xi32, #tpu.memory_space<vmem>>
      %dma_start3A_425 = tpu.memref_squeeze %dma_start3A_424 : memref<1x128xi32, #tpu.memory_space<vmem>> -> memref<128xi32, #tpu.memory_space<vmem>>
      %dma_start3A_426 = arith.constant 0 : i32
      %dma_start3A_427 = arith.constant 0 : i32
      %dma_start3A_428 = tpu.memref_slice %arg10[%dma_start3A_426, %dma_start3A_427] : memref<10000x64xf32, #tpu.memory_space<vmem_shared>> -> memref<10000x64xf32, #tpu.memory_space<vmem_shared>>
      tpu.enqueue_indirect_dma source(%dma_start3A_428 : memref<10000x64xf32, #tpu.memory_space<vmem_shared>>) target(%arg15 : memref<128x64xf32, #tpu.memory_space<vmem>>) offsets(%dma_start3A_425 : memref<128xi32, #tpu.memory_space<vmem>>) semaphore(%arg19 : memref<!tpu.dma_semaphore, #tpu.memory_space<semaphore_mem>>)
      %sub3A_429 = arith.constant 1 : i32
      %sub3A_430 = arith.subi %add3A_414, %sub3A_429 : i32
      %dma_wait3A_431 = arith.constant 0 : i32
      %dma_wait3A_432 = tpu.memref_slice %arg13[%sub3A_430, %dma_wait3A_431] : memref<32x128xi32, #tpu.memory_space<vmem>> -> memref<1x128xi32, #tpu.memory_space<vmem>>
      %dma_wait3A_433 = tpu.memref_squeeze %dma_wait3A_432 : memref<1x128xi32, #tpu.memory_space<vmem>> -> memref<128xi32, #tpu.memory_space<vmem>>
      %dma_wait3A_434 = arith.constant 0 : i32
      %dma_wait3A_435 = arith.constant 0 : i32
      %dma_wait3A_436 = tpu.memref_slice %arg10[%dma_wait3A_434, %dma_wait3A_435] : memref<10000x64xf32, #tpu.memory_space<vmem_shared>> -> memref<10000x64xf32, #tpu.memory_space<vmem_shared>>
      tpu.wait_indirect_dma semaphore(%arg20 : memref<!tpu.dma_semaphore, #tpu.memory_space<semaphore_mem>>) src(%dma_wait3A_436 : memref<10000x64xf32, #tpu.memory_space<vmem_shared>>) dst(%arg16 : memref<128x64xf32, #tpu.memory_space<vmem>>)
      %sub3A_437 = arith.constant 1 : i32
      %sub3A_438 = arith.subi %add3A_414, %sub3A_437 : i32
      %dma_start3A_439 = arith.constant 0 : i32
      %dma_start3A_440 = tpu.memref_slice %arg14[%sub3A_438, %dma_start3A_439] : memref<32x128xi32, #tpu.memory_space<vmem>> -> memref<1x128xi32, #tpu.memory_space<vmem>>
      %dma_start3A_441 = tpu.memref_squeeze %dma_start3A_440 : memref<1x128xi32, #tpu.memory_space<vmem>> -> memref<128xi32, #tpu.memory_space<vmem>>
      %dma_start3A_442 = arith.constant 0 : i32
      %dma_start3A_443 = arith.constant 0 : i32
      %dma_start3A_444 = tpu.memref_slice %arg11[%dma_start3A_442, %dma_start3A_443] : memref<10008x64xf32, #tpu.memory_space<vmem_shared>> -> memref<10008x64xf32, #tpu.memory_space<vmem_shared>>
      tpu.enqueue_indirect_dma source(%arg16 : memref<128x64xf32, #tpu.memory_space<vmem>>) target(%dma_start3A_444 : memref<10008x64xf32, #tpu.memory_space<vmem_shared>>) offsets(%dma_start3A_441 : memref<128xi32, #tpu.memory_space<vmem>>) semaphore(%arg22 : memref<!tpu.dma_semaphore, #tpu.memory_space<semaphore_mem>>) {add = true}
      %mul3A_445 = arith.constant 8 : i32
      %mul3A_446 = arith.muli %add3A_225, %mul3A_445 : i32
      %add3A_447 = arith.constant 7 : i32
      %add3A_448 = arith.addi %mul3A_446, %add3A_447 : i32
      %sub3A_449 = arith.constant 2 : i32
      %sub3A_450 = arith.subi %add3A_448, %sub3A_449 : i32
      %dma_wait3A_451 = arith.constant 0 : i32
      %dma_wait3A_452 = tpu.memref_slice %arg14[%sub3A_450, %dma_wait3A_451] : memref<32x128xi32, #tpu.memory_space<vmem>> -> memref<1x128xi32, #tpu.memory_space<vmem>>
      %dma_wait3A_453 = tpu.memref_squeeze %dma_wait3A_452 : memref<1x128xi32, #tpu.memory_space<vmem>> -> memref<128xi32, #tpu.memory_space<vmem>>
      %dma_wait3A_454 = arith.constant 0 : i32
      %dma_wait3A_455 = arith.constant 0 : i32
      %dma_wait3A_456 = tpu.memref_slice %arg11[%dma_wait3A_454, %dma_wait3A_455] : memref<10008x64xf32, #tpu.memory_space<vmem_shared>> -> memref<10008x64xf32, #tpu.memory_space<vmem_shared>>
      tpu.wait_indirect_dma semaphore(%arg22 : memref<!tpu.dma_semaphore, #tpu.memory_space<semaphore_mem>>) src(%arg16 : memref<128x64xf32, #tpu.memory_space<vmem>>) dst(%dma_wait3A_456 : memref<10008x64xf32, #tpu.memory_space<vmem_shared>>)
      %dma_start3A_457 = arith.constant 0 : i32
      %dma_start3A_458 = tpu.memref_slice %arg13[%add3A_448, %dma_start3A_457] : memref<32x128xi32, #tpu.memory_space<vmem>> -> memref<1x128xi32, #tpu.memory_space<vmem>>
      %dma_start3A_459 = tpu.memref_squeeze %dma_start3A_458 : memref<1x128xi32, #tpu.memory_space<vmem>> -> memref<128xi32, #tpu.memory_space<vmem>>
      %dma_start3A_460 = arith.constant 0 : i32
      %dma_start3A_461 = arith.constant 0 : i32
      %dma_start3A_462 = tpu.memref_slice %arg10[%dma_start3A_460, %dma_start3A_461] : memref<10000x64xf32, #tpu.memory_space<vmem_shared>> -> memref<10000x64xf32, #tpu.memory_space<vmem_shared>>
      tpu.enqueue_indirect_dma source(%dma_start3A_462 : memref<10000x64xf32, #tpu.memory_space<vmem_shared>>) target(%arg16 : memref<128x64xf32, #tpu.memory_space<vmem>>) offsets(%dma_start3A_459 : memref<128xi32, #tpu.memory_space<vmem>>) semaphore(%arg20 : memref<!tpu.dma_semaphore, #tpu.memory_space<semaphore_mem>>)
      %sub3A_463 = arith.constant 1 : i32
      %sub3A_464 = arith.subi %add3A_448, %sub3A_463 : i32
      %dma_wait3A_465 = arith.constant 0 : i32
      %dma_wait3A_466 = tpu.memref_slice %arg13[%sub3A_464, %dma_wait3A_465] : memref<32x128xi32, #tpu.memory_space<vmem>> -> memref<1x128xi32, #tpu.memory_space<vmem>>
      %dma_wait3A_467 = tpu.memref_squeeze %dma_wait3A_466 : memref<1x128xi32, #tpu.memory_space<vmem>> -> memref<128xi32, #tpu.memory_space<vmem>>
      %dma_wait3A_468 = arith.constant 0 : i32
      %dma_wait3A_469 = arith.constant 0 : i32
      %dma_wait3A_470 = tpu.memref_slice %arg10[%dma_wait3A_468, %dma_wait3A_469] : memref<10000x64xf32, #tpu.memory_space<vmem_shared>> -> memref<10000x64xf32, #tpu.memory_space<vmem_shared>>
      tpu.wait_indirect_dma semaphore(%arg19 : memref<!tpu.dma_semaphore, #tpu.memory_space<semaphore_mem>>) src(%dma_wait3A_470 : memref<10000x64xf32, #tpu.memory_space<vmem_shared>>) dst(%arg15 : memref<128x64xf32, #tpu.memory_space<vmem>>)
      %sub3A_471 = arith.constant 1 : i32
      %sub3A_472 = arith.subi %add3A_448, %sub3A_471 : i32
      %dma_start3A_473 = arith.constant 0 : i32
      %dma_start3A_474 = tpu.memref_slice %arg14[%sub3A_472, %dma_start3A_473] : memref<32x128xi32, #tpu.memory_space<vmem>> -> memref<1x128xi32, #tpu.memory_space<vmem>>
      %dma_start3A_475 = tpu.memref_squeeze %dma_start3A_474 : memref<1x128xi32, #tpu.memory_space<vmem>> -> memref<128xi32, #tpu.memory_space<vmem>>
      %dma_start3A_476 = arith.constant 0 : i32
      %dma_start3A_477 = arith.constant 0 : i32
      %dma_start3A_478 = tpu.memref_slice %arg11[%dma_start3A_476, %dma_start3A_477] : memref<10008x64xf32, #tpu.memory_space<vmem_shared>> -> memref<10008x64xf32, #tpu.memory_space<vmem_shared>>
      tpu.enqueue_indirect_dma source(%arg15 : memref<128x64xf32, #tpu.memory_space<vmem>>) target(%dma_start3A_478 : memref<10008x64xf32, #tpu.memory_space<vmem_shared>>) offsets(%dma_start3A_475 : memref<128xi32, #tpu.memory_space<vmem>>) semaphore(%arg21 : memref<!tpu.dma_semaphore, #tpu.memory_space<semaphore_mem>>) {add = true}
    }
    %scan3A_15 = arith.constant 4 : i32
    %dma_wait3A = arith.constant 31 : i32
    %dma_wait3A_16 = arith.constant 0 : i32
    %dma_wait3A_17 = tpu.memref_slice %arg13[%dma_wait3A, %dma_wait3A_16] : memref<32x128xi32, #tpu.memory_space<vmem>> -> memref<1x128xi32, #tpu.memory_space<vmem>>
    %dma_wait3A_18 = tpu.memref_squeeze %dma_wait3A_17 : memref<1x128xi32, #tpu.memory_space<vmem>> -> memref<128xi32, #tpu.memory_space<vmem>>
    %dma_wait3A_19 = arith.constant 0 : i32
    %dma_wait3A_20 = arith.constant 0 : i32
    %dma_wait3A_21 = tpu.memref_slice %arg10[%dma_wait3A_19, %dma_wait3A_20] : memref<10000x64xf32, #tpu.memory_space<vmem_shared>> -> memref<10000x64xf32, #tpu.memory_space<vmem_shared>>
    tpu.wait_indirect_dma semaphore(%arg20 : memref<!tpu.dma_semaphore, #tpu.memory_space<semaphore_mem>>) src(%dma_wait3A_21 : memref<10000x64xf32, #tpu.memory_space<vmem_shared>>) dst(%arg16 : memref<128x64xf32, #tpu.memory_space<vmem>>)
    %dma_start3A = arith.constant 31 : i32
    %dma_start3A_22 = arith.constant 0 : i32
    %dma_start3A_23 = tpu.memref_slice %arg14[%dma_start3A, %dma_start3A_22] : memref<32x128xi32, #tpu.memory_space<vmem>> -> memref<1x128xi32, #tpu.memory_space<vmem>>
    %dma_start3A_24 = tpu.memref_squeeze %dma_start3A_23 : memref<1x128xi32, #tpu.memory_space<vmem>> -> memref<128xi32, #tpu.memory_space<vmem>>
    %dma_start3A_25 = arith.constant 0 : i32
    %dma_start3A_26 = arith.constant 0 : i32
    %dma_start3A_27 = tpu.memref_slice %arg11[%dma_start3A_25, %dma_start3A_26] : memref<10008x64xf32, #tpu.memory_space<vmem_shared>> -> memref<10008x64xf32, #tpu.memory_space<vmem_shared>>
    tpu.enqueue_indirect_dma source(%arg16 : memref<128x64xf32, #tpu.memory_space<vmem>>) target(%dma_start3A_27 : memref<10008x64xf32, #tpu.memory_space<vmem_shared>>) offsets(%dma_start3A_24 : memref<128xi32, #tpu.memory_space<vmem>>) semaphore(%arg22 : memref<!tpu.dma_semaphore, #tpu.memory_space<semaphore_mem>>) {add = true}
    %dma_wait3A_28 = arith.constant 30 : i32
    %dma_wait3A_29 = arith.constant 0 : i32
    %dma_wait3A_30 = tpu.memref_slice %arg14[%dma_wait3A_28, %dma_wait3A_29] : memref<32x128xi32, #tpu.memory_space<vmem>> -> memref<1x128xi32, #tpu.memory_space<vmem>>
    %dma_wait3A_31 = tpu.memref_squeeze %dma_wait3A_30 : memref<1x128xi32, #tpu.memory_space<vmem>> -> memref<128xi32, #tpu.memory_space<vmem>>
    %dma_wait3A_32 = arith.constant 0 : i32
    %dma_wait3A_33 = arith.constant 0 : i32
    %dma_wait3A_34 = tpu.memref_slice %arg11[%dma_wait3A_32, %dma_wait3A_33] : memref<10008x64xf32, #tpu.memory_space<vmem_shared>> -> memref<10008x64xf32, #tpu.memory_space<vmem_shared>>
    tpu.wait_indirect_dma semaphore(%arg21 : memref<!tpu.dma_semaphore, #tpu.memory_space<semaphore_mem>>) src(%arg15 : memref<128x64xf32, #tpu.memory_space<vmem>>) dst(%dma_wait3A_34 : memref<10008x64xf32, #tpu.memory_space<vmem_shared>>)
    %dma_wait3A_35 = arith.constant 31 : i32
    %dma_wait3A_36 = arith.constant 0 : i32
    %dma_wait3A_37 = tpu.memref_slice %arg14[%dma_wait3A_35, %dma_wait3A_36] : memref<32x128xi32, #tpu.memory_space<vmem>> -> memref<1x128xi32, #tpu.memory_space<vmem>>
    %dma_wait3A_38 = tpu.memref_squeeze %dma_wait3A_37 : memref<1x128xi32, #tpu.memory_space<vmem>> -> memref<128xi32, #tpu.memory_space<vmem>>
    %dma_wait3A_39 = arith.constant 0 : i32
    %dma_wait3A_40 = arith.constant 0 : i32
    %dma_wait3A_41 = tpu.memref_slice %arg11[%dma_wait3A_39, %dma_wait3A_40] : memref<10008x64xf32, #tpu.memory_space<vmem_shared>> -> memref<10008x64xf32, #tpu.memory_space<vmem_shared>>
    tpu.wait_indirect_dma semaphore(%arg22 : memref<!tpu.dma_semaphore, #tpu.memory_space<semaphore_mem>>) src(%arg16 : memref<128x64xf32, #tpu.memory_space<vmem>>) dst(%dma_wait3A_41 : memref<10008x64xf32, #tpu.memory_space<vmem_shared>>)
    %scan3A_42 = arith.constant 0 : i32
    %scan3A_43 = arith.constant 16 : i32
    %scan3A_44 = arith.addi %scan3A_42, %scan3A_43 : i32
    %scan3A_45 = arith.constant 1 : i32
    scf.for %scan3A_221 = %scan3A_42 to %scan3A_44 step %scan3A_45  : i32 {
      %mul3A_222 = arith.constant 1 : i32
      %mul3A_223 = arith.muli %scan3A_221, %mul3A_222 : i32
      %add3A_224 = arith.constant 0 : i32
      %add3A_225 = arith.addi %add3A_224, %mul3A_223 : i32
      %mul3A_226 = arith.constant 2 : i32
      %mul3A_227 = arith.muli %mul3A_226, %add3A_225 : i32
      %add3A_228 = arith.addi %mul3A_227, %arg0 : i32
      "tpu.region"() ({
        %run_scoped3A = tpu.sem_alloc : memref<!tpu.dma_semaphore, #tpu.memory_space<semaphore_mem>>
        %dma_start3A_229 = arith.constant 0 : i32
        %dma_start3A_230 = tpu.memref_slice %arg14[%add3A_228, %dma_start3A_229] : memref<32x128xi32, #tpu.memory_space<vmem>> -> memref<1x128xi32, #tpu.memory_space<vmem>>
        %dma_start3A_231 = tpu.memref_squeeze %dma_start3A_230 : memref<1x128xi32, #tpu.memory_space<vmem>> -> memref<128xi32, #tpu.memory_space<vmem>>
        %dma_start3A_232 = arith.constant 0 : i32
        %dma_start3A_233 = tpu.memref_slice %arg12[%dma_start3A_232] : memref<10008xf32, #tpu.memory_space<vmem_shared>> -> memref<10008xf32, #tpu.memory_space<vmem_shared>>
        tpu.enqueue_indirect_dma source(%arg17 : memref<128xf32, #tpu.memory_space<vmem>>) target(%dma_start3A_233 : memref<10008xf32, #tpu.memory_space<vmem_shared>>) offsets(%dma_start3A_231 : memref<128xi32, #tpu.memory_space<vmem>>) semaphore(%run_scoped3A : memref<!tpu.dma_semaphore, #tpu.memory_space<semaphore_mem>>) {add = true}
        %dma_wait3A_234 = arith.constant 0 : i32
        %dma_wait3A_235 = tpu.memref_slice %arg14[%add3A_228, %dma_wait3A_234] : memref<32x128xi32, #tpu.memory_space<vmem>> -> memref<1x128xi32, #tpu.memory_space<vmem>>
        %dma_wait3A_236 = tpu.memref_squeeze %dma_wait3A_235 : memref<1x128xi32, #tpu.memory_space<vmem>> -> memref<128xi32, #tpu.memory_space<vmem>>
        %dma_wait3A_237 = arith.constant 0 : i32
        %dma_wait3A_238 = tpu.memref_slice %arg12[%dma_wait3A_237] : memref<10008xf32, #tpu.memory_space<vmem_shared>> -> memref<10008xf32, #tpu.memory_space<vmem_shared>>
        tpu.wait_indirect_dma semaphore(%run_scoped3A : memref<!tpu.dma_semaphore, #tpu.memory_space<semaphore_mem>>) src(%arg17 : memref<128xf32, #tpu.memory_space<vmem>>) dst(%dma_wait3A_238 : memref<10008xf32, #tpu.memory_space<vmem_shared>>)
        tpu.yield
      }) : () -> ()
    }
    %scan3A_46 = arith.constant 16 : i32
    %mul3A_47 = arith.constant 160 : i32
    %mul3A_48 = arith.muli %arg1, %mul3A_47 : i32
    %add3A_49 = arith.constant 32 : i32
    %add3A_50 = arith.addi %mul3A_48, %add3A_49 : i32
    "tpu.region"() ({
      %run_scoped3A = tpu.sem_alloc : memref<!tpu.dma_semaphore, #tpu.memory_space<semaphore_mem>>
      %dma_start3A_221 = arith.constant 0 : i32
      %dma_start3A_222 = tpu.memref_slice %arg3[%add3A_50, %dma_start3A_221] : memref<2560x128xi32, #tpu.memory_space<hbm>> -> memref<32x128xi32, #tpu.memory_space<hbm>>
      %dma_start3A_223 = arith.constant 0 : i32
      %dma_start3A_224 = tpu.memref_slice %arg3[%add3A_50, %dma_start3A_223] : memref<2560x128xi32, #tpu.memory_space<hbm>> -> memref<32x128xi32, #tpu.memory_space<hbm>>
      tpu.enqueue_dma source(%dma_start3A_224 : memref<32x128xi32, #tpu.memory_space<hbm>>) target(%arg13 : memref<32x128xi32, #tpu.memory_space<vmem>>) target_semaphore(%run_scoped3A : memref<!tpu.dma_semaphore, #tpu.memory_space<semaphore_mem>>)
      %dma_wait3A_225 = arith.constant 0 : i32
      %dma_wait3A_226 = tpu.memref_slice %arg3[%add3A_50, %dma_wait3A_225] : memref<2560x128xi32, #tpu.memory_space<hbm>> -> memref<32x128xi32, #tpu.memory_space<hbm>>
      %dma_wait3A_227 = arith.constant 0 : i32
      %dma_wait3A_228 = tpu.memref_slice %arg3[%add3A_50, %dma_wait3A_227] : memref<2560x128xi32, #tpu.memory_space<hbm>> -> memref<32x128xi32, #tpu.memory_space<hbm>>
      tpu.wait_dma2 semaphore(%run_scoped3A : memref<!tpu.dma_semaphore, #tpu.memory_space<semaphore_mem>>) src(%dma_wait3A_228 : memref<32x128xi32, #tpu.memory_space<hbm>>) dst(%arg13 : memref<32x128xi32, #tpu.memory_space<vmem>>)
      tpu.yield
    }) : () -> ()
    "tpu.region"() ({
      %run_scoped3A = tpu.sem_alloc : memref<!tpu.dma_semaphore, #tpu.memory_space<semaphore_mem>>
      %dma_start3A_221 = arith.constant 0 : i32
      %dma_start3A_222 = tpu.memref_slice %arg4[%add3A_50, %dma_start3A_221] : memref<2560x128xi32, #tpu.memory_space<hbm>> -> memref<32x128xi32, #tpu.memory_space<hbm>>
      %dma_start3A_223 = arith.constant 0 : i32
      %dma_start3A_224 = tpu.memref_slice %arg4[%add3A_50, %dma_start3A_223] : memref<2560x128xi32, #tpu.memory_space<hbm>> -> memref<32x128xi32, #tpu.memory_space<hbm>>
      tpu.enqueue_dma source(%dma_start3A_224 : memref<32x128xi32, #tpu.memory_space<hbm>>) target(%arg14 : memref<32x128xi32, #tpu.memory_space<vmem>>) target_semaphore(%run_scoped3A : memref<!tpu.dma_semaphore, #tpu.memory_space<semaphore_mem>>)
      %dma_wait3A_225 = arith.constant 0 : i32
      %dma_wait3A_226 = tpu.memref_slice %arg4[%add3A_50, %dma_wait3A_225] : memref<2560x128xi32, #tpu.memory_space<hbm>> -> memref<32x128xi32, #tpu.memory_space<hbm>>
      %dma_wait3A_227 = arith.constant 0 : i32
      %dma_wait3A_228 = tpu.memref_slice %arg4[%add3A_50, %dma_wait3A_227] : memref<2560x128xi32, #tpu.memory_space<hbm>> -> memref<32x128xi32, #tpu.memory_space<hbm>>
      tpu.wait_dma2 semaphore(%run_scoped3A : memref<!tpu.dma_semaphore, #tpu.memory_space<semaphore_mem>>) src(%dma_wait3A_228 : memref<32x128xi32, #tpu.memory_space<hbm>>) dst(%arg14 : memref<32x128xi32, #tpu.memory_space<vmem>>)
      tpu.yield
    }) : () -> ()
    %scan3A_51 = arith.constant 0 : i32
    %scan3A_52 = arith.constant 4 : i32
    %scan3A_53 = arith.addi %scan3A_51, %scan3A_52 : i32
    %scan3A_54 = arith.constant 1 : i32
    scf.for %scan3A_221 = %scan3A_51 to %scan3A_53 step %scan3A_54  : i32 {
      %mul3A_222 = arith.constant 1 : i32
      %mul3A_223 = arith.muli %scan3A_221, %mul3A_222 : i32
      %add3A_224 = arith.constant 0 : i32
      %add3A_225 = arith.addi %add3A_224, %mul3A_223 : i32
      %mul3A_226 = arith.constant 8 : i32
      %mul3A_227 = arith.muli %add3A_225, %mul3A_226 : i32
      %add3A_228 = arith.constant 0 : i32
      %add3A_229 = arith.addi %mul3A_227, %add3A_228 : i32
      %gt3A = arith.constant 0 : i32
      %gt3A_230 = arith.cmpi sgt, %add3A_225, %gt3A : i32
      %convert_element_type3A_231 = arith.extui %gt3A_230 : i1 to i32
      %cond3A_232 = arith.constant 0 : i32
      %cond3A_233 = arith.cmpi ne, %convert_element_type3A_231, %cond3A_232 : i32
      scf.if %cond3A_233 {
        %sub3A_479 = arith.constant 2 : i32
        %sub3A_480 = arith.subi %add3A_229, %sub3A_479 : i32
        %dma_wait3A_481 = arith.constant 0 : i32
        %dma_wait3A_482 = tpu.memref_slice %arg14[%sub3A_480, %dma_wait3A_481] : memref<32x128xi32, #tpu.memory_space<vmem>> -> memref<1x128xi32, #tpu.memory_space<vmem>>
        %dma_wait3A_483 = tpu.memref_squeeze %dma_wait3A_482 : memref<1x128xi32, #tpu.memory_space<vmem>> -> memref<128xi32, #tpu.memory_space<vmem>>
        %dma_wait3A_484 = arith.constant 0 : i32
        %dma_wait3A_485 = arith.constant 0 : i32
        %dma_wait3A_486 = tpu.memref_slice %arg11[%dma_wait3A_484, %dma_wait3A_485] : memref<10008x64xf32, #tpu.memory_space<vmem_shared>> -> memref<10008x64xf32, #tpu.memory_space<vmem_shared>>
        tpu.wait_indirect_dma semaphore(%arg21 : memref<!tpu.dma_semaphore, #tpu.memory_space<semaphore_mem>>) src(%arg15 : memref<128x64xf32, #tpu.memory_space<vmem>>) dst(%dma_wait3A_486 : memref<10008x64xf32, #tpu.memory_space<vmem_shared>>)
      } else {
      }
      %dma_start3A_234 = arith.constant 0 : i32
      %dma_start3A_235 = tpu.memref_slice %arg13[%add3A_229, %dma_start3A_234] : memref<32x128xi32, #tpu.memory_space<vmem>> -> memref<1x128xi32, #tpu.memory_space<vmem>>
      %dma_start3A_236 = tpu.memref_squeeze %dma_start3A_235 : memref<1x128xi32, #tpu.memory_space<vmem>> -> memref<128xi32, #tpu.memory_space<vmem>>
      %dma_start3A_237 = arith.constant 0 : i32
      %dma_start3A_238 = arith.constant 0 : i32
      %dma_start3A_239 = tpu.memref_slice %arg10[%dma_start3A_237, %dma_start3A_238] : memref<10000x64xf32, #tpu.memory_space<vmem_shared>> -> memref<10000x64xf32, #tpu.memory_space<vmem_shared>>
      tpu.enqueue_indirect_dma source(%dma_start3A_239 : memref<10000x64xf32, #tpu.memory_space<vmem_shared>>) target(%arg15 : memref<128x64xf32, #tpu.memory_space<vmem>>) offsets(%dma_start3A_236 : memref<128xi32, #tpu.memory_space<vmem>>) semaphore(%arg19 : memref<!tpu.dma_semaphore, #tpu.memory_space<semaphore_mem>>)
      %gt3A_240 = arith.constant 0 : i32
      %gt3A_241 = arith.cmpi sgt, %add3A_225, %gt3A_240 : i32
      %convert_element_type3A_242 = arith.extui %gt3A_241 : i1 to i32
      %cond3A_243 = arith.constant 0 : i32
      %cond3A_244 = arith.cmpi ne, %convert_element_type3A_242, %cond3A_243 : i32
      scf.if %cond3A_244 {
        %sub3A_479 = arith.constant 1 : i32
        %sub3A_480 = arith.subi %add3A_229, %sub3A_479 : i32
        %dma_wait3A_481 = arith.constant 0 : i32
        %dma_wait3A_482 = tpu.memref_slice %arg13[%sub3A_480, %dma_wait3A_481] : memref<32x128xi32, #tpu.memory_space<vmem>> -> memref<1x128xi32, #tpu.memory_space<vmem>>
        %dma_wait3A_483 = tpu.memref_squeeze %dma_wait3A_482 : memref<1x128xi32, #tpu.memory_space<vmem>> -> memref<128xi32, #tpu.memory_space<vmem>>
        %dma_wait3A_484 = arith.constant 0 : i32
        %dma_wait3A_485 = arith.constant 0 : i32
        %dma_wait3A_486 = tpu.memref_slice %arg10[%dma_wait3A_484, %dma_wait3A_485] : memref<10000x64xf32, #tpu.memory_space<vmem_shared>> -> memref<10000x64xf32, #tpu.memory_space<vmem_shared>>
        tpu.wait_indirect_dma semaphore(%arg20 : memref<!tpu.dma_semaphore, #tpu.memory_space<semaphore_mem>>) src(%dma_wait3A_486 : memref<10000x64xf32, #tpu.memory_space<vmem_shared>>) dst(%arg16 : memref<128x64xf32, #tpu.memory_space<vmem>>)
        %sub3A_487 = arith.constant 1 : i32
        %sub3A_488 = arith.subi %add3A_229, %sub3A_487 : i32
        %dma_start3A_489 = arith.constant 0 : i32
        %dma_start3A_490 = tpu.memref_slice %arg14[%sub3A_488, %dma_start3A_489] : memref<32x128xi32, #tpu.memory_space<vmem>> -> memref<1x128xi32, #tpu.memory_space<vmem>>
        %dma_start3A_491 = tpu.memref_squeeze %dma_start3A_490 : memref<1x128xi32, #tpu.memory_space<vmem>> -> memref<128xi32, #tpu.memory_space<vmem>>
        %dma_start3A_492 = arith.constant 0 : i32
        %dma_start3A_493 = arith.constant 0 : i32
        %dma_start3A_494 = tpu.memref_slice %arg11[%dma_start3A_492, %dma_start3A_493] : memref<10008x64xf32, #tpu.memory_space<vmem_shared>> -> memref<10008x64xf32, #tpu.memory_space<vmem_shared>>
        tpu.enqueue_indirect_dma source(%arg16 : memref<128x64xf32, #tpu.memory_space<vmem>>) target(%dma_start3A_494 : memref<10008x64xf32, #tpu.memory_space<vmem_shared>>) offsets(%dma_start3A_491 : memref<128xi32, #tpu.memory_space<vmem>>) semaphore(%arg22 : memref<!tpu.dma_semaphore, #tpu.memory_space<semaphore_mem>>) {add = true}
      } else {
      }
      %mul3A_245 = arith.constant 8 : i32
      %mul3A_246 = arith.muli %add3A_225, %mul3A_245 : i32
      %add3A_247 = arith.constant 1 : i32
      %add3A_248 = arith.addi %mul3A_246, %add3A_247 : i32
      %gt3A_249 = arith.constant 0 : i32
      %gt3A_250 = arith.cmpi sgt, %add3A_225, %gt3A_249 : i32
      %convert_element_type3A_251 = arith.extui %gt3A_250 : i1 to i32
      %cond3A_252 = arith.constant 0 : i32
      %cond3A_253 = arith.cmpi ne, %convert_element_type3A_251, %cond3A_252 : i32
      scf.if %cond3A_253 {
        %sub3A_479 = arith.constant 2 : i32
        %sub3A_480 = arith.subi %add3A_248, %sub3A_479 : i32
        %dma_wait3A_481 = arith.constant 0 : i32
        %dma_wait3A_482 = tpu.memref_slice %arg14[%sub3A_480, %dma_wait3A_481] : memref<32x128xi32, #tpu.memory_space<vmem>> -> memref<1x128xi32, #tpu.memory_space<vmem>>
        %dma_wait3A_483 = tpu.memref_squeeze %dma_wait3A_482 : memref<1x128xi32, #tpu.memory_space<vmem>> -> memref<128xi32, #tpu.memory_space<vmem>>
        %dma_wait3A_484 = arith.constant 0 : i32
        %dma_wait3A_485 = arith.constant 0 : i32
        %dma_wait3A_486 = tpu.memref_slice %arg11[%dma_wait3A_484, %dma_wait3A_485] : memref<10008x64xf32, #tpu.memory_space<vmem_shared>> -> memref<10008x64xf32, #tpu.memory_space<vmem_shared>>
        tpu.wait_indirect_dma semaphore(%arg22 : memref<!tpu.dma_semaphore, #tpu.memory_space<semaphore_mem>>) src(%arg16 : memref<128x64xf32, #tpu.memory_space<vmem>>) dst(%dma_wait3A_486 : memref<10008x64xf32, #tpu.memory_space<vmem_shared>>)
      } else {
      }
      %dma_start3A_254 = arith.constant 0 : i32
      %dma_start3A_255 = tpu.memref_slice %arg13[%add3A_248, %dma_start3A_254] : memref<32x128xi32, #tpu.memory_space<vmem>> -> memref<1x128xi32, #tpu.memory_space<vmem>>
      %dma_start3A_256 = tpu.memref_squeeze %dma_start3A_255 : memref<1x128xi32, #tpu.memory_space<vmem>> -> memref<128xi32, #tpu.memory_space<vmem>>
      %dma_start3A_257 = arith.constant 0 : i32
      %dma_start3A_258 = arith.constant 0 : i32
      %dma_start3A_259 = tpu.memref_slice %arg10[%dma_start3A_257, %dma_start3A_258] : memref<10000x64xf32, #tpu.memory_space<vmem_shared>> -> memref<10000x64xf32, #tpu.memory_space<vmem_shared>>
      tpu.enqueue_indirect_dma source(%dma_start3A_259 : memref<10000x64xf32, #tpu.memory_space<vmem_shared>>) target(%arg16 : memref<128x64xf32, #tpu.memory_space<vmem>>) offsets(%dma_start3A_256 : memref<128xi32, #tpu.memory_space<vmem>>) semaphore(%arg20 : memref<!tpu.dma_semaphore, #tpu.memory_space<semaphore_mem>>)
      %sub3A = arith.constant 1 : i32
      %sub3A_260 = arith.subi %add3A_248, %sub3A : i32
      %dma_wait3A_261 = arith.constant 0 : i32
      %dma_wait3A_262 = tpu.memref_slice %arg13[%sub3A_260, %dma_wait3A_261] : memref<32x128xi32, #tpu.memory_space<vmem>> -> memref<1x128xi32, #tpu.memory_space<vmem>>
      %dma_wait3A_263 = tpu.memref_squeeze %dma_wait3A_262 : memref<1x128xi32, #tpu.memory_space<vmem>> -> memref<128xi32, #tpu.memory_space<vmem>>
      %dma_wait3A_264 = arith.constant 0 : i32
      %dma_wait3A_265 = arith.constant 0 : i32
      %dma_wait3A_266 = tpu.memref_slice %arg10[%dma_wait3A_264, %dma_wait3A_265] : memref<10000x64xf32, #tpu.memory_space<vmem_shared>> -> memref<10000x64xf32, #tpu.memory_space<vmem_shared>>
      tpu.wait_indirect_dma semaphore(%arg19 : memref<!tpu.dma_semaphore, #tpu.memory_space<semaphore_mem>>) src(%dma_wait3A_266 : memref<10000x64xf32, #tpu.memory_space<vmem_shared>>) dst(%arg15 : memref<128x64xf32, #tpu.memory_space<vmem>>)
      %sub3A_267 = arith.constant 1 : i32
      %sub3A_268 = arith.subi %add3A_248, %sub3A_267 : i32
      %dma_start3A_269 = arith.constant 0 : i32
      %dma_start3A_270 = tpu.memref_slice %arg14[%sub3A_268, %dma_start3A_269] : memref<32x128xi32, #tpu.memory_space<vmem>> -> memref<1x128xi32, #tpu.memory_space<vmem>>
      %dma_start3A_271 = tpu.memref_squeeze %dma_start3A_270 : memref<1x128xi32, #tpu.memory_space<vmem>> -> memref<128xi32, #tpu.memory_space<vmem>>
      %dma_start3A_272 = arith.constant 0 : i32
      %dma_start3A_273 = arith.constant 0 : i32
      %dma_start3A_274 = tpu.memref_slice %arg11[%dma_start3A_272, %dma_start3A_273] : memref<10008x64xf32, #tpu.memory_space<vmem_shared>> -> memref<10008x64xf32, #tpu.memory_space<vmem_shared>>
      tpu.enqueue_indirect_dma source(%arg15 : memref<128x64xf32, #tpu.memory_space<vmem>>) target(%dma_start3A_274 : memref<10008x64xf32, #tpu.memory_space<vmem_shared>>) offsets(%dma_start3A_271 : memref<128xi32, #tpu.memory_space<vmem>>) semaphore(%arg21 : memref<!tpu.dma_semaphore, #tpu.memory_space<semaphore_mem>>) {add = true}
      %mul3A_275 = arith.constant 8 : i32
      %mul3A_276 = arith.muli %add3A_225, %mul3A_275 : i32
      %add3A_277 = arith.constant 2 : i32
      %add3A_278 = arith.addi %mul3A_276, %add3A_277 : i32
      %sub3A_279 = arith.constant 2 : i32
      %sub3A_280 = arith.subi %add3A_278, %sub3A_279 : i32
      %dma_wait3A_281 = arith.constant 0 : i32
      %dma_wait3A_282 = tpu.memref_slice %arg14[%sub3A_280, %dma_wait3A_281] : memref<32x128xi32, #tpu.memory_space<vmem>> -> memref<1x128xi32, #tpu.memory_space<vmem>>
      %dma_wait3A_283 = tpu.memref_squeeze %dma_wait3A_282 : memref<1x128xi32, #tpu.memory_space<vmem>> -> memref<128xi32, #tpu.memory_space<vmem>>
      %dma_wait3A_284 = arith.constant 0 : i32
      %dma_wait3A_285 = arith.constant 0 : i32
      %dma_wait3A_286 = tpu.memref_slice %arg11[%dma_wait3A_284, %dma_wait3A_285] : memref<10008x64xf32, #tpu.memory_space<vmem_shared>> -> memref<10008x64xf32, #tpu.memory_space<vmem_shared>>
      tpu.wait_indirect_dma semaphore(%arg21 : memref<!tpu.dma_semaphore, #tpu.memory_space<semaphore_mem>>) src(%arg15 : memref<128x64xf32, #tpu.memory_space<vmem>>) dst(%dma_wait3A_286 : memref<10008x64xf32, #tpu.memory_space<vmem_shared>>)
      %dma_start3A_287 = arith.constant 0 : i32
      %dma_start3A_288 = tpu.memref_slice %arg13[%add3A_278, %dma_start3A_287] : memref<32x128xi32, #tpu.memory_space<vmem>> -> memref<1x128xi32, #tpu.memory_space<vmem>>
      %dma_start3A_289 = tpu.memref_squeeze %dma_start3A_288 : memref<1x128xi32, #tpu.memory_space<vmem>> -> memref<128xi32, #tpu.memory_space<vmem>>
      %dma_start3A_290 = arith.constant 0 : i32
      %dma_start3A_291 = arith.constant 0 : i32
      %dma_start3A_292 = tpu.memref_slice %arg10[%dma_start3A_290, %dma_start3A_291] : memref<10000x64xf32, #tpu.memory_space<vmem_shared>> -> memref<10000x64xf32, #tpu.memory_space<vmem_shared>>
      tpu.enqueue_indirect_dma source(%dma_start3A_292 : memref<10000x64xf32, #tpu.memory_space<vmem_shared>>) target(%arg15 : memref<128x64xf32, #tpu.memory_space<vmem>>) offsets(%dma_start3A_289 : memref<128xi32, #tpu.memory_space<vmem>>) semaphore(%arg19 : memref<!tpu.dma_semaphore, #tpu.memory_space<semaphore_mem>>)
      %sub3A_293 = arith.constant 1 : i32
      %sub3A_294 = arith.subi %add3A_278, %sub3A_293 : i32
      %dma_wait3A_295 = arith.constant 0 : i32
      %dma_wait3A_296 = tpu.memref_slice %arg13[%sub3A_294, %dma_wait3A_295] : memref<32x128xi32, #tpu.memory_space<vmem>> -> memref<1x128xi32, #tpu.memory_space<vmem>>
      %dma_wait3A_297 = tpu.memref_squeeze %dma_wait3A_296 : memref<1x128xi32, #tpu.memory_space<vmem>> -> memref<128xi32, #tpu.memory_space<vmem>>
      %dma_wait3A_298 = arith.constant 0 : i32
      %dma_wait3A_299 = arith.constant 0 : i32
      %dma_wait3A_300 = tpu.memref_slice %arg10[%dma_wait3A_298, %dma_wait3A_299] : memref<10000x64xf32, #tpu.memory_space<vmem_shared>> -> memref<10000x64xf32, #tpu.memory_space<vmem_shared>>
      tpu.wait_indirect_dma semaphore(%arg20 : memref<!tpu.dma_semaphore, #tpu.memory_space<semaphore_mem>>) src(%dma_wait3A_300 : memref<10000x64xf32, #tpu.memory_space<vmem_shared>>) dst(%arg16 : memref<128x64xf32, #tpu.memory_space<vmem>>)
      %sub3A_301 = arith.constant 1 : i32
      %sub3A_302 = arith.subi %add3A_278, %sub3A_301 : i32
      %dma_start3A_303 = arith.constant 0 : i32
      %dma_start3A_304 = tpu.memref_slice %arg14[%sub3A_302, %dma_start3A_303] : memref<32x128xi32, #tpu.memory_space<vmem>> -> memref<1x128xi32, #tpu.memory_space<vmem>>
      %dma_start3A_305 = tpu.memref_squeeze %dma_start3A_304 : memref<1x128xi32, #tpu.memory_space<vmem>> -> memref<128xi32, #tpu.memory_space<vmem>>
      %dma_start3A_306 = arith.constant 0 : i32
      %dma_start3A_307 = arith.constant 0 : i32
      %dma_start3A_308 = tpu.memref_slice %arg11[%dma_start3A_306, %dma_start3A_307] : memref<10008x64xf32, #tpu.memory_space<vmem_shared>> -> memref<10008x64xf32, #tpu.memory_space<vmem_shared>>
      tpu.enqueue_indirect_dma source(%arg16 : memref<128x64xf32, #tpu.memory_space<vmem>>) target(%dma_start3A_308 : memref<10008x64xf32, #tpu.memory_space<vmem_shared>>) offsets(%dma_start3A_305 : memref<128xi32, #tpu.memory_space<vmem>>) semaphore(%arg22 : memref<!tpu.dma_semaphore, #tpu.memory_space<semaphore_mem>>) {add = true}
      %mul3A_309 = arith.constant 8 : i32
      %mul3A_310 = arith.muli %add3A_225, %mul3A_309 : i32
      %add3A_311 = arith.constant 3 : i32
      %add3A_312 = arith.addi %mul3A_310, %add3A_311 : i32
      %sub3A_313 = arith.constant 2 : i32
      %sub3A_314 = arith.subi %add3A_312, %sub3A_313 : i32
      %dma_wait3A_315 = arith.constant 0 : i32
      %dma_wait3A_316 = tpu.memref_slice %arg14[%sub3A_314, %dma_wait3A_315] : memref<32x128xi32, #tpu.memory_space<vmem>> -> memref<1x128xi32, #tpu.memory_space<vmem>>
      %dma_wait3A_317 = tpu.memref_squeeze %dma_wait3A_316 : memref<1x128xi32, #tpu.memory_space<vmem>> -> memref<128xi32, #tpu.memory_space<vmem>>
      %dma_wait3A_318 = arith.constant 0 : i32
      %dma_wait3A_319 = arith.constant 0 : i32
      %dma_wait3A_320 = tpu.memref_slice %arg11[%dma_wait3A_318, %dma_wait3A_319] : memref<10008x64xf32, #tpu.memory_space<vmem_shared>> -> memref<10008x64xf32, #tpu.memory_space<vmem_shared>>
      tpu.wait_indirect_dma semaphore(%arg22 : memref<!tpu.dma_semaphore, #tpu.memory_space<semaphore_mem>>) src(%arg16 : memref<128x64xf32, #tpu.memory_space<vmem>>) dst(%dma_wait3A_320 : memref<10008x64xf32, #tpu.memory_space<vmem_shared>>)
      %dma_start3A_321 = arith.constant 0 : i32
      %dma_start3A_322 = tpu.memref_slice %arg13[%add3A_312, %dma_start3A_321] : memref<32x128xi32, #tpu.memory_space<vmem>> -> memref<1x128xi32, #tpu.memory_space<vmem>>
      %dma_start3A_323 = tpu.memref_squeeze %dma_start3A_322 : memref<1x128xi32, #tpu.memory_space<vmem>> -> memref<128xi32, #tpu.memory_space<vmem>>
      %dma_start3A_324 = arith.constant 0 : i32
      %dma_start3A_325 = arith.constant 0 : i32
      %dma_start3A_326 = tpu.memref_slice %arg10[%dma_start3A_324, %dma_start3A_325] : memref<10000x64xf32, #tpu.memory_space<vmem_shared>> -> memref<10000x64xf32, #tpu.memory_space<vmem_shared>>
      tpu.enqueue_indirect_dma source(%dma_start3A_326 : memref<10000x64xf32, #tpu.memory_space<vmem_shared>>) target(%arg16 : memref<128x64xf32, #tpu.memory_space<vmem>>) offsets(%dma_start3A_323 : memref<128xi32, #tpu.memory_space<vmem>>) semaphore(%arg20 : memref<!tpu.dma_semaphore, #tpu.memory_space<semaphore_mem>>)
      %sub3A_327 = arith.constant 1 : i32
      %sub3A_328 = arith.subi %add3A_312, %sub3A_327 : i32
      %dma_wait3A_329 = arith.constant 0 : i32
      %dma_wait3A_330 = tpu.memref_slice %arg13[%sub3A_328, %dma_wait3A_329] : memref<32x128xi32, #tpu.memory_space<vmem>> -> memref<1x128xi32, #tpu.memory_space<vmem>>
      %dma_wait3A_331 = tpu.memref_squeeze %dma_wait3A_330 : memref<1x128xi32, #tpu.memory_space<vmem>> -> memref<128xi32, #tpu.memory_space<vmem>>
      %dma_wait3A_332 = arith.constant 0 : i32
      %dma_wait3A_333 = arith.constant 0 : i32
      %dma_wait3A_334 = tpu.memref_slice %arg10[%dma_wait3A_332, %dma_wait3A_333] : memref<10000x64xf32, #tpu.memory_space<vmem_shared>> -> memref<10000x64xf32, #tpu.memory_space<vmem_shared>>
      tpu.wait_indirect_dma semaphore(%arg19 : memref<!tpu.dma_semaphore, #tpu.memory_space<semaphore_mem>>) src(%dma_wait3A_334 : memref<10000x64xf32, #tpu.memory_space<vmem_shared>>) dst(%arg15 : memref<128x64xf32, #tpu.memory_space<vmem>>)
      %sub3A_335 = arith.constant 1 : i32
      %sub3A_336 = arith.subi %add3A_312, %sub3A_335 : i32
      %dma_start3A_337 = arith.constant 0 : i32
      %dma_start3A_338 = tpu.memref_slice %arg14[%sub3A_336, %dma_start3A_337] : memref<32x128xi32, #tpu.memory_space<vmem>> -> memref<1x128xi32, #tpu.memory_space<vmem>>
      %dma_start3A_339 = tpu.memref_squeeze %dma_start3A_338 : memref<1x128xi32, #tpu.memory_space<vmem>> -> memref<128xi32, #tpu.memory_space<vmem>>
      %dma_start3A_340 = arith.constant 0 : i32
      %dma_start3A_341 = arith.constant 0 : i32
      %dma_start3A_342 = tpu.memref_slice %arg11[%dma_start3A_340, %dma_start3A_341] : memref<10008x64xf32, #tpu.memory_space<vmem_shared>> -> memref<10008x64xf32, #tpu.memory_space<vmem_shared>>
      tpu.enqueue_indirect_dma source(%arg15 : memref<128x64xf32, #tpu.memory_space<vmem>>) target(%dma_start3A_342 : memref<10008x64xf32, #tpu.memory_space<vmem_shared>>) offsets(%dma_start3A_339 : memref<128xi32, #tpu.memory_space<vmem>>) semaphore(%arg21 : memref<!tpu.dma_semaphore, #tpu.memory_space<semaphore_mem>>) {add = true}
      %mul3A_343 = arith.constant 8 : i32
      %mul3A_344 = arith.muli %add3A_225, %mul3A_343 : i32
      %add3A_345 = arith.constant 4 : i32
      %add3A_346 = arith.addi %mul3A_344, %add3A_345 : i32
      %sub3A_347 = arith.constant 2 : i32
      %sub3A_348 = arith.subi %add3A_346, %sub3A_347 : i32
      %dma_wait3A_349 = arith.constant 0 : i32
      %dma_wait3A_350 = tpu.memref_slice %arg14[%sub3A_348, %dma_wait3A_349] : memref<32x128xi32, #tpu.memory_space<vmem>> -> memref<1x128xi32, #tpu.memory_space<vmem>>
      %dma_wait3A_351 = tpu.memref_squeeze %dma_wait3A_350 : memref<1x128xi32, #tpu.memory_space<vmem>> -> memref<128xi32, #tpu.memory_space<vmem>>
      %dma_wait3A_352 = arith.constant 0 : i32
      %dma_wait3A_353 = arith.constant 0 : i32
      %dma_wait3A_354 = tpu.memref_slice %arg11[%dma_wait3A_352, %dma_wait3A_353] : memref<10008x64xf32, #tpu.memory_space<vmem_shared>> -> memref<10008x64xf32, #tpu.memory_space<vmem_shared>>
      tpu.wait_indirect_dma semaphore(%arg21 : memref<!tpu.dma_semaphore, #tpu.memory_space<semaphore_mem>>) src(%arg15 : memref<128x64xf32, #tpu.memory_space<vmem>>) dst(%dma_wait3A_354 : memref<10008x64xf32, #tpu.memory_space<vmem_shared>>)
      %dma_start3A_355 = arith.constant 0 : i32
      %dma_start3A_356 = tpu.memref_slice %arg13[%add3A_346, %dma_start3A_355] : memref<32x128xi32, #tpu.memory_space<vmem>> -> memref<1x128xi32, #tpu.memory_space<vmem>>
      %dma_start3A_357 = tpu.memref_squeeze %dma_start3A_356 : memref<1x128xi32, #tpu.memory_space<vmem>> -> memref<128xi32, #tpu.memory_space<vmem>>
      %dma_start3A_358 = arith.constant 0 : i32
      %dma_start3A_359 = arith.constant 0 : i32
      %dma_start3A_360 = tpu.memref_slice %arg10[%dma_start3A_358, %dma_start3A_359] : memref<10000x64xf32, #tpu.memory_space<vmem_shared>> -> memref<10000x64xf32, #tpu.memory_space<vmem_shared>>
      tpu.enqueue_indirect_dma source(%dma_start3A_360 : memref<10000x64xf32, #tpu.memory_space<vmem_shared>>) target(%arg15 : memref<128x64xf32, #tpu.memory_space<vmem>>) offsets(%dma_start3A_357 : memref<128xi32, #tpu.memory_space<vmem>>) semaphore(%arg19 : memref<!tpu.dma_semaphore, #tpu.memory_space<semaphore_mem>>)
      %sub3A_361 = arith.constant 1 : i32
      %sub3A_362 = arith.subi %add3A_346, %sub3A_361 : i32
      %dma_wait3A_363 = arith.constant 0 : i32
      %dma_wait3A_364 = tpu.memref_slice %arg13[%sub3A_362, %dma_wait3A_363] : memref<32x128xi32, #tpu.memory_space<vmem>> -> memref<1x128xi32, #tpu.memory_space<vmem>>
      %dma_wait3A_365 = tpu.memref_squeeze %dma_wait3A_364 : memref<1x128xi32, #tpu.memory_space<vmem>> -> memref<128xi32, #tpu.memory_space<vmem>>
      %dma_wait3A_366 = arith.constant 0 : i32
      %dma_wait3A_367 = arith.constant 0 : i32
      %dma_wait3A_368 = tpu.memref_slice %arg10[%dma_wait3A_366, %dma_wait3A_367] : memref<10000x64xf32, #tpu.memory_space<vmem_shared>> -> memref<10000x64xf32, #tpu.memory_space<vmem_shared>>
      tpu.wait_indirect_dma semaphore(%arg20 : memref<!tpu.dma_semaphore, #tpu.memory_space<semaphore_mem>>) src(%dma_wait3A_368 : memref<10000x64xf32, #tpu.memory_space<vmem_shared>>) dst(%arg16 : memref<128x64xf32, #tpu.memory_space<vmem>>)
      %sub3A_369 = arith.constant 1 : i32
      %sub3A_370 = arith.subi %add3A_346, %sub3A_369 : i32
      %dma_start3A_371 = arith.constant 0 : i32
      %dma_start3A_372 = tpu.memref_slice %arg14[%sub3A_370, %dma_start3A_371] : memref<32x128xi32, #tpu.memory_space<vmem>> -> memref<1x128xi32, #tpu.memory_space<vmem>>
      %dma_start3A_373 = tpu.memref_squeeze %dma_start3A_372 : memref<1x128xi32, #tpu.memory_space<vmem>> -> memref<128xi32, #tpu.memory_space<vmem>>
      %dma_start3A_374 = arith.constant 0 : i32
      %dma_start3A_375 = arith.constant 0 : i32
      %dma_start3A_376 = tpu.memref_slice %arg11[%dma_start3A_374, %dma_start3A_375] : memref<10008x64xf32, #tpu.memory_space<vmem_shared>> -> memref<10008x64xf32, #tpu.memory_space<vmem_shared>>
      tpu.enqueue_indirect_dma source(%arg16 : memref<128x64xf32, #tpu.memory_space<vmem>>) target(%dma_start3A_376 : memref<10008x64xf32, #tpu.memory_space<vmem_shared>>) offsets(%dma_start3A_373 : memref<128xi32, #tpu.memory_space<vmem>>) semaphore(%arg22 : memref<!tpu.dma_semaphore, #tpu.memory_space<semaphore_mem>>) {add = true}
      %mul3A_377 = arith.constant 8 : i32
      %mul3A_378 = arith.muli %add3A_225, %mul3A_377 : i32
      %add3A_379 = arith.constant 5 : i32
      %add3A_380 = arith.addi %mul3A_378, %add3A_379 : i32
      %sub3A_381 = arith.constant 2 : i32
      %sub3A_382 = arith.subi %add3A_380, %sub3A_381 : i32
      %dma_wait3A_383 = arith.constant 0 : i32
      %dma_wait3A_384 = tpu.memref_slice %arg14[%sub3A_382, %dma_wait3A_383] : memref<32x128xi32, #tpu.memory_space<vmem>> -> memref<1x128xi32, #tpu.memory_space<vmem>>
      %dma_wait3A_385 = tpu.memref_squeeze %dma_wait3A_384 : memref<1x128xi32, #tpu.memory_space<vmem>> -> memref<128xi32, #tpu.memory_space<vmem>>
      %dma_wait3A_386 = arith.constant 0 : i32
      %dma_wait3A_387 = arith.constant 0 : i32
      %dma_wait3A_388 = tpu.memref_slice %arg11[%dma_wait3A_386, %dma_wait3A_387] : memref<10008x64xf32, #tpu.memory_space<vmem_shared>> -> memref<10008x64xf32, #tpu.memory_space<vmem_shared>>
      tpu.wait_indirect_dma semaphore(%arg22 : memref<!tpu.dma_semaphore, #tpu.memory_space<semaphore_mem>>) src(%arg16 : memref<128x64xf32, #tpu.memory_space<vmem>>) dst(%dma_wait3A_388 : memref<10008x64xf32, #tpu.memory_space<vmem_shared>>)
      %dma_start3A_389 = arith.constant 0 : i32
      %dma_start3A_390 = tpu.memref_slice %arg13[%add3A_380, %dma_start3A_389] : memref<32x128xi32, #tpu.memory_space<vmem>> -> memref<1x128xi32, #tpu.memory_space<vmem>>
      %dma_start3A_391 = tpu.memref_squeeze %dma_start3A_390 : memref<1x128xi32, #tpu.memory_space<vmem>> -> memref<128xi32, #tpu.memory_space<vmem>>
      %dma_start3A_392 = arith.constant 0 : i32
      %dma_start3A_393 = arith.constant 0 : i32
      %dma_start3A_394 = tpu.memref_slice %arg10[%dma_start3A_392, %dma_start3A_393] : memref<10000x64xf32, #tpu.memory_space<vmem_shared>> -> memref<10000x64xf32, #tpu.memory_space<vmem_shared>>
      tpu.enqueue_indirect_dma source(%dma_start3A_394 : memref<10000x64xf32, #tpu.memory_space<vmem_shared>>) target(%arg16 : memref<128x64xf32, #tpu.memory_space<vmem>>) offsets(%dma_start3A_391 : memref<128xi32, #tpu.memory_space<vmem>>) semaphore(%arg20 : memref<!tpu.dma_semaphore, #tpu.memory_space<semaphore_mem>>)
      %sub3A_395 = arith.constant 1 : i32
      %sub3A_396 = arith.subi %add3A_380, %sub3A_395 : i32
      %dma_wait3A_397 = arith.constant 0 : i32
      %dma_wait3A_398 = tpu.memref_slice %arg13[%sub3A_396, %dma_wait3A_397] : memref<32x128xi32, #tpu.memory_space<vmem>> -> memref<1x128xi32, #tpu.memory_space<vmem>>
      %dma_wait3A_399 = tpu.memref_squeeze %dma_wait3A_398 : memref<1x128xi32, #tpu.memory_space<vmem>> -> memref<128xi32, #tpu.memory_space<vmem>>
      %dma_wait3A_400 = arith.constant 0 : i32
      %dma_wait3A_401 = arith.constant 0 : i32
      %dma_wait3A_402 = tpu.memref_slice %arg10[%dma_wait3A_400, %dma_wait3A_401] : memref<10000x64xf32, #tpu.memory_space<vmem_shared>> -> memref<10000x64xf32, #tpu.memory_space<vmem_shared>>
      tpu.wait_indirect_dma semaphore(%arg19 : memref<!tpu.dma_semaphore, #tpu.memory_space<semaphore_mem>>) src(%dma_wait3A_402 : memref<10000x64xf32, #tpu.memory_space<vmem_shared>>) dst(%arg15 : memref<128x64xf32, #tpu.memory_space<vmem>>)
      %sub3A_403 = arith.constant 1 : i32
      %sub3A_404 = arith.subi %add3A_380, %sub3A_403 : i32
      %dma_start3A_405 = arith.constant 0 : i32
      %dma_start3A_406 = tpu.memref_slice %arg14[%sub3A_404, %dma_start3A_405] : memref<32x128xi32, #tpu.memory_space<vmem>> -> memref<1x128xi32, #tpu.memory_space<vmem>>
      %dma_start3A_407 = tpu.memref_squeeze %dma_start3A_406 : memref<1x128xi32, #tpu.memory_space<vmem>> -> memref<128xi32, #tpu.memory_space<vmem>>
      %dma_start3A_408 = arith.constant 0 : i32
      %dma_start3A_409 = arith.constant 0 : i32
      %dma_start3A_410 = tpu.memref_slice %arg11[%dma_start3A_408, %dma_start3A_409] : memref<10008x64xf32, #tpu.memory_space<vmem_shared>> -> memref<10008x64xf32, #tpu.memory_space<vmem_shared>>
      tpu.enqueue_indirect_dma source(%arg15 : memref<128x64xf32, #tpu.memory_space<vmem>>) target(%dma_start3A_410 : memref<10008x64xf32, #tpu.memory_space<vmem_shared>>) offsets(%dma_start3A_407 : memref<128xi32, #tpu.memory_space<vmem>>) semaphore(%arg21 : memref<!tpu.dma_semaphore, #tpu.memory_space<semaphore_mem>>) {add = true}
      %mul3A_411 = arith.constant 8 : i32
      %mul3A_412 = arith.muli %add3A_225, %mul3A_411 : i32
      %add3A_413 = arith.constant 6 : i32
      %add3A_414 = arith.addi %mul3A_412, %add3A_413 : i32
      %sub3A_415 = arith.constant 2 : i32
      %sub3A_416 = arith.subi %add3A_414, %sub3A_415 : i32
      %dma_wait3A_417 = arith.constant 0 : i32
      %dma_wait3A_418 = tpu.memref_slice %arg14[%sub3A_416, %dma_wait3A_417] : memref<32x128xi32, #tpu.memory_space<vmem>> -> memref<1x128xi32, #tpu.memory_space<vmem>>
      %dma_wait3A_419 = tpu.memref_squeeze %dma_wait3A_418 : memref<1x128xi32, #tpu.memory_space<vmem>> -> memref<128xi32, #tpu.memory_space<vmem>>
      %dma_wait3A_420 = arith.constant 0 : i32
      %dma_wait3A_421 = arith.constant 0 : i32
      %dma_wait3A_422 = tpu.memref_slice %arg11[%dma_wait3A_420, %dma_wait3A_421] : memref<10008x64xf32, #tpu.memory_space<vmem_shared>> -> memref<10008x64xf32, #tpu.memory_space<vmem_shared>>
      tpu.wait_indirect_dma semaphore(%arg21 : memref<!tpu.dma_semaphore, #tpu.memory_space<semaphore_mem>>) src(%arg15 : memref<128x64xf32, #tpu.memory_space<vmem>>) dst(%dma_wait3A_422 : memref<10008x64xf32, #tpu.memory_space<vmem_shared>>)
      %dma_start3A_423 = arith.constant 0 : i32
      %dma_start3A_424 = tpu.memref_slice %arg13[%add3A_414, %dma_start3A_423] : memref<32x128xi32, #tpu.memory_space<vmem>> -> memref<1x128xi32, #tpu.memory_space<vmem>>
      %dma_start3A_425 = tpu.memref_squeeze %dma_start3A_424 : memref<1x128xi32, #tpu.memory_space<vmem>> -> memref<128xi32, #tpu.memory_space<vmem>>
      %dma_start3A_426 = arith.constant 0 : i32
      %dma_start3A_427 = arith.constant 0 : i32
      %dma_start3A_428 = tpu.memref_slice %arg10[%dma_start3A_426, %dma_start3A_427] : memref<10000x64xf32, #tpu.memory_space<vmem_shared>> -> memref<10000x64xf32, #tpu.memory_space<vmem_shared>>
      tpu.enqueue_indirect_dma source(%dma_start3A_428 : memref<10000x64xf32, #tpu.memory_space<vmem_shared>>) target(%arg15 : memref<128x64xf32, #tpu.memory_space<vmem>>) offsets(%dma_start3A_425 : memref<128xi32, #tpu.memory_space<vmem>>) semaphore(%arg19 : memref<!tpu.dma_semaphore, #tpu.memory_space<semaphore_mem>>)
      %sub3A_429 = arith.constant 1 : i32
      %sub3A_430 = arith.subi %add3A_414, %sub3A_429 : i32
      %dma_wait3A_431 = arith.constant 0 : i32
      %dma_wait3A_432 = tpu.memref_slice %arg13[%sub3A_430, %dma_wait3A_431] : memref<32x128xi32, #tpu.memory_space<vmem>> -> memref<1x128xi32, #tpu.memory_space<vmem>>
      %dma_wait3A_433 = tpu.memref_squeeze %dma_wait3A_432 : memref<1x128xi32, #tpu.memory_space<vmem>> -> memref<128xi32, #tpu.memory_space<vmem>>
      %dma_wait3A_434 = arith.constant 0 : i32
      %dma_wait3A_435 = arith.constant 0 : i32
      %dma_wait3A_436 = tpu.memref_slice %arg10[%dma_wait3A_434, %dma_wait3A_435] : memref<10000x64xf32, #tpu.memory_space<vmem_shared>> -> memref<10000x64xf32, #tpu.memory_space<vmem_shared>>
      tpu.wait_indirect_dma semaphore(%arg20 : memref<!tpu.dma_semaphore, #tpu.memory_space<semaphore_mem>>) src(%dma_wait3A_436 : memref<10000x64xf32, #tpu.memory_space<vmem_shared>>) dst(%arg16 : memref<128x64xf32, #tpu.memory_space<vmem>>)
      %sub3A_437 = arith.constant 1 : i32
      %sub3A_438 = arith.subi %add3A_414, %sub3A_437 : i32
      %dma_start3A_439 = arith.constant 0 : i32
      %dma_start3A_440 = tpu.memref_slice %arg14[%sub3A_438, %dma_start3A_439] : memref<32x128xi32, #tpu.memory_space<vmem>> -> memref<1x128xi32, #tpu.memory_space<vmem>>
      %dma_start3A_441 = tpu.memref_squeeze %dma_start3A_440 : memref<1x128xi32, #tpu.memory_space<vmem>> -> memref<128xi32, #tpu.memory_space<vmem>>
      %dma_start3A_442 = arith.constant 0 : i32
      %dma_start3A_443 = arith.constant 0 : i32
      %dma_start3A_444 = tpu.memref_slice %arg11[%dma_start3A_442, %dma_start3A_443] : memref<10008x64xf32, #tpu.memory_space<vmem_shared>> -> memref<10008x64xf32, #tpu.memory_space<vmem_shared>>
      tpu.enqueue_indirect_dma source(%arg16 : memref<128x64xf32, #tpu.memory_space<vmem>>) target(%dma_start3A_444 : memref<10008x64xf32, #tpu.memory_space<vmem_shared>>) offsets(%dma_start3A_441 : memref<128xi32, #tpu.memory_space<vmem>>) semaphore(%arg22 : memref<!tpu.dma_semaphore, #tpu.memory_space<semaphore_mem>>) {add = true}
      %mul3A_445 = arith.constant 8 : i32
      %mul3A_446 = arith.muli %add3A_225, %mul3A_445 : i32
      %add3A_447 = arith.constant 7 : i32
      %add3A_448 = arith.addi %mul3A_446, %add3A_447 : i32
      %sub3A_449 = arith.constant 2 : i32
      %sub3A_450 = arith.subi %add3A_448, %sub3A_449 : i32
      %dma_wait3A_451 = arith.constant 0 : i32
      %dma_wait3A_452 = tpu.memref_slice %arg14[%sub3A_450, %dma_wait3A_451] : memref<32x128xi32, #tpu.memory_space<vmem>> -> memref<1x128xi32, #tpu.memory_space<vmem>>
      %dma_wait3A_453 = tpu.memref_squeeze %dma_wait3A_452 : memref<1x128xi32, #tpu.memory_space<vmem>> -> memref<128xi32, #tpu.memory_space<vmem>>
      %dma_wait3A_454 = arith.constant 0 : i32
      %dma_wait3A_455 = arith.constant 0 : i32
      %dma_wait3A_456 = tpu.memref_slice %arg11[%dma_wait3A_454, %dma_wait3A_455] : memref<10008x64xf32, #tpu.memory_space<vmem_shared>> -> memref<10008x64xf32, #tpu.memory_space<vmem_shared>>
      tpu.wait_indirect_dma semaphore(%arg22 : memref<!tpu.dma_semaphore, #tpu.memory_space<semaphore_mem>>) src(%arg16 : memref<128x64xf32, #tpu.memory_space<vmem>>) dst(%dma_wait3A_456 : memref<10008x64xf32, #tpu.memory_space<vmem_shared>>)
      %dma_start3A_457 = arith.constant 0 : i32
      %dma_start3A_458 = tpu.memref_slice %arg13[%add3A_448, %dma_start3A_457] : memref<32x128xi32, #tpu.memory_space<vmem>> -> memref<1x128xi32, #tpu.memory_space<vmem>>
      %dma_start3A_459 = tpu.memref_squeeze %dma_start3A_458 : memref<1x128xi32, #tpu.memory_space<vmem>> -> memref<128xi32, #tpu.memory_space<vmem>>
      %dma_start3A_460 = arith.constant 0 : i32
      %dma_start3A_461 = arith.constant 0 : i32
      %dma_start3A_462 = tpu.memref_slice %arg10[%dma_start3A_460, %dma_start3A_461] : memref<10000x64xf32, #tpu.memory_space<vmem_shared>> -> memref<10000x64xf32, #tpu.memory_space<vmem_shared>>
      tpu.enqueue_indirect_dma source(%dma_start3A_462 : memref<10000x64xf32, #tpu.memory_space<vmem_shared>>) target(%arg16 : memref<128x64xf32, #tpu.memory_space<vmem>>) offsets(%dma_start3A_459 : memref<128xi32, #tpu.memory_space<vmem>>) semaphore(%arg20 : memref<!tpu.dma_semaphore, #tpu.memory_space<semaphore_mem>>)
      %sub3A_463 = arith.constant 1 : i32
      %sub3A_464 = arith.subi %add3A_448, %sub3A_463 : i32
      %dma_wait3A_465 = arith.constant 0 : i32
      %dma_wait3A_466 = tpu.memref_slice %arg13[%sub3A_464, %dma_wait3A_465] : memref<32x128xi32, #tpu.memory_space<vmem>> -> memref<1x128xi32, #tpu.memory_space<vmem>>
      %dma_wait3A_467 = tpu.memref_squeeze %dma_wait3A_466 : memref<1x128xi32, #tpu.memory_space<vmem>> -> memref<128xi32, #tpu.memory_space<vmem>>
      %dma_wait3A_468 = arith.constant 0 : i32
      %dma_wait3A_469 = arith.constant 0 : i32
      %dma_wait3A_470 = tpu.memref_slice %arg10[%dma_wait3A_468, %dma_wait3A_469] : memref<10000x64xf32, #tpu.memory_space<vmem_shared>> -> memref<10000x64xf32, #tpu.memory_space<vmem_shared>>
      tpu.wait_indirect_dma semaphore(%arg19 : memref<!tpu.dma_semaphore, #tpu.memory_space<semaphore_mem>>) src(%dma_wait3A_470 : memref<10000x64xf32, #tpu.memory_space<vmem_shared>>) dst(%arg15 : memref<128x64xf32, #tpu.memory_space<vmem>>)
      %sub3A_471 = arith.constant 1 : i32
      %sub3A_472 = arith.subi %add3A_448, %sub3A_471 : i32
      %dma_start3A_473 = arith.constant 0 : i32
      %dma_start3A_474 = tpu.memref_slice %arg14[%sub3A_472, %dma_start3A_473] : memref<32x128xi32, #tpu.memory_space<vmem>> -> memref<1x128xi32, #tpu.memory_space<vmem>>
      %dma_start3A_475 = tpu.memref_squeeze %dma_start3A_474 : memref<1x128xi32, #tpu.memory_space<vmem>> -> memref<128xi32, #tpu.memory_space<vmem>>
      %dma_start3A_476 = arith.constant 0 : i32
      %dma_start3A_477 = arith.constant 0 : i32
      %dma_start3A_478 = tpu.memref_slice %arg11[%dma_start3A_476, %dma_start3A_477] : memref<10008x64xf32, #tpu.memory_space<vmem_shared>> -> memref<10008x64xf32, #tpu.memory_space<vmem_shared>>
      tpu.enqueue_indirect_dma source(%arg15 : memref<128x64xf32, #tpu.memory_space<vmem>>) target(%dma_start3A_478 : memref<10008x64xf32, #tpu.memory_space<vmem_shared>>) offsets(%dma_start3A_475 : memref<128xi32, #tpu.memory_space<vmem>>) semaphore(%arg21 : memref<!tpu.dma_semaphore, #tpu.memory_space<semaphore_mem>>) {add = true}
    }
    %scan3A_55 = arith.constant 4 : i32
    %dma_wait3A_56 = arith.constant 31 : i32
    %dma_wait3A_57 = arith.constant 0 : i32
    %dma_wait3A_58 = tpu.memref_slice %arg13[%dma_wait3A_56, %dma_wait3A_57] : memref<32x128xi32, #tpu.memory_space<vmem>> -> memref<1x128xi32, #tpu.memory_space<vmem>>
    %dma_wait3A_59 = tpu.memref_squeeze %dma_wait3A_58 : memref<1x128xi32, #tpu.memory_space<vmem>> -> memref<128xi32, #tpu.memory_space<vmem>>
    %dma_wait3A_60 = arith.constant 0 : i32
    %dma_wait3A_61 = arith.constant 0 : i32
    %dma_wait3A_62 = tpu.memref_slice %arg10[%dma_wait3A_60, %dma_wait3A_61] : memref<10000x64xf32, #tpu.memory_space<vmem_shared>> -> memref<10000x64xf32, #tpu.memory_space<vmem_shared>>
    tpu.wait_indirect_dma semaphore(%arg20 : memref<!tpu.dma_semaphore, #tpu.memory_space<semaphore_mem>>) src(%dma_wait3A_62 : memref<10000x64xf32, #tpu.memory_space<vmem_shared>>) dst(%arg16 : memref<128x64xf32, #tpu.memory_space<vmem>>)
    %dma_start3A_63 = arith.constant 31 : i32
    %dma_start3A_64 = arith.constant 0 : i32
    %dma_start3A_65 = tpu.memref_slice %arg14[%dma_start3A_63, %dma_start3A_64] : memref<32x128xi32, #tpu.memory_space<vmem>> -> memref<1x128xi32, #tpu.memory_space<vmem>>
    %dma_start3A_66 = tpu.memref_squeeze %dma_start3A_65 : memref<1x128xi32, #tpu.memory_space<vmem>> -> memref<128xi32, #tpu.memory_space<vmem>>
    %dma_start3A_67 = arith.constant 0 : i32
    %dma_start3A_68 = arith.constant 0 : i32
    %dma_start3A_69 = tpu.memref_slice %arg11[%dma_start3A_67, %dma_start3A_68] : memref<10008x64xf32, #tpu.memory_space<vmem_shared>> -> memref<10008x64xf32, #tpu.memory_space<vmem_shared>>
    tpu.enqueue_indirect_dma source(%arg16 : memref<128x64xf32, #tpu.memory_space<vmem>>) target(%dma_start3A_69 : memref<10008x64xf32, #tpu.memory_space<vmem_shared>>) offsets(%dma_start3A_66 : memref<128xi32, #tpu.memory_space<vmem>>) semaphore(%arg22 : memref<!tpu.dma_semaphore, #tpu.memory_space<semaphore_mem>>) {add = true}
    %dma_wait3A_70 = arith.constant 30 : i32
    %dma_wait3A_71 = arith.constant 0 : i32
    %dma_wait3A_72 = tpu.memref_slice %arg14[%dma_wait3A_70, %dma_wait3A_71] : memref<32x128xi32, #tpu.memory_space<vmem>> -> memref<1x128xi32, #tpu.memory_space<vmem>>
    %dma_wait3A_73 = tpu.memref_squeeze %dma_wait3A_72 : memref<1x128xi32, #tpu.memory_space<vmem>> -> memref<128xi32, #tpu.memory_space<vmem>>
    %dma_wait3A_74 = arith.constant 0 : i32
    %dma_wait3A_75 = arith.constant 0 : i32
    %dma_wait3A_76 = tpu.memref_slice %arg11[%dma_wait3A_74, %dma_wait3A_75] : memref<10008x64xf32, #tpu.memory_space<vmem_shared>> -> memref<10008x64xf32, #tpu.memory_space<vmem_shared>>
    tpu.wait_indirect_dma semaphore(%arg21 : memref<!tpu.dma_semaphore, #tpu.memory_space<semaphore_mem>>) src(%arg15 : memref<128x64xf32, #tpu.memory_space<vmem>>) dst(%dma_wait3A_76 : memref<10008x64xf32, #tpu.memory_space<vmem_shared>>)
    %dma_wait3A_77 = arith.constant 31 : i32
    %dma_wait3A_78 = arith.constant 0 : i32
    %dma_wait3A_79 = tpu.memref_slice %arg14[%dma_wait3A_77, %dma_wait3A_78] : memref<32x128xi32, #tpu.memory_space<vmem>> -> memref<1x128xi32, #tpu.memory_space<vmem>>
    %dma_wait3A_80 = tpu.memref_squeeze %dma_wait3A_79 : memref<1x128xi32, #tpu.memory_space<vmem>> -> memref<128xi32, #tpu.memory_space<vmem>>
    %dma_wait3A_81 = arith.constant 0 : i32
    %dma_wait3A_82 = arith.constant 0 : i32
    %dma_wait3A_83 = tpu.memref_slice %arg11[%dma_wait3A_81, %dma_wait3A_82] : memref<10008x64xf32, #tpu.memory_space<vmem_shared>> -> memref<10008x64xf32, #tpu.memory_space<vmem_shared>>
    tpu.wait_indirect_dma semaphore(%arg22 : memref<!tpu.dma_semaphore, #tpu.memory_space<semaphore_mem>>) src(%arg16 : memref<128x64xf32, #tpu.memory_space<vmem>>) dst(%dma_wait3A_83 : memref<10008x64xf32, #tpu.memory_space<vmem_shared>>)
    %scan3A_84 = arith.constant 0 : i32
    %scan3A_85 = arith.constant 16 : i32
    %scan3A_86 = arith.addi %scan3A_84, %scan3A_85 : i32
    %scan3A_87 = arith.constant 1 : i32
    scf.for %scan3A_221 = %scan3A_84 to %scan3A_86 step %scan3A_87  : i32 {
      %mul3A_222 = arith.constant 1 : i32
      %mul3A_223 = arith.muli %scan3A_221, %mul3A_222 : i32
      %add3A_224 = arith.constant 0 : i32
      %add3A_225 = arith.addi %add3A_224, %mul3A_223 : i32
      %mul3A_226 = arith.constant 2 : i32
      %mul3A_227 = arith.muli %mul3A_226, %add3A_225 : i32
      %add3A_228 = arith.addi %mul3A_227, %arg0 : i32
      "tpu.region"() ({
        %run_scoped3A = tpu.sem_alloc : memref<!tpu.dma_semaphore, #tpu.memory_space<semaphore_mem>>
        %dma_start3A_229 = arith.constant 0 : i32
        %dma_start3A_230 = tpu.memref_slice %arg14[%add3A_228, %dma_start3A_229] : memref<32x128xi32, #tpu.memory_space<vmem>> -> memref<1x128xi32, #tpu.memory_space<vmem>>
        %dma_start3A_231 = tpu.memref_squeeze %dma_start3A_230 : memref<1x128xi32, #tpu.memory_space<vmem>> -> memref<128xi32, #tpu.memory_space<vmem>>
        %dma_start3A_232 = arith.constant 0 : i32
        %dma_start3A_233 = tpu.memref_slice %arg12[%dma_start3A_232] : memref<10008xf32, #tpu.memory_space<vmem_shared>> -> memref<10008xf32, #tpu.memory_space<vmem_shared>>
        tpu.enqueue_indirect_dma source(%arg17 : memref<128xf32, #tpu.memory_space<vmem>>) target(%dma_start3A_233 : memref<10008xf32, #tpu.memory_space<vmem_shared>>) offsets(%dma_start3A_231 : memref<128xi32, #tpu.memory_space<vmem>>) semaphore(%run_scoped3A : memref<!tpu.dma_semaphore, #tpu.memory_space<semaphore_mem>>) {add = true}
        %dma_wait3A_234 = arith.constant 0 : i32
        %dma_wait3A_235 = tpu.memref_slice %arg14[%add3A_228, %dma_wait3A_234] : memref<32x128xi32, #tpu.memory_space<vmem>> -> memref<1x128xi32, #tpu.memory_space<vmem>>
        %dma_wait3A_236 = tpu.memref_squeeze %dma_wait3A_235 : memref<1x128xi32, #tpu.memory_space<vmem>> -> memref<128xi32, #tpu.memory_space<vmem>>
        %dma_wait3A_237 = arith.constant 0 : i32
        %dma_wait3A_238 = tpu.memref_slice %arg12[%dma_wait3A_237] : memref<10008xf32, #tpu.memory_space<vmem_shared>> -> memref<10008xf32, #tpu.memory_space<vmem_shared>>
        tpu.wait_indirect_dma semaphore(%run_scoped3A : memref<!tpu.dma_semaphore, #tpu.memory_space<semaphore_mem>>) src(%arg17 : memref<128xf32, #tpu.memory_space<vmem>>) dst(%dma_wait3A_238 : memref<10008xf32, #tpu.memory_space<vmem_shared>>)
        tpu.yield
      }) : () -> ()
    }
    %scan3A_88 = arith.constant 16 : i32
    %mul3A_89 = arith.constant 160 : i32
    %mul3A_90 = arith.muli %arg1, %mul3A_89 : i32
    %add3A_91 = arith.constant 64 : i32
    %add3A_92 = arith.addi %mul3A_90, %add3A_91 : i32
    "tpu.region"() ({
      %run_scoped3A = tpu.sem_alloc : memref<!tpu.dma_semaphore, #tpu.memory_space<semaphore_mem>>
      %dma_start3A_221 = arith.constant 0 : i32
      %dma_start3A_222 = tpu.memref_slice %arg3[%add3A_92, %dma_start3A_221] : memref<2560x128xi32, #tpu.memory_space<hbm>> -> memref<32x128xi32, #tpu.memory_space<hbm>>
      %dma_start3A_223 = arith.constant 0 : i32
      %dma_start3A_224 = tpu.memref_slice %arg3[%add3A_92, %dma_start3A_223] : memref<2560x128xi32, #tpu.memory_space<hbm>> -> memref<32x128xi32, #tpu.memory_space<hbm>>
      tpu.enqueue_dma source(%dma_start3A_224 : memref<32x128xi32, #tpu.memory_space<hbm>>) target(%arg13 : memref<32x128xi32, #tpu.memory_space<vmem>>) target_semaphore(%run_scoped3A : memref<!tpu.dma_semaphore, #tpu.memory_space<semaphore_mem>>)
      %dma_wait3A_225 = arith.constant 0 : i32
      %dma_wait3A_226 = tpu.memref_slice %arg3[%add3A_92, %dma_wait3A_225] : memref<2560x128xi32, #tpu.memory_space<hbm>> -> memref<32x128xi32, #tpu.memory_space<hbm>>
      %dma_wait3A_227 = arith.constant 0 : i32
      %dma_wait3A_228 = tpu.memref_slice %arg3[%add3A_92, %dma_wait3A_227] : memref<2560x128xi32, #tpu.memory_space<hbm>> -> memref<32x128xi32, #tpu.memory_space<hbm>>
      tpu.wait_dma2 semaphore(%run_scoped3A : memref<!tpu.dma_semaphore, #tpu.memory_space<semaphore_mem>>) src(%dma_wait3A_228 : memref<32x128xi32, #tpu.memory_space<hbm>>) dst(%arg13 : memref<32x128xi32, #tpu.memory_space<vmem>>)
      tpu.yield
    }) : () -> ()
    "tpu.region"() ({
      %run_scoped3A = tpu.sem_alloc : memref<!tpu.dma_semaphore, #tpu.memory_space<semaphore_mem>>
      %dma_start3A_221 = arith.constant 0 : i32
      %dma_start3A_222 = tpu.memref_slice %arg4[%add3A_92, %dma_start3A_221] : memref<2560x128xi32, #tpu.memory_space<hbm>> -> memref<32x128xi32, #tpu.memory_space<hbm>>
      %dma_start3A_223 = arith.constant 0 : i32
      %dma_start3A_224 = tpu.memref_slice %arg4[%add3A_92, %dma_start3A_223] : memref<2560x128xi32, #tpu.memory_space<hbm>> -> memref<32x128xi32, #tpu.memory_space<hbm>>
      tpu.enqueue_dma source(%dma_start3A_224 : memref<32x128xi32, #tpu.memory_space<hbm>>) target(%arg14 : memref<32x128xi32, #tpu.memory_space<vmem>>) target_semaphore(%run_scoped3A : memref<!tpu.dma_semaphore, #tpu.memory_space<semaphore_mem>>)
      %dma_wait3A_225 = arith.constant 0 : i32
      %dma_wait3A_226 = tpu.memref_slice %arg4[%add3A_92, %dma_wait3A_225] : memref<2560x128xi32, #tpu.memory_space<hbm>> -> memref<32x128xi32, #tpu.memory_space<hbm>>
      %dma_wait3A_227 = arith.constant 0 : i32
      %dma_wait3A_228 = tpu.memref_slice %arg4[%add3A_92, %dma_wait3A_227] : memref<2560x128xi32, #tpu.memory_space<hbm>> -> memref<32x128xi32, #tpu.memory_space<hbm>>
      tpu.wait_dma2 semaphore(%run_scoped3A : memref<!tpu.dma_semaphore, #tpu.memory_space<semaphore_mem>>) src(%dma_wait3A_228 : memref<32x128xi32, #tpu.memory_space<hbm>>) dst(%arg14 : memref<32x128xi32, #tpu.memory_space<vmem>>)
      tpu.yield
    }) : () -> ()
    %scan3A_93 = arith.constant 0 : i32
    %scan3A_94 = arith.constant 4 : i32
    %scan3A_95 = arith.addi %scan3A_93, %scan3A_94 : i32
    %scan3A_96 = arith.constant 1 : i32
    scf.for %scan3A_221 = %scan3A_93 to %scan3A_95 step %scan3A_96  : i32 {
      %mul3A_222 = arith.constant 1 : i32
      %mul3A_223 = arith.muli %scan3A_221, %mul3A_222 : i32
      %add3A_224 = arith.constant 0 : i32
      %add3A_225 = arith.addi %add3A_224, %mul3A_223 : i32
      %mul3A_226 = arith.constant 8 : i32
      %mul3A_227 = arith.muli %add3A_225, %mul3A_226 : i32
      %add3A_228 = arith.constant 0 : i32
      %add3A_229 = arith.addi %mul3A_227, %add3A_228 : i32
      %gt3A = arith.constant 0 : i32
      %gt3A_230 = arith.cmpi sgt, %add3A_225, %gt3A : i32
      %convert_element_type3A_231 = arith.extui %gt3A_230 : i1 to i32
      %cond3A_232 = arith.constant 0 : i32
      %cond3A_233 = arith.cmpi ne, %convert_element_type3A_231, %cond3A_232 : i32
      scf.if %cond3A_233 {
        %sub3A_479 = arith.constant 2 : i32
        %sub3A_480 = arith.subi %add3A_229, %sub3A_479 : i32
        %dma_wait3A_481 = arith.constant 0 : i32
        %dma_wait3A_482 = tpu.memref_slice %arg14[%sub3A_480, %dma_wait3A_481] : memref<32x128xi32, #tpu.memory_space<vmem>> -> memref<1x128xi32, #tpu.memory_space<vmem>>
        %dma_wait3A_483 = tpu.memref_squeeze %dma_wait3A_482 : memref<1x128xi32, #tpu.memory_space<vmem>> -> memref<128xi32, #tpu.memory_space<vmem>>
        %dma_wait3A_484 = arith.constant 0 : i32
        %dma_wait3A_485 = arith.constant 0 : i32
        %dma_wait3A_486 = tpu.memref_slice %arg11[%dma_wait3A_484, %dma_wait3A_485] : memref<10008x64xf32, #tpu.memory_space<vmem_shared>> -> memref<10008x64xf32, #tpu.memory_space<vmem_shared>>
        tpu.wait_indirect_dma semaphore(%arg21 : memref<!tpu.dma_semaphore, #tpu.memory_space<semaphore_mem>>) src(%arg15 : memref<128x64xf32, #tpu.memory_space<vmem>>) dst(%dma_wait3A_486 : memref<10008x64xf32, #tpu.memory_space<vmem_shared>>)
      } else {
      }
      %dma_start3A_234 = arith.constant 0 : i32
      %dma_start3A_235 = tpu.memref_slice %arg13[%add3A_229, %dma_start3A_234] : memref<32x128xi32, #tpu.memory_space<vmem>> -> memref<1x128xi32, #tpu.memory_space<vmem>>
      %dma_start3A_236 = tpu.memref_squeeze %dma_start3A_235 : memref<1x128xi32, #tpu.memory_space<vmem>> -> memref<128xi32, #tpu.memory_space<vmem>>
      %dma_start3A_237 = arith.constant 0 : i32
      %dma_start3A_238 = arith.constant 0 : i32
      %dma_start3A_239 = tpu.memref_slice %arg10[%dma_start3A_237, %dma_start3A_238] : memref<10000x64xf32, #tpu.memory_space<vmem_shared>> -> memref<10000x64xf32, #tpu.memory_space<vmem_shared>>
      tpu.enqueue_indirect_dma source(%dma_start3A_239 : memref<10000x64xf32, #tpu.memory_space<vmem_shared>>) target(%arg15 : memref<128x64xf32, #tpu.memory_space<vmem>>) offsets(%dma_start3A_236 : memref<128xi32, #tpu.memory_space<vmem>>) semaphore(%arg19 : memref<!tpu.dma_semaphore, #tpu.memory_space<semaphore_mem>>)
      %gt3A_240 = arith.constant 0 : i32
      %gt3A_241 = arith.cmpi sgt, %add3A_225, %gt3A_240 : i32
      %convert_element_type3A_242 = arith.extui %gt3A_241 : i1 to i32
      %cond3A_243 = arith.constant 0 : i32
      %cond3A_244 = arith.cmpi ne, %convert_element_type3A_242, %cond3A_243 : i32
      scf.if %cond3A_244 {
        %sub3A_479 = arith.constant 1 : i32
        %sub3A_480 = arith.subi %add3A_229, %sub3A_479 : i32
        %dma_wait3A_481 = arith.constant 0 : i32
        %dma_wait3A_482 = tpu.memref_slice %arg13[%sub3A_480, %dma_wait3A_481] : memref<32x128xi32, #tpu.memory_space<vmem>> -> memref<1x128xi32, #tpu.memory_space<vmem>>
        %dma_wait3A_483 = tpu.memref_squeeze %dma_wait3A_482 : memref<1x128xi32, #tpu.memory_space<vmem>> -> memref<128xi32, #tpu.memory_space<vmem>>
        %dma_wait3A_484 = arith.constant 0 : i32
        %dma_wait3A_485 = arith.constant 0 : i32
        %dma_wait3A_486 = tpu.memref_slice %arg10[%dma_wait3A_484, %dma_wait3A_485] : memref<10000x64xf32, #tpu.memory_space<vmem_shared>> -> memref<10000x64xf32, #tpu.memory_space<vmem_shared>>
        tpu.wait_indirect_dma semaphore(%arg20 : memref<!tpu.dma_semaphore, #tpu.memory_space<semaphore_mem>>) src(%dma_wait3A_486 : memref<10000x64xf32, #tpu.memory_space<vmem_shared>>) dst(%arg16 : memref<128x64xf32, #tpu.memory_space<vmem>>)
        %sub3A_487 = arith.constant 1 : i32
        %sub3A_488 = arith.subi %add3A_229, %sub3A_487 : i32
        %dma_start3A_489 = arith.constant 0 : i32
        %dma_start3A_490 = tpu.memref_slice %arg14[%sub3A_488, %dma_start3A_489] : memref<32x128xi32, #tpu.memory_space<vmem>> -> memref<1x128xi32, #tpu.memory_space<vmem>>
        %dma_start3A_491 = tpu.memref_squeeze %dma_start3A_490 : memref<1x128xi32, #tpu.memory_space<vmem>> -> memref<128xi32, #tpu.memory_space<vmem>>
        %dma_start3A_492 = arith.constant 0 : i32
        %dma_start3A_493 = arith.constant 0 : i32
        %dma_start3A_494 = tpu.memref_slice %arg11[%dma_start3A_492, %dma_start3A_493] : memref<10008x64xf32, #tpu.memory_space<vmem_shared>> -> memref<10008x64xf32, #tpu.memory_space<vmem_shared>>
        tpu.enqueue_indirect_dma source(%arg16 : memref<128x64xf32, #tpu.memory_space<vmem>>) target(%dma_start3A_494 : memref<10008x64xf32, #tpu.memory_space<vmem_shared>>) offsets(%dma_start3A_491 : memref<128xi32, #tpu.memory_space<vmem>>) semaphore(%arg22 : memref<!tpu.dma_semaphore, #tpu.memory_space<semaphore_mem>>) {add = true}
      } else {
      }
      %mul3A_245 = arith.constant 8 : i32
      %mul3A_246 = arith.muli %add3A_225, %mul3A_245 : i32
      %add3A_247 = arith.constant 1 : i32
      %add3A_248 = arith.addi %mul3A_246, %add3A_247 : i32
      %gt3A_249 = arith.constant 0 : i32
      %gt3A_250 = arith.cmpi sgt, %add3A_225, %gt3A_249 : i32
      %convert_element_type3A_251 = arith.extui %gt3A_250 : i1 to i32
      %cond3A_252 = arith.constant 0 : i32
      %cond3A_253 = arith.cmpi ne, %convert_element_type3A_251, %cond3A_252 : i32
      scf.if %cond3A_253 {
        %sub3A_479 = arith.constant 2 : i32
        %sub3A_480 = arith.subi %add3A_248, %sub3A_479 : i32
        %dma_wait3A_481 = arith.constant 0 : i32
        %dma_wait3A_482 = tpu.memref_slice %arg14[%sub3A_480, %dma_wait3A_481] : memref<32x128xi32, #tpu.memory_space<vmem>> -> memref<1x128xi32, #tpu.memory_space<vmem>>
        %dma_wait3A_483 = tpu.memref_squeeze %dma_wait3A_482 : memref<1x128xi32, #tpu.memory_space<vmem>> -> memref<128xi32, #tpu.memory_space<vmem>>
        %dma_wait3A_484 = arith.constant 0 : i32
        %dma_wait3A_485 = arith.constant 0 : i32
        %dma_wait3A_486 = tpu.memref_slice %arg11[%dma_wait3A_484, %dma_wait3A_485] : memref<10008x64xf32, #tpu.memory_space<vmem_shared>> -> memref<10008x64xf32, #tpu.memory_space<vmem_shared>>
        tpu.wait_indirect_dma semaphore(%arg22 : memref<!tpu.dma_semaphore, #tpu.memory_space<semaphore_mem>>) src(%arg16 : memref<128x64xf32, #tpu.memory_space<vmem>>) dst(%dma_wait3A_486 : memref<10008x64xf32, #tpu.memory_space<vmem_shared>>)
      } else {
      }
      %dma_start3A_254 = arith.constant 0 : i32
      %dma_start3A_255 = tpu.memref_slice %arg13[%add3A_248, %dma_start3A_254] : memref<32x128xi32, #tpu.memory_space<vmem>> -> memref<1x128xi32, #tpu.memory_space<vmem>>
      %dma_start3A_256 = tpu.memref_squeeze %dma_start3A_255 : memref<1x128xi32, #tpu.memory_space<vmem>> -> memref<128xi32, #tpu.memory_space<vmem>>
      %dma_start3A_257 = arith.constant 0 : i32
      %dma_start3A_258 = arith.constant 0 : i32
      %dma_start3A_259 = tpu.memref_slice %arg10[%dma_start3A_257, %dma_start3A_258] : memref<10000x64xf32, #tpu.memory_space<vmem_shared>> -> memref<10000x64xf32, #tpu.memory_space<vmem_shared>>
      tpu.enqueue_indirect_dma source(%dma_start3A_259 : memref<10000x64xf32, #tpu.memory_space<vmem_shared>>) target(%arg16 : memref<128x64xf32, #tpu.memory_space<vmem>>) offsets(%dma_start3A_256 : memref<128xi32, #tpu.memory_space<vmem>>) semaphore(%arg20 : memref<!tpu.dma_semaphore, #tpu.memory_space<semaphore_mem>>)
      %sub3A = arith.constant 1 : i32
      %sub3A_260 = arith.subi %add3A_248, %sub3A : i32
      %dma_wait3A_261 = arith.constant 0 : i32
      %dma_wait3A_262 = tpu.memref_slice %arg13[%sub3A_260, %dma_wait3A_261] : memref<32x128xi32, #tpu.memory_space<vmem>> -> memref<1x128xi32, #tpu.memory_space<vmem>>
      %dma_wait3A_263 = tpu.memref_squeeze %dma_wait3A_262 : memref<1x128xi32, #tpu.memory_space<vmem>> -> memref<128xi32, #tpu.memory_space<vmem>>
      %dma_wait3A_264 = arith.constant 0 : i32
      %dma_wait3A_265 = arith.constant 0 : i32
      %dma_wait3A_266 = tpu.memref_slice %arg10[%dma_wait3A_264, %dma_wait3A_265] : memref<10000x64xf32, #tpu.memory_space<vmem_shared>> -> memref<10000x64xf32, #tpu.memory_space<vmem_shared>>
      tpu.wait_indirect_dma semaphore(%arg19 : memref<!tpu.dma_semaphore, #tpu.memory_space<semaphore_mem>>) src(%dma_wait3A_266 : memref<10000x64xf32, #tpu.memory_space<vmem_shared>>) dst(%arg15 : memref<128x64xf32, #tpu.memory_space<vmem>>)
      %sub3A_267 = arith.constant 1 : i32
      %sub3A_268 = arith.subi %add3A_248, %sub3A_267 : i32
      %dma_start3A_269 = arith.constant 0 : i32
      %dma_start3A_270 = tpu.memref_slice %arg14[%sub3A_268, %dma_start3A_269] : memref<32x128xi32, #tpu.memory_space<vmem>> -> memref<1x128xi32, #tpu.memory_space<vmem>>
      %dma_start3A_271 = tpu.memref_squeeze %dma_start3A_270 : memref<1x128xi32, #tpu.memory_space<vmem>> -> memref<128xi32, #tpu.memory_space<vmem>>
      %dma_start3A_272 = arith.constant 0 : i32
      %dma_start3A_273 = arith.constant 0 : i32
      %dma_start3A_274 = tpu.memref_slice %arg11[%dma_start3A_272, %dma_start3A_273] : memref<10008x64xf32, #tpu.memory_space<vmem_shared>> -> memref<10008x64xf32, #tpu.memory_space<vmem_shared>>
      tpu.enqueue_indirect_dma source(%arg15 : memref<128x64xf32, #tpu.memory_space<vmem>>) target(%dma_start3A_274 : memref<10008x64xf32, #tpu.memory_space<vmem_shared>>) offsets(%dma_start3A_271 : memref<128xi32, #tpu.memory_space<vmem>>) semaphore(%arg21 : memref<!tpu.dma_semaphore, #tpu.memory_space<semaphore_mem>>) {add = true}
      %mul3A_275 = arith.constant 8 : i32
      %mul3A_276 = arith.muli %add3A_225, %mul3A_275 : i32
      %add3A_277 = arith.constant 2 : i32
      %add3A_278 = arith.addi %mul3A_276, %add3A_277 : i32
      %sub3A_279 = arith.constant 2 : i32
      %sub3A_280 = arith.subi %add3A_278, %sub3A_279 : i32
      %dma_wait3A_281 = arith.constant 0 : i32
      %dma_wait3A_282 = tpu.memref_slice %arg14[%sub3A_280, %dma_wait3A_281] : memref<32x128xi32, #tpu.memory_space<vmem>> -> memref<1x128xi32, #tpu.memory_space<vmem>>
      %dma_wait3A_283 = tpu.memref_squeeze %dma_wait3A_282 : memref<1x128xi32, #tpu.memory_space<vmem>> -> memref<128xi32, #tpu.memory_space<vmem>>
      %dma_wait3A_284 = arith.constant 0 : i32
      %dma_wait3A_285 = arith.constant 0 : i32
      %dma_wait3A_286 = tpu.memref_slice %arg11[%dma_wait3A_284, %dma_wait3A_285] : memref<10008x64xf32, #tpu.memory_space<vmem_shared>> -> memref<10008x64xf32, #tpu.memory_space<vmem_shared>>
      tpu.wait_indirect_dma semaphore(%arg21 : memref<!tpu.dma_semaphore, #tpu.memory_space<semaphore_mem>>) src(%arg15 : memref<128x64xf32, #tpu.memory_space<vmem>>) dst(%dma_wait3A_286 : memref<10008x64xf32, #tpu.memory_space<vmem_shared>>)
      %dma_start3A_287 = arith.constant 0 : i32
      %dma_start3A_288 = tpu.memref_slice %arg13[%add3A_278, %dma_start3A_287] : memref<32x128xi32, #tpu.memory_space<vmem>> -> memref<1x128xi32, #tpu.memory_space<vmem>>
      %dma_start3A_289 = tpu.memref_squeeze %dma_start3A_288 : memref<1x128xi32, #tpu.memory_space<vmem>> -> memref<128xi32, #tpu.memory_space<vmem>>
      %dma_start3A_290 = arith.constant 0 : i32
      %dma_start3A_291 = arith.constant 0 : i32
      %dma_start3A_292 = tpu.memref_slice %arg10[%dma_start3A_290, %dma_start3A_291] : memref<10000x64xf32, #tpu.memory_space<vmem_shared>> -> memref<10000x64xf32, #tpu.memory_space<vmem_shared>>
      tpu.enqueue_indirect_dma source(%dma_start3A_292 : memref<10000x64xf32, #tpu.memory_space<vmem_shared>>) target(%arg15 : memref<128x64xf32, #tpu.memory_space<vmem>>) offsets(%dma_start3A_289 : memref<128xi32, #tpu.memory_space<vmem>>) semaphore(%arg19 : memref<!tpu.dma_semaphore, #tpu.memory_space<semaphore_mem>>)
      %sub3A_293 = arith.constant 1 : i32
      %sub3A_294 = arith.subi %add3A_278, %sub3A_293 : i32
      %dma_wait3A_295 = arith.constant 0 : i32
      %dma_wait3A_296 = tpu.memref_slice %arg13[%sub3A_294, %dma_wait3A_295] : memref<32x128xi32, #tpu.memory_space<vmem>> -> memref<1x128xi32, #tpu.memory_space<vmem>>
      %dma_wait3A_297 = tpu.memref_squeeze %dma_wait3A_296 : memref<1x128xi32, #tpu.memory_space<vmem>> -> memref<128xi32, #tpu.memory_space<vmem>>
      %dma_wait3A_298 = arith.constant 0 : i32
      %dma_wait3A_299 = arith.constant 0 : i32
      %dma_wait3A_300 = tpu.memref_slice %arg10[%dma_wait3A_298, %dma_wait3A_299] : memref<10000x64xf32, #tpu.memory_space<vmem_shared>> -> memref<10000x64xf32, #tpu.memory_space<vmem_shared>>
      tpu.wait_indirect_dma semaphore(%arg20 : memref<!tpu.dma_semaphore, #tpu.memory_space<semaphore_mem>>) src(%dma_wait3A_300 : memref<10000x64xf32, #tpu.memory_space<vmem_shared>>) dst(%arg16 : memref<128x64xf32, #tpu.memory_space<vmem>>)
      %sub3A_301 = arith.constant 1 : i32
      %sub3A_302 = arith.subi %add3A_278, %sub3A_301 : i32
      %dma_start3A_303 = arith.constant 0 : i32
      %dma_start3A_304 = tpu.memref_slice %arg14[%sub3A_302, %dma_start3A_303] : memref<32x128xi32, #tpu.memory_space<vmem>> -> memref<1x128xi32, #tpu.memory_space<vmem>>
      %dma_start3A_305 = tpu.memref_squeeze %dma_start3A_304 : memref<1x128xi32, #tpu.memory_space<vmem>> -> memref<128xi32, #tpu.memory_space<vmem>>
      %dma_start3A_306 = arith.constant 0 : i32
      %dma_start3A_307 = arith.constant 0 : i32
      %dma_start3A_308 = tpu.memref_slice %arg11[%dma_start3A_306, %dma_start3A_307] : memref<10008x64xf32, #tpu.memory_space<vmem_shared>> -> memref<10008x64xf32, #tpu.memory_space<vmem_shared>>
      tpu.enqueue_indirect_dma source(%arg16 : memref<128x64xf32, #tpu.memory_space<vmem>>) target(%dma_start3A_308 : memref<10008x64xf32, #tpu.memory_space<vmem_shared>>) offsets(%dma_start3A_305 : memref<128xi32, #tpu.memory_space<vmem>>) semaphore(%arg22 : memref<!tpu.dma_semaphore, #tpu.memory_space<semaphore_mem>>) {add = true}
      %mul3A_309 = arith.constant 8 : i32
      %mul3A_310 = arith.muli %add3A_225, %mul3A_309 : i32
      %add3A_311 = arith.constant 3 : i32
      %add3A_312 = arith.addi %mul3A_310, %add3A_311 : i32
      %sub3A_313 = arith.constant 2 : i32
      %sub3A_314 = arith.subi %add3A_312, %sub3A_313 : i32
      %dma_wait3A_315 = arith.constant 0 : i32
      %dma_wait3A_316 = tpu.memref_slice %arg14[%sub3A_314, %dma_wait3A_315] : memref<32x128xi32, #tpu.memory_space<vmem>> -> memref<1x128xi32, #tpu.memory_space<vmem>>
      %dma_wait3A_317 = tpu.memref_squeeze %dma_wait3A_316 : memref<1x128xi32, #tpu.memory_space<vmem>> -> memref<128xi32, #tpu.memory_space<vmem>>
      %dma_wait3A_318 = arith.constant 0 : i32
      %dma_wait3A_319 = arith.constant 0 : i32
      %dma_wait3A_320 = tpu.memref_slice %arg11[%dma_wait3A_318, %dma_wait3A_319] : memref<10008x64xf32, #tpu.memory_space<vmem_shared>> -> memref<10008x64xf32, #tpu.memory_space<vmem_shared>>
      tpu.wait_indirect_dma semaphore(%arg22 : memref<!tpu.dma_semaphore, #tpu.memory_space<semaphore_mem>>) src(%arg16 : memref<128x64xf32, #tpu.memory_space<vmem>>) dst(%dma_wait3A_320 : memref<10008x64xf32, #tpu.memory_space<vmem_shared>>)
      %dma_start3A_321 = arith.constant 0 : i32
      %dma_start3A_322 = tpu.memref_slice %arg13[%add3A_312, %dma_start3A_321] : memref<32x128xi32, #tpu.memory_space<vmem>> -> memref<1x128xi32, #tpu.memory_space<vmem>>
      %dma_start3A_323 = tpu.memref_squeeze %dma_start3A_322 : memref<1x128xi32, #tpu.memory_space<vmem>> -> memref<128xi32, #tpu.memory_space<vmem>>
      %dma_start3A_324 = arith.constant 0 : i32
      %dma_start3A_325 = arith.constant 0 : i32
      %dma_start3A_326 = tpu.memref_slice %arg10[%dma_start3A_324, %dma_start3A_325] : memref<10000x64xf32, #tpu.memory_space<vmem_shared>> -> memref<10000x64xf32, #tpu.memory_space<vmem_shared>>
      tpu.enqueue_indirect_dma source(%dma_start3A_326 : memref<10000x64xf32, #tpu.memory_space<vmem_shared>>) target(%arg16 : memref<128x64xf32, #tpu.memory_space<vmem>>) offsets(%dma_start3A_323 : memref<128xi32, #tpu.memory_space<vmem>>) semaphore(%arg20 : memref<!tpu.dma_semaphore, #tpu.memory_space<semaphore_mem>>)
      %sub3A_327 = arith.constant 1 : i32
      %sub3A_328 = arith.subi %add3A_312, %sub3A_327 : i32
      %dma_wait3A_329 = arith.constant 0 : i32
      %dma_wait3A_330 = tpu.memref_slice %arg13[%sub3A_328, %dma_wait3A_329] : memref<32x128xi32, #tpu.memory_space<vmem>> -> memref<1x128xi32, #tpu.memory_space<vmem>>
      %dma_wait3A_331 = tpu.memref_squeeze %dma_wait3A_330 : memref<1x128xi32, #tpu.memory_space<vmem>> -> memref<128xi32, #tpu.memory_space<vmem>>
      %dma_wait3A_332 = arith.constant 0 : i32
      %dma_wait3A_333 = arith.constant 0 : i32
      %dma_wait3A_334 = tpu.memref_slice %arg10[%dma_wait3A_332, %dma_wait3A_333] : memref<10000x64xf32, #tpu.memory_space<vmem_shared>> -> memref<10000x64xf32, #tpu.memory_space<vmem_shared>>
      tpu.wait_indirect_dma semaphore(%arg19 : memref<!tpu.dma_semaphore, #tpu.memory_space<semaphore_mem>>) src(%dma_wait3A_334 : memref<10000x64xf32, #tpu.memory_space<vmem_shared>>) dst(%arg15 : memref<128x64xf32, #tpu.memory_space<vmem>>)
      %sub3A_335 = arith.constant 1 : i32
      %sub3A_336 = arith.subi %add3A_312, %sub3A_335 : i32
      %dma_start3A_337 = arith.constant 0 : i32
      %dma_start3A_338 = tpu.memref_slice %arg14[%sub3A_336, %dma_start3A_337] : memref<32x128xi32, #tpu.memory_space<vmem>> -> memref<1x128xi32, #tpu.memory_space<vmem>>
      %dma_start3A_339 = tpu.memref_squeeze %dma_start3A_338 : memref<1x128xi32, #tpu.memory_space<vmem>> -> memref<128xi32, #tpu.memory_space<vmem>>
      %dma_start3A_340 = arith.constant 0 : i32
      %dma_start3A_341 = arith.constant 0 : i32
      %dma_start3A_342 = tpu.memref_slice %arg11[%dma_start3A_340, %dma_start3A_341] : memref<10008x64xf32, #tpu.memory_space<vmem_shared>> -> memref<10008x64xf32, #tpu.memory_space<vmem_shared>>
      tpu.enqueue_indirect_dma source(%arg15 : memref<128x64xf32, #tpu.memory_space<vmem>>) target(%dma_start3A_342 : memref<10008x64xf32, #tpu.memory_space<vmem_shared>>) offsets(%dma_start3A_339 : memref<128xi32, #tpu.memory_space<vmem>>) semaphore(%arg21 : memref<!tpu.dma_semaphore, #tpu.memory_space<semaphore_mem>>) {add = true}
      %mul3A_343 = arith.constant 8 : i32
      %mul3A_344 = arith.muli %add3A_225, %mul3A_343 : i32
      %add3A_345 = arith.constant 4 : i32
      %add3A_346 = arith.addi %mul3A_344, %add3A_345 : i32
      %sub3A_347 = arith.constant 2 : i32
      %sub3A_348 = arith.subi %add3A_346, %sub3A_347 : i32
      %dma_wait3A_349 = arith.constant 0 : i32
      %dma_wait3A_350 = tpu.memref_slice %arg14[%sub3A_348, %dma_wait3A_349] : memref<32x128xi32, #tpu.memory_space<vmem>> -> memref<1x128xi32, #tpu.memory_space<vmem>>
      %dma_wait3A_351 = tpu.memref_squeeze %dma_wait3A_350 : memref<1x128xi32, #tpu.memory_space<vmem>> -> memref<128xi32, #tpu.memory_space<vmem>>
      %dma_wait3A_352 = arith.constant 0 : i32
      %dma_wait3A_353 = arith.constant 0 : i32
      %dma_wait3A_354 = tpu.memref_slice %arg11[%dma_wait3A_352, %dma_wait3A_353] : memref<10008x64xf32, #tpu.memory_space<vmem_shared>> -> memref<10008x64xf32, #tpu.memory_space<vmem_shared>>
      tpu.wait_indirect_dma semaphore(%arg21 : memref<!tpu.dma_semaphore, #tpu.memory_space<semaphore_mem>>) src(%arg15 : memref<128x64xf32, #tpu.memory_space<vmem>>) dst(%dma_wait3A_354 : memref<10008x64xf32, #tpu.memory_space<vmem_shared>>)
      %dma_start3A_355 = arith.constant 0 : i32
      %dma_start3A_356 = tpu.memref_slice %arg13[%add3A_346, %dma_start3A_355] : memref<32x128xi32, #tpu.memory_space<vmem>> -> memref<1x128xi32, #tpu.memory_space<vmem>>
      %dma_start3A_357 = tpu.memref_squeeze %dma_start3A_356 : memref<1x128xi32, #tpu.memory_space<vmem>> -> memref<128xi32, #tpu.memory_space<vmem>>
      %dma_start3A_358 = arith.constant 0 : i32
      %dma_start3A_359 = arith.constant 0 : i32
      %dma_start3A_360 = tpu.memref_slice %arg10[%dma_start3A_358, %dma_start3A_359] : memref<10000x64xf32, #tpu.memory_space<vmem_shared>> -> memref<10000x64xf32, #tpu.memory_space<vmem_shared>>
      tpu.enqueue_indirect_dma source(%dma_start3A_360 : memref<10000x64xf32, #tpu.memory_space<vmem_shared>>) target(%arg15 : memref<128x64xf32, #tpu.memory_space<vmem>>) offsets(%dma_start3A_357 : memref<128xi32, #tpu.memory_space<vmem>>) semaphore(%arg19 : memref<!tpu.dma_semaphore, #tpu.memory_space<semaphore_mem>>)
      %sub3A_361 = arith.constant 1 : i32
      %sub3A_362 = arith.subi %add3A_346, %sub3A_361 : i32
      %dma_wait3A_363 = arith.constant 0 : i32
      %dma_wait3A_364 = tpu.memref_slice %arg13[%sub3A_362, %dma_wait3A_363] : memref<32x128xi32, #tpu.memory_space<vmem>> -> memref<1x128xi32, #tpu.memory_space<vmem>>
      %dma_wait3A_365 = tpu.memref_squeeze %dma_wait3A_364 : memref<1x128xi32, #tpu.memory_space<vmem>> -> memref<128xi32, #tpu.memory_space<vmem>>
      %dma_wait3A_366 = arith.constant 0 : i32
      %dma_wait3A_367 = arith.constant 0 : i32
      %dma_wait3A_368 = tpu.memref_slice %arg10[%dma_wait3A_366, %dma_wait3A_367] : memref<10000x64xf32, #tpu.memory_space<vmem_shared>> -> memref<10000x64xf32, #tpu.memory_space<vmem_shared>>
      tpu.wait_indirect_dma semaphore(%arg20 : memref<!tpu.dma_semaphore, #tpu.memory_space<semaphore_mem>>) src(%dma_wait3A_368 : memref<10000x64xf32, #tpu.memory_space<vmem_shared>>) dst(%arg16 : memref<128x64xf32, #tpu.memory_space<vmem>>)
      %sub3A_369 = arith.constant 1 : i32
      %sub3A_370 = arith.subi %add3A_346, %sub3A_369 : i32
      %dma_start3A_371 = arith.constant 0 : i32
      %dma_start3A_372 = tpu.memref_slice %arg14[%sub3A_370, %dma_start3A_371] : memref<32x128xi32, #tpu.memory_space<vmem>> -> memref<1x128xi32, #tpu.memory_space<vmem>>
      %dma_start3A_373 = tpu.memref_squeeze %dma_start3A_372 : memref<1x128xi32, #tpu.memory_space<vmem>> -> memref<128xi32, #tpu.memory_space<vmem>>
      %dma_start3A_374 = arith.constant 0 : i32
      %dma_start3A_375 = arith.constant 0 : i32
      %dma_start3A_376 = tpu.memref_slice %arg11[%dma_start3A_374, %dma_start3A_375] : memref<10008x64xf32, #tpu.memory_space<vmem_shared>> -> memref<10008x64xf32, #tpu.memory_space<vmem_shared>>
      tpu.enqueue_indirect_dma source(%arg16 : memref<128x64xf32, #tpu.memory_space<vmem>>) target(%dma_start3A_376 : memref<10008x64xf32, #tpu.memory_space<vmem_shared>>) offsets(%dma_start3A_373 : memref<128xi32, #tpu.memory_space<vmem>>) semaphore(%arg22 : memref<!tpu.dma_semaphore, #tpu.memory_space<semaphore_mem>>) {add = true}
      %mul3A_377 = arith.constant 8 : i32
      %mul3A_378 = arith.muli %add3A_225, %mul3A_377 : i32
      %add3A_379 = arith.constant 5 : i32
      %add3A_380 = arith.addi %mul3A_378, %add3A_379 : i32
      %sub3A_381 = arith.constant 2 : i32
      %sub3A_382 = arith.subi %add3A_380, %sub3A_381 : i32
      %dma_wait3A_383 = arith.constant 0 : i32
      %dma_wait3A_384 = tpu.memref_slice %arg14[%sub3A_382, %dma_wait3A_383] : memref<32x128xi32, #tpu.memory_space<vmem>> -> memref<1x128xi32, #tpu.memory_space<vmem>>
      %dma_wait3A_385 = tpu.memref_squeeze %dma_wait3A_384 : memref<1x128xi32, #tpu.memory_space<vmem>> -> memref<128xi32, #tpu.memory_space<vmem>>
      %dma_wait3A_386 = arith.constant 0 : i32
      %dma_wait3A_387 = arith.constant 0 : i32
      %dma_wait3A_388 = tpu.memref_slice %arg11[%dma_wait3A_386, %dma_wait3A_387] : memref<10008x64xf32, #tpu.memory_space<vmem_shared>> -> memref<10008x64xf32, #tpu.memory_space<vmem_shared>>
      tpu.wait_indirect_dma semaphore(%arg22 : memref<!tpu.dma_semaphore, #tpu.memory_space<semaphore_mem>>) src(%arg16 : memref<128x64xf32, #tpu.memory_space<vmem>>) dst(%dma_wait3A_388 : memref<10008x64xf32, #tpu.memory_space<vmem_shared>>)
      %dma_start3A_389 = arith.constant 0 : i32
      %dma_start3A_390 = tpu.memref_slice %arg13[%add3A_380, %dma_start3A_389] : memref<32x128xi32, #tpu.memory_space<vmem>> -> memref<1x128xi32, #tpu.memory_space<vmem>>
      %dma_start3A_391 = tpu.memref_squeeze %dma_start3A_390 : memref<1x128xi32, #tpu.memory_space<vmem>> -> memref<128xi32, #tpu.memory_space<vmem>>
      %dma_start3A_392 = arith.constant 0 : i32
      %dma_start3A_393 = arith.constant 0 : i32
      %dma_start3A_394 = tpu.memref_slice %arg10[%dma_start3A_392, %dma_start3A_393] : memref<10000x64xf32, #tpu.memory_space<vmem_shared>> -> memref<10000x64xf32, #tpu.memory_space<vmem_shared>>
      tpu.enqueue_indirect_dma source(%dma_start3A_394 : memref<10000x64xf32, #tpu.memory_space<vmem_shared>>) target(%arg16 : memref<128x64xf32, #tpu.memory_space<vmem>>) offsets(%dma_start3A_391 : memref<128xi32, #tpu.memory_space<vmem>>) semaphore(%arg20 : memref<!tpu.dma_semaphore, #tpu.memory_space<semaphore_mem>>)
      %sub3A_395 = arith.constant 1 : i32
      %sub3A_396 = arith.subi %add3A_380, %sub3A_395 : i32
      %dma_wait3A_397 = arith.constant 0 : i32
      %dma_wait3A_398 = tpu.memref_slice %arg13[%sub3A_396, %dma_wait3A_397] : memref<32x128xi32, #tpu.memory_space<vmem>> -> memref<1x128xi32, #tpu.memory_space<vmem>>
      %dma_wait3A_399 = tpu.memref_squeeze %dma_wait3A_398 : memref<1x128xi32, #tpu.memory_space<vmem>> -> memref<128xi32, #tpu.memory_space<vmem>>
      %dma_wait3A_400 = arith.constant 0 : i32
      %dma_wait3A_401 = arith.constant 0 : i32
      %dma_wait3A_402 = tpu.memref_slice %arg10[%dma_wait3A_400, %dma_wait3A_401] : memref<10000x64xf32, #tpu.memory_space<vmem_shared>> -> memref<10000x64xf32, #tpu.memory_space<vmem_shared>>
      tpu.wait_indirect_dma semaphore(%arg19 : memref<!tpu.dma_semaphore, #tpu.memory_space<semaphore_mem>>) src(%dma_wait3A_402 : memref<10000x64xf32, #tpu.memory_space<vmem_shared>>) dst(%arg15 : memref<128x64xf32, #tpu.memory_space<vmem>>)
      %sub3A_403 = arith.constant 1 : i32
      %sub3A_404 = arith.subi %add3A_380, %sub3A_403 : i32
      %dma_start3A_405 = arith.constant 0 : i32
      %dma_start3A_406 = tpu.memref_slice %arg14[%sub3A_404, %dma_start3A_405] : memref<32x128xi32, #tpu.memory_space<vmem>> -> memref<1x128xi32, #tpu.memory_space<vmem>>
      %dma_start3A_407 = tpu.memref_squeeze %dma_start3A_406 : memref<1x128xi32, #tpu.memory_space<vmem>> -> memref<128xi32, #tpu.memory_space<vmem>>
      %dma_start3A_408 = arith.constant 0 : i32
      %dma_start3A_409 = arith.constant 0 : i32
      %dma_start3A_410 = tpu.memref_slice %arg11[%dma_start3A_408, %dma_start3A_409] : memref<10008x64xf32, #tpu.memory_space<vmem_shared>> -> memref<10008x64xf32, #tpu.memory_space<vmem_shared>>
      tpu.enqueue_indirect_dma source(%arg15 : memref<128x64xf32, #tpu.memory_space<vmem>>) target(%dma_start3A_410 : memref<10008x64xf32, #tpu.memory_space<vmem_shared>>) offsets(%dma_start3A_407 : memref<128xi32, #tpu.memory_space<vmem>>) semaphore(%arg21 : memref<!tpu.dma_semaphore, #tpu.memory_space<semaphore_mem>>) {add = true}
      %mul3A_411 = arith.constant 8 : i32
      %mul3A_412 = arith.muli %add3A_225, %mul3A_411 : i32
      %add3A_413 = arith.constant 6 : i32
      %add3A_414 = arith.addi %mul3A_412, %add3A_413 : i32
      %sub3A_415 = arith.constant 2 : i32
      %sub3A_416 = arith.subi %add3A_414, %sub3A_415 : i32
      %dma_wait3A_417 = arith.constant 0 : i32
      %dma_wait3A_418 = tpu.memref_slice %arg14[%sub3A_416, %dma_wait3A_417] : memref<32x128xi32, #tpu.memory_space<vmem>> -> memref<1x128xi32, #tpu.memory_space<vmem>>
      %dma_wait3A_419 = tpu.memref_squeeze %dma_wait3A_418 : memref<1x128xi32, #tpu.memory_space<vmem>> -> memref<128xi32, #tpu.memory_space<vmem>>
      %dma_wait3A_420 = arith.constant 0 : i32
      %dma_wait3A_421 = arith.constant 0 : i32
      %dma_wait3A_422 = tpu.memref_slice %arg11[%dma_wait3A_420, %dma_wait3A_421] : memref<10008x64xf32, #tpu.memory_space<vmem_shared>> -> memref<10008x64xf32, #tpu.memory_space<vmem_shared>>
      tpu.wait_indirect_dma semaphore(%arg21 : memref<!tpu.dma_semaphore, #tpu.memory_space<semaphore_mem>>) src(%arg15 : memref<128x64xf32, #tpu.memory_space<vmem>>) dst(%dma_wait3A_422 : memref<10008x64xf32, #tpu.memory_space<vmem_shared>>)
      %dma_start3A_423 = arith.constant 0 : i32
      %dma_start3A_424 = tpu.memref_slice %arg13[%add3A_414, %dma_start3A_423] : memref<32x128xi32, #tpu.memory_space<vmem>> -> memref<1x128xi32, #tpu.memory_space<vmem>>
      %dma_start3A_425 = tpu.memref_squeeze %dma_start3A_424 : memref<1x128xi32, #tpu.memory_space<vmem>> -> memref<128xi32, #tpu.memory_space<vmem>>
      %dma_start3A_426 = arith.constant 0 : i32
      %dma_start3A_427 = arith.constant 0 : i32
      %dma_start3A_428 = tpu.memref_slice %arg10[%dma_start3A_426, %dma_start3A_427] : memref<10000x64xf32, #tpu.memory_space<vmem_shared>> -> memref<10000x64xf32, #tpu.memory_space<vmem_shared>>
      tpu.enqueue_indirect_dma source(%dma_start3A_428 : memref<10000x64xf32, #tpu.memory_space<vmem_shared>>) target(%arg15 : memref<128x64xf32, #tpu.memory_space<vmem>>) offsets(%dma_start3A_425 : memref<128xi32, #tpu.memory_space<vmem>>) semaphore(%arg19 : memref<!tpu.dma_semaphore, #tpu.memory_space<semaphore_mem>>)
      %sub3A_429 = arith.constant 1 : i32
      %sub3A_430 = arith.subi %add3A_414, %sub3A_429 : i32
      %dma_wait3A_431 = arith.constant 0 : i32
      %dma_wait3A_432 = tpu.memref_slice %arg13[%sub3A_430, %dma_wait3A_431] : memref<32x128xi32, #tpu.memory_space<vmem>> -> memref<1x128xi32, #tpu.memory_space<vmem>>
      %dma_wait3A_433 = tpu.memref_squeeze %dma_wait3A_432 : memref<1x128xi32, #tpu.memory_space<vmem>> -> memref<128xi32, #tpu.memory_space<vmem>>
      %dma_wait3A_434 = arith.constant 0 : i32
      %dma_wait3A_435 = arith.constant 0 : i32
      %dma_wait3A_436 = tpu.memref_slice %arg10[%dma_wait3A_434, %dma_wait3A_435] : memref<10000x64xf32, #tpu.memory_space<vmem_shared>> -> memref<10000x64xf32, #tpu.memory_space<vmem_shared>>
      tpu.wait_indirect_dma semaphore(%arg20 : memref<!tpu.dma_semaphore, #tpu.memory_space<semaphore_mem>>) src(%dma_wait3A_436 : memref<10000x64xf32, #tpu.memory_space<vmem_shared>>) dst(%arg16 : memref<128x64xf32, #tpu.memory_space<vmem>>)
      %sub3A_437 = arith.constant 1 : i32
      %sub3A_438 = arith.subi %add3A_414, %sub3A_437 : i32
      %dma_start3A_439 = arith.constant 0 : i32
      %dma_start3A_440 = tpu.memref_slice %arg14[%sub3A_438, %dma_start3A_439] : memref<32x128xi32, #tpu.memory_space<vmem>> -> memref<1x128xi32, #tpu.memory_space<vmem>>
      %dma_start3A_441 = tpu.memref_squeeze %dma_start3A_440 : memref<1x128xi32, #tpu.memory_space<vmem>> -> memref<128xi32, #tpu.memory_space<vmem>>
      %dma_start3A_442 = arith.constant 0 : i32
      %dma_start3A_443 = arith.constant 0 : i32
      %dma_start3A_444 = tpu.memref_slice %arg11[%dma_start3A_442, %dma_start3A_443] : memref<10008x64xf32, #tpu.memory_space<vmem_shared>> -> memref<10008x64xf32, #tpu.memory_space<vmem_shared>>
      tpu.enqueue_indirect_dma source(%arg16 : memref<128x64xf32, #tpu.memory_space<vmem>>) target(%dma_start3A_444 : memref<10008x64xf32, #tpu.memory_space<vmem_shared>>) offsets(%dma_start3A_441 : memref<128xi32, #tpu.memory_space<vmem>>) semaphore(%arg22 : memref<!tpu.dma_semaphore, #tpu.memory_space<semaphore_mem>>) {add = true}
      %mul3A_445 = arith.constant 8 : i32
      %mul3A_446 = arith.muli %add3A_225, %mul3A_445 : i32
      %add3A_447 = arith.constant 7 : i32
      %add3A_448 = arith.addi %mul3A_446, %add3A_447 : i32
      %sub3A_449 = arith.constant 2 : i32
      %sub3A_450 = arith.subi %add3A_448, %sub3A_449 : i32
      %dma_wait3A_451 = arith.constant 0 : i32
      %dma_wait3A_452 = tpu.memref_slice %arg14[%sub3A_450, %dma_wait3A_451] : memref<32x128xi32, #tpu.memory_space<vmem>> -> memref<1x128xi32, #tpu.memory_space<vmem>>
      %dma_wait3A_453 = tpu.memref_squeeze %dma_wait3A_452 : memref<1x128xi32, #tpu.memory_space<vmem>> -> memref<128xi32, #tpu.memory_space<vmem>>
      %dma_wait3A_454 = arith.constant 0 : i32
      %dma_wait3A_455 = arith.constant 0 : i32
      %dma_wait3A_456 = tpu.memref_slice %arg11[%dma_wait3A_454, %dma_wait3A_455] : memref<10008x64xf32, #tpu.memory_space<vmem_shared>> -> memref<10008x64xf32, #tpu.memory_space<vmem_shared>>
      tpu.wait_indirect_dma semaphore(%arg22 : memref<!tpu.dma_semaphore, #tpu.memory_space<semaphore_mem>>) src(%arg16 : memref<128x64xf32, #tpu.memory_space<vmem>>) dst(%dma_wait3A_456 : memref<10008x64xf32, #tpu.memory_space<vmem_shared>>)
      %dma_start3A_457 = arith.constant 0 : i32
      %dma_start3A_458 = tpu.memref_slice %arg13[%add3A_448, %dma_start3A_457] : memref<32x128xi32, #tpu.memory_space<vmem>> -> memref<1x128xi32, #tpu.memory_space<vmem>>
      %dma_start3A_459 = tpu.memref_squeeze %dma_start3A_458 : memref<1x128xi32, #tpu.memory_space<vmem>> -> memref<128xi32, #tpu.memory_space<vmem>>
      %dma_start3A_460 = arith.constant 0 : i32
      %dma_start3A_461 = arith.constant 0 : i32
      %dma_start3A_462 = tpu.memref_slice %arg10[%dma_start3A_460, %dma_start3A_461] : memref<10000x64xf32, #tpu.memory_space<vmem_shared>> -> memref<10000x64xf32, #tpu.memory_space<vmem_shared>>
      tpu.enqueue_indirect_dma source(%dma_start3A_462 : memref<10000x64xf32, #tpu.memory_space<vmem_shared>>) target(%arg16 : memref<128x64xf32, #tpu.memory_space<vmem>>) offsets(%dma_start3A_459 : memref<128xi32, #tpu.memory_space<vmem>>) semaphore(%arg20 : memref<!tpu.dma_semaphore, #tpu.memory_space<semaphore_mem>>)
      %sub3A_463 = arith.constant 1 : i32
      %sub3A_464 = arith.subi %add3A_448, %sub3A_463 : i32
      %dma_wait3A_465 = arith.constant 0 : i32
      %dma_wait3A_466 = tpu.memref_slice %arg13[%sub3A_464, %dma_wait3A_465] : memref<32x128xi32, #tpu.memory_space<vmem>> -> memref<1x128xi32, #tpu.memory_space<vmem>>
      %dma_wait3A_467 = tpu.memref_squeeze %dma_wait3A_466 : memref<1x128xi32, #tpu.memory_space<vmem>> -> memref<128xi32, #tpu.memory_space<vmem>>
      %dma_wait3A_468 = arith.constant 0 : i32
      %dma_wait3A_469 = arith.constant 0 : i32
      %dma_wait3A_470 = tpu.memref_slice %arg10[%dma_wait3A_468, %dma_wait3A_469] : memref<10000x64xf32, #tpu.memory_space<vmem_shared>> -> memref<10000x64xf32, #tpu.memory_space<vmem_shared>>
      tpu.wait_indirect_dma semaphore(%arg19 : memref<!tpu.dma_semaphore, #tpu.memory_space<semaphore_mem>>) src(%dma_wait3A_470 : memref<10000x64xf32, #tpu.memory_space<vmem_shared>>) dst(%arg15 : memref<128x64xf32, #tpu.memory_space<vmem>>)
      %sub3A_471 = arith.constant 1 : i32
      %sub3A_472 = arith.subi %add3A_448, %sub3A_471 : i32
      %dma_start3A_473 = arith.constant 0 : i32
      %dma_start3A_474 = tpu.memref_slice %arg14[%sub3A_472, %dma_start3A_473] : memref<32x128xi32, #tpu.memory_space<vmem>> -> memref<1x128xi32, #tpu.memory_space<vmem>>
      %dma_start3A_475 = tpu.memref_squeeze %dma_start3A_474 : memref<1x128xi32, #tpu.memory_space<vmem>> -> memref<128xi32, #tpu.memory_space<vmem>>
      %dma_start3A_476 = arith.constant 0 : i32
      %dma_start3A_477 = arith.constant 0 : i32
      %dma_start3A_478 = tpu.memref_slice %arg11[%dma_start3A_476, %dma_start3A_477] : memref<10008x64xf32, #tpu.memory_space<vmem_shared>> -> memref<10008x64xf32, #tpu.memory_space<vmem_shared>>
      tpu.enqueue_indirect_dma source(%arg15 : memref<128x64xf32, #tpu.memory_space<vmem>>) target(%dma_start3A_478 : memref<10008x64xf32, #tpu.memory_space<vmem_shared>>) offsets(%dma_start3A_475 : memref<128xi32, #tpu.memory_space<vmem>>) semaphore(%arg21 : memref<!tpu.dma_semaphore, #tpu.memory_space<semaphore_mem>>) {add = true}
    }
    %scan3A_97 = arith.constant 4 : i32
    %dma_wait3A_98 = arith.constant 31 : i32
    %dma_wait3A_99 = arith.constant 0 : i32
    %dma_wait3A_100 = tpu.memref_slice %arg13[%dma_wait3A_98, %dma_wait3A_99] : memref<32x128xi32, #tpu.memory_space<vmem>> -> memref<1x128xi32, #tpu.memory_space<vmem>>
    %dma_wait3A_101 = tpu.memref_squeeze %dma_wait3A_100 : memref<1x128xi32, #tpu.memory_space<vmem>> -> memref<128xi32, #tpu.memory_space<vmem>>
    %dma_wait3A_102 = arith.constant 0 : i32
    %dma_wait3A_103 = arith.constant 0 : i32
    %dma_wait3A_104 = tpu.memref_slice %arg10[%dma_wait3A_102, %dma_wait3A_103] : memref<10000x64xf32, #tpu.memory_space<vmem_shared>> -> memref<10000x64xf32, #tpu.memory_space<vmem_shared>>
    tpu.wait_indirect_dma semaphore(%arg20 : memref<!tpu.dma_semaphore, #tpu.memory_space<semaphore_mem>>) src(%dma_wait3A_104 : memref<10000x64xf32, #tpu.memory_space<vmem_shared>>) dst(%arg16 : memref<128x64xf32, #tpu.memory_space<vmem>>)
    %dma_start3A_105 = arith.constant 31 : i32
    %dma_start3A_106 = arith.constant 0 : i32
    %dma_start3A_107 = tpu.memref_slice %arg14[%dma_start3A_105, %dma_start3A_106] : memref<32x128xi32, #tpu.memory_space<vmem>> -> memref<1x128xi32, #tpu.memory_space<vmem>>
    %dma_start3A_108 = tpu.memref_squeeze %dma_start3A_107 : memref<1x128xi32, #tpu.memory_space<vmem>> -> memref<128xi32, #tpu.memory_space<vmem>>
    %dma_start3A_109 = arith.constant 0 : i32
    %dma_start3A_110 = arith.constant 0 : i32
    %dma_start3A_111 = tpu.memref_slice %arg11[%dma_start3A_109, %dma_start3A_110] : memref<10008x64xf32, #tpu.memory_space<vmem_shared>> -> memref<10008x64xf32, #tpu.memory_space<vmem_shared>>
    tpu.enqueue_indirect_dma source(%arg16 : memref<128x64xf32, #tpu.memory_space<vmem>>) target(%dma_start3A_111 : memref<10008x64xf32, #tpu.memory_space<vmem_shared>>) offsets(%dma_start3A_108 : memref<128xi32, #tpu.memory_space<vmem>>) semaphore(%arg22 : memref<!tpu.dma_semaphore, #tpu.memory_space<semaphore_mem>>) {add = true}
    %dma_wait3A_112 = arith.constant 30 : i32
    %dma_wait3A_113 = arith.constant 0 : i32
    %dma_wait3A_114 = tpu.memref_slice %arg14[%dma_wait3A_112, %dma_wait3A_113] : memref<32x128xi32, #tpu.memory_space<vmem>> -> memref<1x128xi32, #tpu.memory_space<vmem>>
    %dma_wait3A_115 = tpu.memref_squeeze %dma_wait3A_114 : memref<1x128xi32, #tpu.memory_space<vmem>> -> memref<128xi32, #tpu.memory_space<vmem>>
    %dma_wait3A_116 = arith.constant 0 : i32
    %dma_wait3A_117 = arith.constant 0 : i32
    %dma_wait3A_118 = tpu.memref_slice %arg11[%dma_wait3A_116, %dma_wait3A_117] : memref<10008x64xf32, #tpu.memory_space<vmem_shared>> -> memref<10008x64xf32, #tpu.memory_space<vmem_shared>>
    tpu.wait_indirect_dma semaphore(%arg21 : memref<!tpu.dma_semaphore, #tpu.memory_space<semaphore_mem>>) src(%arg15 : memref<128x64xf32, #tpu.memory_space<vmem>>) dst(%dma_wait3A_118 : memref<10008x64xf32, #tpu.memory_space<vmem_shared>>)
    %dma_wait3A_119 = arith.constant 31 : i32
    %dma_wait3A_120 = arith.constant 0 : i32
    %dma_wait3A_121 = tpu.memref_slice %arg14[%dma_wait3A_119, %dma_wait3A_120] : memref<32x128xi32, #tpu.memory_space<vmem>> -> memref<1x128xi32, #tpu.memory_space<vmem>>
    %dma_wait3A_122 = tpu.memref_squeeze %dma_wait3A_121 : memref<1x128xi32, #tpu.memory_space<vmem>> -> memref<128xi32, #tpu.memory_space<vmem>>
    %dma_wait3A_123 = arith.constant 0 : i32
    %dma_wait3A_124 = arith.constant 0 : i32
    %dma_wait3A_125 = tpu.memref_slice %arg11[%dma_wait3A_123, %dma_wait3A_124] : memref<10008x64xf32, #tpu.memory_space<vmem_shared>> -> memref<10008x64xf32, #tpu.memory_space<vmem_shared>>
    tpu.wait_indirect_dma semaphore(%arg22 : memref<!tpu.dma_semaphore, #tpu.memory_space<semaphore_mem>>) src(%arg16 : memref<128x64xf32, #tpu.memory_space<vmem>>) dst(%dma_wait3A_125 : memref<10008x64xf32, #tpu.memory_space<vmem_shared>>)
    %scan3A_126 = arith.constant 0 : i32
    %scan3A_127 = arith.constant 16 : i32
    %scan3A_128 = arith.addi %scan3A_126, %scan3A_127 : i32
    %scan3A_129 = arith.constant 1 : i32
    scf.for %scan3A_221 = %scan3A_126 to %scan3A_128 step %scan3A_129  : i32 {
      %mul3A_222 = arith.constant 1 : i32
      %mul3A_223 = arith.muli %scan3A_221, %mul3A_222 : i32
      %add3A_224 = arith.constant 0 : i32
      %add3A_225 = arith.addi %add3A_224, %mul3A_223 : i32
      %mul3A_226 = arith.constant 2 : i32
      %mul3A_227 = arith.muli %mul3A_226, %add3A_225 : i32
      %add3A_228 = arith.addi %mul3A_227, %arg0 : i32
      "tpu.region"() ({
        %run_scoped3A = tpu.sem_alloc : memref<!tpu.dma_semaphore, #tpu.memory_space<semaphore_mem>>
        %dma_start3A_229 = arith.constant 0 : i32
        %dma_start3A_230 = tpu.memref_slice %arg14[%add3A_228, %dma_start3A_229] : memref<32x128xi32, #tpu.memory_space<vmem>> -> memref<1x128xi32, #tpu.memory_space<vmem>>
        %dma_start3A_231 = tpu.memref_squeeze %dma_start3A_230 : memref<1x128xi32, #tpu.memory_space<vmem>> -> memref<128xi32, #tpu.memory_space<vmem>>
        %dma_start3A_232 = arith.constant 0 : i32
        %dma_start3A_233 = tpu.memref_slice %arg12[%dma_start3A_232] : memref<10008xf32, #tpu.memory_space<vmem_shared>> -> memref<10008xf32, #tpu.memory_space<vmem_shared>>
        tpu.enqueue_indirect_dma source(%arg17 : memref<128xf32, #tpu.memory_space<vmem>>) target(%dma_start3A_233 : memref<10008xf32, #tpu.memory_space<vmem_shared>>) offsets(%dma_start3A_231 : memref<128xi32, #tpu.memory_space<vmem>>) semaphore(%run_scoped3A : memref<!tpu.dma_semaphore, #tpu.memory_space<semaphore_mem>>) {add = true}
        %dma_wait3A_234 = arith.constant 0 : i32
        %dma_wait3A_235 = tpu.memref_slice %arg14[%add3A_228, %dma_wait3A_234] : memref<32x128xi32, #tpu.memory_space<vmem>> -> memref<1x128xi32, #tpu.memory_space<vmem>>
        %dma_wait3A_236 = tpu.memref_squeeze %dma_wait3A_235 : memref<1x128xi32, #tpu.memory_space<vmem>> -> memref<128xi32, #tpu.memory_space<vmem>>
        %dma_wait3A_237 = arith.constant 0 : i32
        %dma_wait3A_238 = tpu.memref_slice %arg12[%dma_wait3A_237] : memref<10008xf32, #tpu.memory_space<vmem_shared>> -> memref<10008xf32, #tpu.memory_space<vmem_shared>>
        tpu.wait_indirect_dma semaphore(%run_scoped3A : memref<!tpu.dma_semaphore, #tpu.memory_space<semaphore_mem>>) src(%arg17 : memref<128xf32, #tpu.memory_space<vmem>>) dst(%dma_wait3A_238 : memref<10008xf32, #tpu.memory_space<vmem_shared>>)
        tpu.yield
      }) : () -> ()
    }
    %scan3A_130 = arith.constant 16 : i32
    %mul3A_131 = arith.constant 160 : i32
    %mul3A_132 = arith.muli %arg1, %mul3A_131 : i32
    %add3A_133 = arith.constant 96 : i32
    %add3A_134 = arith.addi %mul3A_132, %add3A_133 : i32
    "tpu.region"() ({
      %run_scoped3A = tpu.sem_alloc : memref<!tpu.dma_semaphore, #tpu.memory_space<semaphore_mem>>
      %dma_start3A_221 = arith.constant 0 : i32
      %dma_start3A_222 = tpu.memref_slice %arg3[%add3A_134, %dma_start3A_221] : memref<2560x128xi32, #tpu.memory_space<hbm>> -> memref<32x128xi32, #tpu.memory_space<hbm>>
      %dma_start3A_223 = arith.constant 0 : i32
      %dma_start3A_224 = tpu.memref_slice %arg3[%add3A_134, %dma_start3A_223] : memref<2560x128xi32, #tpu.memory_space<hbm>> -> memref<32x128xi32, #tpu.memory_space<hbm>>
      tpu.enqueue_dma source(%dma_start3A_224 : memref<32x128xi32, #tpu.memory_space<hbm>>) target(%arg13 : memref<32x128xi32, #tpu.memory_space<vmem>>) target_semaphore(%run_scoped3A : memref<!tpu.dma_semaphore, #tpu.memory_space<semaphore_mem>>)
      %dma_wait3A_225 = arith.constant 0 : i32
      %dma_wait3A_226 = tpu.memref_slice %arg3[%add3A_134, %dma_wait3A_225] : memref<2560x128xi32, #tpu.memory_space<hbm>> -> memref<32x128xi32, #tpu.memory_space<hbm>>
      %dma_wait3A_227 = arith.constant 0 : i32
      %dma_wait3A_228 = tpu.memref_slice %arg3[%add3A_134, %dma_wait3A_227] : memref<2560x128xi32, #tpu.memory_space<hbm>> -> memref<32x128xi32, #tpu.memory_space<hbm>>
      tpu.wait_dma2 semaphore(%run_scoped3A : memref<!tpu.dma_semaphore, #tpu.memory_space<semaphore_mem>>) src(%dma_wait3A_228 : memref<32x128xi32, #tpu.memory_space<hbm>>) dst(%arg13 : memref<32x128xi32, #tpu.memory_space<vmem>>)
      tpu.yield
    }) : () -> ()
    "tpu.region"() ({
      %run_scoped3A = tpu.sem_alloc : memref<!tpu.dma_semaphore, #tpu.memory_space<semaphore_mem>>
      %dma_start3A_221 = arith.constant 0 : i32
      %dma_start3A_222 = tpu.memref_slice %arg4[%add3A_134, %dma_start3A_221] : memref<2560x128xi32, #tpu.memory_space<hbm>> -> memref<32x128xi32, #tpu.memory_space<hbm>>
      %dma_start3A_223 = arith.constant 0 : i32
      %dma_start3A_224 = tpu.memref_slice %arg4[%add3A_134, %dma_start3A_223] : memref<2560x128xi32, #tpu.memory_space<hbm>> -> memref<32x128xi32, #tpu.memory_space<hbm>>
      tpu.enqueue_dma source(%dma_start3A_224 : memref<32x128xi32, #tpu.memory_space<hbm>>) target(%arg14 : memref<32x128xi32, #tpu.memory_space<vmem>>) target_semaphore(%run_scoped3A : memref<!tpu.dma_semaphore, #tpu.memory_space<semaphore_mem>>)
      %dma_wait3A_225 = arith.constant 0 : i32
      %dma_wait3A_226 = tpu.memref_slice %arg4[%add3A_134, %dma_wait3A_225] : memref<2560x128xi32, #tpu.memory_space<hbm>> -> memref<32x128xi32, #tpu.memory_space<hbm>>
      %dma_wait3A_227 = arith.constant 0 : i32
      %dma_wait3A_228 = tpu.memref_slice %arg4[%add3A_134, %dma_wait3A_227] : memref<2560x128xi32, #tpu.memory_space<hbm>> -> memref<32x128xi32, #tpu.memory_space<hbm>>
      tpu.wait_dma2 semaphore(%run_scoped3A : memref<!tpu.dma_semaphore, #tpu.memory_space<semaphore_mem>>) src(%dma_wait3A_228 : memref<32x128xi32, #tpu.memory_space<hbm>>) dst(%arg14 : memref<32x128xi32, #tpu.memory_space<vmem>>)
      tpu.yield
    }) : () -> ()
    %scan3A_135 = arith.constant 0 : i32
    %scan3A_136 = arith.constant 4 : i32
    %scan3A_137 = arith.addi %scan3A_135, %scan3A_136 : i32
    %scan3A_138 = arith.constant 1 : i32
    scf.for %scan3A_221 = %scan3A_135 to %scan3A_137 step %scan3A_138  : i32 {
      %mul3A_222 = arith.constant 1 : i32
      %mul3A_223 = arith.muli %scan3A_221, %mul3A_222 : i32
      %add3A_224 = arith.constant 0 : i32
      %add3A_225 = arith.addi %add3A_224, %mul3A_223 : i32
      %mul3A_226 = arith.constant 8 : i32
      %mul3A_227 = arith.muli %add3A_225, %mul3A_226 : i32
      %add3A_228 = arith.constant 0 : i32
      %add3A_229 = arith.addi %mul3A_227, %add3A_228 : i32
      %gt3A = arith.constant 0 : i32
      %gt3A_230 = arith.cmpi sgt, %add3A_225, %gt3A : i32
      %convert_element_type3A_231 = arith.extui %gt3A_230 : i1 to i32
      %cond3A_232 = arith.constant 0 : i32
      %cond3A_233 = arith.cmpi ne, %convert_element_type3A_231, %cond3A_232 : i32
      scf.if %cond3A_233 {
        %sub3A_479 = arith.constant 2 : i32
        %sub3A_480 = arith.subi %add3A_229, %sub3A_479 : i32
        %dma_wait3A_481 = arith.constant 0 : i32
        %dma_wait3A_482 = tpu.memref_slice %arg14[%sub3A_480, %dma_wait3A_481] : memref<32x128xi32, #tpu.memory_space<vmem>> -> memref<1x128xi32, #tpu.memory_space<vmem>>
        %dma_wait3A_483 = tpu.memref_squeeze %dma_wait3A_482 : memref<1x128xi32, #tpu.memory_space<vmem>> -> memref<128xi32, #tpu.memory_space<vmem>>
        %dma_wait3A_484 = arith.constant 0 : i32
        %dma_wait3A_485 = arith.constant 0 : i32
        %dma_wait3A_486 = tpu.memref_slice %arg11[%dma_wait3A_484, %dma_wait3A_485] : memref<10008x64xf32, #tpu.memory_space<vmem_shared>> -> memref<10008x64xf32, #tpu.memory_space<vmem_shared>>
        tpu.wait_indirect_dma semaphore(%arg21 : memref<!tpu.dma_semaphore, #tpu.memory_space<semaphore_mem>>) src(%arg15 : memref<128x64xf32, #tpu.memory_space<vmem>>) dst(%dma_wait3A_486 : memref<10008x64xf32, #tpu.memory_space<vmem_shared>>)
      } else {
      }
      %dma_start3A_234 = arith.constant 0 : i32
      %dma_start3A_235 = tpu.memref_slice %arg13[%add3A_229, %dma_start3A_234] : memref<32x128xi32, #tpu.memory_space<vmem>> -> memref<1x128xi32, #tpu.memory_space<vmem>>
      %dma_start3A_236 = tpu.memref_squeeze %dma_start3A_235 : memref<1x128xi32, #tpu.memory_space<vmem>> -> memref<128xi32, #tpu.memory_space<vmem>>
      %dma_start3A_237 = arith.constant 0 : i32
      %dma_start3A_238 = arith.constant 0 : i32
      %dma_start3A_239 = tpu.memref_slice %arg10[%dma_start3A_237, %dma_start3A_238] : memref<10000x64xf32, #tpu.memory_space<vmem_shared>> -> memref<10000x64xf32, #tpu.memory_space<vmem_shared>>
      tpu.enqueue_indirect_dma source(%dma_start3A_239 : memref<10000x64xf32, #tpu.memory_space<vmem_shared>>) target(%arg15 : memref<128x64xf32, #tpu.memory_space<vmem>>) offsets(%dma_start3A_236 : memref<128xi32, #tpu.memory_space<vmem>>) semaphore(%arg19 : memref<!tpu.dma_semaphore, #tpu.memory_space<semaphore_mem>>)
      %gt3A_240 = arith.constant 0 : i32
      %gt3A_241 = arith.cmpi sgt, %add3A_225, %gt3A_240 : i32
      %convert_element_type3A_242 = arith.extui %gt3A_241 : i1 to i32
      %cond3A_243 = arith.constant 0 : i32
      %cond3A_244 = arith.cmpi ne, %convert_element_type3A_242, %cond3A_243 : i32
      scf.if %cond3A_244 {
        %sub3A_479 = arith.constant 1 : i32
        %sub3A_480 = arith.subi %add3A_229, %sub3A_479 : i32
        %dma_wait3A_481 = arith.constant 0 : i32
        %dma_wait3A_482 = tpu.memref_slice %arg13[%sub3A_480, %dma_wait3A_481] : memref<32x128xi32, #tpu.memory_space<vmem>> -> memref<1x128xi32, #tpu.memory_space<vmem>>
        %dma_wait3A_483 = tpu.memref_squeeze %dma_wait3A_482 : memref<1x128xi32, #tpu.memory_space<vmem>> -> memref<128xi32, #tpu.memory_space<vmem>>
        %dma_wait3A_484 = arith.constant 0 : i32
        %dma_wait3A_485 = arith.constant 0 : i32
        %dma_wait3A_486 = tpu.memref_slice %arg10[%dma_wait3A_484, %dma_wait3A_485] : memref<10000x64xf32, #tpu.memory_space<vmem_shared>> -> memref<10000x64xf32, #tpu.memory_space<vmem_shared>>
        tpu.wait_indirect_dma semaphore(%arg20 : memref<!tpu.dma_semaphore, #tpu.memory_space<semaphore_mem>>) src(%dma_wait3A_486 : memref<10000x64xf32, #tpu.memory_space<vmem_shared>>) dst(%arg16 : memref<128x64xf32, #tpu.memory_space<vmem>>)
        %sub3A_487 = arith.constant 1 : i32
        %sub3A_488 = arith.subi %add3A_229, %sub3A_487 : i32
        %dma_start3A_489 = arith.constant 0 : i32
        %dma_start3A_490 = tpu.memref_slice %arg14[%sub3A_488, %dma_start3A_489] : memref<32x128xi32, #tpu.memory_space<vmem>> -> memref<1x128xi32, #tpu.memory_space<vmem>>
        %dma_start3A_491 = tpu.memref_squeeze %dma_start3A_490 : memref<1x128xi32, #tpu.memory_space<vmem>> -> memref<128xi32, #tpu.memory_space<vmem>>
        %dma_start3A_492 = arith.constant 0 : i32
        %dma_start3A_493 = arith.constant 0 : i32
        %dma_start3A_494 = tpu.memref_slice %arg11[%dma_start3A_492, %dma_start3A_493] : memref<10008x64xf32, #tpu.memory_space<vmem_shared>> -> memref<10008x64xf32, #tpu.memory_space<vmem_shared>>
        tpu.enqueue_indirect_dma source(%arg16 : memref<128x64xf32, #tpu.memory_space<vmem>>) target(%dma_start3A_494 : memref<10008x64xf32, #tpu.memory_space<vmem_shared>>) offsets(%dma_start3A_491 : memref<128xi32, #tpu.memory_space<vmem>>) semaphore(%arg22 : memref<!tpu.dma_semaphore, #tpu.memory_space<semaphore_mem>>) {add = true}
      } else {
      }
      %mul3A_245 = arith.constant 8 : i32
      %mul3A_246 = arith.muli %add3A_225, %mul3A_245 : i32
      %add3A_247 = arith.constant 1 : i32
      %add3A_248 = arith.addi %mul3A_246, %add3A_247 : i32
      %gt3A_249 = arith.constant 0 : i32
      %gt3A_250 = arith.cmpi sgt, %add3A_225, %gt3A_249 : i32
      %convert_element_type3A_251 = arith.extui %gt3A_250 : i1 to i32
      %cond3A_252 = arith.constant 0 : i32
      %cond3A_253 = arith.cmpi ne, %convert_element_type3A_251, %cond3A_252 : i32
      scf.if %cond3A_253 {
        %sub3A_479 = arith.constant 2 : i32
        %sub3A_480 = arith.subi %add3A_248, %sub3A_479 : i32
        %dma_wait3A_481 = arith.constant 0 : i32
        %dma_wait3A_482 = tpu.memref_slice %arg14[%sub3A_480, %dma_wait3A_481] : memref<32x128xi32, #tpu.memory_space<vmem>> -> memref<1x128xi32, #tpu.memory_space<vmem>>
        %dma_wait3A_483 = tpu.memref_squeeze %dma_wait3A_482 : memref<1x128xi32, #tpu.memory_space<vmem>> -> memref<128xi32, #tpu.memory_space<vmem>>
        %dma_wait3A_484 = arith.constant 0 : i32
        %dma_wait3A_485 = arith.constant 0 : i32
        %dma_wait3A_486 = tpu.memref_slice %arg11[%dma_wait3A_484, %dma_wait3A_485] : memref<10008x64xf32, #tpu.memory_space<vmem_shared>> -> memref<10008x64xf32, #tpu.memory_space<vmem_shared>>
        tpu.wait_indirect_dma semaphore(%arg22 : memref<!tpu.dma_semaphore, #tpu.memory_space<semaphore_mem>>) src(%arg16 : memref<128x64xf32, #tpu.memory_space<vmem>>) dst(%dma_wait3A_486 : memref<10008x64xf32, #tpu.memory_space<vmem_shared>>)
      } else {
      }
      %dma_start3A_254 = arith.constant 0 : i32
      %dma_start3A_255 = tpu.memref_slice %arg13[%add3A_248, %dma_start3A_254] : memref<32x128xi32, #tpu.memory_space<vmem>> -> memref<1x128xi32, #tpu.memory_space<vmem>>
      %dma_start3A_256 = tpu.memref_squeeze %dma_start3A_255 : memref<1x128xi32, #tpu.memory_space<vmem>> -> memref<128xi32, #tpu.memory_space<vmem>>
      %dma_start3A_257 = arith.constant 0 : i32
      %dma_start3A_258 = arith.constant 0 : i32
      %dma_start3A_259 = tpu.memref_slice %arg10[%dma_start3A_257, %dma_start3A_258] : memref<10000x64xf32, #tpu.memory_space<vmem_shared>> -> memref<10000x64xf32, #tpu.memory_space<vmem_shared>>
      tpu.enqueue_indirect_dma source(%dma_start3A_259 : memref<10000x64xf32, #tpu.memory_space<vmem_shared>>) target(%arg16 : memref<128x64xf32, #tpu.memory_space<vmem>>) offsets(%dma_start3A_256 : memref<128xi32, #tpu.memory_space<vmem>>) semaphore(%arg20 : memref<!tpu.dma_semaphore, #tpu.memory_space<semaphore_mem>>)
      %sub3A = arith.constant 1 : i32
      %sub3A_260 = arith.subi %add3A_248, %sub3A : i32
      %dma_wait3A_261 = arith.constant 0 : i32
      %dma_wait3A_262 = tpu.memref_slice %arg13[%sub3A_260, %dma_wait3A_261] : memref<32x128xi32, #tpu.memory_space<vmem>> -> memref<1x128xi32, #tpu.memory_space<vmem>>
      %dma_wait3A_263 = tpu.memref_squeeze %dma_wait3A_262 : memref<1x128xi32, #tpu.memory_space<vmem>> -> memref<128xi32, #tpu.memory_space<vmem>>
      %dma_wait3A_264 = arith.constant 0 : i32
      %dma_wait3A_265 = arith.constant 0 : i32
      %dma_wait3A_266 = tpu.memref_slice %arg10[%dma_wait3A_264, %dma_wait3A_265] : memref<10000x64xf32, #tpu.memory_space<vmem_shared>> -> memref<10000x64xf32, #tpu.memory_space<vmem_shared>>
      tpu.wait_indirect_dma semaphore(%arg19 : memref<!tpu.dma_semaphore, #tpu.memory_space<semaphore_mem>>) src(%dma_wait3A_266 : memref<10000x64xf32, #tpu.memory_space<vmem_shared>>) dst(%arg15 : memref<128x64xf32, #tpu.memory_space<vmem>>)
      %sub3A_267 = arith.constant 1 : i32
      %sub3A_268 = arith.subi %add3A_248, %sub3A_267 : i32
      %dma_start3A_269 = arith.constant 0 : i32
      %dma_start3A_270 = tpu.memref_slice %arg14[%sub3A_268, %dma_start3A_269] : memref<32x128xi32, #tpu.memory_space<vmem>> -> memref<1x128xi32, #tpu.memory_space<vmem>>
      %dma_start3A_271 = tpu.memref_squeeze %dma_start3A_270 : memref<1x128xi32, #tpu.memory_space<vmem>> -> memref<128xi32, #tpu.memory_space<vmem>>
      %dma_start3A_272 = arith.constant 0 : i32
      %dma_start3A_273 = arith.constant 0 : i32
      %dma_start3A_274 = tpu.memref_slice %arg11[%dma_start3A_272, %dma_start3A_273] : memref<10008x64xf32, #tpu.memory_space<vmem_shared>> -> memref<10008x64xf32, #tpu.memory_space<vmem_shared>>
      tpu.enqueue_indirect_dma source(%arg15 : memref<128x64xf32, #tpu.memory_space<vmem>>) target(%dma_start3A_274 : memref<10008x64xf32, #tpu.memory_space<vmem_shared>>) offsets(%dma_start3A_271 : memref<128xi32, #tpu.memory_space<vmem>>) semaphore(%arg21 : memref<!tpu.dma_semaphore, #tpu.memory_space<semaphore_mem>>) {add = true}
      %mul3A_275 = arith.constant 8 : i32
      %mul3A_276 = arith.muli %add3A_225, %mul3A_275 : i32
      %add3A_277 = arith.constant 2 : i32
      %add3A_278 = arith.addi %mul3A_276, %add3A_277 : i32
      %sub3A_279 = arith.constant 2 : i32
      %sub3A_280 = arith.subi %add3A_278, %sub3A_279 : i32
      %dma_wait3A_281 = arith.constant 0 : i32
      %dma_wait3A_282 = tpu.memref_slice %arg14[%sub3A_280, %dma_wait3A_281] : memref<32x128xi32, #tpu.memory_space<vmem>> -> memref<1x128xi32, #tpu.memory_space<vmem>>
      %dma_wait3A_283 = tpu.memref_squeeze %dma_wait3A_282 : memref<1x128xi32, #tpu.memory_space<vmem>> -> memref<128xi32, #tpu.memory_space<vmem>>
      %dma_wait3A_284 = arith.constant 0 : i32
      %dma_wait3A_285 = arith.constant 0 : i32
      %dma_wait3A_286 = tpu.memref_slice %arg11[%dma_wait3A_284, %dma_wait3A_285] : memref<10008x64xf32, #tpu.memory_space<vmem_shared>> -> memref<10008x64xf32, #tpu.memory_space<vmem_shared>>
      tpu.wait_indirect_dma semaphore(%arg21 : memref<!tpu.dma_semaphore, #tpu.memory_space<semaphore_mem>>) src(%arg15 : memref<128x64xf32, #tpu.memory_space<vmem>>) dst(%dma_wait3A_286 : memref<10008x64xf32, #tpu.memory_space<vmem_shared>>)
      %dma_start3A_287 = arith.constant 0 : i32
      %dma_start3A_288 = tpu.memref_slice %arg13[%add3A_278, %dma_start3A_287] : memref<32x128xi32, #tpu.memory_space<vmem>> -> memref<1x128xi32, #tpu.memory_space<vmem>>
      %dma_start3A_289 = tpu.memref_squeeze %dma_start3A_288 : memref<1x128xi32, #tpu.memory_space<vmem>> -> memref<128xi32, #tpu.memory_space<vmem>>
      %dma_start3A_290 = arith.constant 0 : i32
      %dma_start3A_291 = arith.constant 0 : i32
      %dma_start3A_292 = tpu.memref_slice %arg10[%dma_start3A_290, %dma_start3A_291] : memref<10000x64xf32, #tpu.memory_space<vmem_shared>> -> memref<10000x64xf32, #tpu.memory_space<vmem_shared>>
      tpu.enqueue_indirect_dma source(%dma_start3A_292 : memref<10000x64xf32, #tpu.memory_space<vmem_shared>>) target(%arg15 : memref<128x64xf32, #tpu.memory_space<vmem>>) offsets(%dma_start3A_289 : memref<128xi32, #tpu.memory_space<vmem>>) semaphore(%arg19 : memref<!tpu.dma_semaphore, #tpu.memory_space<semaphore_mem>>)
      %sub3A_293 = arith.constant 1 : i32
      %sub3A_294 = arith.subi %add3A_278, %sub3A_293 : i32
      %dma_wait3A_295 = arith.constant 0 : i32
      %dma_wait3A_296 = tpu.memref_slice %arg13[%sub3A_294, %dma_wait3A_295] : memref<32x128xi32, #tpu.memory_space<vmem>> -> memref<1x128xi32, #tpu.memory_space<vmem>>
      %dma_wait3A_297 = tpu.memref_squeeze %dma_wait3A_296 : memref<1x128xi32, #tpu.memory_space<vmem>> -> memref<128xi32, #tpu.memory_space<vmem>>
      %dma_wait3A_298 = arith.constant 0 : i32
      %dma_wait3A_299 = arith.constant 0 : i32
      %dma_wait3A_300 = tpu.memref_slice %arg10[%dma_wait3A_298, %dma_wait3A_299] : memref<10000x64xf32, #tpu.memory_space<vmem_shared>> -> memref<10000x64xf32, #tpu.memory_space<vmem_shared>>
      tpu.wait_indirect_dma semaphore(%arg20 : memref<!tpu.dma_semaphore, #tpu.memory_space<semaphore_mem>>) src(%dma_wait3A_300 : memref<10000x64xf32, #tpu.memory_space<vmem_shared>>) dst(%arg16 : memref<128x64xf32, #tpu.memory_space<vmem>>)
      %sub3A_301 = arith.constant 1 : i32
      %sub3A_302 = arith.subi %add3A_278, %sub3A_301 : i32
      %dma_start3A_303 = arith.constant 0 : i32
      %dma_start3A_304 = tpu.memref_slice %arg14[%sub3A_302, %dma_start3A_303] : memref<32x128xi32, #tpu.memory_space<vmem>> -> memref<1x128xi32, #tpu.memory_space<vmem>>
      %dma_start3A_305 = tpu.memref_squeeze %dma_start3A_304 : memref<1x128xi32, #tpu.memory_space<vmem>> -> memref<128xi32, #tpu.memory_space<vmem>>
      %dma_start3A_306 = arith.constant 0 : i32
      %dma_start3A_307 = arith.constant 0 : i32
      %dma_start3A_308 = tpu.memref_slice %arg11[%dma_start3A_306, %dma_start3A_307] : memref<10008x64xf32, #tpu.memory_space<vmem_shared>> -> memref<10008x64xf32, #tpu.memory_space<vmem_shared>>
      tpu.enqueue_indirect_dma source(%arg16 : memref<128x64xf32, #tpu.memory_space<vmem>>) target(%dma_start3A_308 : memref<10008x64xf32, #tpu.memory_space<vmem_shared>>) offsets(%dma_start3A_305 : memref<128xi32, #tpu.memory_space<vmem>>) semaphore(%arg22 : memref<!tpu.dma_semaphore, #tpu.memory_space<semaphore_mem>>) {add = true}
      %mul3A_309 = arith.constant 8 : i32
      %mul3A_310 = arith.muli %add3A_225, %mul3A_309 : i32
      %add3A_311 = arith.constant 3 : i32
      %add3A_312 = arith.addi %mul3A_310, %add3A_311 : i32
      %sub3A_313 = arith.constant 2 : i32
      %sub3A_314 = arith.subi %add3A_312, %sub3A_313 : i32
      %dma_wait3A_315 = arith.constant 0 : i32
      %dma_wait3A_316 = tpu.memref_slice %arg14[%sub3A_314, %dma_wait3A_315] : memref<32x128xi32, #tpu.memory_space<vmem>> -> memref<1x128xi32, #tpu.memory_space<vmem>>
      %dma_wait3A_317 = tpu.memref_squeeze %dma_wait3A_316 : memref<1x128xi32, #tpu.memory_space<vmem>> -> memref<128xi32, #tpu.memory_space<vmem>>
      %dma_wait3A_318 = arith.constant 0 : i32
      %dma_wait3A_319 = arith.constant 0 : i32
      %dma_wait3A_320 = tpu.memref_slice %arg11[%dma_wait3A_318, %dma_wait3A_319] : memref<10008x64xf32, #tpu.memory_space<vmem_shared>> -> memref<10008x64xf32, #tpu.memory_space<vmem_shared>>
      tpu.wait_indirect_dma semaphore(%arg22 : memref<!tpu.dma_semaphore, #tpu.memory_space<semaphore_mem>>) src(%arg16 : memref<128x64xf32, #tpu.memory_space<vmem>>) dst(%dma_wait3A_320 : memref<10008x64xf32, #tpu.memory_space<vmem_shared>>)
      %dma_start3A_321 = arith.constant 0 : i32
      %dma_start3A_322 = tpu.memref_slice %arg13[%add3A_312, %dma_start3A_321] : memref<32x128xi32, #tpu.memory_space<vmem>> -> memref<1x128xi32, #tpu.memory_space<vmem>>
      %dma_start3A_323 = tpu.memref_squeeze %dma_start3A_322 : memref<1x128xi32, #tpu.memory_space<vmem>> -> memref<128xi32, #tpu.memory_space<vmem>>
      %dma_start3A_324 = arith.constant 0 : i32
      %dma_start3A_325 = arith.constant 0 : i32
      %dma_start3A_326 = tpu.memref_slice %arg10[%dma_start3A_324, %dma_start3A_325] : memref<10000x64xf32, #tpu.memory_space<vmem_shared>> -> memref<10000x64xf32, #tpu.memory_space<vmem_shared>>
      tpu.enqueue_indirect_dma source(%dma_start3A_326 : memref<10000x64xf32, #tpu.memory_space<vmem_shared>>) target(%arg16 : memref<128x64xf32, #tpu.memory_space<vmem>>) offsets(%dma_start3A_323 : memref<128xi32, #tpu.memory_space<vmem>>) semaphore(%arg20 : memref<!tpu.dma_semaphore, #tpu.memory_space<semaphore_mem>>)
      %sub3A_327 = arith.constant 1 : i32
      %sub3A_328 = arith.subi %add3A_312, %sub3A_327 : i32
      %dma_wait3A_329 = arith.constant 0 : i32
      %dma_wait3A_330 = tpu.memref_slice %arg13[%sub3A_328, %dma_wait3A_329] : memref<32x128xi32, #tpu.memory_space<vmem>> -> memref<1x128xi32, #tpu.memory_space<vmem>>
      %dma_wait3A_331 = tpu.memref_squeeze %dma_wait3A_330 : memref<1x128xi32, #tpu.memory_space<vmem>> -> memref<128xi32, #tpu.memory_space<vmem>>
      %dma_wait3A_332 = arith.constant 0 : i32
      %dma_wait3A_333 = arith.constant 0 : i32
      %dma_wait3A_334 = tpu.memref_slice %arg10[%dma_wait3A_332, %dma_wait3A_333] : memref<10000x64xf32, #tpu.memory_space<vmem_shared>> -> memref<10000x64xf32, #tpu.memory_space<vmem_shared>>
      tpu.wait_indirect_dma semaphore(%arg19 : memref<!tpu.dma_semaphore, #tpu.memory_space<semaphore_mem>>) src(%dma_wait3A_334 : memref<10000x64xf32, #tpu.memory_space<vmem_shared>>) dst(%arg15 : memref<128x64xf32, #tpu.memory_space<vmem>>)
      %sub3A_335 = arith.constant 1 : i32
      %sub3A_336 = arith.subi %add3A_312, %sub3A_335 : i32
      %dma_start3A_337 = arith.constant 0 : i32
      %dma_start3A_338 = tpu.memref_slice %arg14[%sub3A_336, %dma_start3A_337] : memref<32x128xi32, #tpu.memory_space<vmem>> -> memref<1x128xi32, #tpu.memory_space<vmem>>
      %dma_start3A_339 = tpu.memref_squeeze %dma_start3A_338 : memref<1x128xi32, #tpu.memory_space<vmem>> -> memref<128xi32, #tpu.memory_space<vmem>>
      %dma_start3A_340 = arith.constant 0 : i32
      %dma_start3A_341 = arith.constant 0 : i32
      %dma_start3A_342 = tpu.memref_slice %arg11[%dma_start3A_340, %dma_start3A_341] : memref<10008x64xf32, #tpu.memory_space<vmem_shared>> -> memref<10008x64xf32, #tpu.memory_space<vmem_shared>>
      tpu.enqueue_indirect_dma source(%arg15 : memref<128x64xf32, #tpu.memory_space<vmem>>) target(%dma_start3A_342 : memref<10008x64xf32, #tpu.memory_space<vmem_shared>>) offsets(%dma_start3A_339 : memref<128xi32, #tpu.memory_space<vmem>>) semaphore(%arg21 : memref<!tpu.dma_semaphore, #tpu.memory_space<semaphore_mem>>) {add = true}
      %mul3A_343 = arith.constant 8 : i32
      %mul3A_344 = arith.muli %add3A_225, %mul3A_343 : i32
      %add3A_345 = arith.constant 4 : i32
      %add3A_346 = arith.addi %mul3A_344, %add3A_345 : i32
      %sub3A_347 = arith.constant 2 : i32
      %sub3A_348 = arith.subi %add3A_346, %sub3A_347 : i32
      %dma_wait3A_349 = arith.constant 0 : i32
      %dma_wait3A_350 = tpu.memref_slice %arg14[%sub3A_348, %dma_wait3A_349] : memref<32x128xi32, #tpu.memory_space<vmem>> -> memref<1x128xi32, #tpu.memory_space<vmem>>
      %dma_wait3A_351 = tpu.memref_squeeze %dma_wait3A_350 : memref<1x128xi32, #tpu.memory_space<vmem>> -> memref<128xi32, #tpu.memory_space<vmem>>
      %dma_wait3A_352 = arith.constant 0 : i32
      %dma_wait3A_353 = arith.constant 0 : i32
      %dma_wait3A_354 = tpu.memref_slice %arg11[%dma_wait3A_352, %dma_wait3A_353] : memref<10008x64xf32, #tpu.memory_space<vmem_shared>> -> memref<10008x64xf32, #tpu.memory_space<vmem_shared>>
      tpu.wait_indirect_dma semaphore(%arg21 : memref<!tpu.dma_semaphore, #tpu.memory_space<semaphore_mem>>) src(%arg15 : memref<128x64xf32, #tpu.memory_space<vmem>>) dst(%dma_wait3A_354 : memref<10008x64xf32, #tpu.memory_space<vmem_shared>>)
      %dma_start3A_355 = arith.constant 0 : i32
      %dma_start3A_356 = tpu.memref_slice %arg13[%add3A_346, %dma_start3A_355] : memref<32x128xi32, #tpu.memory_space<vmem>> -> memref<1x128xi32, #tpu.memory_space<vmem>>
      %dma_start3A_357 = tpu.memref_squeeze %dma_start3A_356 : memref<1x128xi32, #tpu.memory_space<vmem>> -> memref<128xi32, #tpu.memory_space<vmem>>
      %dma_start3A_358 = arith.constant 0 : i32
      %dma_start3A_359 = arith.constant 0 : i32
      %dma_start3A_360 = tpu.memref_slice %arg10[%dma_start3A_358, %dma_start3A_359] : memref<10000x64xf32, #tpu.memory_space<vmem_shared>> -> memref<10000x64xf32, #tpu.memory_space<vmem_shared>>
      tpu.enqueue_indirect_dma source(%dma_start3A_360 : memref<10000x64xf32, #tpu.memory_space<vmem_shared>>) target(%arg15 : memref<128x64xf32, #tpu.memory_space<vmem>>) offsets(%dma_start3A_357 : memref<128xi32, #tpu.memory_space<vmem>>) semaphore(%arg19 : memref<!tpu.dma_semaphore, #tpu.memory_space<semaphore_mem>>)
      %sub3A_361 = arith.constant 1 : i32
      %sub3A_362 = arith.subi %add3A_346, %sub3A_361 : i32
      %dma_wait3A_363 = arith.constant 0 : i32
      %dma_wait3A_364 = tpu.memref_slice %arg13[%sub3A_362, %dma_wait3A_363] : memref<32x128xi32, #tpu.memory_space<vmem>> -> memref<1x128xi32, #tpu.memory_space<vmem>>
      %dma_wait3A_365 = tpu.memref_squeeze %dma_wait3A_364 : memref<1x128xi32, #tpu.memory_space<vmem>> -> memref<128xi32, #tpu.memory_space<vmem>>
      %dma_wait3A_366 = arith.constant 0 : i32
      %dma_wait3A_367 = arith.constant 0 : i32
      %dma_wait3A_368 = tpu.memref_slice %arg10[%dma_wait3A_366, %dma_wait3A_367] : memref<10000x64xf32, #tpu.memory_space<vmem_shared>> -> memref<10000x64xf32, #tpu.memory_space<vmem_shared>>
      tpu.wait_indirect_dma semaphore(%arg20 : memref<!tpu.dma_semaphore, #tpu.memory_space<semaphore_mem>>) src(%dma_wait3A_368 : memref<10000x64xf32, #tpu.memory_space<vmem_shared>>) dst(%arg16 : memref<128x64xf32, #tpu.memory_space<vmem>>)
      %sub3A_369 = arith.constant 1 : i32
      %sub3A_370 = arith.subi %add3A_346, %sub3A_369 : i32
      %dma_start3A_371 = arith.constant 0 : i32
      %dma_start3A_372 = tpu.memref_slice %arg14[%sub3A_370, %dma_start3A_371] : memref<32x128xi32, #tpu.memory_space<vmem>> -> memref<1x128xi32, #tpu.memory_space<vmem>>
      %dma_start3A_373 = tpu.memref_squeeze %dma_start3A_372 : memref<1x128xi32, #tpu.memory_space<vmem>> -> memref<128xi32, #tpu.memory_space<vmem>>
      %dma_start3A_374 = arith.constant 0 : i32
      %dma_start3A_375 = arith.constant 0 : i32
      %dma_start3A_376 = tpu.memref_slice %arg11[%dma_start3A_374, %dma_start3A_375] : memref<10008x64xf32, #tpu.memory_space<vmem_shared>> -> memref<10008x64xf32, #tpu.memory_space<vmem_shared>>
      tpu.enqueue_indirect_dma source(%arg16 : memref<128x64xf32, #tpu.memory_space<vmem>>) target(%dma_start3A_376 : memref<10008x64xf32, #tpu.memory_space<vmem_shared>>) offsets(%dma_start3A_373 : memref<128xi32, #tpu.memory_space<vmem>>) semaphore(%arg22 : memref<!tpu.dma_semaphore, #tpu.memory_space<semaphore_mem>>) {add = true}
      %mul3A_377 = arith.constant 8 : i32
      %mul3A_378 = arith.muli %add3A_225, %mul3A_377 : i32
      %add3A_379 = arith.constant 5 : i32
      %add3A_380 = arith.addi %mul3A_378, %add3A_379 : i32
      %sub3A_381 = arith.constant 2 : i32
      %sub3A_382 = arith.subi %add3A_380, %sub3A_381 : i32
      %dma_wait3A_383 = arith.constant 0 : i32
      %dma_wait3A_384 = tpu.memref_slice %arg14[%sub3A_382, %dma_wait3A_383] : memref<32x128xi32, #tpu.memory_space<vmem>> -> memref<1x128xi32, #tpu.memory_space<vmem>>
      %dma_wait3A_385 = tpu.memref_squeeze %dma_wait3A_384 : memref<1x128xi32, #tpu.memory_space<vmem>> -> memref<128xi32, #tpu.memory_space<vmem>>
      %dma_wait3A_386 = arith.constant 0 : i32
      %dma_wait3A_387 = arith.constant 0 : i32
      %dma_wait3A_388 = tpu.memref_slice %arg11[%dma_wait3A_386, %dma_wait3A_387] : memref<10008x64xf32, #tpu.memory_space<vmem_shared>> -> memref<10008x64xf32, #tpu.memory_space<vmem_shared>>
      tpu.wait_indirect_dma semaphore(%arg22 : memref<!tpu.dma_semaphore, #tpu.memory_space<semaphore_mem>>) src(%arg16 : memref<128x64xf32, #tpu.memory_space<vmem>>) dst(%dma_wait3A_388 : memref<10008x64xf32, #tpu.memory_space<vmem_shared>>)
      %dma_start3A_389 = arith.constant 0 : i32
      %dma_start3A_390 = tpu.memref_slice %arg13[%add3A_380, %dma_start3A_389] : memref<32x128xi32, #tpu.memory_space<vmem>> -> memref<1x128xi32, #tpu.memory_space<vmem>>
      %dma_start3A_391 = tpu.memref_squeeze %dma_start3A_390 : memref<1x128xi32, #tpu.memory_space<vmem>> -> memref<128xi32, #tpu.memory_space<vmem>>
      %dma_start3A_392 = arith.constant 0 : i32
      %dma_start3A_393 = arith.constant 0 : i32
      %dma_start3A_394 = tpu.memref_slice %arg10[%dma_start3A_392, %dma_start3A_393] : memref<10000x64xf32, #tpu.memory_space<vmem_shared>> -> memref<10000x64xf32, #tpu.memory_space<vmem_shared>>
      tpu.enqueue_indirect_dma source(%dma_start3A_394 : memref<10000x64xf32, #tpu.memory_space<vmem_shared>>) target(%arg16 : memref<128x64xf32, #tpu.memory_space<vmem>>) offsets(%dma_start3A_391 : memref<128xi32, #tpu.memory_space<vmem>>) semaphore(%arg20 : memref<!tpu.dma_semaphore, #tpu.memory_space<semaphore_mem>>)
      %sub3A_395 = arith.constant 1 : i32
      %sub3A_396 = arith.subi %add3A_380, %sub3A_395 : i32
      %dma_wait3A_397 = arith.constant 0 : i32
      %dma_wait3A_398 = tpu.memref_slice %arg13[%sub3A_396, %dma_wait3A_397] : memref<32x128xi32, #tpu.memory_space<vmem>> -> memref<1x128xi32, #tpu.memory_space<vmem>>
      %dma_wait3A_399 = tpu.memref_squeeze %dma_wait3A_398 : memref<1x128xi32, #tpu.memory_space<vmem>> -> memref<128xi32, #tpu.memory_space<vmem>>
      %dma_wait3A_400 = arith.constant 0 : i32
      %dma_wait3A_401 = arith.constant 0 : i32
      %dma_wait3A_402 = tpu.memref_slice %arg10[%dma_wait3A_400, %dma_wait3A_401] : memref<10000x64xf32, #tpu.memory_space<vmem_shared>> -> memref<10000x64xf32, #tpu.memory_space<vmem_shared>>
      tpu.wait_indirect_dma semaphore(%arg19 : memref<!tpu.dma_semaphore, #tpu.memory_space<semaphore_mem>>) src(%dma_wait3A_402 : memref<10000x64xf32, #tpu.memory_space<vmem_shared>>) dst(%arg15 : memref<128x64xf32, #tpu.memory_space<vmem>>)
      %sub3A_403 = arith.constant 1 : i32
      %sub3A_404 = arith.subi %add3A_380, %sub3A_403 : i32
      %dma_start3A_405 = arith.constant 0 : i32
      %dma_start3A_406 = tpu.memref_slice %arg14[%sub3A_404, %dma_start3A_405] : memref<32x128xi32, #tpu.memory_space<vmem>> -> memref<1x128xi32, #tpu.memory_space<vmem>>
      %dma_start3A_407 = tpu.memref_squeeze %dma_start3A_406 : memref<1x128xi32, #tpu.memory_space<vmem>> -> memref<128xi32, #tpu.memory_space<vmem>>
      %dma_start3A_408 = arith.constant 0 : i32
      %dma_start3A_409 = arith.constant 0 : i32
      %dma_start3A_410 = tpu.memref_slice %arg11[%dma_start3A_408, %dma_start3A_409] : memref<10008x64xf32, #tpu.memory_space<vmem_shared>> -> memref<10008x64xf32, #tpu.memory_space<vmem_shared>>
      tpu.enqueue_indirect_dma source(%arg15 : memref<128x64xf32, #tpu.memory_space<vmem>>) target(%dma_start3A_410 : memref<10008x64xf32, #tpu.memory_space<vmem_shared>>) offsets(%dma_start3A_407 : memref<128xi32, #tpu.memory_space<vmem>>) semaphore(%arg21 : memref<!tpu.dma_semaphore, #tpu.memory_space<semaphore_mem>>) {add = true}
      %mul3A_411 = arith.constant 8 : i32
      %mul3A_412 = arith.muli %add3A_225, %mul3A_411 : i32
      %add3A_413 = arith.constant 6 : i32
      %add3A_414 = arith.addi %mul3A_412, %add3A_413 : i32
      %sub3A_415 = arith.constant 2 : i32
      %sub3A_416 = arith.subi %add3A_414, %sub3A_415 : i32
      %dma_wait3A_417 = arith.constant 0 : i32
      %dma_wait3A_418 = tpu.memref_slice %arg14[%sub3A_416, %dma_wait3A_417] : memref<32x128xi32, #tpu.memory_space<vmem>> -> memref<1x128xi32, #tpu.memory_space<vmem>>
      %dma_wait3A_419 = tpu.memref_squeeze %dma_wait3A_418 : memref<1x128xi32, #tpu.memory_space<vmem>> -> memref<128xi32, #tpu.memory_space<vmem>>
      %dma_wait3A_420 = arith.constant 0 : i32
      %dma_wait3A_421 = arith.constant 0 : i32
      %dma_wait3A_422 = tpu.memref_slice %arg11[%dma_wait3A_420, %dma_wait3A_421] : memref<10008x64xf32, #tpu.memory_space<vmem_shared>> -> memref<10008x64xf32, #tpu.memory_space<vmem_shared>>
      tpu.wait_indirect_dma semaphore(%arg21 : memref<!tpu.dma_semaphore, #tpu.memory_space<semaphore_mem>>) src(%arg15 : memref<128x64xf32, #tpu.memory_space<vmem>>) dst(%dma_wait3A_422 : memref<10008x64xf32, #tpu.memory_space<vmem_shared>>)
      %dma_start3A_423 = arith.constant 0 : i32
      %dma_start3A_424 = tpu.memref_slice %arg13[%add3A_414, %dma_start3A_423] : memref<32x128xi32, #tpu.memory_space<vmem>> -> memref<1x128xi32, #tpu.memory_space<vmem>>
      %dma_start3A_425 = tpu.memref_squeeze %dma_start3A_424 : memref<1x128xi32, #tpu.memory_space<vmem>> -> memref<128xi32, #tpu.memory_space<vmem>>
      %dma_start3A_426 = arith.constant 0 : i32
      %dma_start3A_427 = arith.constant 0 : i32
      %dma_start3A_428 = tpu.memref_slice %arg10[%dma_start3A_426, %dma_start3A_427] : memref<10000x64xf32, #tpu.memory_space<vmem_shared>> -> memref<10000x64xf32, #tpu.memory_space<vmem_shared>>
      tpu.enqueue_indirect_dma source(%dma_start3A_428 : memref<10000x64xf32, #tpu.memory_space<vmem_shared>>) target(%arg15 : memref<128x64xf32, #tpu.memory_space<vmem>>) offsets(%dma_start3A_425 : memref<128xi32, #tpu.memory_space<vmem>>) semaphore(%arg19 : memref<!tpu.dma_semaphore, #tpu.memory_space<semaphore_mem>>)
      %sub3A_429 = arith.constant 1 : i32
      %sub3A_430 = arith.subi %add3A_414, %sub3A_429 : i32
      %dma_wait3A_431 = arith.constant 0 : i32
      %dma_wait3A_432 = tpu.memref_slice %arg13[%sub3A_430, %dma_wait3A_431] : memref<32x128xi32, #tpu.memory_space<vmem>> -> memref<1x128xi32, #tpu.memory_space<vmem>>
      %dma_wait3A_433 = tpu.memref_squeeze %dma_wait3A_432 : memref<1x128xi32, #tpu.memory_space<vmem>> -> memref<128xi32, #tpu.memory_space<vmem>>
      %dma_wait3A_434 = arith.constant 0 : i32
      %dma_wait3A_435 = arith.constant 0 : i32
      %dma_wait3A_436 = tpu.memref_slice %arg10[%dma_wait3A_434, %dma_wait3A_435] : memref<10000x64xf32, #tpu.memory_space<vmem_shared>> -> memref<10000x64xf32, #tpu.memory_space<vmem_shared>>
      tpu.wait_indirect_dma semaphore(%arg20 : memref<!tpu.dma_semaphore, #tpu.memory_space<semaphore_mem>>) src(%dma_wait3A_436 : memref<10000x64xf32, #tpu.memory_space<vmem_shared>>) dst(%arg16 : memref<128x64xf32, #tpu.memory_space<vmem>>)
      %sub3A_437 = arith.constant 1 : i32
      %sub3A_438 = arith.subi %add3A_414, %sub3A_437 : i32
      %dma_start3A_439 = arith.constant 0 : i32
      %dma_start3A_440 = tpu.memref_slice %arg14[%sub3A_438, %dma_start3A_439] : memref<32x128xi32, #tpu.memory_space<vmem>> -> memref<1x128xi32, #tpu.memory_space<vmem>>
      %dma_start3A_441 = tpu.memref_squeeze %dma_start3A_440 : memref<1x128xi32, #tpu.memory_space<vmem>> -> memref<128xi32, #tpu.memory_space<vmem>>
      %dma_start3A_442 = arith.constant 0 : i32
      %dma_start3A_443 = arith.constant 0 : i32
      %dma_start3A_444 = tpu.memref_slice %arg11[%dma_start3A_442, %dma_start3A_443] : memref<10008x64xf32, #tpu.memory_space<vmem_shared>> -> memref<10008x64xf32, #tpu.memory_space<vmem_shared>>
      tpu.enqueue_indirect_dma source(%arg16 : memref<128x64xf32, #tpu.memory_space<vmem>>) target(%dma_start3A_444 : memref<10008x64xf32, #tpu.memory_space<vmem_shared>>) offsets(%dma_start3A_441 : memref<128xi32, #tpu.memory_space<vmem>>) semaphore(%arg22 : memref<!tpu.dma_semaphore, #tpu.memory_space<semaphore_mem>>) {add = true}
      %mul3A_445 = arith.constant 8 : i32
      %mul3A_446 = arith.muli %add3A_225, %mul3A_445 : i32
      %add3A_447 = arith.constant 7 : i32
      %add3A_448 = arith.addi %mul3A_446, %add3A_447 : i32
      %sub3A_449 = arith.constant 2 : i32
      %sub3A_450 = arith.subi %add3A_448, %sub3A_449 : i32
      %dma_wait3A_451 = arith.constant 0 : i32
      %dma_wait3A_452 = tpu.memref_slice %arg14[%sub3A_450, %dma_wait3A_451] : memref<32x128xi32, #tpu.memory_space<vmem>> -> memref<1x128xi32, #tpu.memory_space<vmem>>
      %dma_wait3A_453 = tpu.memref_squeeze %dma_wait3A_452 : memref<1x128xi32, #tpu.memory_space<vmem>> -> memref<128xi32, #tpu.memory_space<vmem>>
      %dma_wait3A_454 = arith.constant 0 : i32
      %dma_wait3A_455 = arith.constant 0 : i32
      %dma_wait3A_456 = tpu.memref_slice %arg11[%dma_wait3A_454, %dma_wait3A_455] : memref<10008x64xf32, #tpu.memory_space<vmem_shared>> -> memref<10008x64xf32, #tpu.memory_space<vmem_shared>>
      tpu.wait_indirect_dma semaphore(%arg22 : memref<!tpu.dma_semaphore, #tpu.memory_space<semaphore_mem>>) src(%arg16 : memref<128x64xf32, #tpu.memory_space<vmem>>) dst(%dma_wait3A_456 : memref<10008x64xf32, #tpu.memory_space<vmem_shared>>)
      %dma_start3A_457 = arith.constant 0 : i32
      %dma_start3A_458 = tpu.memref_slice %arg13[%add3A_448, %dma_start3A_457] : memref<32x128xi32, #tpu.memory_space<vmem>> -> memref<1x128xi32, #tpu.memory_space<vmem>>
      %dma_start3A_459 = tpu.memref_squeeze %dma_start3A_458 : memref<1x128xi32, #tpu.memory_space<vmem>> -> memref<128xi32, #tpu.memory_space<vmem>>
      %dma_start3A_460 = arith.constant 0 : i32
      %dma_start3A_461 = arith.constant 0 : i32
      %dma_start3A_462 = tpu.memref_slice %arg10[%dma_start3A_460, %dma_start3A_461] : memref<10000x64xf32, #tpu.memory_space<vmem_shared>> -> memref<10000x64xf32, #tpu.memory_space<vmem_shared>>
      tpu.enqueue_indirect_dma source(%dma_start3A_462 : memref<10000x64xf32, #tpu.memory_space<vmem_shared>>) target(%arg16 : memref<128x64xf32, #tpu.memory_space<vmem>>) offsets(%dma_start3A_459 : memref<128xi32, #tpu.memory_space<vmem>>) semaphore(%arg20 : memref<!tpu.dma_semaphore, #tpu.memory_space<semaphore_mem>>)
      %sub3A_463 = arith.constant 1 : i32
      %sub3A_464 = arith.subi %add3A_448, %sub3A_463 : i32
      %dma_wait3A_465 = arith.constant 0 : i32
      %dma_wait3A_466 = tpu.memref_slice %arg13[%sub3A_464, %dma_wait3A_465] : memref<32x128xi32, #tpu.memory_space<vmem>> -> memref<1x128xi32, #tpu.memory_space<vmem>>
      %dma_wait3A_467 = tpu.memref_squeeze %dma_wait3A_466 : memref<1x128xi32, #tpu.memory_space<vmem>> -> memref<128xi32, #tpu.memory_space<vmem>>
      %dma_wait3A_468 = arith.constant 0 : i32
      %dma_wait3A_469 = arith.constant 0 : i32
      %dma_wait3A_470 = tpu.memref_slice %arg10[%dma_wait3A_468, %dma_wait3A_469] : memref<10000x64xf32, #tpu.memory_space<vmem_shared>> -> memref<10000x64xf32, #tpu.memory_space<vmem_shared>>
      tpu.wait_indirect_dma semaphore(%arg19 : memref<!tpu.dma_semaphore, #tpu.memory_space<semaphore_mem>>) src(%dma_wait3A_470 : memref<10000x64xf32, #tpu.memory_space<vmem_shared>>) dst(%arg15 : memref<128x64xf32, #tpu.memory_space<vmem>>)
      %sub3A_471 = arith.constant 1 : i32
      %sub3A_472 = arith.subi %add3A_448, %sub3A_471 : i32
      %dma_start3A_473 = arith.constant 0 : i32
      %dma_start3A_474 = tpu.memref_slice %arg14[%sub3A_472, %dma_start3A_473] : memref<32x128xi32, #tpu.memory_space<vmem>> -> memref<1x128xi32, #tpu.memory_space<vmem>>
      %dma_start3A_475 = tpu.memref_squeeze %dma_start3A_474 : memref<1x128xi32, #tpu.memory_space<vmem>> -> memref<128xi32, #tpu.memory_space<vmem>>
      %dma_start3A_476 = arith.constant 0 : i32
      %dma_start3A_477 = arith.constant 0 : i32
      %dma_start3A_478 = tpu.memref_slice %arg11[%dma_start3A_476, %dma_start3A_477] : memref<10008x64xf32, #tpu.memory_space<vmem_shared>> -> memref<10008x64xf32, #tpu.memory_space<vmem_shared>>
      tpu.enqueue_indirect_dma source(%arg15 : memref<128x64xf32, #tpu.memory_space<vmem>>) target(%dma_start3A_478 : memref<10008x64xf32, #tpu.memory_space<vmem_shared>>) offsets(%dma_start3A_475 : memref<128xi32, #tpu.memory_space<vmem>>) semaphore(%arg21 : memref<!tpu.dma_semaphore, #tpu.memory_space<semaphore_mem>>) {add = true}
    }
    %scan3A_139 = arith.constant 4 : i32
    %dma_wait3A_140 = arith.constant 31 : i32
    %dma_wait3A_141 = arith.constant 0 : i32
    %dma_wait3A_142 = tpu.memref_slice %arg13[%dma_wait3A_140, %dma_wait3A_141] : memref<32x128xi32, #tpu.memory_space<vmem>> -> memref<1x128xi32, #tpu.memory_space<vmem>>
    %dma_wait3A_143 = tpu.memref_squeeze %dma_wait3A_142 : memref<1x128xi32, #tpu.memory_space<vmem>> -> memref<128xi32, #tpu.memory_space<vmem>>
    %dma_wait3A_144 = arith.constant 0 : i32
    %dma_wait3A_145 = arith.constant 0 : i32
    %dma_wait3A_146 = tpu.memref_slice %arg10[%dma_wait3A_144, %dma_wait3A_145] : memref<10000x64xf32, #tpu.memory_space<vmem_shared>> -> memref<10000x64xf32, #tpu.memory_space<vmem_shared>>
    tpu.wait_indirect_dma semaphore(%arg20 : memref<!tpu.dma_semaphore, #tpu.memory_space<semaphore_mem>>) src(%dma_wait3A_146 : memref<10000x64xf32, #tpu.memory_space<vmem_shared>>) dst(%arg16 : memref<128x64xf32, #tpu.memory_space<vmem>>)
    %dma_start3A_147 = arith.constant 31 : i32
    %dma_start3A_148 = arith.constant 0 : i32
    %dma_start3A_149 = tpu.memref_slice %arg14[%dma_start3A_147, %dma_start3A_148] : memref<32x128xi32, #tpu.memory_space<vmem>> -> memref<1x128xi32, #tpu.memory_space<vmem>>
    %dma_start3A_150 = tpu.memref_squeeze %dma_start3A_149 : memref<1x128xi32, #tpu.memory_space<vmem>> -> memref<128xi32, #tpu.memory_space<vmem>>
    %dma_start3A_151 = arith.constant 0 : i32
    %dma_start3A_152 = arith.constant 0 : i32
    %dma_start3A_153 = tpu.memref_slice %arg11[%dma_start3A_151, %dma_start3A_152] : memref<10008x64xf32, #tpu.memory_space<vmem_shared>> -> memref<10008x64xf32, #tpu.memory_space<vmem_shared>>
    tpu.enqueue_indirect_dma source(%arg16 : memref<128x64xf32, #tpu.memory_space<vmem>>) target(%dma_start3A_153 : memref<10008x64xf32, #tpu.memory_space<vmem_shared>>) offsets(%dma_start3A_150 : memref<128xi32, #tpu.memory_space<vmem>>) semaphore(%arg22 : memref<!tpu.dma_semaphore, #tpu.memory_space<semaphore_mem>>) {add = true}
    %dma_wait3A_154 = arith.constant 30 : i32
    %dma_wait3A_155 = arith.constant 0 : i32
    %dma_wait3A_156 = tpu.memref_slice %arg14[%dma_wait3A_154, %dma_wait3A_155] : memref<32x128xi32, #tpu.memory_space<vmem>> -> memref<1x128xi32, #tpu.memory_space<vmem>>
    %dma_wait3A_157 = tpu.memref_squeeze %dma_wait3A_156 : memref<1x128xi32, #tpu.memory_space<vmem>> -> memref<128xi32, #tpu.memory_space<vmem>>
    %dma_wait3A_158 = arith.constant 0 : i32
    %dma_wait3A_159 = arith.constant 0 : i32
    %dma_wait3A_160 = tpu.memref_slice %arg11[%dma_wait3A_158, %dma_wait3A_159] : memref<10008x64xf32, #tpu.memory_space<vmem_shared>> -> memref<10008x64xf32, #tpu.memory_space<vmem_shared>>
    tpu.wait_indirect_dma semaphore(%arg21 : memref<!tpu.dma_semaphore, #tpu.memory_space<semaphore_mem>>) src(%arg15 : memref<128x64xf32, #tpu.memory_space<vmem>>) dst(%dma_wait3A_160 : memref<10008x64xf32, #tpu.memory_space<vmem_shared>>)
    %dma_wait3A_161 = arith.constant 31 : i32
    %dma_wait3A_162 = arith.constant 0 : i32
    %dma_wait3A_163 = tpu.memref_slice %arg14[%dma_wait3A_161, %dma_wait3A_162] : memref<32x128xi32, #tpu.memory_space<vmem>> -> memref<1x128xi32, #tpu.memory_space<vmem>>
    %dma_wait3A_164 = tpu.memref_squeeze %dma_wait3A_163 : memref<1x128xi32, #tpu.memory_space<vmem>> -> memref<128xi32, #tpu.memory_space<vmem>>
    %dma_wait3A_165 = arith.constant 0 : i32
    %dma_wait3A_166 = arith.constant 0 : i32
    %dma_wait3A_167 = tpu.memref_slice %arg11[%dma_wait3A_165, %dma_wait3A_166] : memref<10008x64xf32, #tpu.memory_space<vmem_shared>> -> memref<10008x64xf32, #tpu.memory_space<vmem_shared>>
    tpu.wait_indirect_dma semaphore(%arg22 : memref<!tpu.dma_semaphore, #tpu.memory_space<semaphore_mem>>) src(%arg16 : memref<128x64xf32, #tpu.memory_space<vmem>>) dst(%dma_wait3A_167 : memref<10008x64xf32, #tpu.memory_space<vmem_shared>>)
    %scan3A_168 = arith.constant 0 : i32
    %scan3A_169 = arith.constant 16 : i32
    %scan3A_170 = arith.addi %scan3A_168, %scan3A_169 : i32
    %scan3A_171 = arith.constant 1 : i32
    scf.for %scan3A_221 = %scan3A_168 to %scan3A_170 step %scan3A_171  : i32 {
      %mul3A_222 = arith.constant 1 : i32
      %mul3A_223 = arith.muli %scan3A_221, %mul3A_222 : i32
      %add3A_224 = arith.constant 0 : i32
      %add3A_225 = arith.addi %add3A_224, %mul3A_223 : i32
      %mul3A_226 = arith.constant 2 : i32
      %mul3A_227 = arith.muli %mul3A_226, %add3A_225 : i32
      %add3A_228 = arith.addi %mul3A_227, %arg0 : i32
      "tpu.region"() ({
        %run_scoped3A = tpu.sem_alloc : memref<!tpu.dma_semaphore, #tpu.memory_space<semaphore_mem>>
        %dma_start3A_229 = arith.constant 0 : i32
        %dma_start3A_230 = tpu.memref_slice %arg14[%add3A_228, %dma_start3A_229] : memref<32x128xi32, #tpu.memory_space<vmem>> -> memref<1x128xi32, #tpu.memory_space<vmem>>
        %dma_start3A_231 = tpu.memref_squeeze %dma_start3A_230 : memref<1x128xi32, #tpu.memory_space<vmem>> -> memref<128xi32, #tpu.memory_space<vmem>>
        %dma_start3A_232 = arith.constant 0 : i32
        %dma_start3A_233 = tpu.memref_slice %arg12[%dma_start3A_232] : memref<10008xf32, #tpu.memory_space<vmem_shared>> -> memref<10008xf32, #tpu.memory_space<vmem_shared>>
        tpu.enqueue_indirect_dma source(%arg17 : memref<128xf32, #tpu.memory_space<vmem>>) target(%dma_start3A_233 : memref<10008xf32, #tpu.memory_space<vmem_shared>>) offsets(%dma_start3A_231 : memref<128xi32, #tpu.memory_space<vmem>>) semaphore(%run_scoped3A : memref<!tpu.dma_semaphore, #tpu.memory_space<semaphore_mem>>) {add = true}
        %dma_wait3A_234 = arith.constant 0 : i32
        %dma_wait3A_235 = tpu.memref_slice %arg14[%add3A_228, %dma_wait3A_234] : memref<32x128xi32, #tpu.memory_space<vmem>> -> memref<1x128xi32, #tpu.memory_space<vmem>>
        %dma_wait3A_236 = tpu.memref_squeeze %dma_wait3A_235 : memref<1x128xi32, #tpu.memory_space<vmem>> -> memref<128xi32, #tpu.memory_space<vmem>>
        %dma_wait3A_237 = arith.constant 0 : i32
        %dma_wait3A_238 = tpu.memref_slice %arg12[%dma_wait3A_237] : memref<10008xf32, #tpu.memory_space<vmem_shared>> -> memref<10008xf32, #tpu.memory_space<vmem_shared>>
        tpu.wait_indirect_dma semaphore(%run_scoped3A : memref<!tpu.dma_semaphore, #tpu.memory_space<semaphore_mem>>) src(%arg17 : memref<128xf32, #tpu.memory_space<vmem>>) dst(%dma_wait3A_238 : memref<10008xf32, #tpu.memory_space<vmem_shared>>)
        tpu.yield
      }) : () -> ()
    }
    %scan3A_172 = arith.constant 16 : i32
    %mul3A_173 = arith.constant 160 : i32
    %mul3A_174 = arith.muli %arg1, %mul3A_173 : i32
    %add3A_175 = arith.constant 128 : i32
    %add3A_176 = arith.addi %mul3A_174, %add3A_175 : i32
    "tpu.region"() ({
      %run_scoped3A = tpu.sem_alloc : memref<!tpu.dma_semaphore, #tpu.memory_space<semaphore_mem>>
      %dma_start3A_221 = arith.constant 0 : i32
      %dma_start3A_222 = tpu.memref_slice %arg3[%add3A_176, %dma_start3A_221] : memref<2560x128xi32, #tpu.memory_space<hbm>> -> memref<32x128xi32, #tpu.memory_space<hbm>>
      %dma_start3A_223 = arith.constant 0 : i32
      %dma_start3A_224 = tpu.memref_slice %arg3[%add3A_176, %dma_start3A_223] : memref<2560x128xi32, #tpu.memory_space<hbm>> -> memref<32x128xi32, #tpu.memory_space<hbm>>
      tpu.enqueue_dma source(%dma_start3A_224 : memref<32x128xi32, #tpu.memory_space<hbm>>) target(%arg13 : memref<32x128xi32, #tpu.memory_space<vmem>>) target_semaphore(%run_scoped3A : memref<!tpu.dma_semaphore, #tpu.memory_space<semaphore_mem>>)
      %dma_wait3A_225 = arith.constant 0 : i32
      %dma_wait3A_226 = tpu.memref_slice %arg3[%add3A_176, %dma_wait3A_225] : memref<2560x128xi32, #tpu.memory_space<hbm>> -> memref<32x128xi32, #tpu.memory_space<hbm>>
      %dma_wait3A_227 = arith.constant 0 : i32
      %dma_wait3A_228 = tpu.memref_slice %arg3[%add3A_176, %dma_wait3A_227] : memref<2560x128xi32, #tpu.memory_space<hbm>> -> memref<32x128xi32, #tpu.memory_space<hbm>>
      tpu.wait_dma2 semaphore(%run_scoped3A : memref<!tpu.dma_semaphore, #tpu.memory_space<semaphore_mem>>) src(%dma_wait3A_228 : memref<32x128xi32, #tpu.memory_space<hbm>>) dst(%arg13 : memref<32x128xi32, #tpu.memory_space<vmem>>)
      tpu.yield
    }) : () -> ()
    "tpu.region"() ({
      %run_scoped3A = tpu.sem_alloc : memref<!tpu.dma_semaphore, #tpu.memory_space<semaphore_mem>>
      %dma_start3A_221 = arith.constant 0 : i32
      %dma_start3A_222 = tpu.memref_slice %arg4[%add3A_176, %dma_start3A_221] : memref<2560x128xi32, #tpu.memory_space<hbm>> -> memref<32x128xi32, #tpu.memory_space<hbm>>
      %dma_start3A_223 = arith.constant 0 : i32
      %dma_start3A_224 = tpu.memref_slice %arg4[%add3A_176, %dma_start3A_223] : memref<2560x128xi32, #tpu.memory_space<hbm>> -> memref<32x128xi32, #tpu.memory_space<hbm>>
      tpu.enqueue_dma source(%dma_start3A_224 : memref<32x128xi32, #tpu.memory_space<hbm>>) target(%arg14 : memref<32x128xi32, #tpu.memory_space<vmem>>) target_semaphore(%run_scoped3A : memref<!tpu.dma_semaphore, #tpu.memory_space<semaphore_mem>>)
      %dma_wait3A_225 = arith.constant 0 : i32
      %dma_wait3A_226 = tpu.memref_slice %arg4[%add3A_176, %dma_wait3A_225] : memref<2560x128xi32, #tpu.memory_space<hbm>> -> memref<32x128xi32, #tpu.memory_space<hbm>>
      %dma_wait3A_227 = arith.constant 0 : i32
      %dma_wait3A_228 = tpu.memref_slice %arg4[%add3A_176, %dma_wait3A_227] : memref<2560x128xi32, #tpu.memory_space<hbm>> -> memref<32x128xi32, #tpu.memory_space<hbm>>
      tpu.wait_dma2 semaphore(%run_scoped3A : memref<!tpu.dma_semaphore, #tpu.memory_space<semaphore_mem>>) src(%dma_wait3A_228 : memref<32x128xi32, #tpu.memory_space<hbm>>) dst(%arg14 : memref<32x128xi32, #tpu.memory_space<vmem>>)
      tpu.yield
    }) : () -> ()
    %scan3A_177 = arith.constant 0 : i32
    %scan3A_178 = arith.constant 4 : i32
    %scan3A_179 = arith.addi %scan3A_177, %scan3A_178 : i32
    %scan3A_180 = arith.constant 1 : i32
    scf.for %scan3A_221 = %scan3A_177 to %scan3A_179 step %scan3A_180  : i32 {
      %mul3A_222 = arith.constant 1 : i32
      %mul3A_223 = arith.muli %scan3A_221, %mul3A_222 : i32
      %add3A_224 = arith.constant 0 : i32
      %add3A_225 = arith.addi %add3A_224, %mul3A_223 : i32
      %mul3A_226 = arith.constant 8 : i32
      %mul3A_227 = arith.muli %add3A_225, %mul3A_226 : i32
      %add3A_228 = arith.constant 0 : i32
      %add3A_229 = arith.addi %mul3A_227, %add3A_228 : i32
      %gt3A = arith.constant 0 : i32
      %gt3A_230 = arith.cmpi sgt, %add3A_225, %gt3A : i32
      %convert_element_type3A_231 = arith.extui %gt3A_230 : i1 to i32
      %cond3A_232 = arith.constant 0 : i32
      %cond3A_233 = arith.cmpi ne, %convert_element_type3A_231, %cond3A_232 : i32
      scf.if %cond3A_233 {
        %sub3A_479 = arith.constant 2 : i32
        %sub3A_480 = arith.subi %add3A_229, %sub3A_479 : i32
        %dma_wait3A_481 = arith.constant 0 : i32
        %dma_wait3A_482 = tpu.memref_slice %arg14[%sub3A_480, %dma_wait3A_481] : memref<32x128xi32, #tpu.memory_space<vmem>> -> memref<1x128xi32, #tpu.memory_space<vmem>>
        %dma_wait3A_483 = tpu.memref_squeeze %dma_wait3A_482 : memref<1x128xi32, #tpu.memory_space<vmem>> -> memref<128xi32, #tpu.memory_space<vmem>>
        %dma_wait3A_484 = arith.constant 0 : i32
        %dma_wait3A_485 = arith.constant 0 : i32
        %dma_wait3A_486 = tpu.memref_slice %arg11[%dma_wait3A_484, %dma_wait3A_485] : memref<10008x64xf32, #tpu.memory_space<vmem_shared>> -> memref<10008x64xf32, #tpu.memory_space<vmem_shared>>
        tpu.wait_indirect_dma semaphore(%arg21 : memref<!tpu.dma_semaphore, #tpu.memory_space<semaphore_mem>>) src(%arg15 : memref<128x64xf32, #tpu.memory_space<vmem>>) dst(%dma_wait3A_486 : memref<10008x64xf32, #tpu.memory_space<vmem_shared>>)
      } else {
      }
      %dma_start3A_234 = arith.constant 0 : i32
      %dma_start3A_235 = tpu.memref_slice %arg13[%add3A_229, %dma_start3A_234] : memref<32x128xi32, #tpu.memory_space<vmem>> -> memref<1x128xi32, #tpu.memory_space<vmem>>
      %dma_start3A_236 = tpu.memref_squeeze %dma_start3A_235 : memref<1x128xi32, #tpu.memory_space<vmem>> -> memref<128xi32, #tpu.memory_space<vmem>>
      %dma_start3A_237 = arith.constant 0 : i32
      %dma_start3A_238 = arith.constant 0 : i32
      %dma_start3A_239 = tpu.memref_slice %arg10[%dma_start3A_237, %dma_start3A_238] : memref<10000x64xf32, #tpu.memory_space<vmem_shared>> -> memref<10000x64xf32, #tpu.memory_space<vmem_shared>>
      tpu.enqueue_indirect_dma source(%dma_start3A_239 : memref<10000x64xf32, #tpu.memory_space<vmem_shared>>) target(%arg15 : memref<128x64xf32, #tpu.memory_space<vmem>>) offsets(%dma_start3A_236 : memref<128xi32, #tpu.memory_space<vmem>>) semaphore(%arg19 : memref<!tpu.dma_semaphore, #tpu.memory_space<semaphore_mem>>)
      %gt3A_240 = arith.constant 0 : i32
      %gt3A_241 = arith.cmpi sgt, %add3A_225, %gt3A_240 : i32
      %convert_element_type3A_242 = arith.extui %gt3A_241 : i1 to i32
      %cond3A_243 = arith.constant 0 : i32
      %cond3A_244 = arith.cmpi ne, %convert_element_type3A_242, %cond3A_243 : i32
      scf.if %cond3A_244 {
        %sub3A_479 = arith.constant 1 : i32
        %sub3A_480 = arith.subi %add3A_229, %sub3A_479 : i32
        %dma_wait3A_481 = arith.constant 0 : i32
        %dma_wait3A_482 = tpu.memref_slice %arg13[%sub3A_480, %dma_wait3A_481] : memref<32x128xi32, #tpu.memory_space<vmem>> -> memref<1x128xi32, #tpu.memory_space<vmem>>
        %dma_wait3A_483 = tpu.memref_squeeze %dma_wait3A_482 : memref<1x128xi32, #tpu.memory_space<vmem>> -> memref<128xi32, #tpu.memory_space<vmem>>
        %dma_wait3A_484 = arith.constant 0 : i32
        %dma_wait3A_485 = arith.constant 0 : i32
        %dma_wait3A_486 = tpu.memref_slice %arg10[%dma_wait3A_484, %dma_wait3A_485] : memref<10000x64xf32, #tpu.memory_space<vmem_shared>> -> memref<10000x64xf32, #tpu.memory_space<vmem_shared>>
        tpu.wait_indirect_dma semaphore(%arg20 : memref<!tpu.dma_semaphore, #tpu.memory_space<semaphore_mem>>) src(%dma_wait3A_486 : memref<10000x64xf32, #tpu.memory_space<vmem_shared>>) dst(%arg16 : memref<128x64xf32, #tpu.memory_space<vmem>>)
        %sub3A_487 = arith.constant 1 : i32
        %sub3A_488 = arith.subi %add3A_229, %sub3A_487 : i32
        %dma_start3A_489 = arith.constant 0 : i32
        %dma_start3A_490 = tpu.memref_slice %arg14[%sub3A_488, %dma_start3A_489] : memref<32x128xi32, #tpu.memory_space<vmem>> -> memref<1x128xi32, #tpu.memory_space<vmem>>
        %dma_start3A_491 = tpu.memref_squeeze %dma_start3A_490 : memref<1x128xi32, #tpu.memory_space<vmem>> -> memref<128xi32, #tpu.memory_space<vmem>>
        %dma_start3A_492 = arith.constant 0 : i32
        %dma_start3A_493 = arith.constant 0 : i32
        %dma_start3A_494 = tpu.memref_slice %arg11[%dma_start3A_492, %dma_start3A_493] : memref<10008x64xf32, #tpu.memory_space<vmem_shared>> -> memref<10008x64xf32, #tpu.memory_space<vmem_shared>>
        tpu.enqueue_indirect_dma source(%arg16 : memref<128x64xf32, #tpu.memory_space<vmem>>) target(%dma_start3A_494 : memref<10008x64xf32, #tpu.memory_space<vmem_shared>>) offsets(%dma_start3A_491 : memref<128xi32, #tpu.memory_space<vmem>>) semaphore(%arg22 : memref<!tpu.dma_semaphore, #tpu.memory_space<semaphore_mem>>) {add = true}
      } else {
      }
      %mul3A_245 = arith.constant 8 : i32
      %mul3A_246 = arith.muli %add3A_225, %mul3A_245 : i32
      %add3A_247 = arith.constant 1 : i32
      %add3A_248 = arith.addi %mul3A_246, %add3A_247 : i32
      %gt3A_249 = arith.constant 0 : i32
      %gt3A_250 = arith.cmpi sgt, %add3A_225, %gt3A_249 : i32
      %convert_element_type3A_251 = arith.extui %gt3A_250 : i1 to i32
      %cond3A_252 = arith.constant 0 : i32
      %cond3A_253 = arith.cmpi ne, %convert_element_type3A_251, %cond3A_252 : i32
      scf.if %cond3A_253 {
        %sub3A_479 = arith.constant 2 : i32
        %sub3A_480 = arith.subi %add3A_248, %sub3A_479 : i32
        %dma_wait3A_481 = arith.constant 0 : i32
        %dma_wait3A_482 = tpu.memref_slice %arg14[%sub3A_480, %dma_wait3A_481] : memref<32x128xi32, #tpu.memory_space<vmem>> -> memref<1x128xi32, #tpu.memory_space<vmem>>
        %dma_wait3A_483 = tpu.memref_squeeze %dma_wait3A_482 : memref<1x128xi32, #tpu.memory_space<vmem>> -> memref<128xi32, #tpu.memory_space<vmem>>
        %dma_wait3A_484 = arith.constant 0 : i32
        %dma_wait3A_485 = arith.constant 0 : i32
        %dma_wait3A_486 = tpu.memref_slice %arg11[%dma_wait3A_484, %dma_wait3A_485] : memref<10008x64xf32, #tpu.memory_space<vmem_shared>> -> memref<10008x64xf32, #tpu.memory_space<vmem_shared>>
        tpu.wait_indirect_dma semaphore(%arg22 : memref<!tpu.dma_semaphore, #tpu.memory_space<semaphore_mem>>) src(%arg16 : memref<128x64xf32, #tpu.memory_space<vmem>>) dst(%dma_wait3A_486 : memref<10008x64xf32, #tpu.memory_space<vmem_shared>>)
      } else {
      }
      %dma_start3A_254 = arith.constant 0 : i32
      %dma_start3A_255 = tpu.memref_slice %arg13[%add3A_248, %dma_start3A_254] : memref<32x128xi32, #tpu.memory_space<vmem>> -> memref<1x128xi32, #tpu.memory_space<vmem>>
      %dma_start3A_256 = tpu.memref_squeeze %dma_start3A_255 : memref<1x128xi32, #tpu.memory_space<vmem>> -> memref<128xi32, #tpu.memory_space<vmem>>
      %dma_start3A_257 = arith.constant 0 : i32
      %dma_start3A_258 = arith.constant 0 : i32
      %dma_start3A_259 = tpu.memref_slice %arg10[%dma_start3A_257, %dma_start3A_258] : memref<10000x64xf32, #tpu.memory_space<vmem_shared>> -> memref<10000x64xf32, #tpu.memory_space<vmem_shared>>
      tpu.enqueue_indirect_dma source(%dma_start3A_259 : memref<10000x64xf32, #tpu.memory_space<vmem_shared>>) target(%arg16 : memref<128x64xf32, #tpu.memory_space<vmem>>) offsets(%dma_start3A_256 : memref<128xi32, #tpu.memory_space<vmem>>) semaphore(%arg20 : memref<!tpu.dma_semaphore, #tpu.memory_space<semaphore_mem>>)
      %sub3A = arith.constant 1 : i32
      %sub3A_260 = arith.subi %add3A_248, %sub3A : i32
      %dma_wait3A_261 = arith.constant 0 : i32
      %dma_wait3A_262 = tpu.memref_slice %arg13[%sub3A_260, %dma_wait3A_261] : memref<32x128xi32, #tpu.memory_space<vmem>> -> memref<1x128xi32, #tpu.memory_space<vmem>>
      %dma_wait3A_263 = tpu.memref_squeeze %dma_wait3A_262 : memref<1x128xi32, #tpu.memory_space<vmem>> -> memref<128xi32, #tpu.memory_space<vmem>>
      %dma_wait3A_264 = arith.constant 0 : i32
      %dma_wait3A_265 = arith.constant 0 : i32
      %dma_wait3A_266 = tpu.memref_slice %arg10[%dma_wait3A_264, %dma_wait3A_265] : memref<10000x64xf32, #tpu.memory_space<vmem_shared>> -> memref<10000x64xf32, #tpu.memory_space<vmem_shared>>
      tpu.wait_indirect_dma semaphore(%arg19 : memref<!tpu.dma_semaphore, #tpu.memory_space<semaphore_mem>>) src(%dma_wait3A_266 : memref<10000x64xf32, #tpu.memory_space<vmem_shared>>) dst(%arg15 : memref<128x64xf32, #tpu.memory_space<vmem>>)
      %sub3A_267 = arith.constant 1 : i32
      %sub3A_268 = arith.subi %add3A_248, %sub3A_267 : i32
      %dma_start3A_269 = arith.constant 0 : i32
      %dma_start3A_270 = tpu.memref_slice %arg14[%sub3A_268, %dma_start3A_269] : memref<32x128xi32, #tpu.memory_space<vmem>> -> memref<1x128xi32, #tpu.memory_space<vmem>>
      %dma_start3A_271 = tpu.memref_squeeze %dma_start3A_270 : memref<1x128xi32, #tpu.memory_space<vmem>> -> memref<128xi32, #tpu.memory_space<vmem>>
      %dma_start3A_272 = arith.constant 0 : i32
      %dma_start3A_273 = arith.constant 0 : i32
      %dma_start3A_274 = tpu.memref_slice %arg11[%dma_start3A_272, %dma_start3A_273] : memref<10008x64xf32, #tpu.memory_space<vmem_shared>> -> memref<10008x64xf32, #tpu.memory_space<vmem_shared>>
      tpu.enqueue_indirect_dma source(%arg15 : memref<128x64xf32, #tpu.memory_space<vmem>>) target(%dma_start3A_274 : memref<10008x64xf32, #tpu.memory_space<vmem_shared>>) offsets(%dma_start3A_271 : memref<128xi32, #tpu.memory_space<vmem>>) semaphore(%arg21 : memref<!tpu.dma_semaphore, #tpu.memory_space<semaphore_mem>>) {add = true}
      %mul3A_275 = arith.constant 8 : i32
      %mul3A_276 = arith.muli %add3A_225, %mul3A_275 : i32
      %add3A_277 = arith.constant 2 : i32
      %add3A_278 = arith.addi %mul3A_276, %add3A_277 : i32
      %sub3A_279 = arith.constant 2 : i32
      %sub3A_280 = arith.subi %add3A_278, %sub3A_279 : i32
      %dma_wait3A_281 = arith.constant 0 : i32
      %dma_wait3A_282 = tpu.memref_slice %arg14[%sub3A_280, %dma_wait3A_281] : memref<32x128xi32, #tpu.memory_space<vmem>> -> memref<1x128xi32, #tpu.memory_space<vmem>>
      %dma_wait3A_283 = tpu.memref_squeeze %dma_wait3A_282 : memref<1x128xi32, #tpu.memory_space<vmem>> -> memref<128xi32, #tpu.memory_space<vmem>>
      %dma_wait3A_284 = arith.constant 0 : i32
      %dma_wait3A_285 = arith.constant 0 : i32
      %dma_wait3A_286 = tpu.memref_slice %arg11[%dma_wait3A_284, %dma_wait3A_285] : memref<10008x64xf32, #tpu.memory_space<vmem_shared>> -> memref<10008x64xf32, #tpu.memory_space<vmem_shared>>
      tpu.wait_indirect_dma semaphore(%arg21 : memref<!tpu.dma_semaphore, #tpu.memory_space<semaphore_mem>>) src(%arg15 : memref<128x64xf32, #tpu.memory_space<vmem>>) dst(%dma_wait3A_286 : memref<10008x64xf32, #tpu.memory_space<vmem_shared>>)
      %dma_start3A_287 = arith.constant 0 : i32
      %dma_start3A_288 = tpu.memref_slice %arg13[%add3A_278, %dma_start3A_287] : memref<32x128xi32, #tpu.memory_space<vmem>> -> memref<1x128xi32, #tpu.memory_space<vmem>>
      %dma_start3A_289 = tpu.memref_squeeze %dma_start3A_288 : memref<1x128xi32, #tpu.memory_space<vmem>> -> memref<128xi32, #tpu.memory_space<vmem>>
      %dma_start3A_290 = arith.constant 0 : i32
      %dma_start3A_291 = arith.constant 0 : i32
      %dma_start3A_292 = tpu.memref_slice %arg10[%dma_start3A_290, %dma_start3A_291] : memref<10000x64xf32, #tpu.memory_space<vmem_shared>> -> memref<10000x64xf32, #tpu.memory_space<vmem_shared>>
      tpu.enqueue_indirect_dma source(%dma_start3A_292 : memref<10000x64xf32, #tpu.memory_space<vmem_shared>>) target(%arg15 : memref<128x64xf32, #tpu.memory_space<vmem>>) offsets(%dma_start3A_289 : memref<128xi32, #tpu.memory_space<vmem>>) semaphore(%arg19 : memref<!tpu.dma_semaphore, #tpu.memory_space<semaphore_mem>>)
      %sub3A_293 = arith.constant 1 : i32
      %sub3A_294 = arith.subi %add3A_278, %sub3A_293 : i32
      %dma_wait3A_295 = arith.constant 0 : i32
      %dma_wait3A_296 = tpu.memref_slice %arg13[%sub3A_294, %dma_wait3A_295] : memref<32x128xi32, #tpu.memory_space<vmem>> -> memref<1x128xi32, #tpu.memory_space<vmem>>
      %dma_wait3A_297 = tpu.memref_squeeze %dma_wait3A_296 : memref<1x128xi32, #tpu.memory_space<vmem>> -> memref<128xi32, #tpu.memory_space<vmem>>
      %dma_wait3A_298 = arith.constant 0 : i32
      %dma_wait3A_299 = arith.constant 0 : i32
      %dma_wait3A_300 = tpu.memref_slice %arg10[%dma_wait3A_298, %dma_wait3A_299] : memref<10000x64xf32, #tpu.memory_space<vmem_shared>> -> memref<10000x64xf32, #tpu.memory_space<vmem_shared>>
      tpu.wait_indirect_dma semaphore(%arg20 : memref<!tpu.dma_semaphore, #tpu.memory_space<semaphore_mem>>) src(%dma_wait3A_300 : memref<10000x64xf32, #tpu.memory_space<vmem_shared>>) dst(%arg16 : memref<128x64xf32, #tpu.memory_space<vmem>>)
      %sub3A_301 = arith.constant 1 : i32
      %sub3A_302 = arith.subi %add3A_278, %sub3A_301 : i32
      %dma_start3A_303 = arith.constant 0 : i32
      %dma_start3A_304 = tpu.memref_slice %arg14[%sub3A_302, %dma_start3A_303] : memref<32x128xi32, #tpu.memory_space<vmem>> -> memref<1x128xi32, #tpu.memory_space<vmem>>
      %dma_start3A_305 = tpu.memref_squeeze %dma_start3A_304 : memref<1x128xi32, #tpu.memory_space<vmem>> -> memref<128xi32, #tpu.memory_space<vmem>>
      %dma_start3A_306 = arith.constant 0 : i32
      %dma_start3A_307 = arith.constant 0 : i32
      %dma_start3A_308 = tpu.memref_slice %arg11[%dma_start3A_306, %dma_start3A_307] : memref<10008x64xf32, #tpu.memory_space<vmem_shared>> -> memref<10008x64xf32, #tpu.memory_space<vmem_shared>>
      tpu.enqueue_indirect_dma source(%arg16 : memref<128x64xf32, #tpu.memory_space<vmem>>) target(%dma_start3A_308 : memref<10008x64xf32, #tpu.memory_space<vmem_shared>>) offsets(%dma_start3A_305 : memref<128xi32, #tpu.memory_space<vmem>>) semaphore(%arg22 : memref<!tpu.dma_semaphore, #tpu.memory_space<semaphore_mem>>) {add = true}
      %mul3A_309 = arith.constant 8 : i32
      %mul3A_310 = arith.muli %add3A_225, %mul3A_309 : i32
      %add3A_311 = arith.constant 3 : i32
      %add3A_312 = arith.addi %mul3A_310, %add3A_311 : i32
      %sub3A_313 = arith.constant 2 : i32
      %sub3A_314 = arith.subi %add3A_312, %sub3A_313 : i32
      %dma_wait3A_315 = arith.constant 0 : i32
      %dma_wait3A_316 = tpu.memref_slice %arg14[%sub3A_314, %dma_wait3A_315] : memref<32x128xi32, #tpu.memory_space<vmem>> -> memref<1x128xi32, #tpu.memory_space<vmem>>
      %dma_wait3A_317 = tpu.memref_squeeze %dma_wait3A_316 : memref<1x128xi32, #tpu.memory_space<vmem>> -> memref<128xi32, #tpu.memory_space<vmem>>
      %dma_wait3A_318 = arith.constant 0 : i32
      %dma_wait3A_319 = arith.constant 0 : i32
      %dma_wait3A_320 = tpu.memref_slice %arg11[%dma_wait3A_318, %dma_wait3A_319] : memref<10008x64xf32, #tpu.memory_space<vmem_shared>> -> memref<10008x64xf32, #tpu.memory_space<vmem_shared>>
      tpu.wait_indirect_dma semaphore(%arg22 : memref<!tpu.dma_semaphore, #tpu.memory_space<semaphore_mem>>) src(%arg16 : memref<128x64xf32, #tpu.memory_space<vmem>>) dst(%dma_wait3A_320 : memref<10008x64xf32, #tpu.memory_space<vmem_shared>>)
      %dma_start3A_321 = arith.constant 0 : i32
      %dma_start3A_322 = tpu.memref_slice %arg13[%add3A_312, %dma_start3A_321] : memref<32x128xi32, #tpu.memory_space<vmem>> -> memref<1x128xi32, #tpu.memory_space<vmem>>
      %dma_start3A_323 = tpu.memref_squeeze %dma_start3A_322 : memref<1x128xi32, #tpu.memory_space<vmem>> -> memref<128xi32, #tpu.memory_space<vmem>>
      %dma_start3A_324 = arith.constant 0 : i32
      %dma_start3A_325 = arith.constant 0 : i32
      %dma_start3A_326 = tpu.memref_slice %arg10[%dma_start3A_324, %dma_start3A_325] : memref<10000x64xf32, #tpu.memory_space<vmem_shared>> -> memref<10000x64xf32, #tpu.memory_space<vmem_shared>>
      tpu.enqueue_indirect_dma source(%dma_start3A_326 : memref<10000x64xf32, #tpu.memory_space<vmem_shared>>) target(%arg16 : memref<128x64xf32, #tpu.memory_space<vmem>>) offsets(%dma_start3A_323 : memref<128xi32, #tpu.memory_space<vmem>>) semaphore(%arg20 : memref<!tpu.dma_semaphore, #tpu.memory_space<semaphore_mem>>)
      %sub3A_327 = arith.constant 1 : i32
      %sub3A_328 = arith.subi %add3A_312, %sub3A_327 : i32
      %dma_wait3A_329 = arith.constant 0 : i32
      %dma_wait3A_330 = tpu.memref_slice %arg13[%sub3A_328, %dma_wait3A_329] : memref<32x128xi32, #tpu.memory_space<vmem>> -> memref<1x128xi32, #tpu.memory_space<vmem>>
      %dma_wait3A_331 = tpu.memref_squeeze %dma_wait3A_330 : memref<1x128xi32, #tpu.memory_space<vmem>> -> memref<128xi32, #tpu.memory_space<vmem>>
      %dma_wait3A_332 = arith.constant 0 : i32
      %dma_wait3A_333 = arith.constant 0 : i32
      %dma_wait3A_334 = tpu.memref_slice %arg10[%dma_wait3A_332, %dma_wait3A_333] : memref<10000x64xf32, #tpu.memory_space<vmem_shared>> -> memref<10000x64xf32, #tpu.memory_space<vmem_shared>>
      tpu.wait_indirect_dma semaphore(%arg19 : memref<!tpu.dma_semaphore, #tpu.memory_space<semaphore_mem>>) src(%dma_wait3A_334 : memref<10000x64xf32, #tpu.memory_space<vmem_shared>>) dst(%arg15 : memref<128x64xf32, #tpu.memory_space<vmem>>)
      %sub3A_335 = arith.constant 1 : i32
      %sub3A_336 = arith.subi %add3A_312, %sub3A_335 : i32
      %dma_start3A_337 = arith.constant 0 : i32
      %dma_start3A_338 = tpu.memref_slice %arg14[%sub3A_336, %dma_start3A_337] : memref<32x128xi32, #tpu.memory_space<vmem>> -> memref<1x128xi32, #tpu.memory_space<vmem>>
      %dma_start3A_339 = tpu.memref_squeeze %dma_start3A_338 : memref<1x128xi32, #tpu.memory_space<vmem>> -> memref<128xi32, #tpu.memory_space<vmem>>
      %dma_start3A_340 = arith.constant 0 : i32
      %dma_start3A_341 = arith.constant 0 : i32
      %dma_start3A_342 = tpu.memref_slice %arg11[%dma_start3A_340, %dma_start3A_341] : memref<10008x64xf32, #tpu.memory_space<vmem_shared>> -> memref<10008x64xf32, #tpu.memory_space<vmem_shared>>
      tpu.enqueue_indirect_dma source(%arg15 : memref<128x64xf32, #tpu.memory_space<vmem>>) target(%dma_start3A_342 : memref<10008x64xf32, #tpu.memory_space<vmem_shared>>) offsets(%dma_start3A_339 : memref<128xi32, #tpu.memory_space<vmem>>) semaphore(%arg21 : memref<!tpu.dma_semaphore, #tpu.memory_space<semaphore_mem>>) {add = true}
      %mul3A_343 = arith.constant 8 : i32
      %mul3A_344 = arith.muli %add3A_225, %mul3A_343 : i32
      %add3A_345 = arith.constant 4 : i32
      %add3A_346 = arith.addi %mul3A_344, %add3A_345 : i32
      %sub3A_347 = arith.constant 2 : i32
      %sub3A_348 = arith.subi %add3A_346, %sub3A_347 : i32
      %dma_wait3A_349 = arith.constant 0 : i32
      %dma_wait3A_350 = tpu.memref_slice %arg14[%sub3A_348, %dma_wait3A_349] : memref<32x128xi32, #tpu.memory_space<vmem>> -> memref<1x128xi32, #tpu.memory_space<vmem>>
      %dma_wait3A_351 = tpu.memref_squeeze %dma_wait3A_350 : memref<1x128xi32, #tpu.memory_space<vmem>> -> memref<128xi32, #tpu.memory_space<vmem>>
      %dma_wait3A_352 = arith.constant 0 : i32
      %dma_wait3A_353 = arith.constant 0 : i32
      %dma_wait3A_354 = tpu.memref_slice %arg11[%dma_wait3A_352, %dma_wait3A_353] : memref<10008x64xf32, #tpu.memory_space<vmem_shared>> -> memref<10008x64xf32, #tpu.memory_space<vmem_shared>>
      tpu.wait_indirect_dma semaphore(%arg21 : memref<!tpu.dma_semaphore, #tpu.memory_space<semaphore_mem>>) src(%arg15 : memref<128x64xf32, #tpu.memory_space<vmem>>) dst(%dma_wait3A_354 : memref<10008x64xf32, #tpu.memory_space<vmem_shared>>)
      %dma_start3A_355 = arith.constant 0 : i32
      %dma_start3A_356 = tpu.memref_slice %arg13[%add3A_346, %dma_start3A_355] : memref<32x128xi32, #tpu.memory_space<vmem>> -> memref<1x128xi32, #tpu.memory_space<vmem>>
      %dma_start3A_357 = tpu.memref_squeeze %dma_start3A_356 : memref<1x128xi32, #tpu.memory_space<vmem>> -> memref<128xi32, #tpu.memory_space<vmem>>
      %dma_start3A_358 = arith.constant 0 : i32
      %dma_start3A_359 = arith.constant 0 : i32
      %dma_start3A_360 = tpu.memref_slice %arg10[%dma_start3A_358, %dma_start3A_359] : memref<10000x64xf32, #tpu.memory_space<vmem_shared>> -> memref<10000x64xf32, #tpu.memory_space<vmem_shared>>
      tpu.enqueue_indirect_dma source(%dma_start3A_360 : memref<10000x64xf32, #tpu.memory_space<vmem_shared>>) target(%arg15 : memref<128x64xf32, #tpu.memory_space<vmem>>) offsets(%dma_start3A_357 : memref<128xi32, #tpu.memory_space<vmem>>) semaphore(%arg19 : memref<!tpu.dma_semaphore, #tpu.memory_space<semaphore_mem>>)
      %sub3A_361 = arith.constant 1 : i32
      %sub3A_362 = arith.subi %add3A_346, %sub3A_361 : i32
      %dma_wait3A_363 = arith.constant 0 : i32
      %dma_wait3A_364 = tpu.memref_slice %arg13[%sub3A_362, %dma_wait3A_363] : memref<32x128xi32, #tpu.memory_space<vmem>> -> memref<1x128xi32, #tpu.memory_space<vmem>>
      %dma_wait3A_365 = tpu.memref_squeeze %dma_wait3A_364 : memref<1x128xi32, #tpu.memory_space<vmem>> -> memref<128xi32, #tpu.memory_space<vmem>>
      %dma_wait3A_366 = arith.constant 0 : i32
      %dma_wait3A_367 = arith.constant 0 : i32
      %dma_wait3A_368 = tpu.memref_slice %arg10[%dma_wait3A_366, %dma_wait3A_367] : memref<10000x64xf32, #tpu.memory_space<vmem_shared>> -> memref<10000x64xf32, #tpu.memory_space<vmem_shared>>
      tpu.wait_indirect_dma semaphore(%arg20 : memref<!tpu.dma_semaphore, #tpu.memory_space<semaphore_mem>>) src(%dma_wait3A_368 : memref<10000x64xf32, #tpu.memory_space<vmem_shared>>) dst(%arg16 : memref<128x64xf32, #tpu.memory_space<vmem>>)
      %sub3A_369 = arith.constant 1 : i32
      %sub3A_370 = arith.subi %add3A_346, %sub3A_369 : i32
      %dma_start3A_371 = arith.constant 0 : i32
      %dma_start3A_372 = tpu.memref_slice %arg14[%sub3A_370, %dma_start3A_371] : memref<32x128xi32, #tpu.memory_space<vmem>> -> memref<1x128xi32, #tpu.memory_space<vmem>>
      %dma_start3A_373 = tpu.memref_squeeze %dma_start3A_372 : memref<1x128xi32, #tpu.memory_space<vmem>> -> memref<128xi32, #tpu.memory_space<vmem>>
      %dma_start3A_374 = arith.constant 0 : i32
      %dma_start3A_375 = arith.constant 0 : i32
      %dma_start3A_376 = tpu.memref_slice %arg11[%dma_start3A_374, %dma_start3A_375] : memref<10008x64xf32, #tpu.memory_space<vmem_shared>> -> memref<10008x64xf32, #tpu.memory_space<vmem_shared>>
      tpu.enqueue_indirect_dma source(%arg16 : memref<128x64xf32, #tpu.memory_space<vmem>>) target(%dma_start3A_376 : memref<10008x64xf32, #tpu.memory_space<vmem_shared>>) offsets(%dma_start3A_373 : memref<128xi32, #tpu.memory_space<vmem>>) semaphore(%arg22 : memref<!tpu.dma_semaphore, #tpu.memory_space<semaphore_mem>>) {add = true}
      %mul3A_377 = arith.constant 8 : i32
      %mul3A_378 = arith.muli %add3A_225, %mul3A_377 : i32
      %add3A_379 = arith.constant 5 : i32
      %add3A_380 = arith.addi %mul3A_378, %add3A_379 : i32
      %sub3A_381 = arith.constant 2 : i32
      %sub3A_382 = arith.subi %add3A_380, %sub3A_381 : i32
      %dma_wait3A_383 = arith.constant 0 : i32
      %dma_wait3A_384 = tpu.memref_slice %arg14[%sub3A_382, %dma_wait3A_383] : memref<32x128xi32, #tpu.memory_space<vmem>> -> memref<1x128xi32, #tpu.memory_space<vmem>>
      %dma_wait3A_385 = tpu.memref_squeeze %dma_wait3A_384 : memref<1x128xi32, #tpu.memory_space<vmem>> -> memref<128xi32, #tpu.memory_space<vmem>>
      %dma_wait3A_386 = arith.constant 0 : i32
      %dma_wait3A_387 = arith.constant 0 : i32
      %dma_wait3A_388 = tpu.memref_slice %arg11[%dma_wait3A_386, %dma_wait3A_387] : memref<10008x64xf32, #tpu.memory_space<vmem_shared>> -> memref<10008x64xf32, #tpu.memory_space<vmem_shared>>
      tpu.wait_indirect_dma semaphore(%arg22 : memref<!tpu.dma_semaphore, #tpu.memory_space<semaphore_mem>>) src(%arg16 : memref<128x64xf32, #tpu.memory_space<vmem>>) dst(%dma_wait3A_388 : memref<10008x64xf32, #tpu.memory_space<vmem_shared>>)
      %dma_start3A_389 = arith.constant 0 : i32
      %dma_start3A_390 = tpu.memref_slice %arg13[%add3A_380, %dma_start3A_389] : memref<32x128xi32, #tpu.memory_space<vmem>> -> memref<1x128xi32, #tpu.memory_space<vmem>>
      %dma_start3A_391 = tpu.memref_squeeze %dma_start3A_390 : memref<1x128xi32, #tpu.memory_space<vmem>> -> memref<128xi32, #tpu.memory_space<vmem>>
      %dma_start3A_392 = arith.constant 0 : i32
      %dma_start3A_393 = arith.constant 0 : i32
      %dma_start3A_394 = tpu.memref_slice %arg10[%dma_start3A_392, %dma_start3A_393] : memref<10000x64xf32, #tpu.memory_space<vmem_shared>> -> memref<10000x64xf32, #tpu.memory_space<vmem_shared>>
      tpu.enqueue_indirect_dma source(%dma_start3A_394 : memref<10000x64xf32, #tpu.memory_space<vmem_shared>>) target(%arg16 : memref<128x64xf32, #tpu.memory_space<vmem>>) offsets(%dma_start3A_391 : memref<128xi32, #tpu.memory_space<vmem>>) semaphore(%arg20 : memref<!tpu.dma_semaphore, #tpu.memory_space<semaphore_mem>>)
      %sub3A_395 = arith.constant 1 : i32
      %sub3A_396 = arith.subi %add3A_380, %sub3A_395 : i32
      %dma_wait3A_397 = arith.constant 0 : i32
      %dma_wait3A_398 = tpu.memref_slice %arg13[%sub3A_396, %dma_wait3A_397] : memref<32x128xi32, #tpu.memory_space<vmem>> -> memref<1x128xi32, #tpu.memory_space<vmem>>
      %dma_wait3A_399 = tpu.memref_squeeze %dma_wait3A_398 : memref<1x128xi32, #tpu.memory_space<vmem>> -> memref<128xi32, #tpu.memory_space<vmem>>
      %dma_wait3A_400 = arith.constant 0 : i32
      %dma_wait3A_401 = arith.constant 0 : i32
      %dma_wait3A_402 = tpu.memref_slice %arg10[%dma_wait3A_400, %dma_wait3A_401] : memref<10000x64xf32, #tpu.memory_space<vmem_shared>> -> memref<10000x64xf32, #tpu.memory_space<vmem_shared>>
      tpu.wait_indirect_dma semaphore(%arg19 : memref<!tpu.dma_semaphore, #tpu.memory_space<semaphore_mem>>) src(%dma_wait3A_402 : memref<10000x64xf32, #tpu.memory_space<vmem_shared>>) dst(%arg15 : memref<128x64xf32, #tpu.memory_space<vmem>>)
      %sub3A_403 = arith.constant 1 : i32
      %sub3A_404 = arith.subi %add3A_380, %sub3A_403 : i32
      %dma_start3A_405 = arith.constant 0 : i32
      %dma_start3A_406 = tpu.memref_slice %arg14[%sub3A_404, %dma_start3A_405] : memref<32x128xi32, #tpu.memory_space<vmem>> -> memref<1x128xi32, #tpu.memory_space<vmem>>
      %dma_start3A_407 = tpu.memref_squeeze %dma_start3A_406 : memref<1x128xi32, #tpu.memory_space<vmem>> -> memref<128xi32, #tpu.memory_space<vmem>>
      %dma_start3A_408 = arith.constant 0 : i32
      %dma_start3A_409 = arith.constant 0 : i32
      %dma_start3A_410 = tpu.memref_slice %arg11[%dma_start3A_408, %dma_start3A_409] : memref<10008x64xf32, #tpu.memory_space<vmem_shared>> -> memref<10008x64xf32, #tpu.memory_space<vmem_shared>>
      tpu.enqueue_indirect_dma source(%arg15 : memref<128x64xf32, #tpu.memory_space<vmem>>) target(%dma_start3A_410 : memref<10008x64xf32, #tpu.memory_space<vmem_shared>>) offsets(%dma_start3A_407 : memref<128xi32, #tpu.memory_space<vmem>>) semaphore(%arg21 : memref<!tpu.dma_semaphore, #tpu.memory_space<semaphore_mem>>) {add = true}
      %mul3A_411 = arith.constant 8 : i32
      %mul3A_412 = arith.muli %add3A_225, %mul3A_411 : i32
      %add3A_413 = arith.constant 6 : i32
      %add3A_414 = arith.addi %mul3A_412, %add3A_413 : i32
      %sub3A_415 = arith.constant 2 : i32
      %sub3A_416 = arith.subi %add3A_414, %sub3A_415 : i32
      %dma_wait3A_417 = arith.constant 0 : i32
      %dma_wait3A_418 = tpu.memref_slice %arg14[%sub3A_416, %dma_wait3A_417] : memref<32x128xi32, #tpu.memory_space<vmem>> -> memref<1x128xi32, #tpu.memory_space<vmem>>
      %dma_wait3A_419 = tpu.memref_squeeze %dma_wait3A_418 : memref<1x128xi32, #tpu.memory_space<vmem>> -> memref<128xi32, #tpu.memory_space<vmem>>
      %dma_wait3A_420 = arith.constant 0 : i32
      %dma_wait3A_421 = arith.constant 0 : i32
      %dma_wait3A_422 = tpu.memref_slice %arg11[%dma_wait3A_420, %dma_wait3A_421] : memref<10008x64xf32, #tpu.memory_space<vmem_shared>> -> memref<10008x64xf32, #tpu.memory_space<vmem_shared>>
      tpu.wait_indirect_dma semaphore(%arg21 : memref<!tpu.dma_semaphore, #tpu.memory_space<semaphore_mem>>) src(%arg15 : memref<128x64xf32, #tpu.memory_space<vmem>>) dst(%dma_wait3A_422 : memref<10008x64xf32, #tpu.memory_space<vmem_shared>>)
      %dma_start3A_423 = arith.constant 0 : i32
      %dma_start3A_424 = tpu.memref_slice %arg13[%add3A_414, %dma_start3A_423] : memref<32x128xi32, #tpu.memory_space<vmem>> -> memref<1x128xi32, #tpu.memory_space<vmem>>
      %dma_start3A_425 = tpu.memref_squeeze %dma_start3A_424 : memref<1x128xi32, #tpu.memory_space<vmem>> -> memref<128xi32, #tpu.memory_space<vmem>>
      %dma_start3A_426 = arith.constant 0 : i32
      %dma_start3A_427 = arith.constant 0 : i32
      %dma_start3A_428 = tpu.memref_slice %arg10[%dma_start3A_426, %dma_start3A_427] : memref<10000x64xf32, #tpu.memory_space<vmem_shared>> -> memref<10000x64xf32, #tpu.memory_space<vmem_shared>>
      tpu.enqueue_indirect_dma source(%dma_start3A_428 : memref<10000x64xf32, #tpu.memory_space<vmem_shared>>) target(%arg15 : memref<128x64xf32, #tpu.memory_space<vmem>>) offsets(%dma_start3A_425 : memref<128xi32, #tpu.memory_space<vmem>>) semaphore(%arg19 : memref<!tpu.dma_semaphore, #tpu.memory_space<semaphore_mem>>)
      %sub3A_429 = arith.constant 1 : i32
      %sub3A_430 = arith.subi %add3A_414, %sub3A_429 : i32
      %dma_wait3A_431 = arith.constant 0 : i32
      %dma_wait3A_432 = tpu.memref_slice %arg13[%sub3A_430, %dma_wait3A_431] : memref<32x128xi32, #tpu.memory_space<vmem>> -> memref<1x128xi32, #tpu.memory_space<vmem>>
      %dma_wait3A_433 = tpu.memref_squeeze %dma_wait3A_432 : memref<1x128xi32, #tpu.memory_space<vmem>> -> memref<128xi32, #tpu.memory_space<vmem>>
      %dma_wait3A_434 = arith.constant 0 : i32
      %dma_wait3A_435 = arith.constant 0 : i32
      %dma_wait3A_436 = tpu.memref_slice %arg10[%dma_wait3A_434, %dma_wait3A_435] : memref<10000x64xf32, #tpu.memory_space<vmem_shared>> -> memref<10000x64xf32, #tpu.memory_space<vmem_shared>>
      tpu.wait_indirect_dma semaphore(%arg20 : memref<!tpu.dma_semaphore, #tpu.memory_space<semaphore_mem>>) src(%dma_wait3A_436 : memref<10000x64xf32, #tpu.memory_space<vmem_shared>>) dst(%arg16 : memref<128x64xf32, #tpu.memory_space<vmem>>)
      %sub3A_437 = arith.constant 1 : i32
      %sub3A_438 = arith.subi %add3A_414, %sub3A_437 : i32
      %dma_start3A_439 = arith.constant 0 : i32
      %dma_start3A_440 = tpu.memref_slice %arg14[%sub3A_438, %dma_start3A_439] : memref<32x128xi32, #tpu.memory_space<vmem>> -> memref<1x128xi32, #tpu.memory_space<vmem>>
      %dma_start3A_441 = tpu.memref_squeeze %dma_start3A_440 : memref<1x128xi32, #tpu.memory_space<vmem>> -> memref<128xi32, #tpu.memory_space<vmem>>
      %dma_start3A_442 = arith.constant 0 : i32
      %dma_start3A_443 = arith.constant 0 : i32
      %dma_start3A_444 = tpu.memref_slice %arg11[%dma_start3A_442, %dma_start3A_443] : memref<10008x64xf32, #tpu.memory_space<vmem_shared>> -> memref<10008x64xf32, #tpu.memory_space<vmem_shared>>
      tpu.enqueue_indirect_dma source(%arg16 : memref<128x64xf32, #tpu.memory_space<vmem>>) target(%dma_start3A_444 : memref<10008x64xf32, #tpu.memory_space<vmem_shared>>) offsets(%dma_start3A_441 : memref<128xi32, #tpu.memory_space<vmem>>) semaphore(%arg22 : memref<!tpu.dma_semaphore, #tpu.memory_space<semaphore_mem>>) {add = true}
      %mul3A_445 = arith.constant 8 : i32
      %mul3A_446 = arith.muli %add3A_225, %mul3A_445 : i32
      %add3A_447 = arith.constant 7 : i32
      %add3A_448 = arith.addi %mul3A_446, %add3A_447 : i32
      %sub3A_449 = arith.constant 2 : i32
      %sub3A_450 = arith.subi %add3A_448, %sub3A_449 : i32
      %dma_wait3A_451 = arith.constant 0 : i32
      %dma_wait3A_452 = tpu.memref_slice %arg14[%sub3A_450, %dma_wait3A_451] : memref<32x128xi32, #tpu.memory_space<vmem>> -> memref<1x128xi32, #tpu.memory_space<vmem>>
      %dma_wait3A_453 = tpu.memref_squeeze %dma_wait3A_452 : memref<1x128xi32, #tpu.memory_space<vmem>> -> memref<128xi32, #tpu.memory_space<vmem>>
      %dma_wait3A_454 = arith.constant 0 : i32
      %dma_wait3A_455 = arith.constant 0 : i32
      %dma_wait3A_456 = tpu.memref_slice %arg11[%dma_wait3A_454, %dma_wait3A_455] : memref<10008x64xf32, #tpu.memory_space<vmem_shared>> -> memref<10008x64xf32, #tpu.memory_space<vmem_shared>>
      tpu.wait_indirect_dma semaphore(%arg22 : memref<!tpu.dma_semaphore, #tpu.memory_space<semaphore_mem>>) src(%arg16 : memref<128x64xf32, #tpu.memory_space<vmem>>) dst(%dma_wait3A_456 : memref<10008x64xf32, #tpu.memory_space<vmem_shared>>)
      %dma_start3A_457 = arith.constant 0 : i32
      %dma_start3A_458 = tpu.memref_slice %arg13[%add3A_448, %dma_start3A_457] : memref<32x128xi32, #tpu.memory_space<vmem>> -> memref<1x128xi32, #tpu.memory_space<vmem>>
      %dma_start3A_459 = tpu.memref_squeeze %dma_start3A_458 : memref<1x128xi32, #tpu.memory_space<vmem>> -> memref<128xi32, #tpu.memory_space<vmem>>
      %dma_start3A_460 = arith.constant 0 : i32
      %dma_start3A_461 = arith.constant 0 : i32
      %dma_start3A_462 = tpu.memref_slice %arg10[%dma_start3A_460, %dma_start3A_461] : memref<10000x64xf32, #tpu.memory_space<vmem_shared>> -> memref<10000x64xf32, #tpu.memory_space<vmem_shared>>
      tpu.enqueue_indirect_dma source(%dma_start3A_462 : memref<10000x64xf32, #tpu.memory_space<vmem_shared>>) target(%arg16 : memref<128x64xf32, #tpu.memory_space<vmem>>) offsets(%dma_start3A_459 : memref<128xi32, #tpu.memory_space<vmem>>) semaphore(%arg20 : memref<!tpu.dma_semaphore, #tpu.memory_space<semaphore_mem>>)
      %sub3A_463 = arith.constant 1 : i32
      %sub3A_464 = arith.subi %add3A_448, %sub3A_463 : i32
      %dma_wait3A_465 = arith.constant 0 : i32
      %dma_wait3A_466 = tpu.memref_slice %arg13[%sub3A_464, %dma_wait3A_465] : memref<32x128xi32, #tpu.memory_space<vmem>> -> memref<1x128xi32, #tpu.memory_space<vmem>>
      %dma_wait3A_467 = tpu.memref_squeeze %dma_wait3A_466 : memref<1x128xi32, #tpu.memory_space<vmem>> -> memref<128xi32, #tpu.memory_space<vmem>>
      %dma_wait3A_468 = arith.constant 0 : i32
      %dma_wait3A_469 = arith.constant 0 : i32
      %dma_wait3A_470 = tpu.memref_slice %arg10[%dma_wait3A_468, %dma_wait3A_469] : memref<10000x64xf32, #tpu.memory_space<vmem_shared>> -> memref<10000x64xf32, #tpu.memory_space<vmem_shared>>
      tpu.wait_indirect_dma semaphore(%arg19 : memref<!tpu.dma_semaphore, #tpu.memory_space<semaphore_mem>>) src(%dma_wait3A_470 : memref<10000x64xf32, #tpu.memory_space<vmem_shared>>) dst(%arg15 : memref<128x64xf32, #tpu.memory_space<vmem>>)
      %sub3A_471 = arith.constant 1 : i32
      %sub3A_472 = arith.subi %add3A_448, %sub3A_471 : i32
      %dma_start3A_473 = arith.constant 0 : i32
      %dma_start3A_474 = tpu.memref_slice %arg14[%sub3A_472, %dma_start3A_473] : memref<32x128xi32, #tpu.memory_space<vmem>> -> memref<1x128xi32, #tpu.memory_space<vmem>>
      %dma_start3A_475 = tpu.memref_squeeze %dma_start3A_474 : memref<1x128xi32, #tpu.memory_space<vmem>> -> memref<128xi32, #tpu.memory_space<vmem>>
      %dma_start3A_476 = arith.constant 0 : i32
      %dma_start3A_477 = arith.constant 0 : i32
      %dma_start3A_478 = tpu.memref_slice %arg11[%dma_start3A_476, %dma_start3A_477] : memref<10008x64xf32, #tpu.memory_space<vmem_shared>> -> memref<10008x64xf32, #tpu.memory_space<vmem_shared>>
      tpu.enqueue_indirect_dma source(%arg15 : memref<128x64xf32, #tpu.memory_space<vmem>>) target(%dma_start3A_478 : memref<10008x64xf32, #tpu.memory_space<vmem_shared>>) offsets(%dma_start3A_475 : memref<128xi32, #tpu.memory_space<vmem>>) semaphore(%arg21 : memref<!tpu.dma_semaphore, #tpu.memory_space<semaphore_mem>>) {add = true}
    }
    %scan3A_181 = arith.constant 4 : i32
    %dma_wait3A_182 = arith.constant 31 : i32
    %dma_wait3A_183 = arith.constant 0 : i32
    %dma_wait3A_184 = tpu.memref_slice %arg13[%dma_wait3A_182, %dma_wait3A_183] : memref<32x128xi32, #tpu.memory_space<vmem>> -> memref<1x128xi32, #tpu.memory_space<vmem>>
    %dma_wait3A_185 = tpu.memref_squeeze %dma_wait3A_184 : memref<1x128xi32, #tpu.memory_space<vmem>> -> memref<128xi32, #tpu.memory_space<vmem>>
    %dma_wait3A_186 = arith.constant 0 : i32
    %dma_wait3A_187 = arith.constant 0 : i32
    %dma_wait3A_188 = tpu.memref_slice %arg10[%dma_wait3A_186, %dma_wait3A_187] : memref<10000x64xf32, #tpu.memory_space<vmem_shared>> -> memref<10000x64xf32, #tpu.memory_space<vmem_shared>>
    tpu.wait_indirect_dma semaphore(%arg20 : memref<!tpu.dma_semaphore, #tpu.memory_space<semaphore_mem>>) src(%dma_wait3A_188 : memref<10000x64xf32, #tpu.memory_space<vmem_shared>>) dst(%arg16 : memref<128x64xf32, #tpu.memory_space<vmem>>)
    %dma_start3A_189 = arith.constant 31 : i32
    %dma_start3A_190 = arith.constant 0 : i32
    %dma_start3A_191 = tpu.memref_slice %arg14[%dma_start3A_189, %dma_start3A_190] : memref<32x128xi32, #tpu.memory_space<vmem>> -> memref<1x128xi32, #tpu.memory_space<vmem>>
    %dma_start3A_192 = tpu.memref_squeeze %dma_start3A_191 : memref<1x128xi32, #tpu.memory_space<vmem>> -> memref<128xi32, #tpu.memory_space<vmem>>
    %dma_start3A_193 = arith.constant 0 : i32
    %dma_start3A_194 = arith.constant 0 : i32
    %dma_start3A_195 = tpu.memref_slice %arg11[%dma_start3A_193, %dma_start3A_194] : memref<10008x64xf32, #tpu.memory_space<vmem_shared>> -> memref<10008x64xf32, #tpu.memory_space<vmem_shared>>
    tpu.enqueue_indirect_dma source(%arg16 : memref<128x64xf32, #tpu.memory_space<vmem>>) target(%dma_start3A_195 : memref<10008x64xf32, #tpu.memory_space<vmem_shared>>) offsets(%dma_start3A_192 : memref<128xi32, #tpu.memory_space<vmem>>) semaphore(%arg22 : memref<!tpu.dma_semaphore, #tpu.memory_space<semaphore_mem>>) {add = true}
    %dma_wait3A_196 = arith.constant 30 : i32
    %dma_wait3A_197 = arith.constant 0 : i32
    %dma_wait3A_198 = tpu.memref_slice %arg14[%dma_wait3A_196, %dma_wait3A_197] : memref<32x128xi32, #tpu.memory_space<vmem>> -> memref<1x128xi32, #tpu.memory_space<vmem>>
    %dma_wait3A_199 = tpu.memref_squeeze %dma_wait3A_198 : memref<1x128xi32, #tpu.memory_space<vmem>> -> memref<128xi32, #tpu.memory_space<vmem>>
    %dma_wait3A_200 = arith.constant 0 : i32
    %dma_wait3A_201 = arith.constant 0 : i32
    %dma_wait3A_202 = tpu.memref_slice %arg11[%dma_wait3A_200, %dma_wait3A_201] : memref<10008x64xf32, #tpu.memory_space<vmem_shared>> -> memref<10008x64xf32, #tpu.memory_space<vmem_shared>>
    tpu.wait_indirect_dma semaphore(%arg21 : memref<!tpu.dma_semaphore, #tpu.memory_space<semaphore_mem>>) src(%arg15 : memref<128x64xf32, #tpu.memory_space<vmem>>) dst(%dma_wait3A_202 : memref<10008x64xf32, #tpu.memory_space<vmem_shared>>)
    %dma_wait3A_203 = arith.constant 31 : i32
    %dma_wait3A_204 = arith.constant 0 : i32
    %dma_wait3A_205 = tpu.memref_slice %arg14[%dma_wait3A_203, %dma_wait3A_204] : memref<32x128xi32, #tpu.memory_space<vmem>> -> memref<1x128xi32, #tpu.memory_space<vmem>>
    %dma_wait3A_206 = tpu.memref_squeeze %dma_wait3A_205 : memref<1x128xi32, #tpu.memory_space<vmem>> -> memref<128xi32, #tpu.memory_space<vmem>>
    %dma_wait3A_207 = arith.constant 0 : i32
    %dma_wait3A_208 = arith.constant 0 : i32
    %dma_wait3A_209 = tpu.memref_slice %arg11[%dma_wait3A_207, %dma_wait3A_208] : memref<10008x64xf32, #tpu.memory_space<vmem_shared>> -> memref<10008x64xf32, #tpu.memory_space<vmem_shared>>
    tpu.wait_indirect_dma semaphore(%arg22 : memref<!tpu.dma_semaphore, #tpu.memory_space<semaphore_mem>>) src(%arg16 : memref<128x64xf32, #tpu.memory_space<vmem>>) dst(%dma_wait3A_209 : memref<10008x64xf32, #tpu.memory_space<vmem_shared>>)
    %scan3A_210 = arith.constant 0 : i32
    %scan3A_211 = arith.constant 16 : i32
    %scan3A_212 = arith.addi %scan3A_210, %scan3A_211 : i32
    %scan3A_213 = arith.constant 1 : i32
    scf.for %scan3A_221 = %scan3A_210 to %scan3A_212 step %scan3A_213  : i32 {
      %mul3A_222 = arith.constant 1 : i32
      %mul3A_223 = arith.muli %scan3A_221, %mul3A_222 : i32
      %add3A_224 = arith.constant 0 : i32
      %add3A_225 = arith.addi %add3A_224, %mul3A_223 : i32
      %mul3A_226 = arith.constant 2 : i32
      %mul3A_227 = arith.muli %mul3A_226, %add3A_225 : i32
      %add3A_228 = arith.addi %mul3A_227, %arg0 : i32
      "tpu.region"() ({
        %run_scoped3A = tpu.sem_alloc : memref<!tpu.dma_semaphore, #tpu.memory_space<semaphore_mem>>
        %dma_start3A_229 = arith.constant 0 : i32
        %dma_start3A_230 = tpu.memref_slice %arg14[%add3A_228, %dma_start3A_229] : memref<32x128xi32, #tpu.memory_space<vmem>> -> memref<1x128xi32, #tpu.memory_space<vmem>>
        %dma_start3A_231 = tpu.memref_squeeze %dma_start3A_230 : memref<1x128xi32, #tpu.memory_space<vmem>> -> memref<128xi32, #tpu.memory_space<vmem>>
        %dma_start3A_232 = arith.constant 0 : i32
        %dma_start3A_233 = tpu.memref_slice %arg12[%dma_start3A_232] : memref<10008xf32, #tpu.memory_space<vmem_shared>> -> memref<10008xf32, #tpu.memory_space<vmem_shared>>
        tpu.enqueue_indirect_dma source(%arg17 : memref<128xf32, #tpu.memory_space<vmem>>) target(%dma_start3A_233 : memref<10008xf32, #tpu.memory_space<vmem_shared>>) offsets(%dma_start3A_231 : memref<128xi32, #tpu.memory_space<vmem>>) semaphore(%run_scoped3A : memref<!tpu.dma_semaphore, #tpu.memory_space<semaphore_mem>>) {add = true}
        %dma_wait3A_234 = arith.constant 0 : i32
        %dma_wait3A_235 = tpu.memref_slice %arg14[%add3A_228, %dma_wait3A_234] : memref<32x128xi32, #tpu.memory_space<vmem>> -> memref<1x128xi32, #tpu.memory_space<vmem>>
        %dma_wait3A_236 = tpu.memref_squeeze %dma_wait3A_235 : memref<1x128xi32, #tpu.memory_space<vmem>> -> memref<128xi32, #tpu.memory_space<vmem>>
        %dma_wait3A_237 = arith.constant 0 : i32
        %dma_wait3A_238 = tpu.memref_slice %arg12[%dma_wait3A_237] : memref<10008xf32, #tpu.memory_space<vmem_shared>> -> memref<10008xf32, #tpu.memory_space<vmem_shared>>
        tpu.wait_indirect_dma semaphore(%run_scoped3A : memref<!tpu.dma_semaphore, #tpu.memory_space<semaphore_mem>>) src(%arg17 : memref<128xf32, #tpu.memory_space<vmem>>) dst(%dma_wait3A_238 : memref<10008xf32, #tpu.memory_space<vmem_shared>>)
        tpu.yield
      }) : () -> ()
    }
    %scan3A_214 = arith.constant 16 : i32
    %barrier3A_215 = arith.constant 0 : index
    tpu.barrier barrier_id(%barrier3A_215)
    %lt3A_216 = arith.constant 10 : i32
    %lt3A_217 = arith.cmpi slt, %arg1, %lt3A_216 : i32
    %convert_element_type3A_218 = arith.extui %lt3A_217 : i1 to i32
    %cond3A_219 = arith.constant 0 : i32
    %cond3A_220 = arith.cmpi ne, %convert_element_type3A_218, %cond3A_219 : i32
    scf.if %cond3A_220 {
      %mul3A_221 = arith.constant 1000 : i32
      %mul3A_222 = arith.muli %arg1, %mul3A_221 : i32
      "tpu.region"() ({
        %run_scoped3A = tpu.sem_alloc : memref<!tpu.dma_semaphore, #tpu.memory_space<semaphore_mem>>
        %dma_start3A_292 = tpu.memref_slice %arg12[%mul3A_222] : memref<10008xf32, #tpu.memory_space<vmem_shared>> -> memref<1000xf32, #tpu.memory_space<vmem_shared>>
        %dma_start3A_293 = tpu.memref_slice %arg12[%mul3A_222] : memref<10008xf32, #tpu.memory_space<vmem_shared>> -> memref<1000xf32, #tpu.memory_space<vmem_shared>>
        tpu.enqueue_dma source(%dma_start3A_293 : memref<1000xf32, #tpu.memory_space<vmem_shared>>) target(%arg18 : memref<1000xf32, #tpu.memory_space<vmem>>) target_semaphore(%run_scoped3A : memref<!tpu.dma_semaphore, #tpu.memory_space<semaphore_mem>>)
        %dma_wait3A_294 = tpu.memref_slice %arg12[%mul3A_222] : memref<10008xf32, #tpu.memory_space<vmem_shared>> -> memref<1000xf32, #tpu.memory_space<vmem_shared>>
        %dma_wait3A_295 = tpu.memref_slice %arg12[%mul3A_222] : memref<10008xf32, #tpu.memory_space<vmem_shared>> -> memref<1000xf32, #tpu.memory_space<vmem_shared>>
        tpu.wait_dma2 semaphore(%run_scoped3A : memref<!tpu.dma_semaphore, #tpu.memory_space<semaphore_mem>>) src(%dma_wait3A_295 : memref<1000xf32, #tpu.memory_space<vmem_shared>>) dst(%arg18 : memref<1000xf32, #tpu.memory_space<vmem>>)
        tpu.yield
      }) : () -> ()
      %mul3A_223 = arith.constant 10000 : i32
      %mul3A_224 = arith.muli %arg0, %mul3A_223 : i32
      %mul3A_225 = arith.constant 1000 : i32
      %mul3A_226 = arith.muli %arg1, %mul3A_225 : i32
      %add3A_227 = arith.addi %mul3A_224, %mul3A_226 : i32
      "tpu.region"() ({
        %run_scoped3A = tpu.sem_alloc : memref<!tpu.dma_semaphore, #tpu.memory_space<semaphore_mem>>
        %dma_start3A_292 = tpu.memref_slice %arg9[%add3A_227] : memref<20000xf32, #tpu.memory_space<hbm>> -> memref<1000xf32, #tpu.memory_space<hbm>>
        %dma_start3A_293 = tpu.memref_slice %arg9[%add3A_227] : memref<20000xf32, #tpu.memory_space<hbm>> -> memref<1000xf32, #tpu.memory_space<hbm>>
        tpu.enqueue_dma source(%arg18 : memref<1000xf32, #tpu.memory_space<vmem>>) target(%dma_start3A_293 : memref<1000xf32, #tpu.memory_space<hbm>>) target_semaphore(%run_scoped3A : memref<!tpu.dma_semaphore, #tpu.memory_space<semaphore_mem>>)
        %dma_wait3A_294 = tpu.memref_slice %arg9[%add3A_227] : memref<20000xf32, #tpu.memory_space<hbm>> -> memref<1000xf32, #tpu.memory_space<hbm>>
        %dma_wait3A_295 = tpu.memref_slice %arg9[%add3A_227] : memref<20000xf32, #tpu.memory_space<hbm>> -> memref<1000xf32, #tpu.memory_space<hbm>>
        tpu.wait_dma2 semaphore(%run_scoped3A : memref<!tpu.dma_semaphore, #tpu.memory_space<semaphore_mem>>) src(%arg18 : memref<1000xf32, #tpu.memory_space<vmem>>) dst(%dma_wait3A_295 : memref<1000xf32, #tpu.memory_space<hbm>>)
        tpu.yield
      }) : () -> ()
      %mul3A_228 = arith.constant 1000 : i32
      %mul3A_229 = arith.muli %arg1, %mul3A_228 : i32
      %add3A_230 = arith.constant 0 : i32
      %add3A_231 = arith.addi %mul3A_229, %add3A_230 : i32
      "tpu.region"() ({
        %run_scoped3A = tpu.sem_alloc : memref<!tpu.dma_semaphore, #tpu.memory_space<semaphore_mem>>
        %dma_start3A_292 = arith.constant 0 : i32
        %dma_start3A_293 = arith.constant 0 : i32
        %dma_start3A_294 = tpu.memref_slice %arg16[%dma_start3A_292, %dma_start3A_293] : memref<128x64xf32, #tpu.memory_space<vmem>> -> memref<128x64xf32, #tpu.memory_space<vmem>>
        %dma_start3A_295 = arith.constant 0 : i32
        %dma_start3A_296 = tpu.memref_slice %arg11[%add3A_231, %dma_start3A_295] : memref<10008x64xf32, #tpu.memory_space<vmem_shared>> -> memref<128x64xf32, #tpu.memory_space<vmem_shared>>
        %dma_start3A_297 = arith.constant 0 : i32
        %dma_start3A_298 = arith.constant 0 : i32
        %dma_start3A_299 = tpu.memref_slice %arg16[%dma_start3A_297, %dma_start3A_298] : memref<128x64xf32, #tpu.memory_space<vmem>> -> memref<128x64xf32, #tpu.memory_space<vmem>>
        %dma_start3A_300 = arith.constant 0 : i32
        %dma_start3A_301 = tpu.memref_slice %arg11[%add3A_231, %dma_start3A_300] : memref<10008x64xf32, #tpu.memory_space<vmem_shared>> -> memref<128x64xf32, #tpu.memory_space<vmem_shared>>
        tpu.enqueue_dma source(%dma_start3A_301 : memref<128x64xf32, #tpu.memory_space<vmem_shared>>) target(%dma_start3A_299 : memref<128x64xf32, #tpu.memory_space<vmem>>) target_semaphore(%run_scoped3A : memref<!tpu.dma_semaphore, #tpu.memory_space<semaphore_mem>>)
        %dma_wait3A_302 = arith.constant 0 : i32
        %dma_wait3A_303 = arith.constant 0 : i32
        %dma_wait3A_304 = tpu.memref_slice %arg16[%dma_wait3A_302, %dma_wait3A_303] : memref<128x64xf32, #tpu.memory_space<vmem>> -> memref<128x64xf32, #tpu.memory_space<vmem>>
        %dma_wait3A_305 = arith.constant 0 : i32
        %dma_wait3A_306 = tpu.memref_slice %arg11[%add3A_231, %dma_wait3A_305] : memref<10008x64xf32, #tpu.memory_space<vmem_shared>> -> memref<128x64xf32, #tpu.memory_space<vmem_shared>>
        %dma_wait3A_307 = arith.constant 0 : i32
        %dma_wait3A_308 = arith.constant 0 : i32
        %dma_wait3A_309 = tpu.memref_slice %arg16[%dma_wait3A_307, %dma_wait3A_308] : memref<128x64xf32, #tpu.memory_space<vmem>> -> memref<128x64xf32, #tpu.memory_space<vmem>>
        %dma_wait3A_310 = arith.constant 0 : i32
        %dma_wait3A_311 = tpu.memref_slice %arg11[%add3A_231, %dma_wait3A_310] : memref<10008x64xf32, #tpu.memory_space<vmem_shared>> -> memref<128x64xf32, #tpu.memory_space<vmem_shared>>
        tpu.wait_dma2 semaphore(%run_scoped3A : memref<!tpu.dma_semaphore, #tpu.memory_space<semaphore_mem>>) src(%dma_wait3A_311 : memref<128x64xf32, #tpu.memory_space<vmem_shared>>) dst(%dma_wait3A_309 : memref<128x64xf32, #tpu.memory_space<vmem>>)
        tpu.yield
      }) : () -> ()
      %mul3A_232 = arith.constant 1000 : i32
      %mul3A_233 = arith.muli %arg1, %mul3A_232 : i32
      %add3A_234 = arith.constant 0 : i32
      %add3A_235 = arith.addi %mul3A_233, %add3A_234 : i32
      "tpu.region"() ({
        %run_scoped3A = tpu.sem_alloc : memref<!tpu.dma_semaphore, #tpu.memory_space<semaphore_mem>>
        %dma_start3A_292 = arith.constant 0 : i32
        %dma_start3A_293 = arith.constant 0 : i32
        %dma_start3A_294 = tpu.memref_slice %arg16[%dma_start3A_292, %dma_start3A_293] : memref<128x64xf32, #tpu.memory_space<vmem>> -> memref<128x64xf32, #tpu.memory_space<vmem>>
        %dma_start3A_295 = arith.constant 0 : i32
        %dma_start3A_296 = tpu.memref_slice %arg8[%arg0, %add3A_235, %dma_start3A_295] : memref<2x10000x64xf32, #tpu.memory_space<hbm>> -> memref<1x128x64xf32, #tpu.memory_space<hbm>>
        %dma_start3A_297 = tpu.memref_squeeze %dma_start3A_296 : memref<1x128x64xf32, #tpu.memory_space<hbm>> -> memref<128x64xf32, #tpu.memory_space<hbm>>
        %dma_start3A_298 = arith.constant 0 : i32
        %dma_start3A_299 = tpu.memref_slice %arg8[%arg0, %add3A_235, %dma_start3A_298] : memref<2x10000x64xf32, #tpu.memory_space<hbm>> -> memref<1x128x64xf32, #tpu.memory_space<hbm>>
        %dma_start3A_300 = tpu.memref_squeeze %dma_start3A_299 : memref<1x128x64xf32, #tpu.memory_space<hbm>> -> memref<128x64xf32, #tpu.memory_space<hbm>>
        %dma_start3A_301 = arith.constant 0 : i32
        %dma_start3A_302 = arith.constant 0 : i32
        %dma_start3A_303 = tpu.memref_slice %arg16[%dma_start3A_301, %dma_start3A_302] : memref<128x64xf32, #tpu.memory_space<vmem>> -> memref<128x64xf32, #tpu.memory_space<vmem>>
        tpu.enqueue_dma source(%dma_start3A_303 : memref<128x64xf32, #tpu.memory_space<vmem>>) target(%dma_start3A_300 : memref<128x64xf32, #tpu.memory_space<hbm>>) target_semaphore(%run_scoped3A : memref<!tpu.dma_semaphore, #tpu.memory_space<semaphore_mem>>)
        %dma_wait3A_304 = arith.constant 0 : i32
        %dma_wait3A_305 = arith.constant 0 : i32
        %dma_wait3A_306 = tpu.memref_slice %arg16[%dma_wait3A_304, %dma_wait3A_305] : memref<128x64xf32, #tpu.memory_space<vmem>> -> memref<128x64xf32, #tpu.memory_space<vmem>>
        %dma_wait3A_307 = arith.constant 0 : i32
        %dma_wait3A_308 = tpu.memref_slice %arg8[%arg0, %add3A_235, %dma_wait3A_307] : memref<2x10000x64xf32, #tpu.memory_space<hbm>> -> memref<1x128x64xf32, #tpu.memory_space<hbm>>
        %dma_wait3A_309 = tpu.memref_squeeze %dma_wait3A_308 : memref<1x128x64xf32, #tpu.memory_space<hbm>> -> memref<128x64xf32, #tpu.memory_space<hbm>>
        %dma_wait3A_310 = arith.constant 0 : i32
        %dma_wait3A_311 = tpu.memref_slice %arg8[%arg0, %add3A_235, %dma_wait3A_310] : memref<2x10000x64xf32, #tpu.memory_space<hbm>> -> memref<1x128x64xf32, #tpu.memory_space<hbm>>
        %dma_wait3A_312 = tpu.memref_squeeze %dma_wait3A_311 : memref<1x128x64xf32, #tpu.memory_space<hbm>> -> memref<128x64xf32, #tpu.memory_space<hbm>>
        %dma_wait3A_313 = arith.constant 0 : i32
        %dma_wait3A_314 = arith.constant 0 : i32
        %dma_wait3A_315 = tpu.memref_slice %arg16[%dma_wait3A_313, %dma_wait3A_314] : memref<128x64xf32, #tpu.memory_space<vmem>> -> memref<128x64xf32, #tpu.memory_space<vmem>>
        tpu.wait_dma2 semaphore(%run_scoped3A : memref<!tpu.dma_semaphore, #tpu.memory_space<semaphore_mem>>) src(%dma_wait3A_315 : memref<128x64xf32, #tpu.memory_space<vmem>>) dst(%dma_wait3A_312 : memref<128x64xf32, #tpu.memory_space<hbm>>)
        tpu.yield
      }) : () -> ()
      %mul3A_236 = arith.constant 1000 : i32
      %mul3A_237 = arith.muli %arg1, %mul3A_236 : i32
      %add3A_238 = arith.constant 128 : i32
      %add3A_239 = arith.addi %mul3A_237, %add3A_238 : i32
      "tpu.region"() ({
        %run_scoped3A = tpu.sem_alloc : memref<!tpu.dma_semaphore, #tpu.memory_space<semaphore_mem>>
        %dma_start3A_292 = arith.constant 0 : i32
        %dma_start3A_293 = arith.constant 0 : i32
        %dma_start3A_294 = tpu.memref_slice %arg16[%dma_start3A_292, %dma_start3A_293] : memref<128x64xf32, #tpu.memory_space<vmem>> -> memref<128x64xf32, #tpu.memory_space<vmem>>
        %dma_start3A_295 = arith.constant 0 : i32
        %dma_start3A_296 = tpu.memref_slice %arg11[%add3A_239, %dma_start3A_295] : memref<10008x64xf32, #tpu.memory_space<vmem_shared>> -> memref<128x64xf32, #tpu.memory_space<vmem_shared>>
        %dma_start3A_297 = arith.constant 0 : i32
        %dma_start3A_298 = arith.constant 0 : i32
        %dma_start3A_299 = tpu.memref_slice %arg16[%dma_start3A_297, %dma_start3A_298] : memref<128x64xf32, #tpu.memory_space<vmem>> -> memref<128x64xf32, #tpu.memory_space<vmem>>
        %dma_start3A_300 = arith.constant 0 : i32
        %dma_start3A_301 = tpu.memref_slice %arg11[%add3A_239, %dma_start3A_300] : memref<10008x64xf32, #tpu.memory_space<vmem_shared>> -> memref<128x64xf32, #tpu.memory_space<vmem_shared>>
        tpu.enqueue_dma source(%dma_start3A_301 : memref<128x64xf32, #tpu.memory_space<vmem_shared>>) target(%dma_start3A_299 : memref<128x64xf32, #tpu.memory_space<vmem>>) target_semaphore(%run_scoped3A : memref<!tpu.dma_semaphore, #tpu.memory_space<semaphore_mem>>)
        %dma_wait3A_302 = arith.constant 0 : i32
        %dma_wait3A_303 = arith.constant 0 : i32
        %dma_wait3A_304 = tpu.memref_slice %arg16[%dma_wait3A_302, %dma_wait3A_303] : memref<128x64xf32, #tpu.memory_space<vmem>> -> memref<128x64xf32, #tpu.memory_space<vmem>>
        %dma_wait3A_305 = arith.constant 0 : i32
        %dma_wait3A_306 = tpu.memref_slice %arg11[%add3A_239, %dma_wait3A_305] : memref<10008x64xf32, #tpu.memory_space<vmem_shared>> -> memref<128x64xf32, #tpu.memory_space<vmem_shared>>
        %dma_wait3A_307 = arith.constant 0 : i32
        %dma_wait3A_308 = arith.constant 0 : i32
        %dma_wait3A_309 = tpu.memref_slice %arg16[%dma_wait3A_307, %dma_wait3A_308] : memref<128x64xf32, #tpu.memory_space<vmem>> -> memref<128x64xf32, #tpu.memory_space<vmem>>
        %dma_wait3A_310 = arith.constant 0 : i32
        %dma_wait3A_311 = tpu.memref_slice %arg11[%add3A_239, %dma_wait3A_310] : memref<10008x64xf32, #tpu.memory_space<vmem_shared>> -> memref<128x64xf32, #tpu.memory_space<vmem_shared>>
        tpu.wait_dma2 semaphore(%run_scoped3A : memref<!tpu.dma_semaphore, #tpu.memory_space<semaphore_mem>>) src(%dma_wait3A_311 : memref<128x64xf32, #tpu.memory_space<vmem_shared>>) dst(%dma_wait3A_309 : memref<128x64xf32, #tpu.memory_space<vmem>>)
        tpu.yield
      }) : () -> ()
      %mul3A_240 = arith.constant 1000 : i32
      %mul3A_241 = arith.muli %arg1, %mul3A_240 : i32
      %add3A_242 = arith.constant 128 : i32
      %add3A_243 = arith.addi %mul3A_241, %add3A_242 : i32
      "tpu.region"() ({
        %run_scoped3A = tpu.sem_alloc : memref<!tpu.dma_semaphore, #tpu.memory_space<semaphore_mem>>
        %dma_start3A_292 = arith.constant 0 : i32
        %dma_start3A_293 = arith.constant 0 : i32
        %dma_start3A_294 = tpu.memref_slice %arg16[%dma_start3A_292, %dma_start3A_293] : memref<128x64xf32, #tpu.memory_space<vmem>> -> memref<128x64xf32, #tpu.memory_space<vmem>>
        %dma_start3A_295 = arith.constant 0 : i32
        %dma_start3A_296 = tpu.memref_slice %arg8[%arg0, %add3A_243, %dma_start3A_295] : memref<2x10000x64xf32, #tpu.memory_space<hbm>> -> memref<1x128x64xf32, #tpu.memory_space<hbm>>
        %dma_start3A_297 = tpu.memref_squeeze %dma_start3A_296 : memref<1x128x64xf32, #tpu.memory_space<hbm>> -> memref<128x64xf32, #tpu.memory_space<hbm>>
        %dma_start3A_298 = arith.constant 0 : i32
        %dma_start3A_299 = tpu.memref_slice %arg8[%arg0, %add3A_243, %dma_start3A_298] : memref<2x10000x64xf32, #tpu.memory_space<hbm>> -> memref<1x128x64xf32, #tpu.memory_space<hbm>>
        %dma_start3A_300 = tpu.memref_squeeze %dma_start3A_299 : memref<1x128x64xf32, #tpu.memory_space<hbm>> -> memref<128x64xf32, #tpu.memory_space<hbm>>
        %dma_start3A_301 = arith.constant 0 : i32
        %dma_start3A_302 = arith.constant 0 : i32
        %dma_start3A_303 = tpu.memref_slice %arg16[%dma_start3A_301, %dma_start3A_302] : memref<128x64xf32, #tpu.memory_space<vmem>> -> memref<128x64xf32, #tpu.memory_space<vmem>>
        tpu.enqueue_dma source(%dma_start3A_303 : memref<128x64xf32, #tpu.memory_space<vmem>>) target(%dma_start3A_300 : memref<128x64xf32, #tpu.memory_space<hbm>>) target_semaphore(%run_scoped3A : memref<!tpu.dma_semaphore, #tpu.memory_space<semaphore_mem>>)
        %dma_wait3A_304 = arith.constant 0 : i32
        %dma_wait3A_305 = arith.constant 0 : i32
        %dma_wait3A_306 = tpu.memref_slice %arg16[%dma_wait3A_304, %dma_wait3A_305] : memref<128x64xf32, #tpu.memory_space<vmem>> -> memref<128x64xf32, #tpu.memory_space<vmem>>
        %dma_wait3A_307 = arith.constant 0 : i32
        %dma_wait3A_308 = tpu.memref_slice %arg8[%arg0, %add3A_243, %dma_wait3A_307] : memref<2x10000x64xf32, #tpu.memory_space<hbm>> -> memref<1x128x64xf32, #tpu.memory_space<hbm>>
        %dma_wait3A_309 = tpu.memref_squeeze %dma_wait3A_308 : memref<1x128x64xf32, #tpu.memory_space<hbm>> -> memref<128x64xf32, #tpu.memory_space<hbm>>
        %dma_wait3A_310 = arith.constant 0 : i32
        %dma_wait3A_311 = tpu.memref_slice %arg8[%arg0, %add3A_243, %dma_wait3A_310] : memref<2x10000x64xf32, #tpu.memory_space<hbm>> -> memref<1x128x64xf32, #tpu.memory_space<hbm>>
        %dma_wait3A_312 = tpu.memref_squeeze %dma_wait3A_311 : memref<1x128x64xf32, #tpu.memory_space<hbm>> -> memref<128x64xf32, #tpu.memory_space<hbm>>
        %dma_wait3A_313 = arith.constant 0 : i32
        %dma_wait3A_314 = arith.constant 0 : i32
        %dma_wait3A_315 = tpu.memref_slice %arg16[%dma_wait3A_313, %dma_wait3A_314] : memref<128x64xf32, #tpu.memory_space<vmem>> -> memref<128x64xf32, #tpu.memory_space<vmem>>
        tpu.wait_dma2 semaphore(%run_scoped3A : memref<!tpu.dma_semaphore, #tpu.memory_space<semaphore_mem>>) src(%dma_wait3A_315 : memref<128x64xf32, #tpu.memory_space<vmem>>) dst(%dma_wait3A_312 : memref<128x64xf32, #tpu.memory_space<hbm>>)
        tpu.yield
      }) : () -> ()
      %mul3A_244 = arith.constant 1000 : i32
      %mul3A_245 = arith.muli %arg1, %mul3A_244 : i32
      %add3A_246 = arith.constant 256 : i32
      %add3A_247 = arith.addi %mul3A_245, %add3A_246 : i32
      "tpu.region"() ({
        %run_scoped3A = tpu.sem_alloc : memref<!tpu.dma_semaphore, #tpu.memory_space<semaphore_mem>>
        %dma_start3A_292 = arith.constant 0 : i32
        %dma_start3A_293 = arith.constant 0 : i32
        %dma_start3A_294 = tpu.memref_slice %arg16[%dma_start3A_292, %dma_start3A_293] : memref<128x64xf32, #tpu.memory_space<vmem>> -> memref<128x64xf32, #tpu.memory_space<vmem>>
        %dma_start3A_295 = arith.constant 0 : i32
        %dma_start3A_296 = tpu.memref_slice %arg11[%add3A_247, %dma_start3A_295] : memref<10008x64xf32, #tpu.memory_space<vmem_shared>> -> memref<128x64xf32, #tpu.memory_space<vmem_shared>>
        %dma_start3A_297 = arith.constant 0 : i32
        %dma_start3A_298 = arith.constant 0 : i32
        %dma_start3A_299 = tpu.memref_slice %arg16[%dma_start3A_297, %dma_start3A_298] : memref<128x64xf32, #tpu.memory_space<vmem>> -> memref<128x64xf32, #tpu.memory_space<vmem>>
        %dma_start3A_300 = arith.constant 0 : i32
        %dma_start3A_301 = tpu.memref_slice %arg11[%add3A_247, %dma_start3A_300] : memref<10008x64xf32, #tpu.memory_space<vmem_shared>> -> memref<128x64xf32, #tpu.memory_space<vmem_shared>>
        tpu.enqueue_dma source(%dma_start3A_301 : memref<128x64xf32, #tpu.memory_space<vmem_shared>>) target(%dma_start3A_299 : memref<128x64xf32, #tpu.memory_space<vmem>>) target_semaphore(%run_scoped3A : memref<!tpu.dma_semaphore, #tpu.memory_space<semaphore_mem>>)
        %dma_wait3A_302 = arith.constant 0 : i32
        %dma_wait3A_303 = arith.constant 0 : i32
        %dma_wait3A_304 = tpu.memref_slice %arg16[%dma_wait3A_302, %dma_wait3A_303] : memref<128x64xf32, #tpu.memory_space<vmem>> -> memref<128x64xf32, #tpu.memory_space<vmem>>
        %dma_wait3A_305 = arith.constant 0 : i32
        %dma_wait3A_306 = tpu.memref_slice %arg11[%add3A_247, %dma_wait3A_305] : memref<10008x64xf32, #tpu.memory_space<vmem_shared>> -> memref<128x64xf32, #tpu.memory_space<vmem_shared>>
        %dma_wait3A_307 = arith.constant 0 : i32
        %dma_wait3A_308 = arith.constant 0 : i32
        %dma_wait3A_309 = tpu.memref_slice %arg16[%dma_wait3A_307, %dma_wait3A_308] : memref<128x64xf32, #tpu.memory_space<vmem>> -> memref<128x64xf32, #tpu.memory_space<vmem>>
        %dma_wait3A_310 = arith.constant 0 : i32
        %dma_wait3A_311 = tpu.memref_slice %arg11[%add3A_247, %dma_wait3A_310] : memref<10008x64xf32, #tpu.memory_space<vmem_shared>> -> memref<128x64xf32, #tpu.memory_space<vmem_shared>>
        tpu.wait_dma2 semaphore(%run_scoped3A : memref<!tpu.dma_semaphore, #tpu.memory_space<semaphore_mem>>) src(%dma_wait3A_311 : memref<128x64xf32, #tpu.memory_space<vmem_shared>>) dst(%dma_wait3A_309 : memref<128x64xf32, #tpu.memory_space<vmem>>)
        tpu.yield
      }) : () -> ()
      %mul3A_248 = arith.constant 1000 : i32
      %mul3A_249 = arith.muli %arg1, %mul3A_248 : i32
      %add3A_250 = arith.constant 256 : i32
      %add3A_251 = arith.addi %mul3A_249, %add3A_250 : i32
      "tpu.region"() ({
        %run_scoped3A = tpu.sem_alloc : memref<!tpu.dma_semaphore, #tpu.memory_space<semaphore_mem>>
        %dma_start3A_292 = arith.constant 0 : i32
        %dma_start3A_293 = arith.constant 0 : i32
        %dma_start3A_294 = tpu.memref_slice %arg16[%dma_start3A_292, %dma_start3A_293] : memref<128x64xf32, #tpu.memory_space<vmem>> -> memref<128x64xf32, #tpu.memory_space<vmem>>
        %dma_start3A_295 = arith.constant 0 : i32
        %dma_start3A_296 = tpu.memref_slice %arg8[%arg0, %add3A_251, %dma_start3A_295] : memref<2x10000x64xf32, #tpu.memory_space<hbm>> -> memref<1x128x64xf32, #tpu.memory_space<hbm>>
        %dma_start3A_297 = tpu.memref_squeeze %dma_start3A_296 : memref<1x128x64xf32, #tpu.memory_space<hbm>> -> memref<128x64xf32, #tpu.memory_space<hbm>>
        %dma_start3A_298 = arith.constant 0 : i32
        %dma_start3A_299 = tpu.memref_slice %arg8[%arg0, %add3A_251, %dma_start3A_298] : memref<2x10000x64xf32, #tpu.memory_space<hbm>> -> memref<1x128x64xf32, #tpu.memory_space<hbm>>
        %dma_start3A_300 = tpu.memref_squeeze %dma_start3A_299 : memref<1x128x64xf32, #tpu.memory_space<hbm>> -> memref<128x64xf32, #tpu.memory_space<hbm>>
        %dma_start3A_301 = arith.constant 0 : i32
        %dma_start3A_302 = arith.constant 0 : i32
        %dma_start3A_303 = tpu.memref_slice %arg16[%dma_start3A_301, %dma_start3A_302] : memref<128x64xf32, #tpu.memory_space<vmem>> -> memref<128x64xf32, #tpu.memory_space<vmem>>
        tpu.enqueue_dma source(%dma_start3A_303 : memref<128x64xf32, #tpu.memory_space<vmem>>) target(%dma_start3A_300 : memref<128x64xf32, #tpu.memory_space<hbm>>) target_semaphore(%run_scoped3A : memref<!tpu.dma_semaphore, #tpu.memory_space<semaphore_mem>>)
        %dma_wait3A_304 = arith.constant 0 : i32
        %dma_wait3A_305 = arith.constant 0 : i32
        %dma_wait3A_306 = tpu.memref_slice %arg16[%dma_wait3A_304, %dma_wait3A_305] : memref<128x64xf32, #tpu.memory_space<vmem>> -> memref<128x64xf32, #tpu.memory_space<vmem>>
        %dma_wait3A_307 = arith.constant 0 : i32
        %dma_wait3A_308 = tpu.memref_slice %arg8[%arg0, %add3A_251, %dma_wait3A_307] : memref<2x10000x64xf32, #tpu.memory_space<hbm>> -> memref<1x128x64xf32, #tpu.memory_space<hbm>>
        %dma_wait3A_309 = tpu.memref_squeeze %dma_wait3A_308 : memref<1x128x64xf32, #tpu.memory_space<hbm>> -> memref<128x64xf32, #tpu.memory_space<hbm>>
        %dma_wait3A_310 = arith.constant 0 : i32
        %dma_wait3A_311 = tpu.memref_slice %arg8[%arg0, %add3A_251, %dma_wait3A_310] : memref<2x10000x64xf32, #tpu.memory_space<hbm>> -> memref<1x128x64xf32, #tpu.memory_space<hbm>>
        %dma_wait3A_312 = tpu.memref_squeeze %dma_wait3A_311 : memref<1x128x64xf32, #tpu.memory_space<hbm>> -> memref<128x64xf32, #tpu.memory_space<hbm>>
        %dma_wait3A_313 = arith.constant 0 : i32
        %dma_wait3A_314 = arith.constant 0 : i32
        %dma_wait3A_315 = tpu.memref_slice %arg16[%dma_wait3A_313, %dma_wait3A_314] : memref<128x64xf32, #tpu.memory_space<vmem>> -> memref<128x64xf32, #tpu.memory_space<vmem>>
        tpu.wait_dma2 semaphore(%run_scoped3A : memref<!tpu.dma_semaphore, #tpu.memory_space<semaphore_mem>>) src(%dma_wait3A_315 : memref<128x64xf32, #tpu.memory_space<vmem>>) dst(%dma_wait3A_312 : memref<128x64xf32, #tpu.memory_space<hbm>>)
        tpu.yield
      }) : () -> ()
      %mul3A_252 = arith.constant 1000 : i32
      %mul3A_253 = arith.muli %arg1, %mul3A_252 : i32
      %add3A_254 = arith.constant 384 : i32
      %add3A_255 = arith.addi %mul3A_253, %add3A_254 : i32
      "tpu.region"() ({
        %run_scoped3A = tpu.sem_alloc : memref<!tpu.dma_semaphore, #tpu.memory_space<semaphore_mem>>
        %dma_start3A_292 = arith.constant 0 : i32
        %dma_start3A_293 = arith.constant 0 : i32
        %dma_start3A_294 = tpu.memref_slice %arg16[%dma_start3A_292, %dma_start3A_293] : memref<128x64xf32, #tpu.memory_space<vmem>> -> memref<128x64xf32, #tpu.memory_space<vmem>>
        %dma_start3A_295 = arith.constant 0 : i32
        %dma_start3A_296 = tpu.memref_slice %arg11[%add3A_255, %dma_start3A_295] : memref<10008x64xf32, #tpu.memory_space<vmem_shared>> -> memref<128x64xf32, #tpu.memory_space<vmem_shared>>
        %dma_start3A_297 = arith.constant 0 : i32
        %dma_start3A_298 = arith.constant 0 : i32
        %dma_start3A_299 = tpu.memref_slice %arg16[%dma_start3A_297, %dma_start3A_298] : memref<128x64xf32, #tpu.memory_space<vmem>> -> memref<128x64xf32, #tpu.memory_space<vmem>>
        %dma_start3A_300 = arith.constant 0 : i32
        %dma_start3A_301 = tpu.memref_slice %arg11[%add3A_255, %dma_start3A_300] : memref<10008x64xf32, #tpu.memory_space<vmem_shared>> -> memref<128x64xf32, #tpu.memory_space<vmem_shared>>
        tpu.enqueue_dma source(%dma_start3A_301 : memref<128x64xf32, #tpu.memory_space<vmem_shared>>) target(%dma_start3A_299 : memref<128x64xf32, #tpu.memory_space<vmem>>) target_semaphore(%run_scoped3A : memref<!tpu.dma_semaphore, #tpu.memory_space<semaphore_mem>>)
        %dma_wait3A_302 = arith.constant 0 : i32
        %dma_wait3A_303 = arith.constant 0 : i32
        %dma_wait3A_304 = tpu.memref_slice %arg16[%dma_wait3A_302, %dma_wait3A_303] : memref<128x64xf32, #tpu.memory_space<vmem>> -> memref<128x64xf32, #tpu.memory_space<vmem>>
        %dma_wait3A_305 = arith.constant 0 : i32
        %dma_wait3A_306 = tpu.memref_slice %arg11[%add3A_255, %dma_wait3A_305] : memref<10008x64xf32, #tpu.memory_space<vmem_shared>> -> memref<128x64xf32, #tpu.memory_space<vmem_shared>>
        %dma_wait3A_307 = arith.constant 0 : i32
        %dma_wait3A_308 = arith.constant 0 : i32
        %dma_wait3A_309 = tpu.memref_slice %arg16[%dma_wait3A_307, %dma_wait3A_308] : memref<128x64xf32, #tpu.memory_space<vmem>> -> memref<128x64xf32, #tpu.memory_space<vmem>>
        %dma_wait3A_310 = arith.constant 0 : i32
        %dma_wait3A_311 = tpu.memref_slice %arg11[%add3A_255, %dma_wait3A_310] : memref<10008x64xf32, #tpu.memory_space<vmem_shared>> -> memref<128x64xf32, #tpu.memory_space<vmem_shared>>
        tpu.wait_dma2 semaphore(%run_scoped3A : memref<!tpu.dma_semaphore, #tpu.memory_space<semaphore_mem>>) src(%dma_wait3A_311 : memref<128x64xf32, #tpu.memory_space<vmem_shared>>) dst(%dma_wait3A_309 : memref<128x64xf32, #tpu.memory_space<vmem>>)
        tpu.yield
      }) : () -> ()
      %mul3A_256 = arith.constant 1000 : i32
      %mul3A_257 = arith.muli %arg1, %mul3A_256 : i32
      %add3A_258 = arith.constant 384 : i32
      %add3A_259 = arith.addi %mul3A_257, %add3A_258 : i32
      "tpu.region"() ({
        %run_scoped3A = tpu.sem_alloc : memref<!tpu.dma_semaphore, #tpu.memory_space<semaphore_mem>>
        %dma_start3A_292 = arith.constant 0 : i32
        %dma_start3A_293 = arith.constant 0 : i32
        %dma_start3A_294 = tpu.memref_slice %arg16[%dma_start3A_292, %dma_start3A_293] : memref<128x64xf32, #tpu.memory_space<vmem>> -> memref<128x64xf32, #tpu.memory_space<vmem>>
        %dma_start3A_295 = arith.constant 0 : i32
        %dma_start3A_296 = tpu.memref_slice %arg8[%arg0, %add3A_259, %dma_start3A_295] : memref<2x10000x64xf32, #tpu.memory_space<hbm>> -> memref<1x128x64xf32, #tpu.memory_space<hbm>>
        %dma_start3A_297 = tpu.memref_squeeze %dma_start3A_296 : memref<1x128x64xf32, #tpu.memory_space<hbm>> -> memref<128x64xf32, #tpu.memory_space<hbm>>
        %dma_start3A_298 = arith.constant 0 : i32
        %dma_start3A_299 = tpu.memref_slice %arg8[%arg0, %add3A_259, %dma_start3A_298] : memref<2x10000x64xf32, #tpu.memory_space<hbm>> -> memref<1x128x64xf32, #tpu.memory_space<hbm>>
        %dma_start3A_300 = tpu.memref_squeeze %dma_start3A_299 : memref<1x128x64xf32, #tpu.memory_space<hbm>> -> memref<128x64xf32, #tpu.memory_space<hbm>>
        %dma_start3A_301 = arith.constant 0 : i32
        %dma_start3A_302 = arith.constant 0 : i32
        %dma_start3A_303 = tpu.memref_slice %arg16[%dma_start3A_301, %dma_start3A_302] : memref<128x64xf32, #tpu.memory_space<vmem>> -> memref<128x64xf32, #tpu.memory_space<vmem>>
        tpu.enqueue_dma source(%dma_start3A_303 : memref<128x64xf32, #tpu.memory_space<vmem>>) target(%dma_start3A_300 : memref<128x64xf32, #tpu.memory_space<hbm>>) target_semaphore(%run_scoped3A : memref<!tpu.dma_semaphore, #tpu.memory_space<semaphore_mem>>)
        %dma_wait3A_304 = arith.constant 0 : i32
        %dma_wait3A_305 = arith.constant 0 : i32
        %dma_wait3A_306 = tpu.memref_slice %arg16[%dma_wait3A_304, %dma_wait3A_305] : memref<128x64xf32, #tpu.memory_space<vmem>> -> memref<128x64xf32, #tpu.memory_space<vmem>>
        %dma_wait3A_307 = arith.constant 0 : i32
        %dma_wait3A_308 = tpu.memref_slice %arg8[%arg0, %add3A_259, %dma_wait3A_307] : memref<2x10000x64xf32, #tpu.memory_space<hbm>> -> memref<1x128x64xf32, #tpu.memory_space<hbm>>
        %dma_wait3A_309 = tpu.memref_squeeze %dma_wait3A_308 : memref<1x128x64xf32, #tpu.memory_space<hbm>> -> memref<128x64xf32, #tpu.memory_space<hbm>>
        %dma_wait3A_310 = arith.constant 0 : i32
        %dma_wait3A_311 = tpu.memref_slice %arg8[%arg0, %add3A_259, %dma_wait3A_310] : memref<2x10000x64xf32, #tpu.memory_space<hbm>> -> memref<1x128x64xf32, #tpu.memory_space<hbm>>
        %dma_wait3A_312 = tpu.memref_squeeze %dma_wait3A_311 : memref<1x128x64xf32, #tpu.memory_space<hbm>> -> memref<128x64xf32, #tpu.memory_space<hbm>>
        %dma_wait3A_313 = arith.constant 0 : i32
        %dma_wait3A_314 = arith.constant 0 : i32
        %dma_wait3A_315 = tpu.memref_slice %arg16[%dma_wait3A_313, %dma_wait3A_314] : memref<128x64xf32, #tpu.memory_space<vmem>> -> memref<128x64xf32, #tpu.memory_space<vmem>>
        tpu.wait_dma2 semaphore(%run_scoped3A : memref<!tpu.dma_semaphore, #tpu.memory_space<semaphore_mem>>) src(%dma_wait3A_315 : memref<128x64xf32, #tpu.memory_space<vmem>>) dst(%dma_wait3A_312 : memref<128x64xf32, #tpu.memory_space<hbm>>)
        tpu.yield
      }) : () -> ()
      %mul3A_260 = arith.constant 1000 : i32
      %mul3A_261 = arith.muli %arg1, %mul3A_260 : i32
      %add3A_262 = arith.constant 512 : i32
      %add3A_263 = arith.addi %mul3A_261, %add3A_262 : i32
      "tpu.region"() ({
        %run_scoped3A = tpu.sem_alloc : memref<!tpu.dma_semaphore, #tpu.memory_space<semaphore_mem>>
        %dma_start3A_292 = arith.constant 0 : i32
        %dma_start3A_293 = arith.constant 0 : i32
        %dma_start3A_294 = tpu.memref_slice %arg16[%dma_start3A_292, %dma_start3A_293] : memref<128x64xf32, #tpu.memory_space<vmem>> -> memref<128x64xf32, #tpu.memory_space<vmem>>
        %dma_start3A_295 = arith.constant 0 : i32
        %dma_start3A_296 = tpu.memref_slice %arg11[%add3A_263, %dma_start3A_295] : memref<10008x64xf32, #tpu.memory_space<vmem_shared>> -> memref<128x64xf32, #tpu.memory_space<vmem_shared>>
        %dma_start3A_297 = arith.constant 0 : i32
        %dma_start3A_298 = arith.constant 0 : i32
        %dma_start3A_299 = tpu.memref_slice %arg16[%dma_start3A_297, %dma_start3A_298] : memref<128x64xf32, #tpu.memory_space<vmem>> -> memref<128x64xf32, #tpu.memory_space<vmem>>
        %dma_start3A_300 = arith.constant 0 : i32
        %dma_start3A_301 = tpu.memref_slice %arg11[%add3A_263, %dma_start3A_300] : memref<10008x64xf32, #tpu.memory_space<vmem_shared>> -> memref<128x64xf32, #tpu.memory_space<vmem_shared>>
        tpu.enqueue_dma source(%dma_start3A_301 : memref<128x64xf32, #tpu.memory_space<vmem_shared>>) target(%dma_start3A_299 : memref<128x64xf32, #tpu.memory_space<vmem>>) target_semaphore(%run_scoped3A : memref<!tpu.dma_semaphore, #tpu.memory_space<semaphore_mem>>)
        %dma_wait3A_302 = arith.constant 0 : i32
        %dma_wait3A_303 = arith.constant 0 : i32
        %dma_wait3A_304 = tpu.memref_slice %arg16[%dma_wait3A_302, %dma_wait3A_303] : memref<128x64xf32, #tpu.memory_space<vmem>> -> memref<128x64xf32, #tpu.memory_space<vmem>>
        %dma_wait3A_305 = arith.constant 0 : i32
        %dma_wait3A_306 = tpu.memref_slice %arg11[%add3A_263, %dma_wait3A_305] : memref<10008x64xf32, #tpu.memory_space<vmem_shared>> -> memref<128x64xf32, #tpu.memory_space<vmem_shared>>
        %dma_wait3A_307 = arith.constant 0 : i32
        %dma_wait3A_308 = arith.constant 0 : i32
        %dma_wait3A_309 = tpu.memref_slice %arg16[%dma_wait3A_307, %dma_wait3A_308] : memref<128x64xf32, #tpu.memory_space<vmem>> -> memref<128x64xf32, #tpu.memory_space<vmem>>
        %dma_wait3A_310 = arith.constant 0 : i32
        %dma_wait3A_311 = tpu.memref_slice %arg11[%add3A_263, %dma_wait3A_310] : memref<10008x64xf32, #tpu.memory_space<vmem_shared>> -> memref<128x64xf32, #tpu.memory_space<vmem_shared>>
        tpu.wait_dma2 semaphore(%run_scoped3A : memref<!tpu.dma_semaphore, #tpu.memory_space<semaphore_mem>>) src(%dma_wait3A_311 : memref<128x64xf32, #tpu.memory_space<vmem_shared>>) dst(%dma_wait3A_309 : memref<128x64xf32, #tpu.memory_space<vmem>>)
        tpu.yield
      }) : () -> ()
      %mul3A_264 = arith.constant 1000 : i32
      %mul3A_265 = arith.muli %arg1, %mul3A_264 : i32
      %add3A_266 = arith.constant 512 : i32
      %add3A_267 = arith.addi %mul3A_265, %add3A_266 : i32
      "tpu.region"() ({
        %run_scoped3A = tpu.sem_alloc : memref<!tpu.dma_semaphore, #tpu.memory_space<semaphore_mem>>
        %dma_start3A_292 = arith.constant 0 : i32
        %dma_start3A_293 = arith.constant 0 : i32
        %dma_start3A_294 = tpu.memref_slice %arg16[%dma_start3A_292, %dma_start3A_293] : memref<128x64xf32, #tpu.memory_space<vmem>> -> memref<128x64xf32, #tpu.memory_space<vmem>>
        %dma_start3A_295 = arith.constant 0 : i32
        %dma_start3A_296 = tpu.memref_slice %arg8[%arg0, %add3A_267, %dma_start3A_295] : memref<2x10000x64xf32, #tpu.memory_space<hbm>> -> memref<1x128x64xf32, #tpu.memory_space<hbm>>
        %dma_start3A_297 = tpu.memref_squeeze %dma_start3A_296 : memref<1x128x64xf32, #tpu.memory_space<hbm>> -> memref<128x64xf32, #tpu.memory_space<hbm>>
        %dma_start3A_298 = arith.constant 0 : i32
        %dma_start3A_299 = tpu.memref_slice %arg8[%arg0, %add3A_267, %dma_start3A_298] : memref<2x10000x64xf32, #tpu.memory_space<hbm>> -> memref<1x128x64xf32, #tpu.memory_space<hbm>>
        %dma_start3A_300 = tpu.memref_squeeze %dma_start3A_299 : memref<1x128x64xf32, #tpu.memory_space<hbm>> -> memref<128x64xf32, #tpu.memory_space<hbm>>
        %dma_start3A_301 = arith.constant 0 : i32
        %dma_start3A_302 = arith.constant 0 : i32
        %dma_start3A_303 = tpu.memref_slice %arg16[%dma_start3A_301, %dma_start3A_302] : memref<128x64xf32, #tpu.memory_space<vmem>> -> memref<128x64xf32, #tpu.memory_space<vmem>>
        tpu.enqueue_dma source(%dma_start3A_303 : memref<128x64xf32, #tpu.memory_space<vmem>>) target(%dma_start3A_300 : memref<128x64xf32, #tpu.memory_space<hbm>>) target_semaphore(%run_scoped3A : memref<!tpu.dma_semaphore, #tpu.memory_space<semaphore_mem>>)
        %dma_wait3A_304 = arith.constant 0 : i32
        %dma_wait3A_305 = arith.constant 0 : i32
        %dma_wait3A_306 = tpu.memref_slice %arg16[%dma_wait3A_304, %dma_wait3A_305] : memref<128x64xf32, #tpu.memory_space<vmem>> -> memref<128x64xf32, #tpu.memory_space<vmem>>
        %dma_wait3A_307 = arith.constant 0 : i32
        %dma_wait3A_308 = tpu.memref_slice %arg8[%arg0, %add3A_267, %dma_wait3A_307] : memref<2x10000x64xf32, #tpu.memory_space<hbm>> -> memref<1x128x64xf32, #tpu.memory_space<hbm>>
        %dma_wait3A_309 = tpu.memref_squeeze %dma_wait3A_308 : memref<1x128x64xf32, #tpu.memory_space<hbm>> -> memref<128x64xf32, #tpu.memory_space<hbm>>
        %dma_wait3A_310 = arith.constant 0 : i32
        %dma_wait3A_311 = tpu.memref_slice %arg8[%arg0, %add3A_267, %dma_wait3A_310] : memref<2x10000x64xf32, #tpu.memory_space<hbm>> -> memref<1x128x64xf32, #tpu.memory_space<hbm>>
        %dma_wait3A_312 = tpu.memref_squeeze %dma_wait3A_311 : memref<1x128x64xf32, #tpu.memory_space<hbm>> -> memref<128x64xf32, #tpu.memory_space<hbm>>
        %dma_wait3A_313 = arith.constant 0 : i32
        %dma_wait3A_314 = arith.constant 0 : i32
        %dma_wait3A_315 = tpu.memref_slice %arg16[%dma_wait3A_313, %dma_wait3A_314] : memref<128x64xf32, #tpu.memory_space<vmem>> -> memref<128x64xf32, #tpu.memory_space<vmem>>
        tpu.wait_dma2 semaphore(%run_scoped3A : memref<!tpu.dma_semaphore, #tpu.memory_space<semaphore_mem>>) src(%dma_wait3A_315 : memref<128x64xf32, #tpu.memory_space<vmem>>) dst(%dma_wait3A_312 : memref<128x64xf32, #tpu.memory_space<hbm>>)
        tpu.yield
      }) : () -> ()
      %mul3A_268 = arith.constant 1000 : i32
      %mul3A_269 = arith.muli %arg1, %mul3A_268 : i32
      %add3A_270 = arith.constant 640 : i32
      %add3A_271 = arith.addi %mul3A_269, %add3A_270 : i32
      "tpu.region"() ({
        %run_scoped3A = tpu.sem_alloc : memref<!tpu.dma_semaphore, #tpu.memory_space<semaphore_mem>>
        %dma_start3A_292 = arith.constant 0 : i32
        %dma_start3A_293 = arith.constant 0 : i32
        %dma_start3A_294 = tpu.memref_slice %arg16[%dma_start3A_292, %dma_start3A_293] : memref<128x64xf32, #tpu.memory_space<vmem>> -> memref<128x64xf32, #tpu.memory_space<vmem>>
        %dma_start3A_295 = arith.constant 0 : i32
        %dma_start3A_296 = tpu.memref_slice %arg11[%add3A_271, %dma_start3A_295] : memref<10008x64xf32, #tpu.memory_space<vmem_shared>> -> memref<128x64xf32, #tpu.memory_space<vmem_shared>>
        %dma_start3A_297 = arith.constant 0 : i32
        %dma_start3A_298 = arith.constant 0 : i32
        %dma_start3A_299 = tpu.memref_slice %arg16[%dma_start3A_297, %dma_start3A_298] : memref<128x64xf32, #tpu.memory_space<vmem>> -> memref<128x64xf32, #tpu.memory_space<vmem>>
        %dma_start3A_300 = arith.constant 0 : i32
        %dma_start3A_301 = tpu.memref_slice %arg11[%add3A_271, %dma_start3A_300] : memref<10008x64xf32, #tpu.memory_space<vmem_shared>> -> memref<128x64xf32, #tpu.memory_space<vmem_shared>>
        tpu.enqueue_dma source(%dma_start3A_301 : memref<128x64xf32, #tpu.memory_space<vmem_shared>>) target(%dma_start3A_299 : memref<128x64xf32, #tpu.memory_space<vmem>>) target_semaphore(%run_scoped3A : memref<!tpu.dma_semaphore, #tpu.memory_space<semaphore_mem>>)
        %dma_wait3A_302 = arith.constant 0 : i32
        %dma_wait3A_303 = arith.constant 0 : i32
        %dma_wait3A_304 = tpu.memref_slice %arg16[%dma_wait3A_302, %dma_wait3A_303] : memref<128x64xf32, #tpu.memory_space<vmem>> -> memref<128x64xf32, #tpu.memory_space<vmem>>
        %dma_wait3A_305 = arith.constant 0 : i32
        %dma_wait3A_306 = tpu.memref_slice %arg11[%add3A_271, %dma_wait3A_305] : memref<10008x64xf32, #tpu.memory_space<vmem_shared>> -> memref<128x64xf32, #tpu.memory_space<vmem_shared>>
        %dma_wait3A_307 = arith.constant 0 : i32
        %dma_wait3A_308 = arith.constant 0 : i32
        %dma_wait3A_309 = tpu.memref_slice %arg16[%dma_wait3A_307, %dma_wait3A_308] : memref<128x64xf32, #tpu.memory_space<vmem>> -> memref<128x64xf32, #tpu.memory_space<vmem>>
        %dma_wait3A_310 = arith.constant 0 : i32
        %dma_wait3A_311 = tpu.memref_slice %arg11[%add3A_271, %dma_wait3A_310] : memref<10008x64xf32, #tpu.memory_space<vmem_shared>> -> memref<128x64xf32, #tpu.memory_space<vmem_shared>>
        tpu.wait_dma2 semaphore(%run_scoped3A : memref<!tpu.dma_semaphore, #tpu.memory_space<semaphore_mem>>) src(%dma_wait3A_311 : memref<128x64xf32, #tpu.memory_space<vmem_shared>>) dst(%dma_wait3A_309 : memref<128x64xf32, #tpu.memory_space<vmem>>)
        tpu.yield
      }) : () -> ()
      %mul3A_272 = arith.constant 1000 : i32
      %mul3A_273 = arith.muli %arg1, %mul3A_272 : i32
      %add3A_274 = arith.constant 640 : i32
      %add3A_275 = arith.addi %mul3A_273, %add3A_274 : i32
      "tpu.region"() ({
        %run_scoped3A = tpu.sem_alloc : memref<!tpu.dma_semaphore, #tpu.memory_space<semaphore_mem>>
        %dma_start3A_292 = arith.constant 0 : i32
        %dma_start3A_293 = arith.constant 0 : i32
        %dma_start3A_294 = tpu.memref_slice %arg16[%dma_start3A_292, %dma_start3A_293] : memref<128x64xf32, #tpu.memory_space<vmem>> -> memref<128x64xf32, #tpu.memory_space<vmem>>
        %dma_start3A_295 = arith.constant 0 : i32
        %dma_start3A_296 = tpu.memref_slice %arg8[%arg0, %add3A_275, %dma_start3A_295] : memref<2x10000x64xf32, #tpu.memory_space<hbm>> -> memref<1x128x64xf32, #tpu.memory_space<hbm>>
        %dma_start3A_297 = tpu.memref_squeeze %dma_start3A_296 : memref<1x128x64xf32, #tpu.memory_space<hbm>> -> memref<128x64xf32, #tpu.memory_space<hbm>>
        %dma_start3A_298 = arith.constant 0 : i32
        %dma_start3A_299 = tpu.memref_slice %arg8[%arg0, %add3A_275, %dma_start3A_298] : memref<2x10000x64xf32, #tpu.memory_space<hbm>> -> memref<1x128x64xf32, #tpu.memory_space<hbm>>
        %dma_start3A_300 = tpu.memref_squeeze %dma_start3A_299 : memref<1x128x64xf32, #tpu.memory_space<hbm>> -> memref<128x64xf32, #tpu.memory_space<hbm>>
        %dma_start3A_301 = arith.constant 0 : i32
        %dma_start3A_302 = arith.constant 0 : i32
        %dma_start3A_303 = tpu.memref_slice %arg16[%dma_start3A_301, %dma_start3A_302] : memref<128x64xf32, #tpu.memory_space<vmem>> -> memref<128x64xf32, #tpu.memory_space<vmem>>
        tpu.enqueue_dma source(%dma_start3A_303 : memref<128x64xf32, #tpu.memory_space<vmem>>) target(%dma_start3A_300 : memref<128x64xf32, #tpu.memory_space<hbm>>) target_semaphore(%run_scoped3A : memref<!tpu.dma_semaphore, #tpu.memory_space<semaphore_mem>>)
        %dma_wait3A_304 = arith.constant 0 : i32
        %dma_wait3A_305 = arith.constant 0 : i32
        %dma_wait3A_306 = tpu.memref_slice %arg16[%dma_wait3A_304, %dma_wait3A_305] : memref<128x64xf32, #tpu.memory_space<vmem>> -> memref<128x64xf32, #tpu.memory_space<vmem>>
        %dma_wait3A_307 = arith.constant 0 : i32
        %dma_wait3A_308 = tpu.memref_slice %arg8[%arg0, %add3A_275, %dma_wait3A_307] : memref<2x10000x64xf32, #tpu.memory_space<hbm>> -> memref<1x128x64xf32, #tpu.memory_space<hbm>>
        %dma_wait3A_309 = tpu.memref_squeeze %dma_wait3A_308 : memref<1x128x64xf32, #tpu.memory_space<hbm>> -> memref<128x64xf32, #tpu.memory_space<hbm>>
        %dma_wait3A_310 = arith.constant 0 : i32
        %dma_wait3A_311 = tpu.memref_slice %arg8[%arg0, %add3A_275, %dma_wait3A_310] : memref<2x10000x64xf32, #tpu.memory_space<hbm>> -> memref<1x128x64xf32, #tpu.memory_space<hbm>>
        %dma_wait3A_312 = tpu.memref_squeeze %dma_wait3A_311 : memref<1x128x64xf32, #tpu.memory_space<hbm>> -> memref<128x64xf32, #tpu.memory_space<hbm>>
        %dma_wait3A_313 = arith.constant 0 : i32
        %dma_wait3A_314 = arith.constant 0 : i32
        %dma_wait3A_315 = tpu.memref_slice %arg16[%dma_wait3A_313, %dma_wait3A_314] : memref<128x64xf32, #tpu.memory_space<vmem>> -> memref<128x64xf32, #tpu.memory_space<vmem>>
        tpu.wait_dma2 semaphore(%run_scoped3A : memref<!tpu.dma_semaphore, #tpu.memory_space<semaphore_mem>>) src(%dma_wait3A_315 : memref<128x64xf32, #tpu.memory_space<vmem>>) dst(%dma_wait3A_312 : memref<128x64xf32, #tpu.memory_space<hbm>>)
        tpu.yield
      }) : () -> ()
      %mul3A_276 = arith.constant 1000 : i32
      %mul3A_277 = arith.muli %arg1, %mul3A_276 : i32
      %add3A_278 = arith.constant 768 : i32
      %add3A_279 = arith.addi %mul3A_277, %add3A_278 : i32
      "tpu.region"() ({
        %run_scoped3A = tpu.sem_alloc : memref<!tpu.dma_semaphore, #tpu.memory_space<semaphore_mem>>
        %dma_start3A_292 = arith.constant 0 : i32
        %dma_start3A_293 = arith.constant 0 : i32
        %dma_start3A_294 = tpu.memref_slice %arg16[%dma_start3A_292, %dma_start3A_293] : memref<128x64xf32, #tpu.memory_space<vmem>> -> memref<128x64xf32, #tpu.memory_space<vmem>>
        %dma_start3A_295 = arith.constant 0 : i32
        %dma_start3A_296 = tpu.memref_slice %arg11[%add3A_279, %dma_start3A_295] : memref<10008x64xf32, #tpu.memory_space<vmem_shared>> -> memref<128x64xf32, #tpu.memory_space<vmem_shared>>
        %dma_start3A_297 = arith.constant 0 : i32
        %dma_start3A_298 = arith.constant 0 : i32
        %dma_start3A_299 = tpu.memref_slice %arg16[%dma_start3A_297, %dma_start3A_298] : memref<128x64xf32, #tpu.memory_space<vmem>> -> memref<128x64xf32, #tpu.memory_space<vmem>>
        %dma_start3A_300 = arith.constant 0 : i32
        %dma_start3A_301 = tpu.memref_slice %arg11[%add3A_279, %dma_start3A_300] : memref<10008x64xf32, #tpu.memory_space<vmem_shared>> -> memref<128x64xf32, #tpu.memory_space<vmem_shared>>
        tpu.enqueue_dma source(%dma_start3A_301 : memref<128x64xf32, #tpu.memory_space<vmem_shared>>) target(%dma_start3A_299 : memref<128x64xf32, #tpu.memory_space<vmem>>) target_semaphore(%run_scoped3A : memref<!tpu.dma_semaphore, #tpu.memory_space<semaphore_mem>>)
        %dma_wait3A_302 = arith.constant 0 : i32
        %dma_wait3A_303 = arith.constant 0 : i32
        %dma_wait3A_304 = tpu.memref_slice %arg16[%dma_wait3A_302, %dma_wait3A_303] : memref<128x64xf32, #tpu.memory_space<vmem>> -> memref<128x64xf32, #tpu.memory_space<vmem>>
        %dma_wait3A_305 = arith.constant 0 : i32
        %dma_wait3A_306 = tpu.memref_slice %arg11[%add3A_279, %dma_wait3A_305] : memref<10008x64xf32, #tpu.memory_space<vmem_shared>> -> memref<128x64xf32, #tpu.memory_space<vmem_shared>>
        %dma_wait3A_307 = arith.constant 0 : i32
        %dma_wait3A_308 = arith.constant 0 : i32
        %dma_wait3A_309 = tpu.memref_slice %arg16[%dma_wait3A_307, %dma_wait3A_308] : memref<128x64xf32, #tpu.memory_space<vmem>> -> memref<128x64xf32, #tpu.memory_space<vmem>>
        %dma_wait3A_310 = arith.constant 0 : i32
        %dma_wait3A_311 = tpu.memref_slice %arg11[%add3A_279, %dma_wait3A_310] : memref<10008x64xf32, #tpu.memory_space<vmem_shared>> -> memref<128x64xf32, #tpu.memory_space<vmem_shared>>
        tpu.wait_dma2 semaphore(%run_scoped3A : memref<!tpu.dma_semaphore, #tpu.memory_space<semaphore_mem>>) src(%dma_wait3A_311 : memref<128x64xf32, #tpu.memory_space<vmem_shared>>) dst(%dma_wait3A_309 : memref<128x64xf32, #tpu.memory_space<vmem>>)
        tpu.yield
      }) : () -> ()
      %mul3A_280 = arith.constant 1000 : i32
      %mul3A_281 = arith.muli %arg1, %mul3A_280 : i32
      %add3A_282 = arith.constant 768 : i32
      %add3A_283 = arith.addi %mul3A_281, %add3A_282 : i32
      "tpu.region"() ({
        %run_scoped3A = tpu.sem_alloc : memref<!tpu.dma_semaphore, #tpu.memory_space<semaphore_mem>>
        %dma_start3A_292 = arith.constant 0 : i32
        %dma_start3A_293 = arith.constant 0 : i32
        %dma_start3A_294 = tpu.memref_slice %arg16[%dma_start3A_292, %dma_start3A_293] : memref<128x64xf32, #tpu.memory_space<vmem>> -> memref<128x64xf32, #tpu.memory_space<vmem>>
        %dma_start3A_295 = arith.constant 0 : i32
        %dma_start3A_296 = tpu.memref_slice %arg8[%arg0, %add3A_283, %dma_start3A_295] : memref<2x10000x64xf32, #tpu.memory_space<hbm>> -> memref<1x128x64xf32, #tpu.memory_space<hbm>>
        %dma_start3A_297 = tpu.memref_squeeze %dma_start3A_296 : memref<1x128x64xf32, #tpu.memory_space<hbm>> -> memref<128x64xf32, #tpu.memory_space<hbm>>
        %dma_start3A_298 = arith.constant 0 : i32
        %dma_start3A_299 = tpu.memref_slice %arg8[%arg0, %add3A_283, %dma_start3A_298] : memref<2x10000x64xf32, #tpu.memory_space<hbm>> -> memref<1x128x64xf32, #tpu.memory_space<hbm>>
        %dma_start3A_300 = tpu.memref_squeeze %dma_start3A_299 : memref<1x128x64xf32, #tpu.memory_space<hbm>> -> memref<128x64xf32, #tpu.memory_space<hbm>>
        %dma_start3A_301 = arith.constant 0 : i32
        %dma_start3A_302 = arith.constant 0 : i32
        %dma_start3A_303 = tpu.memref_slice %arg16[%dma_start3A_301, %dma_start3A_302] : memref<128x64xf32, #tpu.memory_space<vmem>> -> memref<128x64xf32, #tpu.memory_space<vmem>>
        tpu.enqueue_dma source(%dma_start3A_303 : memref<128x64xf32, #tpu.memory_space<vmem>>) target(%dma_start3A_300 : memref<128x64xf32, #tpu.memory_space<hbm>>) target_semaphore(%run_scoped3A : memref<!tpu.dma_semaphore, #tpu.memory_space<semaphore_mem>>)
        %dma_wait3A_304 = arith.constant 0 : i32
        %dma_wait3A_305 = arith.constant 0 : i32
        %dma_wait3A_306 = tpu.memref_slice %arg16[%dma_wait3A_304, %dma_wait3A_305] : memref<128x64xf32, #tpu.memory_space<vmem>> -> memref<128x64xf32, #tpu.memory_space<vmem>>
        %dma_wait3A_307 = arith.constant 0 : i32
        %dma_wait3A_308 = tpu.memref_slice %arg8[%arg0, %add3A_283, %dma_wait3A_307] : memref<2x10000x64xf32, #tpu.memory_space<hbm>> -> memref<1x128x64xf32, #tpu.memory_space<hbm>>
        %dma_wait3A_309 = tpu.memref_squeeze %dma_wait3A_308 : memref<1x128x64xf32, #tpu.memory_space<hbm>> -> memref<128x64xf32, #tpu.memory_space<hbm>>
        %dma_wait3A_310 = arith.constant 0 : i32
        %dma_wait3A_311 = tpu.memref_slice %arg8[%arg0, %add3A_283, %dma_wait3A_310] : memref<2x10000x64xf32, #tpu.memory_space<hbm>> -> memref<1x128x64xf32, #tpu.memory_space<hbm>>
        %dma_wait3A_312 = tpu.memref_squeeze %dma_wait3A_311 : memref<1x128x64xf32, #tpu.memory_space<hbm>> -> memref<128x64xf32, #tpu.memory_space<hbm>>
        %dma_wait3A_313 = arith.constant 0 : i32
        %dma_wait3A_314 = arith.constant 0 : i32
        %dma_wait3A_315 = tpu.memref_slice %arg16[%dma_wait3A_313, %dma_wait3A_314] : memref<128x64xf32, #tpu.memory_space<vmem>> -> memref<128x64xf32, #tpu.memory_space<vmem>>
        tpu.wait_dma2 semaphore(%run_scoped3A : memref<!tpu.dma_semaphore, #tpu.memory_space<semaphore_mem>>) src(%dma_wait3A_315 : memref<128x64xf32, #tpu.memory_space<vmem>>) dst(%dma_wait3A_312 : memref<128x64xf32, #tpu.memory_space<hbm>>)
        tpu.yield
      }) : () -> ()
      %mul3A_284 = arith.constant 1000 : i32
      %mul3A_285 = arith.muli %arg1, %mul3A_284 : i32
      %add3A_286 = arith.constant 896 : i32
      %add3A_287 = arith.addi %mul3A_285, %add3A_286 : i32
      "tpu.region"() ({
        %run_scoped3A = tpu.sem_alloc : memref<!tpu.dma_semaphore, #tpu.memory_space<semaphore_mem>>
        %dma_start3A_292 = arith.constant 0 : i32
        %dma_start3A_293 = arith.constant 0 : i32
        %dma_start3A_294 = tpu.memref_slice %arg16[%dma_start3A_292, %dma_start3A_293] : memref<128x64xf32, #tpu.memory_space<vmem>> -> memref<104x64xf32, #tpu.memory_space<vmem>>
        %dma_start3A_295 = arith.constant 0 : i32
        %dma_start3A_296 = tpu.memref_slice %arg11[%add3A_287, %dma_start3A_295] : memref<10008x64xf32, #tpu.memory_space<vmem_shared>> -> memref<104x64xf32, #tpu.memory_space<vmem_shared>>
        %dma_start3A_297 = arith.constant 0 : i32
        %dma_start3A_298 = arith.constant 0 : i32
        %dma_start3A_299 = tpu.memref_slice %arg16[%dma_start3A_297, %dma_start3A_298] : memref<128x64xf32, #tpu.memory_space<vmem>> -> memref<104x64xf32, #tpu.memory_space<vmem>>
        %dma_start3A_300 = arith.constant 0 : i32
        %dma_start3A_301 = tpu.memref_slice %arg11[%add3A_287, %dma_start3A_300] : memref<10008x64xf32, #tpu.memory_space<vmem_shared>> -> memref<104x64xf32, #tpu.memory_space<vmem_shared>>
        tpu.enqueue_dma source(%dma_start3A_301 : memref<104x64xf32, #tpu.memory_space<vmem_shared>>) target(%dma_start3A_299 : memref<104x64xf32, #tpu.memory_space<vmem>>) target_semaphore(%run_scoped3A : memref<!tpu.dma_semaphore, #tpu.memory_space<semaphore_mem>>)
        %dma_wait3A_302 = arith.constant 0 : i32
        %dma_wait3A_303 = arith.constant 0 : i32
        %dma_wait3A_304 = tpu.memref_slice %arg16[%dma_wait3A_302, %dma_wait3A_303] : memref<128x64xf32, #tpu.memory_space<vmem>> -> memref<104x64xf32, #tpu.memory_space<vmem>>
        %dma_wait3A_305 = arith.constant 0 : i32
        %dma_wait3A_306 = tpu.memref_slice %arg11[%add3A_287, %dma_wait3A_305] : memref<10008x64xf32, #tpu.memory_space<vmem_shared>> -> memref<104x64xf32, #tpu.memory_space<vmem_shared>>
        %dma_wait3A_307 = arith.constant 0 : i32
        %dma_wait3A_308 = arith.constant 0 : i32
        %dma_wait3A_309 = tpu.memref_slice %arg16[%dma_wait3A_307, %dma_wait3A_308] : memref<128x64xf32, #tpu.memory_space<vmem>> -> memref<104x64xf32, #tpu.memory_space<vmem>>
        %dma_wait3A_310 = arith.constant 0 : i32
        %dma_wait3A_311 = tpu.memref_slice %arg11[%add3A_287, %dma_wait3A_310] : memref<10008x64xf32, #tpu.memory_space<vmem_shared>> -> memref<104x64xf32, #tpu.memory_space<vmem_shared>>
        tpu.wait_dma2 semaphore(%run_scoped3A : memref<!tpu.dma_semaphore, #tpu.memory_space<semaphore_mem>>) src(%dma_wait3A_311 : memref<104x64xf32, #tpu.memory_space<vmem_shared>>) dst(%dma_wait3A_309 : memref<104x64xf32, #tpu.memory_space<vmem>>)
        tpu.yield
      }) : () -> ()
      %mul3A_288 = arith.constant 1000 : i32
      %mul3A_289 = arith.muli %arg1, %mul3A_288 : i32
      %add3A_290 = arith.constant 896 : i32
      %add3A_291 = arith.addi %mul3A_289, %add3A_290 : i32
      "tpu.region"() ({
        %run_scoped3A = tpu.sem_alloc : memref<!tpu.dma_semaphore, #tpu.memory_space<semaphore_mem>>
        %dma_start3A_292 = arith.constant 0 : i32
        %dma_start3A_293 = arith.constant 0 : i32
        %dma_start3A_294 = tpu.memref_slice %arg16[%dma_start3A_292, %dma_start3A_293] : memref<128x64xf32, #tpu.memory_space<vmem>> -> memref<104x64xf32, #tpu.memory_space<vmem>>
        %dma_start3A_295 = arith.constant 0 : i32
        %dma_start3A_296 = tpu.memref_slice %arg8[%arg0, %add3A_291, %dma_start3A_295] : memref<2x10000x64xf32, #tpu.memory_space<hbm>> -> memref<1x104x64xf32, #tpu.memory_space<hbm>>
        %dma_start3A_297 = tpu.memref_squeeze %dma_start3A_296 : memref<1x104x64xf32, #tpu.memory_space<hbm>> -> memref<104x64xf32, #tpu.memory_space<hbm>>
        %dma_start3A_298 = arith.constant 0 : i32
        %dma_start3A_299 = tpu.memref_slice %arg8[%arg0, %add3A_291, %dma_start3A_298] : memref<2x10000x64xf32, #tpu.memory_space<hbm>> -> memref<1x104x64xf32, #tpu.memory_space<hbm>>
        %dma_start3A_300 = tpu.memref_squeeze %dma_start3A_299 : memref<1x104x64xf32, #tpu.memory_space<hbm>> -> memref<104x64xf32, #tpu.memory_space<hbm>>
        %dma_start3A_301 = arith.constant 0 : i32
        %dma_start3A_302 = arith.constant 0 : i32
        %dma_start3A_303 = tpu.memref_slice %arg16[%dma_start3A_301, %dma_start3A_302] : memref<128x64xf32, #tpu.memory_space<vmem>> -> memref<104x64xf32, #tpu.memory_space<vmem>>
        tpu.enqueue_dma source(%dma_start3A_303 : memref<104x64xf32, #tpu.memory_space<vmem>>) target(%dma_start3A_300 : memref<104x64xf32, #tpu.memory_space<hbm>>) target_semaphore(%run_scoped3A : memref<!tpu.dma_semaphore, #tpu.memory_space<semaphore_mem>>)
        %dma_wait3A_304 = arith.constant 0 : i32
        %dma_wait3A_305 = arith.constant 0 : i32
        %dma_wait3A_306 = tpu.memref_slice %arg16[%dma_wait3A_304, %dma_wait3A_305] : memref<128x64xf32, #tpu.memory_space<vmem>> -> memref<104x64xf32, #tpu.memory_space<vmem>>
        %dma_wait3A_307 = arith.constant 0 : i32
        %dma_wait3A_308 = tpu.memref_slice %arg8[%arg0, %add3A_291, %dma_wait3A_307] : memref<2x10000x64xf32, #tpu.memory_space<hbm>> -> memref<1x104x64xf32, #tpu.memory_space<hbm>>
        %dma_wait3A_309 = tpu.memref_squeeze %dma_wait3A_308 : memref<1x104x64xf32, #tpu.memory_space<hbm>> -> memref<104x64xf32, #tpu.memory_space<hbm>>
        %dma_wait3A_310 = arith.constant 0 : i32
        %dma_wait3A_311 = tpu.memref_slice %arg8[%arg0, %add3A_291, %dma_wait3A_310] : memref<2x10000x64xf32, #tpu.memory_space<hbm>> -> memref<1x104x64xf32, #tpu.memory_space<hbm>>
        %dma_wait3A_312 = tpu.memref_squeeze %dma_wait3A_311 : memref<1x104x64xf32, #tpu.memory_space<hbm>> -> memref<104x64xf32, #tpu.memory_space<hbm>>
        %dma_wait3A_313 = arith.constant 0 : i32
        %dma_wait3A_314 = arith.constant 0 : i32
        %dma_wait3A_315 = tpu.memref_slice %arg16[%dma_wait3A_313, %dma_wait3A_314] : memref<128x64xf32, #tpu.memory_space<vmem>> -> memref<104x64xf32, #tpu.memory_space<vmem>>
        tpu.wait_dma2 semaphore(%run_scoped3A : memref<!tpu.dma_semaphore, #tpu.memory_space<semaphore_mem>>) src(%dma_wait3A_315 : memref<104x64xf32, #tpu.memory_space<vmem>>) dst(%dma_wait3A_312 : memref<104x64xf32, #tpu.memory_space<hbm>>)
        tpu.yield
      }) : () -> ()
    } else {
    }
    return
  }
}

module attributes {stable_mosaic.version = 14 : i64} {
  func.func @body(%arg0: i32, %arg1: memref<2x1000x64xf32, #tpu.memory_space<vmem>>, %arg2: memref<1000x2xf32, #tpu.memory_space<vmem>>, %arg3: memref<1000x128xf32, #tpu.memory_space<vmem>>, %arg4: memref<128x128xf32, #tpu.memory_space<vmem>>, %arg5: memref<128x128xf32, #tpu.memory_space<vmem>>, %arg6: memref<1x128xf32, #tpu.memory_space<vmem>>, %arg7: memref<1000x128xf32, #tpu.memory_space<vmem>>) attributes {dimension_semantics = [#tpu.dimension_semantics<arbitrary>], iteration_bounds = array<i64: 10>, scalar_prefetch = 0 : i64, scratch_operands = 0 : i64, tpu.core_type = #tpu.core_type<tc>, window_params = [{transform_indices = @transform_0, window_bounds = array<i64: 2, 1000, 64>}, {transform_indices = @transform_1, window_bounds = array<i64: 1000, 2>}, {transform_indices = @transform_2, window_bounds = array<i64: 1000, 128>}, {pipeline_mode = #tpu.pipeline_mode<synchronous>, transform_indices = @transform_3, window_bounds = array<i64: 128, 128>}, {pipeline_mode = #tpu.pipeline_mode<synchronous>, transform_indices = @transform_4, window_bounds = array<i64: 128, 128>}, {pipeline_mode = #tpu.pipeline_mode<synchronous>, transform_indices = @transform_5, window_bounds = array<i64: 1, 128>}, {transform_indices = @transform_6, window_bounds = array<i64: 1000, 128>}]} {
    %get3A = arith.constant 0 : index
    %get3A_0 = arith.constant 0 : index
    %get3A_1 = arith.constant 0 : index
    %get3A_2 = vector.load %arg1[%get3A, %get3A_0, %get3A_1] : memref<2x1000x64xf32, #tpu.memory_space<vmem>>, vector<1x1000x64xf32>
    %get3A_3 = vector.shape_cast %get3A_2 : vector<1x1000x64xf32> to vector<1000x64xf32>
    %get3A_4 = arith.constant 1 : index
    %get3A_5 = arith.constant 0 : index
    %get3A_6 = arith.constant 0 : index
    %get3A_7 = vector.load %arg1[%get3A_4, %get3A_5, %get3A_6] : memref<2x1000x64xf32, #tpu.memory_space<vmem>>, vector<1x1000x64xf32>
    %get3A_8 = vector.shape_cast %get3A_7 : vector<1x1000x64xf32> to vector<1000x64xf32>
    %concatenate3A = tpu.concatenate %get3A_3, %get3A_8 in 1 : vector<1000x64xf32>, vector<1000x64xf32> -> vector<1000x128xf32>
    %get3A_9 = arith.constant 0 : index
    %get3A_10 = arith.constant 0 : index
    %get3A_11 = vector.load %arg2[%get3A_9, %get3A_10] : memref<1000x2xf32, #tpu.memory_space<vmem>>, vector<1000x1xf32>
    %get3A_12 = arith.constant 0 : index
    %get3A_13 = arith.constant 1 : index
    %get3A_14 = vector.load %arg2[%get3A_12, %get3A_13] : memref<1000x2xf32, #tpu.memory_space<vmem>>, vector<1000x1xf32>
    %add3A = arith.addf %get3A_11, %get3A_14 : vector<1000x1xf32>
    %max3A = arith.constant 1.000000e+00 : f32
    %max3A_15 = vector.broadcast %max3A : f32 to vector<1000x1xf32>
    %max3A_16 = arith.maximumf %add3A, %max3A_15 : vector<1000x1xf32>
    %div3A = arith.constant 1.000000e+00 : f32
    %div3A_17 = vector.broadcast %div3A : f32 to vector<1000x1xf32>
    %div3A_18 = arith.divf %div3A_17, %max3A_16 : vector<1000x1xf32>
    %mul3A = vector.broadcast %div3A_18 : vector<1000x1xf32> to vector<1000x128xf32>
    %mul3A_19 = arith.mulf %concatenate3A, %mul3A : vector<1000x128xf32>
    %get3A_20 = arith.constant 0 : index
    %get3A_21 = arith.constant 0 : index
    %get3A_22 = vector.load %arg4[%get3A_20, %get3A_21] : memref<128x128xf32, #tpu.memory_space<vmem>>, vector<128x128xf32>
    %dot_general3A = arith.constant dense<0.000000e+00> : vector<1000x128xf32>
    %dot_general3A_23 = tpu.matmul %mul3A_19, %get3A_22, %dot_general3A {dimension_numbers = #tpu.dot_dimension_numbers<[1], [0], [0], [1], [0, 0, 1, 1], [], []>, transpose_lhs_hint = false} : vector<1000x128xf32>, vector<128x128xf32>, vector<1000x128xf32> -> vector<1000x128xf32>
    %get3A_24 = arith.constant 0 : index
    %get3A_25 = arith.constant 0 : index
    %get3A_26 = vector.load %arg3[%get3A_24, %get3A_25] : memref<1000x128xf32, #tpu.memory_space<vmem>>, vector<1000x128xf32>
    %get3A_27 = arith.constant 0 : index
    %get3A_28 = arith.constant 0 : index
    %get3A_29 = vector.load %arg5[%get3A_27, %get3A_28] : memref<128x128xf32, #tpu.memory_space<vmem>>, vector<128x128xf32>
    %dot_general3A_30 = arith.constant dense<0.000000e+00> : vector<1000x128xf32>
    %dot_general3A_31 = tpu.matmul %get3A_26, %get3A_29, %dot_general3A_30 {dimension_numbers = #tpu.dot_dimension_numbers<[1], [0], [0], [1], [0, 0, 1, 1], [], []>, transpose_lhs_hint = false} : vector<1000x128xf32>, vector<128x128xf32>, vector<1000x128xf32> -> vector<1000x128xf32>
    %add3A_32 = arith.addf %dot_general3A_23, %dot_general3A_31 : vector<1000x128xf32>
    %get3A_33 = arith.constant 0 : index
    %get3A_34 = arith.constant 0 : index
    %get3A_35 = vector.load %arg6[%get3A_33, %get3A_34] : memref<1x128xf32, #tpu.memory_space<vmem>>, vector<1x128xf32>
    %add3A_36 = vector.broadcast %get3A_35 : vector<1x128xf32> to vector<1000x128xf32>
    %add3A_37 = arith.addf %add3A_32, %add3A_36 : vector<1000x128xf32>
    %max3A_38 = arith.constant 0.000000e+00 : f32
    %max3A_39 = vector.broadcast %max3A_38 : f32 to vector<1000x128xf32>
    %max3A_40 = arith.maximumf %add3A_37, %max3A_39 : vector<1000x128xf32>
    %swap3A = arith.constant 0 : index
    %swap3A_41 = arith.constant 0 : index
    %swap3A_42 = vector.load %arg7[%swap3A, %swap3A_41] : memref<1000x128xf32, #tpu.memory_space<vmem>>, vector<1000x128xf32>
    tpu.vector_store %arg7[%swap3A, %swap3A_41], %max3A_40 {strides = array<i32>} : memref<1000x128xf32, #tpu.memory_space<vmem>>, vector<1000x128xf32>,
    return
  }
  func.func @transform_0(%arg0: i32) -> (i32, i32, i32) {
    %c0_i32 = arith.constant 0 : i32
    %c0_i32_0 = arith.constant 0 : i32
    %c0_i32_1 = arith.constant 0 : i32
    return %c0_i32, %arg0, %c0_i32_0 : i32, i32, i32
  }
  func.func @transform_1(%arg0: i32) -> (i32, i32) {
    %c0_i32 = arith.constant 0 : i32
    %c0_i32_0 = arith.constant 0 : i32
    return %arg0, %c0_i32 : i32, i32
  }
  func.func @transform_2(%arg0: i32) -> (i32, i32) {
    %c0_i32 = arith.constant 0 : i32
    %c0_i32_0 = arith.constant 0 : i32
    return %arg0, %c0_i32 : i32, i32
  }
  func.func @transform_3(%arg0: i32) -> (i32, i32) {
    %c0_i32 = arith.constant 0 : i32
    %c0_i32_0 = arith.constant 0 : i32
    %c0_i32_1 = arith.constant 0 : i32
    return %c0_i32, %c0_i32_0 : i32, i32
  }
  func.func @transform_4(%arg0: i32) -> (i32, i32) {
    %c0_i32 = arith.constant 0 : i32
    %c0_i32_0 = arith.constant 0 : i32
    %c0_i32_1 = arith.constant 0 : i32
    return %c0_i32, %c0_i32_0 : i32, i32
  }
  func.func @transform_5(%arg0: i32) -> (i32, i32) {
    %c0_i32 = arith.constant 0 : i32
    %c0_i32_0 = arith.constant 0 : i32
    %c0_i32_1 = arith.constant 0 : i32
    return %c0_i32, %c0_i32_0 : i32, i32
  }
  func.func @transform_6(%arg0: i32) -> (i32, i32) {
    %c0_i32 = arith.constant 0 : i32
    %c0_i32_0 = arith.constant 0 : i32
    return %arg0, %c0_i32 : i32, i32
  }
}

</mosaic_0001>

<sc_bundles>
// kernel: kernel.4.cloned.1.call-start
scs
__scs_entry_jumppad:
0x0: {  	(pc) =	sbr.rel $0x88, $3  }
0x1: {  	(tag) =	ssettag $0x0;
	lr =	simm.s32 $0x1  }
0x2: {  	[smem:$0x3F9C] =	sst lr;
	_ =	strace $0xD0000000  }
0x3: {  	_ = 	snop  }
0x4: {  	_ = 	snop  }
0x5: {  	_ = 	snop  }
0x6: {  	_ = 	snop  }
0x7: {  	_ = 	snop  }
__scs_overlays_trampoline_lowered:
0x8: {  	[smem:$0x3FAB] =	sst s0  }
0x9: {  	[smem:$0x3FAC] =	sst s1  }
0xa: {  	[smem:$0x3FAD] =	sst s2  }
0xb: {  	[smem:$0x3FAE] =	sst s3  }
0xc: {  	[smem:$0x3FAF] =	sst s4  }
0xd: {  	[smem:$0x3FB0] =	sst s5  }
0xe: {  	[smem:$0x3FB1] =	sst s6  }
0xf: {  	[smem:$0x3FB2] =	sst s7  }
0x10: {  	[smem:$0x3FB3] =	sst s8  }
0x11: {  	[smem:$0x3FB4] =	sst s9;
	s0 =	simm.s32 @!p0 $0x0  }
0x12: {  	s1 =	sld [smem:$0x3F9A];
	s0 =	simm.s32 @p0 $0x1  }
0x13: {  	[smem:$0x3FB5] =	sst s0;
	s0 =	simm.s32 @!p1 $0x0  }
0x14: {  	s2 =	sld [smem:$0x3F99];
	s0 =	simm.s32 @p1 $0x1  }
0x15: {  	[smem:$0x3FB6] =	sst s0;
	s0 =	simm.s32 @!p2 $0x0  }
0x16: {  	s3 =	sld [smem:$0x3FDB];
	s0 =	simm.s32 @p2 $0x1  }
0x17: {  	s4 =	simm.s32 $0x1BF5;
	[smem:$0x3FB8] =	sst s0  }
0x18: {  	s0 =	sld [smem:$0x3F9B];
	_ =	swait.ge [sflag:s4], $0x0  }
0x19: {  	s7 =	sld [smem:$0x3F9C]  }
0x1a: {  	s8 =	sadd.s32 $0xFFFFE003, lr  }
0x1b: {  	s9 =	sadd.s32 $0xFFFFFEF7, lr;
	s5 =	simm.s32 $0xFFFFFFFF;
	p2 =	slt.u32 s8, $0xFFFFF086  }
0x1c: {  	p1 =	slt.u32 s9, $0xF7A;
	s5 =	simm.s32 @!p2 $0x0  }
0x1d: {  	s5 =	simm.s32 @p1 $0x1;
	p0 =	seq.s32 s7, s2  }
0x1e: {  	s7 =	smul.u32 @!p0 $0xF7A, s2;
	p2 =	seq.s32 @!p0 s5, $0x0  }
0x1f: {  	s9 =	smul.u32 $0xF7A, s1;
	s8 =	simm.s32 @!p0 $0x1BF5;
	p2 =	por !p2, p0  }
0x20: {  	[sflag:s8] =	ssyncset.s32 @!p0 $0xFFFFF086;
	s6 =	sadd.s32 @!p0 s3, s7;
	s7 =	simm.s32 @!p0 $0x108  }
0x21: {  	s3 =	sadd.s32 s3, s9;
	s6 =	sadd.s32 @!p0 $0x88, s6;
	s7 =	simm.s32 @p2 $0x1082  }
0x22: {  	[simem:s7], [sflag:s8] =	dma.local @!p0 [hbm:s6], $0xF7A  }
0x23: {  	s9 =	sor.u32 $0xD0000000, s2;
	s6 =	simm.s32 $0x108;
	_ =	swait.ge @!p0 [sflag:s8], $0x0  }
0x24: {  	s3 =	sadd.s32 $0x88, s3;
	s6 =	simm.s32 @!p1 $0x1082;
	[sflag:s4] =	ssyncset.s32 $0xFFFFF086  }
0x25: {  	[simem:s6], [sflag:s4] =	dma.local [hbm:s3], $0xF7A  }
0x26: {  	[smem:$0x3F9C] =	sst s1;
	(tag) =	ssettag s2;
	_ =	strace s9  }
0x27: {  	s1 =	sld [smem:$0x3FAC]  }
0x28: {  	s2 =	sld [smem:$0x3FAD]  }
0x29: {  	s4 =	sld [smem:$0x3FAF]  }
0x2a: {  	p0 =	seq.s32 s5, $0x0;
	s5 =	sld [smem:$0x3FB0]  }
0x2b: {  	s6 =	sld [smem:$0x3FB1]  }
0x2c: {  	s7 =	sld [smem:$0x3FB2]  }
0x2d: {  	s3 =	simm.s32 $0x108;
	s8 =	sld [smem:$0x3FB3]  }
0x2e: {  	s3 =	simm.s32 @!p0 $0x1082;
	s9 =	sld [smem:$0x3FB4]  }
0x2f: {  	lr =	sadd.s32 s0, s3;
	s0 =	sld [smem:$0x3FAB]  }
0x30: {  	s3 =	sld [smem:$0x3FAE]  }
0x31: {  	[smem:$0x3FB7] =	sst s10  }
0x32: {  	s10 =	sld [smem:$0x3FB5];
	_ =	sdelay $0x3  }
0x33: {  	p0 =	seq.s32 s10, $0x1;
	s10 =	sld [smem:$0x3FB7];
	_ =	sdelay $0x3  }
0x34: {  	[smem:$0x3FB7] =	sst s10  }
0x35: {  	s10 =	sld [smem:$0x3FB6];
	_ =	sdelay $0x3  }
0x36: {  	p1 =	seq.s32 s10, $0x1;
	s10 =	sld [smem:$0x3FB7];
	_ =	sdelay $0x3  }
0x37: {  	[smem:$0x3FB7] =	sst s10  }
0x38: {  	s10 =	sld [smem:$0x3FB8]  }
0x39: {  	_ = 	snop;
	(pc) =	sbr.ind lr, $3  }
0x3a: {  	_ = 	snop  }
0x3b: {  	_ = 	snop  }
0x3c: {  	p2 =	seq.s32 s10, $0x1;
	s10 =	sld [smem:$0x3FB7]  }
0x3d: {  	_ =	shalt  }
0x3e: {  	_ =	shalt  }
0x3f: {  	_ =	shalt  }
0x40: {  	_ =	shalt  }
0x41: {  	_ =	shalt  }
0x42: {  	_ =	shalt  }
0x43: {  	_ =	shalt  }
0x44: {  	_ =	shalt  }
0x45: {  	_ =	shalt  }
0x46: {  	_ =	shalt  }
0x47: {  	_ =	shalt  }
0x48: {  	_ =	shalt  }
0x49: {  	_ =	shalt  }
0x4a: {  	_ =	shalt  }
0x4b: {  	_ =	shalt  }
0x4c: {  	_ =	shalt  }
0x4d: {  	_ =	shalt  }
0x4e: {  	_ =	shalt  }
0x4f: {  	_ =	shalt  }
0x50: {  	_ =	shalt  }
0x51: {  	_ =	shalt  }
0x52: {  	_ =	shalt  }
0x53: {  	_ =	shalt  }
0x54: {  	_ =	shalt  }
0x55: {  	_ =	shalt  }
0x56: {  	_ =	shalt  }
0x57: {  	_ =	shalt  }
0x58: {  	_ =	shalt  }
0x59: {  	_ =	shalt  }
0x5a: {  	_ =	shalt  }
0x5b: {  	_ =	shalt  }
0x5c: {  	_ =	shalt  }
0x5d: {  	_ =	shalt  }
0x5e: {  	_ =	shalt  }
0x5f: {  	_ =	shalt  }
0x60: {  	_ =	shalt  }
0x61: {  	_ =	shalt  }
0x62: {  	_ =	shalt  }
0x63: {  	_ =	shalt  }
0x64: {  	_ =	shalt  }
0x65: {  	_ =	shalt  }
0x66: {  	_ =	shalt  }
0x67: {  	_ =	shalt  }
0x68: {  	_ =	shalt  }
0x69: {  	_ =	shalt  }
0x6a: {  	_ =	shalt  }
0x6b: {  	_ =	shalt  }
0x6c: {  	_ =	shalt  }
0x6d: {  	_ =	shalt  }
0x6e: {  	_ =	shalt  }
0x6f: {  	_ =	shalt  }
0x70: {  	_ =	shalt  }
0x71: {  	_ =	shalt  }
0x72: {  	_ =	shalt  }
0x73: {  	_ =	shalt  }
0x74: {  	_ =	shalt  }
0x75: {  	_ =	shalt  }
0x76: {  	_ =	shalt  }
0x77: {  	_ =	shalt  }
0x78: {  	_ =	shalt  }
0x79: {  	_ =	shalt  }
0x7a: {  	_ =	shalt  }
0x7b: {  	_ =	shalt  }
0x7c: {  	_ =	shalt  }
0x7d: {  	_ =	shalt  }
0x7e: {  	_ =	shalt  }
0x7f: {  	_ =	shalt  }
0x80: {  	_ =	shalt  }
0x81: {  	_ =	shalt  }
0x82: {  	_ =	shalt  }
0x83: {  	_ =	shalt  }
0x84: {  	_ =	shalt  }
0x85: {  	_ =	shalt  }
0x86: {  	_ =	shalt  }
0x87: {  	_ =	shalt  }
.Lfunc_end0:
.L_simem_size_0:
called_computation_lowered:
.L_overlay_start_0:
0x88: {  	s2 =	sld [smem:$0x3FD9]  }
0x89: {  	s3 =	sld [smem:$0x3FFE];
	_ =	sdelay $0x1  }
0x8a: {  	s1 =	srdreg.scid  }
0x8b: {  	s0 =	sand.u32 $0x1, s1  }
0x8c: {  	s17 =	sshll.u32 s0, $0xA;
	s2 =	sadd.s32 s3, s2  }
0x8d: {  	s2 =	sadd.s32 s2, s17  }
0x8e: {  	[smem:$0x3FC3] =	sst s2  }
0x8f: {  	_ = 	snop  }
0x90: {  	s2 =	sld [smem:$0x3FD0];
	(tm) =	ssettm $0x1  }
0x91: {  	s18 =	sld [smem:$0x3FFB];
	_ =	sdelay $0x3  }
0x92: {  	_ =	strace s18  }
0x93: {  	s3 =	sld [smem:$0x3FFC];
	_ =	sdelay $0x3  }
0x94: {  	_ =	strace s3  }
0x95: {  	s3 =	sld [smem:$0x3FFD];
	_ =	sdelay $0x3  }
0x96: {  	_ =	strace s3  }
0x97: {  	_ =	strace $0x8FFFFFFF  }
0x98: {  	s19 =	sld [smem:$0x3FDB];
	_ =	sdelay $0x1  }
0x99: {  	s4 =	simm.s32 $_scs_section_size  }
0x9a: {  	s5 =	simm.s32 $_size__tile_overlayer_lowered;
	s6 =	simm.s32 $_tile_overlayer_lowered  }
0x9b: {  	s22 =	simm.s32 $0x1BFF;
	s21 =	sshll.u32 s6, $0x1;
	s3 =	sadd.s32 s4, s19  }
0x9c: {  	s7 =	simm.s32 $0x0;
	s20 =	sshll.u32 s5, $0x1;
	s5 =	sadd.s32 s21, s3  }
0x9d: {  	[timem:s7], [sflag:s22] =	dma.local [hbm:s5], s20  }
0x9e: {  	_ =	swait.ge [sflag:s22], s20  }
0x9f: {  	s4 =	ssub.s32 $0x0, s20;
	[sflag:s22] =	ssyncset.done $0x0  }
0xa0: {  	[sflag:s22] =	ssyncadd.s32 s4;
	_ =	sdelay $0x1  }
0xa1: {  	s23 =	simm.s32 $0x1B8B  }
0xa2: {  	_ =	swait.ge [sflag:s23], $0x1  }
0xa3: {  	[sflag:s23] =	ssyncset.done $0x0  }
0xa4: {  	s25 =	simm.s32 $0x1B8E;
	s24 =	sld [smem:$0x3FFE];
	[sflag:s23] =	ssyncadd.s32 $0xFFFFFFFF  }
0xa5: {  	s26 =	simm.s32 $execute0_lowered;
	[smem:$0x3FD2] =	sst s25  }
0xa6: {  	s5 =	sshll.u32 s26, $0x1;
	_ =	strace $0x80000046;
	[dreg:$0x1] =	wrdreg $0xFFFFFFFF  }
0xa7: {  	s28 =	simm.s32 $_size_execute0_lowered;
	s3 =	sadd.s32 s3, s5;
	[dreg:$0x0] =	wrdreg $0x0  }
0xa8: {  	s5 =	sshll.u32 s28, $0x1;
	[dreg:$0x2] =	wrdreg s3  }
0xa9: {  	[dreg:$0x3] =	wrdreg s5  }
0xaa: {  	[dreg:$0x4] =	wrdreg $0xC0  }
0xab: {  	_ =	task [dreg:s7], $0x5FFFF  }
0xac: {  	[dreg:$0x1] =	wrdreg $0xFFFFFFFF  }
0xad: {  	[dreg:$0x0] =	wrdreg $0x60  }
0xae: {  	[dreg:$0x2] =	wrdreg s24  }
0xaf: {  	[dreg:$0x3] =	wrdreg s2  }
0xb0: {  	[dreg:$0x4] =	wrdreg $0x0  }
0xb1: {  	[dreg:$0x5] =	wrdreg $0x9C400  }
0xb2: {  	[dreg:$0x6] =	wrdreg $0x138A00  }
0xb3: {  	[dreg:$0x7] =	wrdreg $0x9  }
0xb4: {  	_ =	task.clear_ibuf [dreg:s7], $0x8FFFF;
	_ =	strace $0x90000046  }
0xb5: {  	s29 =	simm.s32 $0x9;
	_ =	strace $0x80000048  }
0xb6: {  	_ =	swait.ge [sflag:s29], $0x1  }
0xb7: {  	[sflag:s29] =	ssyncadd.s32 $0xFFFFFFFF  }
0xb8: {  	_ =	strace $0x90000048  }
0xb9: {  	_ =	sfence  }
0xba: {  	s30 =	sld [smem:$0x0];
	_ =	sdelay $0x2  }
0xbb: {  	s31 =	sshll.u32 s1, $0xD;
	s1 =	sshrl.u32 s1, $0x2  }
0xbc: {  	s3 =	sand.u32 $0x4000, s31;
	s1 =	sadd.s32 s1, s30  }
0xbd: {  	s0 =	sor.u32 s3, s0;
	s1 =	sshll.u32 s1, $0x11  }
0xbe: {  	s0 =	sor.u32 s1, s0  }
0xbf: {  	s0 =	sadd.s32 $0x8F2B, s0  }
0xc0: {  	[sflag:s0] =	ssyncadd.remote.s32 $0x1  }
0xc1: {  	_ =	sfence.sel $0xFFFF  }
0xc2: {  	[dreg:$0x0] =	wrdreg $0xFFFFFFFF;
	(pc) =	sbr.abs _section_cstart, $3  }
0xc3: {  	[dreg:$0x1] =	wrdreg $0xFFFFFFFF  }
0xc4: {  	_ =	task.clear_ibuf [dreg:s7], $0x2FFFF;
	_ =	strace $0x9FFFFFFF  }
0xc5: {  	(tm) =	ssettm $0x7FFFFFFF  }
tec
execute0_lowered:
.L_overlay_start_1:
0x0: {  	(tag) =	ssettag $0x1  }
0x1: {  	s4 =	rddreg [dreg:$0x0]  }
0x2: {  	s0 =	srdreg.scid;
	s11 =	rddreg [dreg:$0x1]  }
0x3: {  	s3 =	stileid.u32;
	s29 =	rddreg [dreg:$0x3]  }
0x4: {  	s31 =	rddreg [dreg:$0x4];
	s2 =	sand.u32 $0x1, s0;
	s5 =	smul.u32 $0x1F400, s3  }
0x5: {  	s0 =	simm.s32 $0x0;
	s15 =	sadd.s32 $0xE00, s4;
	s13 =	smul.u32 $0xA00, s3  }
0x6: {  	s12 =	sadd.s32 $0x4F000, s4;
	s14 =	smul.u32 $0x5000, s3;
	s1 =	ssub.s32 $0x2, s2  }
0x7: {  	s10 =	smul.u32 $0x138800, s2;
	[smem:$0x7FF] =	sst s0;
	s6 =	sshrl.u32 s1, $0x1  }
0x8: {  	s7 =	sadd.s32 $0x4000, s5;
	s17 =	sadd.s32 s12, s13;
	s14 =	sshrl.u32 s14, $0x3  }
0x9: {  	s13 =	sadd.s32 s11, s13;
	s1 =	ssub.s32 s1, s6;
	s24 =	sadd.s32 s5, s10  }
0xa: {  	s6 =	sadd.s32 $0x8000, s5;
	[dreg:$0x8] =	wrdreg s17;
	s26 =	sadd.s32 $0x200, s14  }
0xb: {  	s8 =	sadd.s32 s10, s7;
	[dreg:$0x9] =	wrdreg s13;
	s18 =	sadd.s32 s12, s26  }
0xc: {  	s30 =	sadd.s32 $0x400, s14;
	s13 =	sadd.s32 s11, s26;
	[dreg:$0xa] =	wrdreg s18  }
0xd: {  	s20 =	sadd.s32 $0x600, s14;
	s19 =	sadd.s32 s11, s30;
	[dreg:$0xb] =	wrdreg s13  }
0xe: {  	s8 =	sshrl.u32 s8, $0x3;
	s21 =	sadd.s32 s12, s20;
	[dreg:$0xd] =	wrdreg s19  }
0xf: {  	s14 =	sadd.s32 $0x800, s14;
	s8 =	sadd.s32 s15, s8;
	[dreg:$0xe] =	wrdreg s21  }
0x10: {  	s16 =	sshrl.u32 s24, $0x3;
	s18 =	sadd.s32 s12, s30;
	[dreg:$0x6] =	wrdreg s8  }
0x11: {  	s9 =	sadd.s32 s10, s6;
	s13 =	sadd.s32 s11, s20;
	[dreg:$0xc] =	wrdreg s18  }
0x12: {  	s9 =	sshrl.u32 s9, $0x3;
	s12 =	sadd.s32 s12, s14;
	[dreg:$0xf] =	wrdreg s13  }
0x13: {  	s11 =	sadd.s32 s11, s14;
	s14 =	sadd.s32 $0x14000, s5;
	[dreg:$0x10] =	wrdreg s12  }
0x14: {  	s25 =	sadd.s32 s15, s9;
	s9 =	sadd.s32 $0xC000, s5;
	[dreg:$0x11] =	wrdreg s11  }
0x15: {  	s8 =	sadd.s32 $0x10000, s5;
	s13 =	sadd.s32 $0x18000, s5;
	[dreg:$0x7] =	wrdreg s25  }
0x16: {  	s22 =	sadd.s32 s10, s9;
	s23 =	sadd.s32 s10, s8;
	s25 =	sadd.s32 s10, s14  }
0x17: {  	s30 =	sadd.s32 s10, s13;
	s11 =	sshrl.u32 s22, $0x3;
	s12 =	sshrl.u32 s23, $0x3  }
0x18: {  	s26 =	sshrl.u32 s25, $0x3;
	s20 =	sshrl.u32 s30, $0x3;
	s11 =	sadd.s32 s15, s11  }
0x19: {  	s24 =	sadd.s32 s15, s12;
	s12 =	sadd.s32 $0x1C000, s5;
	[dreg:$0x12] =	wrdreg s11  }
0x1a: {  	s17 =	sadd.s32 s15, s26;
	[dreg:$0x13] =	wrdreg s24;
	s19 =	sadd.s32 s10, s12  }
0x1b: {  	[dreg:$0x14] =	wrdreg s17;
	s17 =	sadd.s32 s15, s20;
	s21 =	sshrl.u32 s19, $0x3  }
0x1c: {  	s11 =	smul.u32 $0x3E8, s3;
	[dreg:$0x15] =	wrdreg s17;
	s22 =	sadd.s32 s15, s21  }
0x1d: {  	s19 =	sadd.s32 $0x5A600, s4;
	s15 =	sadd.s32 s15, s16;
	[dreg:$0x16] =	wrdreg s22  }
0x1e: {  	s18 =	sshll.u32 s11, $0x7;
	s16 =	sadd.s32 s19, s16;
	[dreg:$0x17] =	wrdreg s15  }
0x1f: {  	s15 =	sadd.s32 $0x4000, s18;
	[dreg:$0x18] =	wrdreg s16;
	s16 =	sadd.s32 $0x8000, s18  }
0x20: {  	s17 =	sadd.s32 $0xC000, s18;
	s22 =	sadd.s32 $0x14000, s18;
	s23 =	sadd.s32 s10, s15  }
0x21: {  	s21 =	sadd.s32 s10, s16;
	s25 =	sadd.s32 s10, s17;
	s20 =	sshrl.u32 s23, $0x3  }
0x22: {  	s24 =	sshrl.u32 s21, $0x3;
	s26 =	sshrl.u32 s25, $0x3;
	s21 =	sadd.s32 $0x10000, s18  }
0x23: {  	s23 =	sadd.s32 s10, s22;
	s20 =	sadd.s32 s19, s20;
	s30 =	sadd.s32 s10, s21  }
0x24: {  	s23 =	sshrl.u32 s23, $0x3;
	[dreg:$0x19] =	wrdreg s20;
	s20 =	sadd.s32 s19, s24  }
0x25: {  	s24 =	sadd.s32 $0x18000, s18;
	s18 =	sadd.s32 $0x1C000, s18;
	[dreg:$0x1a] =	wrdreg s20  }
0x26: {  	s20 =	sadd.s32 s19, s26;
	s25 =	sadd.s32 s10, s24;
	s10 =	sadd.s32 s10, s18  }
0x27: {  	[dreg:$0x1b] =	wrdreg s20;
	s20 =	sshrl.u32 s30, $0x3;
	s26 =	sshrl.u32 s25, $0x3  }
0x28: {  	s25 =	rddreg [dreg:$0x2];
	s10 =	sshrl.u32 s10, $0x3;
	s20 =	sadd.s32 s19, s20  }
0x29: {  	s30 =	smul.u32 $0x2710, s2;
	s10 =	sadd.s32 s19, s10;
	[dreg:$0x1c] =	wrdreg s20  }
0x2a: {  	s20 =	sadd.s32 s19, s23;
	[dreg:$0x1f] =	wrdreg s10  }
0x2b: {  	[dreg:$0x1d] =	wrdreg s20;
	s20 =	sadd.s32 s19, s26;
	s26 =	sadd.s32 s11, s30  }
0x2c: {  	s23 =	sadd.s32 $0x59000, s4;
	[dreg:$0x1e] =	wrdreg s20;
	s10 =	sshrl.u32 s26, $0x3  }
0x2d: {  	s26 =	sadd.s32 $0x59800, s4;
	_ =	strace $0x80000047;
	[smem:$0x7D4] =	sst s23  }
0x2e: {  	s19 =	sadd.s32 s5, s25;
	[smem:$0x7D5] =	sst s26  }
0x2f: {  	s20 =	sadd.s32 s5, s29;
	[smem:$0x7D8] =	sst s19  }
0x30: {  	s5 =	sadd.s32 s6, s29;
	[smem:$0x7D9] =	sst s20  }
0x31: {  	s1 =	smax.u32 s1, $0x1;
	[smem:$0x7DD] =	sst s5  }
0x32: {  	s10 =	sadd.s32 s10, s4;
	s4 =	sadd.s32 $0x59A00, s4;
	[smem:$0x7F2] =	sst s1  }
0x33: {  	s23 =	sadd.s32 s7, s25;
	[smem:$0x7D6] =	sst s4  }
0x34: {  	s26 =	sadd.s32 s7, s29;
	[smem:$0x7DA] =	sst s23  }
0x35: {  	s7 =	sadd.s32 s9, s29;
	[smem:$0x7DB] =	sst s26  }
0x36: {  	s30 =	smul.u32 $0xFA0, s3;
	s19 =	sadd.s32 s8, s29;
	[smem:$0x7DF] =	sst s7  }
0x37: {  	s20 =	sadd.s32 s14, s25;
	[smem:$0x7E1] =	sst s19  }
0x38: {  	s30 =	sshrl.u32 s30, $0x2;
	s5 =	sadd.s32 s12, s25;
	[smem:$0x7E2] =	sst s20  }
0x39: {  	s4 =	sadd.s32 s30, s31;
	[smem:$0x7E6] =	sst s5  }
0x3a: {  	s30 =	sadd.s32 s6, s25;
	[smem:$0x7D7] =	sst s4  }
0x3b: {  	p1 =	slt.u32 s3, $0xA;
	s6 =	sadd.s32 s9, s25;
	[smem:$0x7DC] =	sst s30  }
0x3c: {  	p0 =	sne.s32 s3, $0x0;
	s9 =	sadd.s32 s8, s25;
	[smem:$0x7DE] =	sst s6  }
0x3d: {  	p2 =	sgt.u32 s3, $0x9;
	s23 =	sadd.s32 s14, s29;
	[smem:$0x7E0] =	sst s9  }
0x3e: {  	s3 =	smul.u32 $0x7D000, s3;
	s26 =	sadd.s32 s13, s25;
	[smem:$0x7E3] =	sst s23  }
0x3f: {  	s7 =	sadd.s32 s11, s31;
	[smem:$0x7E4] =	sst s26  }
0x40: {  	s3 =	sshrl.u32 s3, $0x2;
	s8 =	sadd.s32 $0x59C00, s10;
	[smem:$0x7E8] =	sst s7  }
0x41: {  	s3 =	sadd.s32 s3, s29;
	[smem:$0x7E9] =	sst s8  }
0x42: {  	s10 =	sadd.s32 s16, s29;
	[smem:$0x7EA] =	sst s3  }
0x43: {  	s11 =	sadd.s32 s17, s29;
	[smem:$0x7EC] =	sst s10  }
0x44: {  	s2 =	sshll.u32 s2, $0x7;
	s14 =	sadd.s32 s24, s29;
	[smem:$0x7ED] =	sst s11  }
0x45: {  	s16 =	sor.u32 $0x14B18, s2;
	[smem:$0x7F0] =	sst s14  }
0x46: {  	s17 =	sor.u32 $0x14C18, s2;
	[smem:$0x7F3] =	sst s16  }
0x47: {  	s19 =	sor.u32 $0x14E18, s2;
	[smem:$0x7F4] =	sst s17  }
0x48: {  	s20 =	sor.u32 $0x14F18, s2;
	[smem:$0x7F6] =	sst s19  }
0x49: {  	s28 =	simm.s32 $0x1;
	s24 =	sor.u32 $0x15318, s2;
	[smem:$0x7F7] =	sst s20  }
0x4a: {  	s5 =	simm.s32 $0x1DB18;
	s30 =	sadd.s32 s13, s29;
	[smem:$0x7FB] =	sst s24  }
0x4b: {  	s6 =	sadd.s32 s12, s29;
	s9 =	sadd.s32 s15, s29;
	[smem:$0x7E5] =	sst s30  }
0x4c: {  	s12 =	sadd.s32 s21, s29;
	s13 =	sadd.s32 s22, s29;
	[smem:$0x7E7] =	sst s6  }
0x4d: {  	s15 =	sadd.s32 s18, s29;
	s18 =	sor.u32 $0x14D18, s2;
	[smem:$0x7EB] =	sst s9  }
0x4e: {  	s21 =	sor.u32 $0x15018, s2;
	s22 =	sor.u32 $0x15118, s2;
	[smem:$0x7EE] =	sst s12  }
0x4f: {  	s23 =	sor.u32 $0x15218, s2;
	s20 =	sor.u32 $0x15418, s2;
	[smem:$0x7EF] =	sst s13  }
0x50: {  	s24 =	sor.u32 $0x15818, s2;
	s3 =	sor.u32 $0x15918, s2;
	[smem:$0x7F1] =	sst s15  }
0x51: {  	s4 =	sor.u32 $0x15A18, s2;
	s26 =	sadd.s32 $0x138800, s29;
	[smem:$0x7F5] =	sst s18  }
0x52: {  	s8 =	simm.s32 $0x15B18;
	s11 =	simm.s32 $0x80;
	[smem:$0x7F8] =	sst s21  }
.Ltmp0:
0x53: {  	s7 =	simm.s32 $0x2;
	[smem:$0x7F9] =	sst s22;
	(pc) =	sbr.rel .LBB2_1-.Ltmp0, $4  }
0x54: {  	s10 =	simm.s32 $0x0;
	[smem:$0x7FA] =	sst s23;
	s21 =	sor.u32 $0x15518, s2  }
0x55: {  	s22 =	sor.u32 $0x15618, s2;
	s23 =	sor.u32 $0x15718, s2;
	[smem:$0x7FC] =	sst s26  }
0x56: {  	s30 =	sadd.s32 $0x2710, s31;
	s6 =	simm.s32 $0x5;
	s12 =	simm.s32 $0x19B18  }
0x57: {  	s2 =	simm.s32 $0x3;
	s26 =	simm.s32 $0x4;
	[smem:$0x7FD] =	sst s30  }
.LBB2_16:
0x58: {  	s1 =	sld [smem:$0x7F2];
	_ =	sdelay $0x1  }
0x59: {  	s10 =	sadd.s32 $0x1, s10  }
0x5a: {  	p3 =	sne.s32 s10, s1  }
.Ltmp1:
0x5b: {  	_ = 	snop;
	(pc) =	sbr.rel @!p3 .LBB2_17-.Ltmp1, $1  }
0x5c: {  	_ =	sdelay $0x3  }
.LBB2_1:
0x5d: {  	s1 =	sld [smem:$0x7D6];
	_ =	sdelay $0x1  }
.Ltmp2:
0x5e: {  	_ = 	snop;
	(pc) =	sbr.rel @!p1 .LBB2_2-.Ltmp2, $4  }
0x5f: {  	[tilespmem:s5], [sflag:$0x5] =	stream.linear.gather [hbm4b:s1+s0], $0x80, $0x38;
	[tilespmem:$0x1DF98] =	vst v63  }
0x60: {  	_ =	swait.ge [sflag:s6], $0x80  }
0x61: {  	[sflag:s6] =	ssyncset.done $0x0  }
0x62: {  	[sflag:s6] =	ssyncadd.s32 $0xFFFFFF80  }
0x63: {  	s1 =	sld [smem:$0x7D5];
	_ =	sdelay $0x1  }
0x64: {  	s9 =	simm.s32 $0x1DB98  }
0x65: {  	[tilespmem:s9], [sflag:$0x5] =	stream.linear.gather [hbm4b:s1+s0], $0x400, $0x38;
	[tilespmem:$0x1DF98] =	vst v63  }
0x66: {  	_ =	swait.ge [sflag:s6], $0x400  }
0x67: {  	s13 =	sld [smem:$0x7D7]  }
0x68: {  	[sflag:s6] =	ssyncset.done $0x0  }
0x69: {  	[sflag:s6] =	ssyncadd.s32 $0xFFFFFC00  }
0x6a: {  	[spmem:s13] =	stream.linear.scatter [tilespmem:s9], [sflag:$0x5], $0x3E8, $0x38;
	[tilespmem:$0x1DF98] =	vst v63  }
0x6b: {  	_ =	swait.ge [sflag:s6], $0x3E8  }
0x6c: {  	[sflag:s6] =	ssyncset.done $0x0  }
0x6d: {  	s14 =	rddreg [dreg:$0x17];
	[sflag:s6] =	ssyncadd.s32 $0xFFFFFC18  }
0x6e: {  	[tilespmem:s8], [sflag:$0x5] =	stream.linear.gather [hbm4b:s14+s0], $0x4000, $0x38;
	[tilespmem:$0x1DF98] =	vst v63  }
0x6f: {  	_ =	swait.ge [sflag:s6], $0x4000  }
0x70: {  	s15 =	sld [smem:$0x7D8]  }
0x71: {  	[sflag:s6] =	ssyncset.done $0x0  }
0x72: {  	[sflag:s6] =	ssyncadd.s32 $0xFFFFC000  }
0x73: {  	[spmem:s15] =	stream.linear.scatter [tilespmem:s8], [sflag:$0x5], $0x4000, $0x38;
	[tilespmem:$0x1DF98] =	vst v63  }
0x74: {  	_ =	swait.ge [sflag:s6], $0x4000  }
0x75: {  	[sflag:s6] =	ssyncset.done $0x0  }
0x76: {  	s16 =	rddreg [dreg:$0x6];
	[sflag:s6] =	ssyncadd.s32 $0xFFFFC000  }
0x77: {  	[tilespmem:s8], [sflag:$0x5] =	stream.linear.gather [hbm4b:s16+s0], $0x4000, $0x38;
	[tilespmem:$0x1DF98] =	vst v63  }
0x78: {  	_ =	swait.ge [sflag:s6], $0x4000  }
0x79: {  	s17 =	sld [smem:$0x7DA]  }
0x7a: {  	[sflag:s6] =	ssyncset.done $0x0  }
0x7b: {  	[sflag:s6] =	ssyncadd.s32 $0xFFFFC000  }
0x7c: {  	[spmem:s17] =	stream.linear.scatter [tilespmem:s8], [sflag:$0x5], $0x4000, $0x38;
	[tilespmem:$0x1DF98] =	vst v63  }
0x7d: {  	_ =	swait.ge [sflag:s6], $0x4000  }
0x7e: {  	[sflag:s6] =	ssyncset.done $0x0  }
0x7f: {  	s18 =	rddreg [dreg:$0x7];
	[sflag:s6] =	ssyncadd.s32 $0xFFFFC000  }
0x80: {  	[tilespmem:s8], [sflag:$0x5] =	stream.linear.gather [hbm4b:s18+s0], $0x4000, $0x38;
	[tilespmem:$0x1DF98] =	vst v63  }
0x81: {  	_ =	swait.ge [sflag:s6], $0x4000  }
0x82: {  	s19 =	sld [smem:$0x7DC]  }
0x83: {  	[sflag:s6] =	ssyncset.done $0x0  }
0x84: {  	[sflag:s6] =	ssyncadd.s32 $0xFFFFC000  }
0x85: {  	[spmem:s19] =	stream.linear.scatter [tilespmem:s8], [sflag:$0x5], $0x4000, $0x38;
	[tilespmem:$0x1DF98] =	vst v63  }
0x86: {  	_ =	swait.ge [sflag:s6], $0x4000  }
0x87: {  	[sflag:s6] =	ssyncset.done $0x0  }
0x88: {  	s30 =	rddreg [dreg:$0x12];
	[sflag:s6] =	ssyncadd.s32 $0xFFFFC000  }
0x89: {  	[tilespmem:s8], [sflag:$0x5] =	stream.linear.gather [hbm4b:s30+s0], $0x4000, $0x38;
	[tilespmem:$0x1DF98] =	vst v63  }
0x8a: {  	_ =	swait.ge [sflag:s6], $0x4000  }
0x8b: {  	s9 =	sld [smem:$0x7DE]  }
0x8c: {  	[sflag:s6] =	ssyncset.done $0x0  }
0x8d: {  	[sflag:s6] =	ssyncadd.s32 $0xFFFFC000  }
0x8e: {  	[spmem:s9] =	stream.linear.scatter [tilespmem:s8], [sflag:$0x5], $0x4000, $0x38;
	[tilespmem:$0x1DF98] =	vst v63  }
0x8f: {  	_ =	swait.ge [sflag:s6], $0x4000  }
0x90: {  	[sflag:s6] =	ssyncset.done $0x0  }
0x91: {  	s13 =	rddreg [dreg:$0x13];
	[sflag:s6] =	ssyncadd.s32 $0xFFFFC000  }
0x92: {  	[tilespmem:s8], [sflag:$0x5] =	stream.linear.gather [hbm4b:s13+s0], $0x4000, $0x38;
	[tilespmem:$0x1DF98] =	vst v63  }
0x93: {  	_ =	swait.ge [sflag:s6], $0x4000  }
0x94: {  	s14 =	sld [smem:$0x7E0]  }
0x95: {  	[sflag:s6] =	ssyncset.done $0x0  }
0x96: {  	[sflag:s6] =	ssyncadd.s32 $0xFFFFC000  }
0x97: {  	[spmem:s14] =	stream.linear.scatter [tilespmem:s8], [sflag:$0x5], $0x4000, $0x38;
	[tilespmem:$0x1DF98] =	vst v63  }
0x98: {  	_ =	swait.ge [sflag:s6], $0x4000  }
0x99: {  	[sflag:s6] =	ssyncset.done $0x0  }
0x9a: {  	s15 =	rddreg [dreg:$0x14];
	[sflag:s6] =	ssyncadd.s32 $0xFFFFC000  }
0x9b: {  	[tilespmem:s8], [sflag:$0x5] =	stream.linear.gather [hbm4b:s15+s0], $0x4000, $0x38;
	[tilespmem:$0x1DF98] =	vst v63  }
0x9c: {  	_ =	swait.ge [sflag:s6], $0x4000  }
0x9d: {  	s16 =	sld [smem:$0x7E2]  }
0x9e: {  	[sflag:s6] =	ssyncset.done $0x0  }
0x9f: {  	[sflag:s6] =	ssyncadd.s32 $0xFFFFC000  }
0xa0: {  	[spmem:s16] =	stream.linear.scatter [tilespmem:s8], [sflag:$0x5], $0x4000, $0x38;
	[tilespmem:$0x1DF98] =	vst v63  }
0xa1: {  	_ =	swait.ge [sflag:s6], $0x4000  }
0xa2: {  	[sflag:s6] =	ssyncset.done $0x0  }
0xa3: {  	s17 =	rddreg [dreg:$0x15];
	[sflag:s6] =	ssyncadd.s32 $0xFFFFC000  }
0xa4: {  	[tilespmem:s8], [sflag:$0x5] =	stream.linear.gather [hbm4b:s17+s0], $0x4000, $0x38;
	[tilespmem:$0x1DF98] =	vst v63  }
0xa5: {  	_ =	swait.ge [sflag:s6], $0x4000  }
0xa6: {  	s18 =	sld [smem:$0x7E4]  }
0xa7: {  	[sflag:s6] =	ssyncset.done $0x0  }
0xa8: {  	[sflag:s6] =	ssyncadd.s32 $0xFFFFC000  }
0xa9: {  	[spmem:s18] =	stream.linear.scatter [tilespmem:s8], [sflag:$0x5], $0x4000, $0x38;
	[tilespmem:$0x1DF98] =	vst v63  }
0xaa: {  	_ =	swait.ge [sflag:s6], $0x4000  }
0xab: {  	[sflag:s6] =	ssyncset.done $0x0  }
0xac: {  	s19 =	rddreg [dreg:$0x16];
	[sflag:s6] =	ssyncadd.s32 $0xFFFFC000  }
0xad: {  	[tilespmem:s8], [sflag:$0x5] =	stream.linear.gather [hbm4b:s19+s0], $0x3400, $0x38;
	[tilespmem:$0x1DF98] =	vst v63  }
0xae: {  	_ =	swait.ge [sflag:s6], $0x3400  }
0xaf: {  	s30 =	sld [smem:$0x7E6]  }
0xb0: {  	[sflag:s6] =	ssyncset.done $0x0  }
0xb1: {  	[sflag:s6] =	ssyncadd.s32 $0xFFFFCC00  }
0xb2: {  	[spmem:s30] =	stream.linear.scatter [tilespmem:s8], [sflag:$0x5], $0x3400, $0x38;
	[tilespmem:$0x1DF98] =	vst v63  }
0xb3: {  	_ =	swait.ge [sflag:s6], $0x3400  }
0xb4: {  	s9 =	sld [smem:$0x7D4]  }
0xb5: {  	[sflag:s6] =	ssyncset.done $0x0  }
0xb6: {  	[sflag:s6] =	ssyncadd.s32 $0xFFFFCC00  }
0xb7: {  	[tilespmem:s8], [sflag:$0x5] =	stream.linear.gather [hbm4b:s9+s0], $0x4000, $0x38;
	[tilespmem:$0x1DF98] =	vst v63  }
0xb8: {  	_ =	swait.ge [sflag:s6], $0x4000  }
0xb9: {  	s13 =	sld [smem:$0x7D9]  }
0xba: {  	[sflag:s6] =	ssyncset.done $0x0  }
0xbb: {  	[sflag:s6] =	ssyncadd.s32 $0xFFFFC000  }
0xbc: {  	[spmem:s13] =	stream.linear.scatter [tilespmem:s8], [sflag:$0x5], $0x4000, $0x38;
	[tilespmem:$0x1DF98] =	vst v63  }
0xbd: {  	_ =	swait.ge [sflag:s6], $0x4000  }
0xbe: {  	s14 =	sld [smem:$0x7DB]  }
0xbf: {  	[sflag:s6] =	ssyncset.done $0x0  }
0xc0: {  	[sflag:s6] =	ssyncadd.s32 $0xFFFFC000  }
0xc1: {  	[spmem:s14] =	stream.linear.scatter [tilespmem:s8], [sflag:$0x5], $0x4000, $0x38;
	[tilespmem:$0x1DF98] =	vst v63  }
0xc2: {  	_ =	swait.ge [sflag:s6], $0x4000  }
0xc3: {  	s15 =	sld [smem:$0x7DD]  }
0xc4: {  	[sflag:s6] =	ssyncset.done $0x0  }
0xc5: {  	[sflag:s6] =	ssyncadd.s32 $0xFFFFC000  }
0xc6: {  	[spmem:s15] =	stream.linear.scatter [tilespmem:s8], [sflag:$0x5], $0x4000, $0x38;
	[tilespmem:$0x1DF98] =	vst v63  }
0xc7: {  	_ =	swait.ge [sflag:s6], $0x4000  }
0xc8: {  	s16 =	sld [smem:$0x7DF]  }
0xc9: {  	[sflag:s6] =	ssyncset.done $0x0  }
0xca: {  	[sflag:s6] =	ssyncadd.s32 $0xFFFFC000  }
0xcb: {  	[spmem:s16] =	stream.linear.scatter [tilespmem:s8], [sflag:$0x5], $0x4000, $0x38;
	[tilespmem:$0x1DF98] =	vst v63  }
0xcc: {  	_ =	swait.ge [sflag:s6], $0x4000  }
0xcd: {  	s17 =	sld [smem:$0x7E1]  }
0xce: {  	[sflag:s6] =	ssyncset.done $0x0  }
0xcf: {  	[sflag:s6] =	ssyncadd.s32 $0xFFFFC000  }
0xd0: {  	[spmem:s17] =	stream.linear.scatter [tilespmem:s8], [sflag:$0x5], $0x4000, $0x38;
	[tilespmem:$0x1DF98] =	vst v63  }
0xd1: {  	_ =	swait.ge [sflag:s6], $0x4000  }
0xd2: {  	s18 =	sld [smem:$0x7E3]  }
0xd3: {  	[sflag:s6] =	ssyncset.done $0x0  }
0xd4: {  	[sflag:s6] =	ssyncadd.s32 $0xFFFFC000  }
0xd5: {  	[spmem:s18] =	stream.linear.scatter [tilespmem:s8], [sflag:$0x5], $0x4000, $0x38;
	[tilespmem:$0x1DF98] =	vst v63  }
0xd6: {  	_ =	swait.ge [sflag:s6], $0x4000  }
0xd7: {  	s19 =	sld [smem:$0x7E5]  }
0xd8: {  	[sflag:s6] =	ssyncset.done $0x0  }
0xd9: {  	[sflag:s6] =	ssyncadd.s32 $0xFFFFC000  }
0xda: {  	[spmem:s19] =	stream.linear.scatter [tilespmem:s8], [sflag:$0x5], $0x4000, $0x38;
	[tilespmem:$0x1DF98] =	vst v63  }
0xdb: {  	_ =	swait.ge [sflag:s6], $0x4000  }
0xdc: {  	s30 =	sld [smem:$0x7E7]  }
0xdd: {  	[sflag:s6] =	ssyncset.done $0x0  }
0xde: {  	[sflag:s6] =	ssyncadd.s32 $0xFFFFC000  }
0xdf: {  	[spmem:s30] =	stream.linear.scatter [tilespmem:s8], [sflag:$0x5], $0x3400, $0x38;
	[tilespmem:$0x1DF98] =	vst v63  }
0xe0: {  	_ =	swait.ge [sflag:s6], $0x3400  }
0xe1: {  	s9 =	sld [smem:$0x7FC]  }
0xe2: {  	[sflag:s6] =	ssyncset.done $0x0  }
0xe3: {  	s1 =	simm.s32 @!p0 $0x15B18;
	[sflag:s6] =	ssyncadd.s32 $0xFFFFCC00  }
0xe4: {  	[spmem:s9] =	stream.linear.scatter @!p0 [tilespmem:s1], [sflag:$0x5], $0x400, $0x38;
	[tilespmem:$0x1DF98] =	vst v63  }
0xe5: {  	s1 =	simm.s32 @!p0 $0x5  }
0xe6: {  	_ =	swait.ge @!p0 [sflag:s1], $0x400  }
0xe7: {  	s13 =	sld [smem:$0x7FD]  }
0xe8: {  	[sflag:s1] =	ssyncset.done @!p0 $0x0  }
.Ltmp3:
0xe9: {  	s9 =	simm.s32 @!p0 $0x1DB98;
	[sflag:s1] =	ssyncadd.s32 @!p0 $0xFFFFFC00;
	(pc) =	sbr.rel .LBB2_4-.Ltmp3, $4  }
0xea: {  	[spmem:s13] =	stream.linear.scatter @!p0 [tilespmem:s9], [sflag:$0x5], $0x8, $0x38;
	[tilespmem:$0x1DF98] =	vst v63  }
0xeb: {  	_ =	swait.ge @!p0 [sflag:s1], $0x8  }
0xec: {  	[sflag:s1] =	ssyncset.done @!p0 $0x0  }
0xed: {  	[sflag:s1] =	ssyncadd.s32 @!p0 $0xFFFFFFF8  }
.LBB2_2:
0xee: {  	s1 =	sld [smem:$0x7D4];
	_ =	sdelay $0x2  }
0xef: {  	[tilespmem:s8], [sflag:$0x5] =	stream.linear.gather [hbm4b:s1+s0], $0x4000, $0x38;
	[tilespmem:$0x1DF98] =	vst v63  }
0xf0: {  	_ =	swait.ge [sflag:s6], $0x4000  }
0xf1: {  	[sflag:s6] =	ssyncset.done $0x0  }
0xf2: {  	[sflag:s6] =	ssyncadd.s32 $0xFFFFC000  }
.LBB2_4:
0xf3: {  	[bflag:$0x0] =	sbarrier.arrive $0xFFFF  }
0xf4: {  	s9 =	simm.s32 $0x0;
	s13 =	simm.s32 $0x13B18;
	s1 =	rddreg [dreg:$0x8]  }
0xf5: {  	[tilespmem:s13], [sflag:$0x5] =	stream.linear.gather [hbm4b:s1+s9], $0x1000, $0x38;
	[tilespmem:$0x1DF98] =	vst v63  }
0xf6: {  	_ =	swait.ge [sflag:s6], $0x1000  }
0xf7: {  	[sflag:s6] =	ssyncset.done $0x0  }
0xf8: {  	s14 =	simm.s32 $0x14B18;
	s13 =	rddreg [dreg:$0x9];
	[sflag:s6] =	ssyncadd.s32 $0xFFFFF000  }
0xf9: {  	[tilespmem:s14], [sflag:$0x5] =	stream.linear.gather [hbm4b:s13+s9], $0x1000, $0x38;
	[tilespmem:$0x1DF98] =	vst v63  }
0xfa: {  	_ =	swait.ge [sflag:s6], $0x1000  }
0xfb: {  	p3 =	por $0x0, $0x0;
	[sflag:s6] =	ssyncset.done $0x0  }
0xfc: {  	s1 =	simm.s32 @p3 $0x3;
	[sflag:s6] =	ssyncadd.s32 $0xFFFFF000  }
0xfd: {  	_ =	swait.ge @p3 [sflag:s1], $0x2000  }
0xfe: {  	s30 =	simm.s32 @p3 $0x80;
	s13 =	simm.s32 @p3 $0x2;
	[sflag:s1] =	ssyncset.done @p3 $0x0  }
0xff: {  	s14 =	simm.s32 @p3 $0x15B18;
	[sflag:s1] =	ssyncadd.s32 @p3 $0xFFFFE000;
	s1 =	simm.s32 @p3 $0x13B18  }
0x100: {  	[tilespmem:s14], [sflag:$0x1] =	stream.indirect.gather @p3 [spmem:s25], $0x40, s1, s30, $0xb8;
	[tilespmem:$0x1DF98] =	vst v63  }
0x101: {  	_ =	swait.ge @p3 [sflag:s13], $0x2000  }
0x102: {  	s1 =	simm.s32 @p3 $0x14A98;
	[sflag:s13] =	ssyncset.done @p3 $0x0  }
0x103: {  	s14 =	simm.s32 @p3 $0x4;
	[sflag:s13] =	ssyncadd.s32 @p3 $0xFFFFE000;
	s13 =	simm.s32 @p3 $0x19B18  }
0x104: {  	[spmem:s29] =	stream.indirect.scatter.add.f32 @p3 [tilespmem:s13], [sflag:$0x4], $0x40, s1, s30, $0xb8;
	[tilespmem:$0x1DF98] =	vst v63  }
0x105: {  	_ =	swait.ge @p3 [sflag:s14], $0x2000  }
0x106: {  	s9 =	simm.s32 @!p3 $0x0;
	s1 =	simm.s32 @!p3 $0x15B18;
	[sflag:s14] =	ssyncset.done @p3 $0x0  }
0x107: {  	s13 =	simm.s32 @!p3 $0x80;
	[sflag:s14] =	ssyncadd.s32 @p3 $0xFFFFE000;
	s14 =	simm.s32 @!p3 $0x13B18  }
0x108: {  	[tilespmem:s1], [sflag:$0x1] =	stream.indirect.gather @!p3 [spmem:s25], $0x40, s14, s13, $0xb8;
	[tilespmem:$0x1DF98] =	vst v63  }
0x109: {  	s15 =	sadd.s32 $0x13B98, s9  }
0x10a: {  	[tilespmem:s12], [sflag:$0x2] =	stream.indirect.gather [spmem:s25], $0x40, s15, s11, $0xb8;
	[tilespmem:$0x1DF98] =	vst v63  }
0x10b: {  	_ =	swait.ge [sflag:s28], $0x2000  }
0x10c: {  	[sflag:s28] =	ssyncset.done $0x0  }
0x10d: {  	s16 =	sadd.s32 $0x14B18, s9;
	[sflag:s28] =	ssyncadd.s32 $0xFFFFE000  }
0x10e: {  	[spmem:s29] =	stream.indirect.scatter.add.f32 [tilespmem:s8], [sflag:$0x3], $0x40, s16, s11, $0xb8;
	[tilespmem:$0x1DF98] =	vst v63  }
0x10f: {  	_ =	swait.ge [sflag:s2], $0x2000  }
0x110: {  	[sflag:s2] =	ssyncset.done $0x0  }
0x111: {  	s17 =	sadd.s32 $0x13C18, s9;
	[sflag:s2] =	ssyncadd.s32 $0xFFFFE000  }
0x112: {  	[tilespmem:s8], [sflag:$0x1] =	stream.indirect.gather [spmem:s25], $0x40, s17, s11, $0xb8;
	[tilespmem:$0x1DF98] =	vst v63  }
0x113: {  	_ =	swait.ge [sflag:s7], $0x2000  }
0x114: {  	[sflag:s7] =	ssyncset.done $0x0  }
0x115: {  	s18 =	sadd.s32 $0x14B98, s9;
	[sflag:s7] =	ssyncadd.s32 $0xFFFFE000  }
0x116: {  	[spmem:s29] =	stream.indirect.scatter.add.f32 [tilespmem:s12], [sflag:$0x4], $0x40, s18, s11, $0xb8;
	[tilespmem:$0x1DF98] =	vst v63  }
0x117: {  	_ =	swait.ge [sflag:s26], $0x2000  }
0x118: {  	[sflag:s26] =	ssyncset.done $0x0  }
0x119: {  	s19 =	sadd.s32 $0x13C98, s9;
	[sflag:s26] =	ssyncadd.s32 $0xFFFFE000  }
0x11a: {  	[tilespmem:s12], [sflag:$0x2] =	stream.indirect.gather [spmem:s25], $0x40, s19, s11, $0xb8;
	[tilespmem:$0x1DF98] =	vst v63  }
0x11b: {  	_ =	swait.ge [sflag:s28], $0x2000  }
0x11c: {  	[sflag:s28] =	ssyncset.done $0x0  }
0x11d: {  	s13 =	sadd.s32 $0x14C18, s9;
	[sflag:s28] =	ssyncadd.s32 $0xFFFFE000  }
0x11e: {  	[spmem:s29] =	stream.indirect.scatter.add.f32 [tilespmem:s8], [sflag:$0x3], $0x40, s13, s11, $0xb8;
	[tilespmem:$0x1DF98] =	vst v63  }
0x11f: {  	_ =	swait.ge [sflag:s2], $0x2000  }
0x120: {  	[sflag:s2] =	ssyncset.done $0x0  }
0x121: {  	s14 =	sadd.s32 $0x13D18, s9;
	[sflag:s2] =	ssyncadd.s32 $0xFFFFE000  }
0x122: {  	[tilespmem:s8], [sflag:$0x1] =	stream.indirect.gather [spmem:s25], $0x40, s14, s11, $0xb8;
	[tilespmem:$0x1DF98] =	vst v63  }
0x123: {  	_ =	swait.ge [sflag:s7], $0x2000  }
0x124: {  	[sflag:s7] =	ssyncset.done $0x0  }
0x125: {  	s15 =	sadd.s32 $0x14C98, s9;
	[sflag:s7] =	ssyncadd.s32 $0xFFFFE000  }
0x126: {  	[spmem:s29] =	stream.indirect.scatter.add.f32 [tilespmem:s12], [sflag:$0x4], $0x40, s15, s11, $0xb8;
	[tilespmem:$0x1DF98] =	vst v63  }
0x127: {  	_ =	swait.ge [sflag:s26], $0x2000  }
0x128: {  	[sflag:s26] =	ssyncset.done $0x0  }
0x129: {  	s16 =	sadd.s32 $0x13D98, s9;
	[sflag:s26] =	ssyncadd.s32 $0xFFFFE000  }
0x12a: {  	[tilespmem:s12], [sflag:$0x2] =	stream.indirect.gather [spmem:s25], $0x40, s16, s11, $0xb8;
	[tilespmem:$0x1DF98] =	vst v63  }
0x12b: {  	_ =	swait.ge [sflag:s28], $0x2000  }
0x12c: {  	[sflag:s28] =	ssyncset.done $0x0  }
0x12d: {  	s17 =	sadd.s32 $0x14D18, s9;
	[sflag:s28] =	ssyncadd.s32 $0xFFFFE000  }
0x12e: {  	[spmem:s29] =	stream.indirect.scatter.add.f32 [tilespmem:s8], [sflag:$0x3], $0x40, s17, s11, $0xb8;
	[tilespmem:$0x1DF98] =	vst v63  }
0x12f: {  	_ =	swait.ge [sflag:s2], $0x2000  }
0x130: {  	[sflag:s2] =	ssyncset.done $0x0  }
0x131: {  	s18 =	sadd.s32 $0x13E18, s9;
	[sflag:s2] =	ssyncadd.s32 $0xFFFFE000  }
0x132: {  	[tilespmem:s8], [sflag:$0x1] =	stream.indirect.gather [spmem:s25], $0x40, s18, s11, $0xb8;
	[tilespmem:$0x1DF98] =	vst v63  }
0x133: {  	_ =	swait.ge [sflag:s7], $0x2000  }
0x134: {  	[sflag:s7] =	ssyncset.done $0x0  }
0x135: {  	s1 =	simm.s32 $0x0;
	s19 =	sadd.s32 $0x14D98, s9;
	[sflag:s7] =	ssyncadd.s32 $0xFFFFE000  }
0x136: {  	[spmem:s29] =	stream.indirect.scatter.add.f32 [tilespmem:s12], [sflag:$0x4], $0x40, s19, s11, $0xb8;
	[tilespmem:$0x1DF98] =	vst v63  }
0x137: {  	s1 =	simm.s32 @!p3 $0x0;
	_ =	swait.ge [sflag:s26], $0x2000  }
0x138: {  	s1 =	sshra.s32 s1, $0x2;
	[sflag:s26] =	ssyncset.done $0x0  }
0x139: {  	s30 =	simm.s32 $0x1000;
	s1 =	sadd.s32 $0x13E98, s1;
	[sflag:s26] =	ssyncadd.s32 $0xFFFFE000  }
0x13a: {  	[tilespmem:s12], [sflag:$0x2] =	stream.indirect.gather [spmem:s25], $0x40, s1, s11, $0xb8;
	[tilespmem:$0x1DF98] =	vst v63  }
0x13b: {  	p3 =	por $0x1, $0x1;
	s9 =	sadd.s32 $0x14E18, s9;
	_ =	swait.ge [sflag:s28], $0x2000  }
0x13c: {  	s14 =	simm.s32 $0x400;
	s1 =	simm.s32 $0x800;
	[sflag:s28] =	ssyncset.done $0x0  }
.LBB2_5:
0x13d: {  	s15 =	simm.s32 @p3 $0x3;
	s13 =	smov.u32 s30  }
0x13e: {  	[sflag:s28] =	ssyncadd.s32 $0xFFFFE000;
	s16 =	smov.u32 s1;
	s13 =	simm.s32 @!p3 $0x0  }
0x13f: {  	[spmem:s29] =	stream.indirect.scatter.add.f32 [tilespmem:s8], [sflag:$0x3], $0x40, s9, s11, $0xb8;
	[tilespmem:$0x1DF98] =	vst v63  }
0x140: {  	s9 =	simm.s32 @p3 $0x2;
	s13 =	sshra.s32 s13, $0x2;
	_ =	swait.ge @p3 [sflag:s15], $0x2000  }
0x141: {  	s17 =	sshra.s32 @p3 s30, $0x2;
	s18 =	simm.s32 @p3 $0x15B18;
	[sflag:s15] =	ssyncset.done @p3 $0x0  }
0x142: {  	s19 =	simm.s32 @p3 $0x80;
	[sflag:s15] =	ssyncadd.s32 @p3 $0xFFFFE000;
	s15 =	sadd.s32 @p3 $0x13B18, s17  }
0x143: {  	[tilespmem:s18], [sflag:$0x1] =	stream.indirect.gather @p3 [spmem:s25], $0x40, s15, s19, $0xb8;
	[tilespmem:$0x1DF98] =	vst v63  }
0x144: {  	s1 =	sadd.s32 $0x400, s1;
	s15 =	sadd.s32 @p3 $0x14A98, s17;
	_ =	swait.ge @p3 [sflag:s9], $0x2000  }
0x145: {  	p4 =	sne.s32 s1, $0x1000;
	[sflag:s9] =	ssyncset.done @p3 $0x0  }
0x146: {  	s17 =	simm.s32 @p3 $0x4;
	[sflag:s9] =	ssyncadd.s32 @p3 $0xFFFFE000;
	s9 =	simm.s32 @p3 $0x19B18  }
0x147: {  	[spmem:s29] =	stream.indirect.scatter.add.f32 @p3 [tilespmem:s9], [sflag:$0x4], $0x40, s15, s19, $0xb8;
	[tilespmem:$0x1DF98] =	vst v63  }
0x148: {  	s9 =	smov.u32 s14;
	_ =	swait.ge @p3 [sflag:s17], $0x2000  }
0x149: {  	s15 =	simm.s32 @!p3 $0x15B18;
	s9 =	simm.s32 @!p3 $0x0;
	[sflag:s17] =	ssyncset.done @p3 $0x0  }
0x14a: {  	s14 =	simm.s32 @!p3 $0x80;
	[sflag:s17] =	ssyncadd.s32 @p3 $0xFFFFE000;
	s17 =	simm.s32 @!p3 $0x13B18  }
0x14b: {  	[tilespmem:s15], [sflag:$0x1] =	stream.indirect.gather @!p3 [spmem:s25], $0x40, s17, s14, $0xb8;
	[tilespmem:$0x1DF98] =	vst v63  }
0x14c: {  	s15 =	sadd.s32 $0x13B98, s9;
	s14 =	smov.u32 s16  }
0x14d: {  	[tilespmem:s12], [sflag:$0x2] =	stream.indirect.gather [spmem:s25], $0x40, s15, s11, $0xb8;
	[tilespmem:$0x1DF98] =	vst v63  }
0x14e: {  	_ =	swait.ge [sflag:s28], $0x2000  }
0x14f: {  	[sflag:s28] =	ssyncset.done $0x0  }
0x150: {  	s15 =	sadd.s32 $0x14B18, s9;
	[sflag:s28] =	ssyncadd.s32 $0xFFFFE000  }
0x151: {  	[spmem:s29] =	stream.indirect.scatter.add.f32 [tilespmem:s8], [sflag:$0x3], $0x40, s15, s11, $0xb8;
	[tilespmem:$0x1DF98] =	vst v63  }
0x152: {  	_ =	swait.ge [sflag:s2], $0x2000  }
0x153: {  	[sflag:s2] =	ssyncset.done $0x0  }
0x154: {  	s15 =	sadd.s32 $0x13C18, s9;
	[sflag:s2] =	ssyncadd.s32 $0xFFFFE000  }
0x155: {  	[tilespmem:s8], [sflag:$0x1] =	stream.indirect.gather [spmem:s25], $0x40, s15, s11, $0xb8;
	[tilespmem:$0x1DF98] =	vst v63  }
0x156: {  	_ =	swait.ge [sflag:s7], $0x2000  }
0x157: {  	[sflag:s7] =	ssyncset.done $0x0  }
0x158: {  	s15 =	sadd.s32 $0x14B98, s9;
	[sflag:s7] =	ssyncadd.s32 $0xFFFFE000  }
0x159: {  	[spmem:s29] =	stream.indirect.scatter.add.f32 [tilespmem:s12], [sflag:$0x4], $0x40, s15, s11, $0xb8;
	[tilespmem:$0x1DF98] =	vst v63  }
0x15a: {  	_ =	swait.ge [sflag:s26], $0x2000  }
0x15b: {  	[sflag:s26] =	ssyncset.done $0x0  }
0x15c: {  	s15 =	sadd.s32 $0x13C98, s9;
	[sflag:s26] =	ssyncadd.s32 $0xFFFFE000  }
0x15d: {  	[tilespmem:s12], [sflag:$0x2] =	stream.indirect.gather [spmem:s25], $0x40, s15, s11, $0xb8;
	[tilespmem:$0x1DF98] =	vst v63  }
0x15e: {  	_ =	swait.ge [sflag:s28], $0x2000  }
0x15f: {  	[sflag:s28] =	ssyncset.done $0x0  }
0x160: {  	s15 =	sadd.s32 $0x14C18, s9;
	[sflag:s28] =	ssyncadd.s32 $0xFFFFE000  }
0x161: {  	[spmem:s29] =	stream.indirect.scatter.add.f32 [tilespmem:s8], [sflag:$0x3], $0x40, s15, s11, $0xb8;
	[tilespmem:$0x1DF98] =	vst v63  }
0x162: {  	_ =	swait.ge [sflag:s2], $0x2000  }
0x163: {  	[sflag:s2] =	ssyncset.done $0x0  }
0x164: {  	s15 =	sadd.s32 $0x13D18, s9;
	[sflag:s2] =	ssyncadd.s32 $0xFFFFE000  }
0x165: {  	[tilespmem:s8], [sflag:$0x1] =	stream.indirect.gather [spmem:s25], $0x40, s15, s11, $0xb8;
	[tilespmem:$0x1DF98] =	vst v63  }
0x166: {  	_ =	swait.ge [sflag:s7], $0x2000  }
0x167: {  	[sflag:s7] =	ssyncset.done $0x0  }
0x168: {  	s15 =	sadd.s32 $0x14C98, s9;
	[sflag:s7] =	ssyncadd.s32 $0xFFFFE000  }
0x169: {  	[spmem:s29] =	stream.indirect.scatter.add.f32 [tilespmem:s12], [sflag:$0x4], $0x40, s15, s11, $0xb8;
	[tilespmem:$0x1DF98] =	vst v63  }
0x16a: {  	_ =	swait.ge [sflag:s26], $0x2000  }
0x16b: {  	[sflag:s26] =	ssyncset.done $0x0  }
0x16c: {  	s15 =	sadd.s32 $0x13D98, s9;
	[sflag:s26] =	ssyncadd.s32 $0xFFFFE000  }
0x16d: {  	[tilespmem:s12], [sflag:$0x2] =	stream.indirect.gather [spmem:s25], $0x40, s15, s11, $0xb8;
	[tilespmem:$0x1DF98] =	vst v63  }
0x16e: {  	_ =	swait.ge [sflag:s28], $0x2000  }
0x16f: {  	[sflag:s28] =	ssyncset.done $0x0  }
0x170: {  	s15 =	sadd.s32 $0x14D18, s9;
	[sflag:s28] =	ssyncadd.s32 $0xFFFFE000  }
0x171: {  	[spmem:s29] =	stream.indirect.scatter.add.f32 [tilespmem:s8], [sflag:$0x3], $0x40, s15, s11, $0xb8;
	[tilespmem:$0x1DF98] =	vst v63  }
0x172: {  	_ =	swait.ge [sflag:s2], $0x2000  }
0x173: {  	[sflag:s2] =	ssyncset.done $0x0  }
0x174: {  	s15 =	sadd.s32 $0x13E18, s9;
	[sflag:s2] =	ssyncadd.s32 $0xFFFFE000  }
0x175: {  	[tilespmem:s8], [sflag:$0x1] =	stream.indirect.gather [spmem:s25], $0x40, s15, s11, $0xb8;
	[tilespmem:$0x1DF98] =	vst v63  }
0x176: {  	_ =	swait.ge [sflag:s7], $0x2000  }
0x177: {  	[sflag:s7] =	ssyncset.done $0x0  }
0x178: {  	s15 =	sadd.s32 $0x14D98, s9;
	[sflag:s7] =	ssyncadd.s32 $0xFFFFE000  }
0x179: {  	[spmem:s29] =	stream.indirect.scatter.add.f32 [tilespmem:s12], [sflag:$0x4], $0x40, s15, s11, $0xb8;
	[tilespmem:$0x1DF98] =	vst v63  }
0x17a: {  	_ =	swait.ge [sflag:s26], $0x2000  }
.Ltmp4:
0x17b: {  	[sflag:s26] =	ssyncset.done $0x0;
	(pc) =	sbr.rel @p4 .LBB2_5-.Ltmp4, $4  }
0x17c: {  	s13 =	sadd.s32 $0x13E98, s13;
	[sflag:s26] =	ssyncadd.s32 $0xFFFFE000  }
0x17d: {  	[tilespmem:s12], [sflag:$0x2] =	stream.indirect.gather [spmem:s25], $0x40, s13, s11, $0xb8;
	[tilespmem:$0x1DF98] =	vst v63  }
0x17e: {  	s30 =	sadd.s32 $0x1000, s30;
	_ =	swait.ge [sflag:s28], $0x2000  }
0x17f: {  	p3 =	sne.s32 s14, $0x0;
	s9 =	sadd.s32 $0x14E18, s9;
	[sflag:s28] =	ssyncset.done $0x0  }
0x180: {  	s1 =	simm.s32 @p3 $0x3;
	[sflag:s28] =	ssyncadd.s32 $0xFFFFE000  }
0x181: {  	[spmem:s29] =	stream.indirect.scatter.add.f32 [tilespmem:s8], [sflag:$0x3], $0x40, s9, s11, $0xb8;
	[tilespmem:$0x1DF98] =	vst v63  }
0x182: {  	_ =	swait.ge @p3 [sflag:s1], $0x2000  }
0x183: {  	s13 =	simm.s32 @p3 $0x15B18;
	s9 =	sshra.s32 @p3 s30, $0x2;
	[sflag:s1] =	ssyncset.done @p3 $0x0  }
0x184: {  	s15 =	simm.s32 @p3 $0x80;
	[sflag:s1] =	ssyncadd.s32 @p3 $0xFFFFE000;
	s1 =	sadd.s32 @p3 $0x13B18, s9  }
0x185: {  	[tilespmem:s13], [sflag:$0x1] =	stream.indirect.gather @p3 [spmem:s25], $0x40, s1, s15, $0xb8;
	[tilespmem:$0x1DF98] =	vst v63  }
0x186: {  	s1 =	simm.s32 @p3 $0x2  }
0x187: {  	_ =	swait.ge @p3 [sflag:s1], $0x2000  }
0x188: {  	[sflag:s1] =	ssyncset.done @p3 $0x0  }
0x189: {  	s9 =	sadd.s32 @p3 $0x14A98, s9;
	[sflag:s1] =	ssyncadd.s32 @p3 $0xFFFFE000;
	s1 =	simm.s32 @p3 $0x19B18  }
0x18a: {  	[spmem:s29] =	stream.indirect.scatter.add.f32 @p3 [tilespmem:s1], [sflag:$0x4], $0x40, s9, s15, $0xb8;
	[tilespmem:$0x1DF98] =	vst v63  }
0x18b: {  	s1 =	simm.s32 @p3 $0x4  }
0x18c: {  	_ =	swait.ge @p3 [sflag:s1], $0x2000  }
0x18d: {  	s14 =	simm.s32 @!p3 $0x0;
	s13 =	simm.s32 @!p3 $0x13B18;
	[sflag:s1] =	ssyncset.done @p3 $0x0  }
0x18e: {  	s9 =	simm.s32 @!p3 $0x15B18;
	[sflag:s1] =	ssyncadd.s32 @p3 $0xFFFFE000;
	s1 =	simm.s32 @!p3 $0x80  }
0x18f: {  	[tilespmem:s9], [sflag:$0x1] =	stream.indirect.gather @!p3 [spmem:s25], $0x40, s13, s1, $0xb8;
	[tilespmem:$0x1DF98] =	vst v63  }
0x190: {  	s16 =	sadd.s32 $0x13B98, s14  }
0x191: {  	[tilespmem:s12], [sflag:$0x2] =	stream.indirect.gather [spmem:s25], $0x40, s16, s11, $0xb8;
	[tilespmem:$0x1DF98] =	vst v63  }
0x192: {  	_ =	swait.ge [sflag:s28], $0x2000  }
0x193: {  	[sflag:s28] =	ssyncset.done $0x0  }
0x194: {  	s17 =	sadd.s32 $0x14B18, s14;
	[sflag:s28] =	ssyncadd.s32 $0xFFFFE000  }
0x195: {  	[spmem:s29] =	stream.indirect.scatter.add.f32 [tilespmem:s8], [sflag:$0x3], $0x40, s17, s11, $0xb8;
	[tilespmem:$0x1DF98] =	vst v63  }
0x196: {  	_ =	swait.ge [sflag:s2], $0x2000  }
0x197: {  	[sflag:s2] =	ssyncset.done $0x0  }
0x198: {  	s18 =	sadd.s32 $0x13C18, s14;
	[sflag:s2] =	ssyncadd.s32 $0xFFFFE000  }
0x199: {  	[tilespmem:s8], [sflag:$0x1] =	stream.indirect.gather [spmem:s25], $0x40, s18, s11, $0xb8;
	[tilespmem:$0x1DF98] =	vst v63  }
0x19a: {  	_ =	swait.ge [sflag:s7], $0x2000  }
0x19b: {  	[sflag:s7] =	ssyncset.done $0x0  }
0x19c: {  	s19 =	sadd.s32 $0x14B98, s14;
	[sflag:s7] =	ssyncadd.s32 $0xFFFFE000  }
0x19d: {  	[spmem:s29] =	stream.indirect.scatter.add.f32 [tilespmem:s12], [sflag:$0x4], $0x40, s19, s11, $0xb8;
	[tilespmem:$0x1DF98] =	vst v63  }
0x19e: {  	_ =	swait.ge [sflag:s26], $0x2000  }
0x19f: {  	[sflag:s26] =	ssyncset.done $0x0  }
0x1a0: {  	s9 =	sadd.s32 $0x13C98, s14;
	[sflag:s26] =	ssyncadd.s32 $0xFFFFE000  }
0x1a1: {  	[tilespmem:s12], [sflag:$0x2] =	stream.indirect.gather [spmem:s25], $0x40, s9, s11, $0xb8;
	[tilespmem:$0x1DF98] =	vst v63  }
0x1a2: {  	_ =	swait.ge [sflag:s28], $0x2000  }
0x1a3: {  	[sflag:s28] =	ssyncset.done $0x0  }
0x1a4: {  	s13 =	sadd.s32 $0x14C18, s14;
	[sflag:s28] =	ssyncadd.s32 $0xFFFFE000  }
0x1a5: {  	[spmem:s29] =	stream.indirect.scatter.add.f32 [tilespmem:s8], [sflag:$0x3], $0x40, s13, s11, $0xb8;
	[tilespmem:$0x1DF98] =	vst v63  }
0x1a6: {  	_ =	swait.ge [sflag:s2], $0x2000  }
0x1a7: {  	[sflag:s2] =	ssyncset.done $0x0  }
0x1a8: {  	s15 =	sadd.s32 $0x13D18, s14;
	[sflag:s2] =	ssyncadd.s32 $0xFFFFE000  }
0x1a9: {  	[tilespmem:s8], [sflag:$0x1] =	stream.indirect.gather [spmem:s25], $0x40, s15, s11, $0xb8;
	[tilespmem:$0x1DF98] =	vst v63  }
0x1aa: {  	_ =	swait.ge [sflag:s7], $0x2000  }
0x1ab: {  	[sflag:s7] =	ssyncset.done $0x0  }
0x1ac: {  	s16 =	sadd.s32 $0x14C98, s14;
	[sflag:s7] =	ssyncadd.s32 $0xFFFFE000  }
0x1ad: {  	[spmem:s29] =	stream.indirect.scatter.add.f32 [tilespmem:s12], [sflag:$0x4], $0x40, s16, s11, $0xb8;
	[tilespmem:$0x1DF98] =	vst v63  }
0x1ae: {  	_ =	swait.ge [sflag:s26], $0x2000  }
0x1af: {  	[sflag:s26] =	ssyncset.done $0x0  }
0x1b0: {  	s17 =	sadd.s32 $0x13D98, s14;
	[sflag:s26] =	ssyncadd.s32 $0xFFFFE000  }
0x1b1: {  	[tilespmem:s12], [sflag:$0x2] =	stream.indirect.gather [spmem:s25], $0x40, s17, s11, $0xb8;
	[tilespmem:$0x1DF98] =	vst v63  }
0x1b2: {  	_ =	swait.ge [sflag:s28], $0x2000  }
0x1b3: {  	[sflag:s28] =	ssyncset.done $0x0  }
0x1b4: {  	s18 =	sadd.s32 $0x14D18, s14;
	[sflag:s28] =	ssyncadd.s32 $0xFFFFE000  }
0x1b5: {  	[spmem:s29] =	stream.indirect.scatter.add.f32 [tilespmem:s8], [sflag:$0x3], $0x40, s18, s11, $0xb8;
	[tilespmem:$0x1DF98] =	vst v63  }
0x1b6: {  	_ =	swait.ge [sflag:s2], $0x2000  }
0x1b7: {  	[sflag:s2] =	ssyncset.done $0x0  }
0x1b8: {  	s19 =	sadd.s32 $0x13E18, s14;
	[sflag:s2] =	ssyncadd.s32 $0xFFFFE000  }
0x1b9: {  	[tilespmem:s8], [sflag:$0x1] =	stream.indirect.gather [spmem:s25], $0x40, s19, s11, $0xb8;
	[tilespmem:$0x1DF98] =	vst v63  }
0x1ba: {  	_ =	swait.ge [sflag:s7], $0x2000  }
0x1bb: {  	[sflag:s7] =	ssyncset.done $0x0  }
0x1bc: {  	s9 =	sadd.s32 $0x14D98, s14;
	[sflag:s7] =	ssyncadd.s32 $0xFFFFE000  }
0x1bd: {  	[spmem:s29] =	stream.indirect.scatter.add.f32 [tilespmem:s12], [sflag:$0x4], $0x40, s9, s11, $0xb8;
	[tilespmem:$0x1DF98] =	vst v63  }
0x1be: {  	s30 =	simm.s32 @!p3 $0x0;
	_ =	swait.ge [sflag:s26], $0x2000  }
0x1bf: {  	s13 =	sshra.s32 s30, $0x2;
	[sflag:s26] =	ssyncset.done $0x0  }
0x1c0: {  	s1 =	sadd.s32 $0x13E98, s13;
	[sflag:s26] =	ssyncadd.s32 $0xFFFFE000  }
0x1c1: {  	[tilespmem:s12], [sflag:$0x2] =	stream.indirect.gather [spmem:s25], $0x40, s1, s11, $0xb8;
	[tilespmem:$0x1DF98] =	vst v63  }
0x1c2: {  	_ =	swait.ge [sflag:s28], $0x2000  }
0x1c3: {  	[sflag:s28] =	ssyncset.done $0x0  }
0x1c4: {  	s15 =	sadd.s32 $0x14E18, s14;
	[sflag:s28] =	ssyncadd.s32 $0xFFFFE000  }
0x1c5: {  	[spmem:s29] =	stream.indirect.scatter.add.f32 [tilespmem:s8], [sflag:$0x3], $0x40, s15, s11, $0xb8;
	[tilespmem:$0x1DF98] =	vst v63  }
0x1c6: {  	_ =	swait.ge [sflag:s7], $0x2000  }
0x1c7: {  	[sflag:s7] =	ssyncset.done $0x0  }
0x1c8: {  	s16 =	simm.s32 $0x15A98;
	[sflag:s7] =	ssyncadd.s32 $0xFFFFE000  }
0x1c9: {  	[spmem:s29] =	stream.indirect.scatter.add.f32 [tilespmem:s12], [sflag:$0x4], $0x40, s16, s11, $0xb8;
	[tilespmem:$0x1DF98] =	vst v63  }
0x1ca: {  	_ =	swait.ge [sflag:s2], $0x2000  }
0x1cb: {  	[sflag:s2] =	ssyncset.done $0x0  }
0x1cc: {  	[sflag:s2] =	ssyncadd.s32 $0xFFFFE000  }
0x1cd: {  	_ =	swait.ge [sflag:s26], $0x2000  }
0x1ce: {  	s17 =	sld [smem:$0x7F3]  }
0x1cf: {  	[sflag:s26] =	ssyncset.done $0x0  }
0x1d0: {  	[sflag:s26] =	ssyncadd.s32 $0xFFFFE000  }
0x1d1: {  	[spmem:s31] =	stream.indirect.scatter.add.f32 [tilespmem:s5], [sflag:$0x5], $0x1, s17, s11, $0xb8;
	[tilespmem:$0x1DF98] =	vst v63  }
0x1d2: {  	_ =	swait.ge [sflag:s6], $0x80  }
0x1d3: {  	s18 =	sld [smem:$0x7F4]  }
0x1d4: {  	[sflag:s6] =	ssyncset.done $0x0  }
0x1d5: {  	[sflag:s6] =	ssyncadd.s32 $0xFFFFFF80  }
0x1d6: {  	[spmem:s31] =	stream.indirect.scatter.add.f32 [tilespmem:s5], [sflag:$0x5], $0x1, s18, s11, $0xb8;
	[tilespmem:$0x1DF98] =	vst v63  }
0x1d7: {  	_ =	swait.ge [sflag:s6], $0x80  }
0x1d8: {  	s19 =	sld [smem:$0x7F5]  }
0x1d9: {  	[sflag:s6] =	ssyncset.done $0x0  }
0x1da: {  	[sflag:s6] =	ssyncadd.s32 $0xFFFFFF80  }
0x1db: {  	[spmem:s31] =	stream.indirect.scatter.add.f32 [tilespmem:s5], [sflag:$0x5], $0x1, s19, s11, $0xb8;
	[tilespmem:$0x1DF98] =	vst v63  }
0x1dc: {  	_ =	swait.ge [sflag:s6], $0x80  }
0x1dd: {  	s9 =	sld [smem:$0x7F6]  }
0x1de: {  	[sflag:s6] =	ssyncset.done $0x0  }
0x1df: {  	[sflag:s6] =	ssyncadd.s32 $0xFFFFFF80  }
0x1e0: {  	[spmem:s31] =	stream.indirect.scatter.add.f32 [tilespmem:s5], [sflag:$0x5], $0x1, s9, s11, $0xb8;
	[tilespmem:$0x1DF98] =	vst v63  }
0x1e1: {  	_ =	swait.ge [sflag:s6], $0x80  }
0x1e2: {  	s13 =	sld [smem:$0x7F7]  }
0x1e3: {  	[sflag:s6] =	ssyncset.done $0x0  }
0x1e4: {  	[sflag:s6] =	ssyncadd.s32 $0xFFFFFF80  }
0x1e5: {  	[spmem:s31] =	stream.indirect.scatter.add.f32 [tilespmem:s5], [sflag:$0x5], $0x1, s13, s11, $0xb8;
	[tilespmem:$0x1DF98] =	vst v63  }
0x1e6: {  	_ =	swait.ge [sflag:s6], $0x80  }
0x1e7: {  	s14 =	sld [smem:$0x7F8]  }
0x1e8: {  	[sflag:s6] =	ssyncset.done $0x0  }
0x1e9: {  	[sflag:s6] =	ssyncadd.s32 $0xFFFFFF80  }
0x1ea: {  	[spmem:s31] =	stream.indirect.scatter.add.f32 [tilespmem:s5], [sflag:$0x5], $0x1, s14, s11, $0xb8;
	[tilespmem:$0x1DF98] =	vst v63  }
0x1eb: {  	_ =	swait.ge [sflag:s6], $0x80  }
0x1ec: {  	s15 =	sld [smem:$0x7F9]  }
0x1ed: {  	[sflag:s6] =	ssyncset.done $0x0  }
0x1ee: {  	[sflag:s6] =	ssyncadd.s32 $0xFFFFFF80  }
0x1ef: {  	[spmem:s31] =	stream.indirect.scatter.add.f32 [tilespmem:s5], [sflag:$0x5], $0x1, s15, s11, $0xb8;
	[tilespmem:$0x1DF98] =	vst v63  }
0x1f0: {  	_ =	swait.ge [sflag:s6], $0x80  }
0x1f1: {  	s16 =	sld [smem:$0x7FA]  }
0x1f2: {  	[sflag:s6] =	ssyncset.done $0x0  }
0x1f3: {  	[sflag:s6] =	ssyncadd.s32 $0xFFFFFF80  }
0x1f4: {  	[spmem:s31] =	stream.indirect.scatter.add.f32 [tilespmem:s5], [sflag:$0x5], $0x1, s16, s11, $0xb8;
	[tilespmem:$0x1DF98] =	vst v63  }
0x1f5: {  	_ =	swait.ge [sflag:s6], $0x80  }
0x1f6: {  	s17 =	sld [smem:$0x7FB]  }
0x1f7: {  	[sflag:s6] =	ssyncset.done $0x0  }
0x1f8: {  	[sflag:s6] =	ssyncadd.s32 $0xFFFFFF80  }
0x1f9: {  	[spmem:s31] =	stream.indirect.scatter.add.f32 [tilespmem:s5], [sflag:$0x5], $0x1, s17, s11, $0xb8;
	[tilespmem:$0x1DF98] =	vst v63  }
0x1fa: {  	_ =	swait.ge [sflag:s6], $0x80  }
0x1fb: {  	[sflag:s6] =	ssyncset.done $0x0  }
0x1fc: {  	[sflag:s6] =	ssyncadd.s32 $0xFFFFFF80  }
0x1fd: {  	[spmem:s31] =	stream.indirect.scatter.add.f32 [tilespmem:s5], [sflag:$0x5], $0x1, s20, s11, $0xb8;
	[tilespmem:$0x1DF98] =	vst v63  }
0x1fe: {  	_ =	swait.ge [sflag:s6], $0x80  }
0x1ff: {  	[sflag:s6] =	ssyncset.done $0x0  }
0x200: {  	[sflag:s6] =	ssyncadd.s32 $0xFFFFFF80  }
0x201: {  	[spmem:s31] =	stream.indirect.scatter.add.f32 [tilespmem:s5], [sflag:$0x5], $0x1, s21, s11, $0xb8;
	[tilespmem:$0x1DF98] =	vst v63  }
0x202: {  	_ =	swait.ge [sflag:s6], $0x80  }
0x203: {  	[sflag:s6] =	ssyncset.done $0x0  }
0x204: {  	[sflag:s6] =	ssyncadd.s32 $0xFFFFFF80  }
0x205: {  	[spmem:s31] =	stream.indirect.scatter.add.f32 [tilespmem:s5], [sflag:$0x5], $0x1, s22, s11, $0xb8;
	[tilespmem:$0x1DF98] =	vst v63  }
0x206: {  	_ =	swait.ge [sflag:s6], $0x80  }
0x207: {  	[sflag:s6] =	ssyncset.done $0x0  }
0x208: {  	[sflag:s6] =	ssyncadd.s32 $0xFFFFFF80  }
0x209: {  	[spmem:s31] =	stream.indirect.scatter.add.f32 [tilespmem:s5], [sflag:$0x5], $0x1, s23, s11, $0xb8;
	[tilespmem:$0x1DF98] =	vst v63  }
0x20a: {  	_ =	swait.ge [sflag:s6], $0x80  }
0x20b: {  	[sflag:s6] =	ssyncset.done $0x0  }
0x20c: {  	[sflag:s6] =	ssyncadd.s32 $0xFFFFFF80  }
0x20d: {  	[spmem:s31] =	stream.indirect.scatter.add.f32 [tilespmem:s5], [sflag:$0x5], $0x1, s24, s11, $0xb8;
	[tilespmem:$0x1DF98] =	vst v63  }
0x20e: {  	_ =	swait.ge [sflag:s6], $0x80  }
0x20f: {  	[sflag:s6] =	ssyncset.done $0x0  }
0x210: {  	[sflag:s6] =	ssyncadd.s32 $0xFFFFFF80  }
0x211: {  	[spmem:s31] =	stream.indirect.scatter.add.f32 [tilespmem:s5], [sflag:$0x5], $0x1, s3, s11, $0xb8;
	[tilespmem:$0x1DF98] =	vst v63  }
0x212: {  	_ =	swait.ge [sflag:s6], $0x80  }
0x213: {  	[sflag:s6] =	ssyncset.done $0x0  }
0x214: {  	[sflag:s6] =	ssyncadd.s32 $0xFFFFFF80  }
0x215: {  	[spmem:s31] =	stream.indirect.scatter.add.f32 [tilespmem:s5], [sflag:$0x5], $0x1, s4, s11, $0xb8;
	[tilespmem:$0x1DF98] =	vst v63  }
0x216: {  	_ =	swait.ge [sflag:s6], $0x80  }
0x217: {  	s19 =	simm.s32 $0x13B18;
	[sflag:s6] =	ssyncset.done $0x0  }
0x218: {  	s13 =	simm.s32 $0x0;
	s18 =	rddreg [dreg:$0xa];
	[sflag:s6] =	ssyncadd.s32 $0xFFFFFF80  }
0x219: {  	[tilespmem:s19], [sflag:$0x5] =	stream.linear.gather [hbm4b:s18+s13], $0x1000, $0x38;
	[tilespmem:$0x1DF98] =	vst v63  }
0x21a: {  	_ =	swait.ge [sflag:s6], $0x1000  }
0x21b: {  	[sflag:s6] =	ssyncset.done $0x0  }
0x21c: {  	s14 =	simm.s32 $0x14B18;
	s9 =	rddreg [dreg:$0xb];
	[sflag:s6] =	ssyncadd.s32 $0xFFFFF000  }
0x21d: {  	[tilespmem:s14], [sflag:$0x5] =	stream.linear.gather [hbm4b:s9+s13], $0x1000, $0x38;
	[tilespmem:$0x1DF98] =	vst v63  }
0x21e: {  	_ =	swait.ge [sflag:s6], $0x1000  }
0x21f: {  	p3 =	por $0x0, $0x0;
	[sflag:s6] =	ssyncset.done $0x0  }
0x220: {  	s1 =	simm.s32 @p3 $0x3;
	[sflag:s6] =	ssyncadd.s32 $0xFFFFF000  }
0x221: {  	_ =	swait.ge @p3 [sflag:s1], $0x2000  }
0x222: {  	s9 =	simm.s32 @p3 $0x15B18;
	[sflag:s1] =	ssyncset.done @p3 $0x0  }
0x223: {  	s14 =	simm.s32 @p3 $0x80;
	[sflag:s1] =	ssyncadd.s32 @p3 $0xFFFFE000;
	s1 =	simm.s32 @p3 $0x13B18  }
0x224: {  	[tilespmem:s9], [sflag:$0x1] =	stream.indirect.gather @p3 [spmem:s25], $0x40, s1, s14, $0xb8;
	[tilespmem:$0x1DF98] =	vst v63  }
0x225: {  	s1 =	simm.s32 @p3 $0x2  }
0x226: {  	_ =	swait.ge @p3 [sflag:s1], $0x2000  }
0x227: {  	[sflag:s1] =	ssyncset.done @p3 $0x0  }
0x228: {  	s9 =	simm.s32 @p3 $0x14A98;
	[sflag:s1] =	ssyncadd.s32 @p3 $0xFFFFE000;
	s1 =	simm.s32 @p3 $0x19B18  }
0x229: {  	[spmem:s29] =	stream.indirect.scatter.add.f32 @p3 [tilespmem:s1], [sflag:$0x4], $0x40, s9, s14, $0xb8;
	[tilespmem:$0x1DF98] =	vst v63  }
0x22a: {  	s1 =	simm.s32 @p3 $0x4  }
0x22b: {  	_ =	swait.ge @p3 [sflag:s1], $0x2000  }
0x22c: {  	s13 =	simm.s32 @!p3 $0x0;
	s9 =	simm.s32 @!p3 $0x15B18;
	[sflag:s1] =	ssyncset.done @p3 $0x0  }
0x22d: {  	s14 =	simm.s32 @!p3 $0x13B18;
	[sflag:s1] =	ssyncadd.s32 @p3 $0xFFFFE000;
	s1 =	simm.s32 @!p3 $0x80  }
0x22e: {  	[tilespmem:s9], [sflag:$0x1] =	stream.indirect.gather @!p3 [spmem:s25], $0x40, s14, s1, $0xb8;
	[tilespmem:$0x1DF98] =	vst v63  }
0x22f: {  	s15 =	sadd.s32 $0x13B98, s13  }
0x230: {  	[tilespmem:s12], [sflag:$0x2] =	stream.indirect.gather [spmem:s25], $0x40, s15, s11, $0xb8;
	[tilespmem:$0x1DF98] =	vst v63  }
0x231: {  	_ =	swait.ge [sflag:s28], $0x2000  }
0x232: {  	[sflag:s28] =	ssyncset.done $0x0  }
0x233: {  	s16 =	sadd.s32 $0x14B18, s13;
	[sflag:s28] =	ssyncadd.s32 $0xFFFFE000  }
0x234: {  	[spmem:s29] =	stream.indirect.scatter.add.f32 [tilespmem:s8], [sflag:$0x3], $0x40, s16, s11, $0xb8;
	[tilespmem:$0x1DF98] =	vst v63  }
0x235: {  	_ =	swait.ge [sflag:s2], $0x2000  }
0x236: {  	[sflag:s2] =	ssyncset.done $0x0  }
0x237: {  	s17 =	sadd.s32 $0x13C18, s13;
	[sflag:s2] =	ssyncadd.s32 $0xFFFFE000  }
0x238: {  	[tilespmem:s8], [sflag:$0x1] =	stream.indirect.gather [spmem:s25], $0x40, s17, s11, $0xb8;
	[tilespmem:$0x1DF98] =	vst v63  }
0x239: {  	_ =	swait.ge [sflag:s7], $0x2000  }
0x23a: {  	[sflag:s7] =	ssyncset.done $0x0  }
0x23b: {  	s18 =	sadd.s32 $0x14B98, s13;
	[sflag:s7] =	ssyncadd.s32 $0xFFFFE000  }
0x23c: {  	[spmem:s29] =	stream.indirect.scatter.add.f32 [tilespmem:s12], [sflag:$0x4], $0x40, s18, s11, $0xb8;
	[tilespmem:$0x1DF98] =	vst v63  }
0x23d: {  	_ =	swait.ge [sflag:s26], $0x2000  }
0x23e: {  	[sflag:s26] =	ssyncset.done $0x0  }
0x23f: {  	s19 =	sadd.s32 $0x13C98, s13;
	[sflag:s26] =	ssyncadd.s32 $0xFFFFE000  }
0x240: {  	[tilespmem:s12], [sflag:$0x2] =	stream.indirect.gather [spmem:s25], $0x40, s19, s11, $0xb8;
	[tilespmem:$0x1DF98] =	vst v63  }
0x241: {  	_ =	swait.ge [sflag:s28], $0x2000  }
0x242: {  	[sflag:s28] =	ssyncset.done $0x0  }
0x243: {  	s9 =	sadd.s32 $0x14C18, s13;
	[sflag:s28] =	ssyncadd.s32 $0xFFFFE000  }
0x244: {  	[spmem:s29] =	stream.indirect.scatter.add.f32 [tilespmem:s8], [sflag:$0x3], $0x40, s9, s11, $0xb8;
	[tilespmem:$0x1DF98] =	vst v63  }
0x245: {  	_ =	swait.ge [sflag:s2], $0x2000  }
0x246: {  	[sflag:s2] =	ssyncset.done $0x0  }
0x247: {  	s14 =	sadd.s32 $0x13D18, s13;
	[sflag:s2] =	ssyncadd.s32 $0xFFFFE000  }
0x248: {  	[tilespmem:s8], [sflag:$0x1] =	stream.indirect.gather [spmem:s25], $0x40, s14, s11, $0xb8;
	[tilespmem:$0x1DF98] =	vst v63  }
0x249: {  	_ =	swait.ge [sflag:s7], $0x2000  }
0x24a: {  	[sflag:s7] =	ssyncset.done $0x0  }
0x24b: {  	s15 =	sadd.s32 $0x14C98, s13;
	[sflag:s7] =	ssyncadd.s32 $0xFFFFE000  }
0x24c: {  	[spmem:s29] =	stream.indirect.scatter.add.f32 [tilespmem:s12], [sflag:$0x4], $0x40, s15, s11, $0xb8;
	[tilespmem:$0x1DF98] =	vst v63  }
0x24d: {  	_ =	swait.ge [sflag:s26], $0x2000  }
0x24e: {  	[sflag:s26] =	ssyncset.done $0x0  }
0x24f: {  	s16 =	sadd.s32 $0x13D98, s13;
	[sflag:s26] =	ssyncadd.s32 $0xFFFFE000  }
0x250: {  	[tilespmem:s12], [sflag:$0x2] =	stream.indirect.gather [spmem:s25], $0x40, s16, s11, $0xb8;
	[tilespmem:$0x1DF98] =	vst v63  }
0x251: {  	_ =	swait.ge [sflag:s28], $0x2000  }
0x252: {  	[sflag:s28] =	ssyncset.done $0x0  }
0x253: {  	s17 =	sadd.s32 $0x14D18, s13;
	[sflag:s28] =	ssyncadd.s32 $0xFFFFE000  }
0x254: {  	[spmem:s29] =	stream.indirect.scatter.add.f32 [tilespmem:s8], [sflag:$0x3], $0x40, s17, s11, $0xb8;
	[tilespmem:$0x1DF98] =	vst v63  }
0x255: {  	_ =	swait.ge [sflag:s2], $0x2000  }
0x256: {  	[sflag:s2] =	ssyncset.done $0x0  }
0x257: {  	s18 =	sadd.s32 $0x13E18, s13;
	[sflag:s2] =	ssyncadd.s32 $0xFFFFE000  }
0x258: {  	[tilespmem:s8], [sflag:$0x1] =	stream.indirect.gather [spmem:s25], $0x40, s18, s11, $0xb8;
	[tilespmem:$0x1DF98] =	vst v63  }
0x259: {  	_ =	swait.ge [sflag:s7], $0x2000  }
0x25a: {  	[sflag:s7] =	ssyncset.done $0x0  }
0x25b: {  	s1 =	simm.s32 $0x0;
	s19 =	sadd.s32 $0x14D98, s13;
	[sflag:s7] =	ssyncadd.s32 $0xFFFFE000  }
0x25c: {  	[spmem:s29] =	stream.indirect.scatter.add.f32 [tilespmem:s12], [sflag:$0x4], $0x40, s19, s11, $0xb8;
	[tilespmem:$0x1DF98] =	vst v63  }
0x25d: {  	s1 =	simm.s32 @!p3 $0x0;
	_ =	swait.ge [sflag:s26], $0x2000  }
0x25e: {  	s1 =	sshra.s32 s1, $0x2;
	[sflag:s26] =	ssyncset.done $0x0  }
0x25f: {  	s30 =	simm.s32 $0x1000;
	s1 =	sadd.s32 $0x13E98, s1;
	[sflag:s26] =	ssyncadd.s32 $0xFFFFE000  }
0x260: {  	[tilespmem:s12], [sflag:$0x2] =	stream.indirect.gather [spmem:s25], $0x40, s1, s11, $0xb8;
	[tilespmem:$0x1DF98] =	vst v63  }
0x261: {  	p3 =	por $0x1, $0x1;
	s13 =	sadd.s32 $0x14E18, s13;
	_ =	swait.ge [sflag:s28], $0x2000  }
0x262: {  	s9 =	simm.s32 $0x400;
	s1 =	simm.s32 $0x800;
	[sflag:s28] =	ssyncset.done $0x0  }
.LBB2_7:
0x263: {  	s14 =	simm.s32 @p3 $0x3;
	s15 =	smov.u32 s30  }
0x264: {  	[sflag:s28] =	ssyncadd.s32 $0xFFFFE000;
	s16 =	smov.u32 s1;
	s15 =	simm.s32 @!p3 $0x0  }
0x265: {  	[spmem:s29] =	stream.indirect.scatter.add.f32 [tilespmem:s8], [sflag:$0x3], $0x40, s13, s11, $0xb8;
	[tilespmem:$0x1DF98] =	vst v63  }
0x266: {  	s17 =	simm.s32 @p3 $0x2;
	s13 =	sshra.s32 s15, $0x2;
	_ =	swait.ge @p3 [sflag:s14], $0x2000  }
0x267: {  	s18 =	simm.s32 @p3 $0x15B18;
	s15 =	sshra.s32 @p3 s30, $0x2;
	[sflag:s14] =	ssyncset.done @p3 $0x0  }
0x268: {  	s19 =	simm.s32 @p3 $0x80;
	[sflag:s14] =	ssyncadd.s32 @p3 $0xFFFFE000;
	s14 =	sadd.s32 @p3 $0x13B18, s15  }
0x269: {  	[tilespmem:s18], [sflag:$0x1] =	stream.indirect.gather @p3 [spmem:s25], $0x40, s14, s19, $0xb8;
	[tilespmem:$0x1DF98] =	vst v63  }
0x26a: {  	s1 =	sadd.s32 $0x400, s1;
	s14 =	sadd.s32 @p3 $0x14A98, s15;
	_ =	swait.ge @p3 [sflag:s17], $0x2000  }
0x26b: {  	p4 =	sne.s32 s1, $0x1000;
	[sflag:s17] =	ssyncset.done @p3 $0x0  }
0x26c: {  	s15 =	simm.s32 @p3 $0x19B18;
	[sflag:s17] =	ssyncadd.s32 @p3 $0xFFFFE000;
	s17 =	simm.s32 @p3 $0x4  }
0x26d: {  	[spmem:s29] =	stream.indirect.scatter.add.f32 @p3 [tilespmem:s15], [sflag:$0x4], $0x40, s14, s19, $0xb8;
	[tilespmem:$0x1DF98] =	vst v63  }
0x26e: {  	s14 =	smov.u32 s9;
	_ =	swait.ge @p3 [sflag:s17], $0x2000  }
0x26f: {  	s15 =	simm.s32 @!p3 $0x15B18;
	s14 =	simm.s32 @!p3 $0x0;
	[sflag:s17] =	ssyncset.done @p3 $0x0  }
0x270: {  	s9 =	simm.s32 @!p3 $0x80;
	[sflag:s17] =	ssyncadd.s32 @p3 $0xFFFFE000;
	s17 =	simm.s32 @!p3 $0x13B18  }
0x271: {  	[tilespmem:s15], [sflag:$0x1] =	stream.indirect.gather @!p3 [spmem:s25], $0x40, s17, s9, $0xb8;
	[tilespmem:$0x1DF98] =	vst v63  }
0x272: {  	s15 =	sadd.s32 $0x13B98, s14;
	s9 =	smov.u32 s16  }
0x273: {  	[tilespmem:s12], [sflag:$0x2] =	stream.indirect.gather [spmem:s25], $0x40, s15, s11, $0xb8;
	[tilespmem:$0x1DF98] =	vst v63  }
0x274: {  	_ =	swait.ge [sflag:s28], $0x2000  }
0x275: {  	[sflag:s28] =	ssyncset.done $0x0  }
0x276: {  	s15 =	sadd.s32 $0x14B18, s14;
	[sflag:s28] =	ssyncadd.s32 $0xFFFFE000  }
0x277: {  	[spmem:s29] =	stream.indirect.scatter.add.f32 [tilespmem:s8], [sflag:$0x3], $0x40, s15, s11, $0xb8;
	[tilespmem:$0x1DF98] =	vst v63  }
0x278: {  	_ =	swait.ge [sflag:s2], $0x2000  }
0x279: {  	[sflag:s2] =	ssyncset.done $0x0  }
0x27a: {  	s15 =	sadd.s32 $0x13C18, s14;
	[sflag:s2] =	ssyncadd.s32 $0xFFFFE000  }
0x27b: {  	[tilespmem:s8], [sflag:$0x1] =	stream.indirect.gather [spmem:s25], $0x40, s15, s11, $0xb8;
	[tilespmem:$0x1DF98] =	vst v63  }
0x27c: {  	_ =	swait.ge [sflag:s7], $0x2000  }
0x27d: {  	[sflag:s7] =	ssyncset.done $0x0  }
0x27e: {  	s15 =	sadd.s32 $0x14B98, s14;
	[sflag:s7] =	ssyncadd.s32 $0xFFFFE000  }
0x27f: {  	[spmem:s29] =	stream.indirect.scatter.add.f32 [tilespmem:s12], [sflag:$0x4], $0x40, s15, s11, $0xb8;
	[tilespmem:$0x1DF98] =	vst v63  }
0x280: {  	_ =	swait.ge [sflag:s26], $0x2000  }
0x281: {  	[sflag:s26] =	ssyncset.done $0x0  }
0x282: {  	s15 =	sadd.s32 $0x13C98, s14;
	[sflag:s26] =	ssyncadd.s32 $0xFFFFE000  }
0x283: {  	[tilespmem:s12], [sflag:$0x2] =	stream.indirect.gather [spmem:s25], $0x40, s15, s11, $0xb8;
	[tilespmem:$0x1DF98] =	vst v63  }
0x284: {  	_ =	swait.ge [sflag:s28], $0x2000  }
0x285: {  	[sflag:s28] =	ssyncset.done $0x0  }
0x286: {  	s15 =	sadd.s32 $0x14C18, s14;
	[sflag:s28] =	ssyncadd.s32 $0xFFFFE000  }
0x287: {  	[spmem:s29] =	stream.indirect.scatter.add.f32 [tilespmem:s8], [sflag:$0x3], $0x40, s15, s11, $0xb8;
	[tilespmem:$0x1DF98] =	vst v63  }
0x288: {  	_ =	swait.ge [sflag:s2], $0x2000  }
0x289: {  	[sflag:s2] =	ssyncset.done $0x0  }
0x28a: {  	s15 =	sadd.s32 $0x13D18, s14;
	[sflag:s2] =	ssyncadd.s32 $0xFFFFE000  }
0x28b: {  	[tilespmem:s8], [sflag:$0x1] =	stream.indirect.gather [spmem:s25], $0x40, s15, s11, $0xb8;
	[tilespmem:$0x1DF98] =	vst v63  }
0x28c: {  	_ =	swait.ge [sflag:s7], $0x2000  }
0x28d: {  	[sflag:s7] =	ssyncset.done $0x0  }
0x28e: {  	s15 =	sadd.s32 $0x14C98, s14;
	[sflag:s7] =	ssyncadd.s32 $0xFFFFE000  }
0x28f: {  	[spmem:s29] =	stream.indirect.scatter.add.f32 [tilespmem:s12], [sflag:$0x4], $0x40, s15, s11, $0xb8;
	[tilespmem:$0x1DF98] =	vst v63  }
0x290: {  	_ =	swait.ge [sflag:s26], $0x2000  }
0x291: {  	[sflag:s26] =	ssyncset.done $0x0  }
0x292: {  	s15 =	sadd.s32 $0x13D98, s14;
	[sflag:s26] =	ssyncadd.s32 $0xFFFFE000  }
0x293: {  	[tilespmem:s12], [sflag:$0x2] =	stream.indirect.gather [spmem:s25], $0x40, s15, s11, $0xb8;
	[tilespmem:$0x1DF98] =	vst v63  }
0x294: {  	_ =	swait.ge [sflag:s28], $0x2000  }
0x295: {  	[sflag:s28] =	ssyncset.done $0x0  }
0x296: {  	s15 =	sadd.s32 $0x14D18, s14;
	[sflag:s28] =	ssyncadd.s32 $0xFFFFE000  }
0x297: {  	[spmem:s29] =	stream.indirect.scatter.add.f32 [tilespmem:s8], [sflag:$0x3], $0x40, s15, s11, $0xb8;
	[tilespmem:$0x1DF98] =	vst v63  }
0x298: {  	_ =	swait.ge [sflag:s2], $0x2000  }
0x299: {  	[sflag:s2] =	ssyncset.done $0x0  }
0x29a: {  	s15 =	sadd.s32 $0x13E18, s14;
	[sflag:s2] =	ssyncadd.s32 $0xFFFFE000  }
0x29b: {  	[tilespmem:s8], [sflag:$0x1] =	stream.indirect.gather [spmem:s25], $0x40, s15, s11, $0xb8;
	[tilespmem:$0x1DF98] =	vst v63  }
0x29c: {  	_ =	swait.ge [sflag:s7], $0x2000  }
0x29d: {  	[sflag:s7] =	ssyncset.done $0x0  }
0x29e: {  	s15 =	sadd.s32 $0x14D98, s14;
	[sflag:s7] =	ssyncadd.s32 $0xFFFFE000  }
0x29f: {  	[spmem:s29] =	stream.indirect.scatter.add.f32 [tilespmem:s12], [sflag:$0x4], $0x40, s15, s11, $0xb8;
	[tilespmem:$0x1DF98] =	vst v63  }
0x2a0: {  	_ =	swait.ge [sflag:s26], $0x2000  }
.Ltmp5:
0x2a1: {  	[sflag:s26] =	ssyncset.done $0x0;
	(pc) =	sbr.rel @p4 .LBB2_7-.Ltmp5, $4  }
0x2a2: {  	s13 =	sadd.s32 $0x13E98, s13;
	[sflag:s26] =	ssyncadd.s32 $0xFFFFE000  }
0x2a3: {  	[tilespmem:s12], [sflag:$0x2] =	stream.indirect.gather [spmem:s25], $0x40, s13, s11, $0xb8;
	[tilespmem:$0x1DF98] =	vst v63  }
0x2a4: {  	s30 =	sadd.s32 $0x1000, s30;
	_ =	swait.ge [sflag:s28], $0x2000  }
0x2a5: {  	p3 =	sne.s32 s9, $0x0;
	s13 =	sadd.s32 $0x14E18, s14;
	[sflag:s28] =	ssyncset.done $0x0  }
0x2a6: {  	s1 =	simm.s32 @p3 $0x3;
	[sflag:s28] =	ssyncadd.s32 $0xFFFFE000  }
0x2a7: {  	[spmem:s29] =	stream.indirect.scatter.add.f32 [tilespmem:s8], [sflag:$0x3], $0x40, s13, s11, $0xb8;
	[tilespmem:$0x1DF98] =	vst v63  }
0x2a8: {  	_ =	swait.ge @p3 [sflag:s1], $0x2000  }
0x2a9: {  	s14 =	simm.s32 @p3 $0x15B18;
	s13 =	sshra.s32 @p3 s30, $0x2;
	[sflag:s1] =	ssyncset.done @p3 $0x0  }
0x2aa: {  	s15 =	simm.s32 @p3 $0x80;
	[sflag:s1] =	ssyncadd.s32 @p3 $0xFFFFE000;
	s1 =	sadd.s32 @p3 $0x13B18, s13  }
0x2ab: {  	[tilespmem:s14], [sflag:$0x1] =	stream.indirect.gather @p3 [spmem:s25], $0x40, s1, s15, $0xb8;
	[tilespmem:$0x1DF98] =	vst v63  }
0x2ac: {  	s1 =	simm.s32 @p3 $0x2  }
0x2ad: {  	_ =	swait.ge @p3 [sflag:s1], $0x2000  }
0x2ae: {  	[sflag:s1] =	ssyncset.done @p3 $0x0  }
0x2af: {  	s13 =	sadd.s32 @p3 $0x14A98, s13;
	[sflag:s1] =	ssyncadd.s32 @p3 $0xFFFFE000;
	s1 =	simm.s32 @p3 $0x19B18  }
0x2b0: {  	[spmem:s29] =	stream.indirect.scatter.add.f32 @p3 [tilespmem:s1], [sflag:$0x4], $0x40, s13, s15, $0xb8;
	[tilespmem:$0x1DF98] =	vst v63  }
0x2b1: {  	s1 =	simm.s32 @p3 $0x4  }
0x2b2: {  	_ =	swait.ge @p3 [sflag:s1], $0x2000  }
0x2b3: {  	s9 =	simm.s32 @!p3 $0x0;
	s14 =	simm.s32 @!p3 $0x13B18;
	[sflag:s1] =	ssyncset.done @p3 $0x0  }
0x2b4: {  	s13 =	simm.s32 @!p3 $0x15B18;
	[sflag:s1] =	ssyncadd.s32 @p3 $0xFFFFE000;
	s1 =	simm.s32 @!p3 $0x80  }
0x2b5: {  	[tilespmem:s13], [sflag:$0x1] =	stream.indirect.gather @!p3 [spmem:s25], $0x40, s14, s1, $0xb8;
	[tilespmem:$0x1DF98] =	vst v63  }
0x2b6: {  	s16 =	sadd.s32 $0x13B98, s9  }
0x2b7: {  	[tilespmem:s12], [sflag:$0x2] =	stream.indirect.gather [spmem:s25], $0x40, s16, s11, $0xb8;
	[tilespmem:$0x1DF98] =	vst v63  }
0x2b8: {  	_ =	swait.ge [sflag:s28], $0x2000  }
0x2b9: {  	[sflag:s28] =	ssyncset.done $0x0  }
0x2ba: {  	s17 =	sadd.s32 $0x14B18, s9;
	[sflag:s28] =	ssyncadd.s32 $0xFFFFE000  }
0x2bb: {  	[spmem:s29] =	stream.indirect.scatter.add.f32 [tilespmem:s8], [sflag:$0x3], $0x40, s17, s11, $0xb8;
	[tilespmem:$0x1DF98] =	vst v63  }
0x2bc: {  	_ =	swait.ge [sflag:s2], $0x2000  }
0x2bd: {  	[sflag:s2] =	ssyncset.done $0x0  }
0x2be: {  	s18 =	sadd.s32 $0x13C18, s9;
	[sflag:s2] =	ssyncadd.s32 $0xFFFFE000  }
0x2bf: {  	[tilespmem:s8], [sflag:$0x1] =	stream.indirect.gather [spmem:s25], $0x40, s18, s11, $0xb8;
	[tilespmem:$0x1DF98] =	vst v63  }
0x2c0: {  	_ =	swait.ge [sflag:s7], $0x2000  }
0x2c1: {  	[sflag:s7] =	ssyncset.done $0x0  }
0x2c2: {  	s19 =	sadd.s32 $0x14B98, s9;
	[sflag:s7] =	ssyncadd.s32 $0xFFFFE000  }
0x2c3: {  	[spmem:s29] =	stream.indirect.scatter.add.f32 [tilespmem:s12], [sflag:$0x4], $0x40, s19, s11, $0xb8;
	[tilespmem:$0x1DF98] =	vst v63  }
0x2c4: {  	_ =	swait.ge [sflag:s26], $0x2000  }
0x2c5: {  	[sflag:s26] =	ssyncset.done $0x0  }
0x2c6: {  	s13 =	sadd.s32 $0x13C98, s9;
	[sflag:s26] =	ssyncadd.s32 $0xFFFFE000  }
0x2c7: {  	[tilespmem:s12], [sflag:$0x2] =	stream.indirect.gather [spmem:s25], $0x40, s13, s11, $0xb8;
	[tilespmem:$0x1DF98] =	vst v63  }
0x2c8: {  	_ =	swait.ge [sflag:s28], $0x2000  }
0x2c9: {  	[sflag:s28] =	ssyncset.done $0x0  }
0x2ca: {  	s14 =	sadd.s32 $0x14C18, s9;
	[sflag:s28] =	ssyncadd.s32 $0xFFFFE000  }
0x2cb: {  	[spmem:s29] =	stream.indirect.scatter.add.f32 [tilespmem:s8], [sflag:$0x3], $0x40, s14, s11, $0xb8;
	[tilespmem:$0x1DF98] =	vst v63  }
0x2cc: {  	_ =	swait.ge [sflag:s2], $0x2000  }
0x2cd: {  	[sflag:s2] =	ssyncset.done $0x0  }
0x2ce: {  	s15 =	sadd.s32 $0x13D18, s9;
	[sflag:s2] =	ssyncadd.s32 $0xFFFFE000  }
0x2cf: {  	[tilespmem:s8], [sflag:$0x1] =	stream.indirect.gather [spmem:s25], $0x40, s15, s11, $0xb8;
	[tilespmem:$0x1DF98] =	vst v63  }
0x2d0: {  	_ =	swait.ge [sflag:s7], $0x2000  }
0x2d1: {  	[sflag:s7] =	ssyncset.done $0x0  }
0x2d2: {  	s16 =	sadd.s32 $0x14C98, s9;
	[sflag:s7] =	ssyncadd.s32 $0xFFFFE000  }
0x2d3: {  	[spmem:s29] =	stream.indirect.scatter.add.f32 [tilespmem:s12], [sflag:$0x4], $0x40, s16, s11, $0xb8;
	[tilespmem:$0x1DF98] =	vst v63  }
0x2d4: {  	_ =	swait.ge [sflag:s26], $0x2000  }
0x2d5: {  	[sflag:s26] =	ssyncset.done $0x0  }
0x2d6: {  	s17 =	sadd.s32 $0x13D98, s9;
	[sflag:s26] =	ssyncadd.s32 $0xFFFFE000  }
0x2d7: {  	[tilespmem:s12], [sflag:$0x2] =	stream.indirect.gather [spmem:s25], $0x40, s17, s11, $0xb8;
	[tilespmem:$0x1DF98] =	vst v63  }
0x2d8: {  	_ =	swait.ge [sflag:s28], $0x2000  }
0x2d9: {  	[sflag:s28] =	ssyncset.done $0x0  }
0x2da: {  	s18 =	sadd.s32 $0x14D18, s9;
	[sflag:s28] =	ssyncadd.s32 $0xFFFFE000  }
0x2db: {  	[spmem:s29] =	stream.indirect.scatter.add.f32 [tilespmem:s8], [sflag:$0x3], $0x40, s18, s11, $0xb8;
	[tilespmem:$0x1DF98] =	vst v63  }
0x2dc: {  	_ =	swait.ge [sflag:s2], $0x2000  }
0x2dd: {  	[sflag:s2] =	ssyncset.done $0x0  }
0x2de: {  	s19 =	sadd.s32 $0x13E18, s9;
	[sflag:s2] =	ssyncadd.s32 $0xFFFFE000  }
0x2df: {  	[tilespmem:s8], [sflag:$0x1] =	stream.indirect.gather [spmem:s25], $0x40, s19, s11, $0xb8;
	[tilespmem:$0x1DF98] =	vst v63  }
0x2e0: {  	_ =	swait.ge [sflag:s7], $0x2000  }
0x2e1: {  	[sflag:s7] =	ssyncset.done $0x0  }
0x2e2: {  	s13 =	sadd.s32 $0x14D98, s9;
	[sflag:s7] =	ssyncadd.s32 $0xFFFFE000  }
0x2e3: {  	[spmem:s29] =	stream.indirect.scatter.add.f32 [tilespmem:s12], [sflag:$0x4], $0x40, s13, s11, $0xb8;
	[tilespmem:$0x1DF98] =	vst v63  }
0x2e4: {  	s30 =	simm.s32 @!p3 $0x0;
	_ =	swait.ge [sflag:s26], $0x2000  }
0x2e5: {  	s14 =	sshra.s32 s30, $0x2;
	[sflag:s26] =	ssyncset.done $0x0  }
0x2e6: {  	s1 =	sadd.s32 $0x13E98, s14;
	[sflag:s26] =	ssyncadd.s32 $0xFFFFE000  }
0x2e7: {  	[tilespmem:s12], [sflag:$0x2] =	stream.indirect.gather [spmem:s25], $0x40, s1, s11, $0xb8;
	[tilespmem:$0x1DF98] =	vst v63  }
0x2e8: {  	_ =	swait.ge [sflag:s28], $0x2000  }
0x2e9: {  	[sflag:s28] =	ssyncset.done $0x0  }
0x2ea: {  	s15 =	sadd.s32 $0x14E18, s9;
	[sflag:s28] =	ssyncadd.s32 $0xFFFFE000  }
0x2eb: {  	[spmem:s29] =	stream.indirect.scatter.add.f32 [tilespmem:s8], [sflag:$0x3], $0x40, s15, s11, $0xb8;
	[tilespmem:$0x1DF98] =	vst v63  }
0x2ec: {  	_ =	swait.ge [sflag:s7], $0x2000  }
0x2ed: {  	[sflag:s7] =	ssyncset.done $0x0  }
0x2ee: {  	s16 =	simm.s32 $0x15A98;
	[sflag:s7] =	ssyncadd.s32 $0xFFFFE000  }
0x2ef: {  	[spmem:s29] =	stream.indirect.scatter.add.f32 [tilespmem:s12], [sflag:$0x4], $0x40, s16, s11, $0xb8;
	[tilespmem:$0x1DF98] =	vst v63  }
0x2f0: {  	_ =	swait.ge [sflag:s2], $0x2000  }
0x2f1: {  	[sflag:s2] =	ssyncset.done $0x0  }
0x2f2: {  	[sflag:s2] =	ssyncadd.s32 $0xFFFFE000  }
0x2f3: {  	_ =	swait.ge [sflag:s26], $0x2000  }
0x2f4: {  	s17 =	sld [smem:$0x7F3]  }
0x2f5: {  	[sflag:s26] =	ssyncset.done $0x0  }
0x2f6: {  	[sflag:s26] =	ssyncadd.s32 $0xFFFFE000  }
0x2f7: {  	[spmem:s31] =	stream.indirect.scatter.add.f32 [tilespmem:s5], [sflag:$0x5], $0x1, s17, s11, $0xb8;
	[tilespmem:$0x1DF98] =	vst v63  }
0x2f8: {  	_ =	swait.ge [sflag:s6], $0x80  }
0x2f9: {  	s18 =	sld [smem:$0x7F4]  }
0x2fa: {  	[sflag:s6] =	ssyncset.done $0x0  }
0x2fb: {  	[sflag:s6] =	ssyncadd.s32 $0xFFFFFF80  }
0x2fc: {  	[spmem:s31] =	stream.indirect.scatter.add.f32 [tilespmem:s5], [sflag:$0x5], $0x1, s18, s11, $0xb8;
	[tilespmem:$0x1DF98] =	vst v63  }
0x2fd: {  	_ =	swait.ge [sflag:s6], $0x80  }
0x2fe: {  	s19 =	sld [smem:$0x7F5]  }
0x2ff: {  	[sflag:s6] =	ssyncset.done $0x0  }
0x300: {  	[sflag:s6] =	ssyncadd.s32 $0xFFFFFF80  }
0x301: {  	[spmem:s31] =	stream.indirect.scatter.add.f32 [tilespmem:s5], [sflag:$0x5], $0x1, s19, s11, $0xb8;
	[tilespmem:$0x1DF98] =	vst v63  }
0x302: {  	_ =	swait.ge [sflag:s6], $0x80  }
0x303: {  	s9 =	sld [smem:$0x7F6]  }
0x304: {  	[sflag:s6] =	ssyncset.done $0x0  }
0x305: {  	[sflag:s6] =	ssyncadd.s32 $0xFFFFFF80  }
0x306: {  	[spmem:s31] =	stream.indirect.scatter.add.f32 [tilespmem:s5], [sflag:$0x5], $0x1, s9, s11, $0xb8;
	[tilespmem:$0x1DF98] =	vst v63  }
0x307: {  	_ =	swait.ge [sflag:s6], $0x80  }
0x308: {  	s13 =	sld [smem:$0x7F7]  }
0x309: {  	[sflag:s6] =	ssyncset.done $0x0  }
0x30a: {  	[sflag:s6] =	ssyncadd.s32 $0xFFFFFF80  }
0x30b: {  	[spmem:s31] =	stream.indirect.scatter.add.f32 [tilespmem:s5], [sflag:$0x5], $0x1, s13, s11, $0xb8;
	[tilespmem:$0x1DF98] =	vst v63  }
0x30c: {  	_ =	swait.ge [sflag:s6], $0x80  }
0x30d: {  	s14 =	sld [smem:$0x7F8]  }
0x30e: {  	[sflag:s6] =	ssyncset.done $0x0  }
0x30f: {  	[sflag:s6] =	ssyncadd.s32 $0xFFFFFF80  }
0x310: {  	[spmem:s31] =	stream.indirect.scatter.add.f32 [tilespmem:s5], [sflag:$0x5], $0x1, s14, s11, $0xb8;
	[tilespmem:$0x1DF98] =	vst v63  }
0x311: {  	_ =	swait.ge [sflag:s6], $0x80  }
0x312: {  	s15 =	sld [smem:$0x7F9]  }
0x313: {  	[sflag:s6] =	ssyncset.done $0x0  }
0x314: {  	[sflag:s6] =	ssyncadd.s32 $0xFFFFFF80  }
0x315: {  	[spmem:s31] =	stream.indirect.scatter.add.f32 [tilespmem:s5], [sflag:$0x5], $0x1, s15, s11, $0xb8;
	[tilespmem:$0x1DF98] =	vst v63  }
0x316: {  	_ =	swait.ge [sflag:s6], $0x80  }
0x317: {  	s16 =	sld [smem:$0x7FA]  }
0x318: {  	[sflag:s6] =	ssyncset.done $0x0  }
0x319: {  	[sflag:s6] =	ssyncadd.s32 $0xFFFFFF80  }
0x31a: {  	[spmem:s31] =	stream.indirect.scatter.add.f32 [tilespmem:s5], [sflag:$0x5], $0x1, s16, s11, $0xb8;
	[tilespmem:$0x1DF98] =	vst v63  }
0x31b: {  	_ =	swait.ge [sflag:s6], $0x80  }
0x31c: {  	s17 =	sld [smem:$0x7FB]  }
0x31d: {  	[sflag:s6] =	ssyncset.done $0x0  }
0x31e: {  	[sflag:s6] =	ssyncadd.s32 $0xFFFFFF80  }
0x31f: {  	[spmem:s31] =	stream.indirect.scatter.add.f32 [tilespmem:s5], [sflag:$0x5], $0x1, s17, s11, $0xb8;
	[tilespmem:$0x1DF98] =	vst v63  }
0x320: {  	_ =	swait.ge [sflag:s6], $0x80  }
0x321: {  	[sflag:s6] =	ssyncset.done $0x0  }
0x322: {  	[sflag:s6] =	ssyncadd.s32 $0xFFFFFF80  }
0x323: {  	[spmem:s31] =	stream.indirect.scatter.add.f32 [tilespmem:s5], [sflag:$0x5], $0x1, s20, s11, $0xb8;
	[tilespmem:$0x1DF98] =	vst v63  }
0x324: {  	_ =	swait.ge [sflag:s6], $0x80  }
0x325: {  	[sflag:s6] =	ssyncset.done $0x0  }
0x326: {  	[sflag:s6] =	ssyncadd.s32 $0xFFFFFF80  }
0x327: {  	[spmem:s31] =	stream.indirect.scatter.add.f32 [tilespmem:s5], [sflag:$0x5], $0x1, s21, s11, $0xb8;
	[tilespmem:$0x1DF98] =	vst v63  }
0x328: {  	_ =	swait.ge [sflag:s6], $0x80  }
0x329: {  	[sflag:s6] =	ssyncset.done $0x0  }
0x32a: {  	[sflag:s6] =	ssyncadd.s32 $0xFFFFFF80  }
0x32b: {  	[spmem:s31] =	stream.indirect.scatter.add.f32 [tilespmem:s5], [sflag:$0x5], $0x1, s22, s11, $0xb8;
	[tilespmem:$0x1DF98] =	vst v63  }
0x32c: {  	_ =	swait.ge [sflag:s6], $0x80  }
0x32d: {  	[sflag:s6] =	ssyncset.done $0x0  }
0x32e: {  	[sflag:s6] =	ssyncadd.s32 $0xFFFFFF80  }
0x32f: {  	[spmem:s31] =	stream.indirect.scatter.add.f32 [tilespmem:s5], [sflag:$0x5], $0x1, s23, s11, $0xb8;
	[tilespmem:$0x1DF98] =	vst v63  }
0x330: {  	_ =	swait.ge [sflag:s6], $0x80  }
0x331: {  	[sflag:s6] =	ssyncset.done $0x0  }
0x332: {  	[sflag:s6] =	ssyncadd.s32 $0xFFFFFF80  }
0x333: {  	[spmem:s31] =	stream.indirect.scatter.add.f32 [tilespmem:s5], [sflag:$0x5], $0x1, s24, s11, $0xb8;
	[tilespmem:$0x1DF98] =	vst v63  }
0x334: {  	_ =	swait.ge [sflag:s6], $0x80  }
0x335: {  	[sflag:s6] =	ssyncset.done $0x0  }
0x336: {  	[sflag:s6] =	ssyncadd.s32 $0xFFFFFF80  }
0x337: {  	[spmem:s31] =	stream.indirect.scatter.add.f32 [tilespmem:s5], [sflag:$0x5], $0x1, s3, s11, $0xb8;
	[tilespmem:$0x1DF98] =	vst v63  }
0x338: {  	_ =	swait.ge [sflag:s6], $0x80  }
0x339: {  	[sflag:s6] =	ssyncset.done $0x0  }
0x33a: {  	[sflag:s6] =	ssyncadd.s32 $0xFFFFFF80  }
0x33b: {  	[spmem:s31] =	stream.indirect.scatter.add.f32 [tilespmem:s5], [sflag:$0x5], $0x1, s4, s11, $0xb8;
	[tilespmem:$0x1DF98] =	vst v63  }
0x33c: {  	_ =	swait.ge [sflag:s6], $0x80  }
0x33d: {  	s19 =	simm.s32 $0x13B18;
	[sflag:s6] =	ssyncset.done $0x0  }
0x33e: {  	s13 =	simm.s32 $0x0;
	s18 =	rddreg [dreg:$0xc];
	[sflag:s6] =	ssyncadd.s32 $0xFFFFFF80  }
0x33f: {  	[tilespmem:s19], [sflag:$0x5] =	stream.linear.gather [hbm4b:s18+s13], $0x1000, $0x38;
	[tilespmem:$0x1DF98] =	vst v63  }
0x340: {  	_ =	swait.ge [sflag:s6], $0x1000  }
0x341: {  	[sflag:s6] =	ssyncset.done $0x0  }
0x342: {  	s14 =	simm.s32 $0x14B18;
	s9 =	rddreg [dreg:$0xd];
	[sflag:s6] =	ssyncadd.s32 $0xFFFFF000  }
0x343: {  	[tilespmem:s14], [sflag:$0x5] =	stream.linear.gather [hbm4b:s9+s13], $0x1000, $0x38;
	[tilespmem:$0x1DF98] =	vst v63  }
0x344: {  	_ =	swait.ge [sflag:s6], $0x1000  }
0x345: {  	p3 =	por $0x0, $0x0;
	[sflag:s6] =	ssyncset.done $0x0  }
0x346: {  	s1 =	simm.s32 @p3 $0x3;
	[sflag:s6] =	ssyncadd.s32 $0xFFFFF000  }
0x347: {  	_ =	swait.ge @p3 [sflag:s1], $0x2000  }
0x348: {  	s9 =	simm.s32 @p3 $0x15B18;
	[sflag:s1] =	ssyncset.done @p3 $0x0  }
0x349: {  	s14 =	simm.s32 @p3 $0x80;
	[sflag:s1] =	ssyncadd.s32 @p3 $0xFFFFE000;
	s1 =	simm.s32 @p3 $0x13B18  }
0x34a: {  	[tilespmem:s9], [sflag:$0x1] =	stream.indirect.gather @p3 [spmem:s25], $0x40, s1, s14, $0xb8;
	[tilespmem:$0x1DF98] =	vst v63  }
0x34b: {  	s1 =	simm.s32 @p3 $0x2  }
0x34c: {  	_ =	swait.ge @p3 [sflag:s1], $0x2000  }
0x34d: {  	[sflag:s1] =	ssyncset.done @p3 $0x0  }
0x34e: {  	s9 =	simm.s32 @p3 $0x14A98;
	[sflag:s1] =	ssyncadd.s32 @p3 $0xFFFFE000;
	s1 =	simm.s32 @p3 $0x19B18  }
0x34f: {  	[spmem:s29] =	stream.indirect.scatter.add.f32 @p3 [tilespmem:s1], [sflag:$0x4], $0x40, s9, s14, $0xb8;
	[tilespmem:$0x1DF98] =	vst v63  }
0x350: {  	s1 =	simm.s32 @p3 $0x4  }
0x351: {  	_ =	swait.ge @p3 [sflag:s1], $0x2000  }
0x352: {  	s13 =	simm.s32 @!p3 $0x0;
	s9 =	simm.s32 @!p3 $0x15B18;
	[sflag:s1] =	ssyncset.done @p3 $0x0  }
0x353: {  	s14 =	simm.s32 @!p3 $0x13B18;
	[sflag:s1] =	ssyncadd.s32 @p3 $0xFFFFE000;
	s1 =	simm.s32 @!p3 $0x80  }
0x354: {  	[tilespmem:s9], [sflag:$0x1] =	stream.indirect.gather @!p3 [spmem:s25], $0x40, s14, s1, $0xb8;
	[tilespmem:$0x1DF98] =	vst v63  }
0x355: {  	s15 =	sadd.s32 $0x13B98, s13  }
0x356: {  	[tilespmem:s12], [sflag:$0x2] =	stream.indirect.gather [spmem:s25], $0x40, s15, s11, $0xb8;
	[tilespmem:$0x1DF98] =	vst v63  }
0x357: {  	_ =	swait.ge [sflag:s28], $0x2000  }
0x358: {  	[sflag:s28] =	ssyncset.done $0x0  }
0x359: {  	s16 =	sadd.s32 $0x14B18, s13;
	[sflag:s28] =	ssyncadd.s32 $0xFFFFE000  }
0x35a: {  	[spmem:s29] =	stream.indirect.scatter.add.f32 [tilespmem:s8], [sflag:$0x3], $0x40, s16, s11, $0xb8;
	[tilespmem:$0x1DF98] =	vst v63  }
0x35b: {  	_ =	swait.ge [sflag:s2], $0x2000  }
0x35c: {  	[sflag:s2] =	ssyncset.done $0x0  }
0x35d: {  	s17 =	sadd.s32 $0x13C18, s13;
	[sflag:s2] =	ssyncadd.s32 $0xFFFFE000  }
0x35e: {  	[tilespmem:s8], [sflag:$0x1] =	stream.indirect.gather [spmem:s25], $0x40, s17, s11, $0xb8;
	[tilespmem:$0x1DF98] =	vst v63  }
0x35f: {  	_ =	swait.ge [sflag:s7], $0x2000  }
0x360: {  	[sflag:s7] =	ssyncset.done $0x0  }
0x361: {  	s18 =	sadd.s32 $0x14B98, s13;
	[sflag:s7] =	ssyncadd.s32 $0xFFFFE000  }
0x362: {  	[spmem:s29] =	stream.indirect.scatter.add.f32 [tilespmem:s12], [sflag:$0x4], $0x40, s18, s11, $0xb8;
	[tilespmem:$0x1DF98] =	vst v63  }
0x363: {  	_ =	swait.ge [sflag:s26], $0x2000  }
0x364: {  	[sflag:s26] =	ssyncset.done $0x0  }
0x365: {  	s19 =	sadd.s32 $0x13C98, s13;
	[sflag:s26] =	ssyncadd.s32 $0xFFFFE000  }
0x366: {  	[tilespmem:s12], [sflag:$0x2] =	stream.indirect.gather [spmem:s25], $0x40, s19, s11, $0xb8;
	[tilespmem:$0x1DF98] =	vst v63  }
0x367: {  	_ =	swait.ge [sflag:s28], $0x2000  }
0x368: {  	[sflag:s28] =	ssyncset.done $0x0  }
0x369: {  	s9 =	sadd.s32 $0x14C18, s13;
	[sflag:s28] =	ssyncadd.s32 $0xFFFFE000  }
0x36a: {  	[spmem:s29] =	stream.indirect.scatter.add.f32 [tilespmem:s8], [sflag:$0x3], $0x40, s9, s11, $0xb8;
	[tilespmem:$0x1DF98] =	vst v63  }
0x36b: {  	_ =	swait.ge [sflag:s2], $0x2000  }
0x36c: {  	[sflag:s2] =	ssyncset.done $0x0  }
0x36d: {  	s14 =	sadd.s32 $0x13D18, s13;
	[sflag:s2] =	ssyncadd.s32 $0xFFFFE000  }
0x36e: {  	[tilespmem:s8], [sflag:$0x1] =	stream.indirect.gather [spmem:s25], $0x40, s14, s11, $0xb8;
	[tilespmem:$0x1DF98] =	vst v63  }
0x36f: {  	_ =	swait.ge [sflag:s7], $0x2000  }
0x370: {  	[sflag:s7] =	ssyncset.done $0x0  }
0x371: {  	s15 =	sadd.s32 $0x14C98, s13;
	[sflag:s7] =	ssyncadd.s32 $0xFFFFE000  }
0x372: {  	[spmem:s29] =	stream.indirect.scatter.add.f32 [tilespmem:s12], [sflag:$0x4], $0x40, s15, s11, $0xb8;
	[tilespmem:$0x1DF98] =	vst v63  }
0x373: {  	_ =	swait.ge [sflag:s26], $0x2000  }
0x374: {  	[sflag:s26] =	ssyncset.done $0x0  }
0x375: {  	s16 =	sadd.s32 $0x13D98, s13;
	[sflag:s26] =	ssyncadd.s32 $0xFFFFE000  }
0x376: {  	[tilespmem:s12], [sflag:$0x2] =	stream.indirect.gather [spmem:s25], $0x40, s16, s11, $0xb8;
	[tilespmem:$0x1DF98] =	vst v63  }
0x377: {  	_ =	swait.ge [sflag:s28], $0x2000  }
0x378: {  	[sflag:s28] =	ssyncset.done $0x0  }
0x379: {  	s17 =	sadd.s32 $0x14D18, s13;
	[sflag:s28] =	ssyncadd.s32 $0xFFFFE000  }
0x37a: {  	[spmem:s29] =	stream.indirect.scatter.add.f32 [tilespmem:s8], [sflag:$0x3], $0x40, s17, s11, $0xb8;
	[tilespmem:$0x1DF98] =	vst v63  }
0x37b: {  	_ =	swait.ge [sflag:s2], $0x2000  }
0x37c: {  	[sflag:s2] =	ssyncset.done $0x0  }
0x37d: {  	s18 =	sadd.s32 $0x13E18, s13;
	[sflag:s2] =	ssyncadd.s32 $0xFFFFE000  }
0x37e: {  	[tilespmem:s8], [sflag:$0x1] =	stream.indirect.gather [spmem:s25], $0x40, s18, s11, $0xb8;
	[tilespmem:$0x1DF98] =	vst v63  }
0x37f: {  	_ =	swait.ge [sflag:s7], $0x2000  }
0x380: {  	[sflag:s7] =	ssyncset.done $0x0  }
0x381: {  	s1 =	simm.s32 $0x0;
	s19 =	sadd.s32 $0x14D98, s13;
	[sflag:s7] =	ssyncadd.s32 $0xFFFFE000  }
0x382: {  	[spmem:s29] =	stream.indirect.scatter.add.f32 [tilespmem:s12], [sflag:$0x4], $0x40, s19, s11, $0xb8;
	[tilespmem:$0x1DF98] =	vst v63  }
0x383: {  	s1 =	simm.s32 @!p3 $0x0;
	_ =	swait.ge [sflag:s26], $0x2000  }
0x384: {  	s1 =	sshra.s32 s1, $0x2;
	[sflag:s26] =	ssyncset.done $0x0  }
0x385: {  	s30 =	simm.s32 $0x1000;
	s1 =	sadd.s32 $0x13E98, s1;
	[sflag:s26] =	ssyncadd.s32 $0xFFFFE000  }
0x386: {  	[tilespmem:s12], [sflag:$0x2] =	stream.indirect.gather [spmem:s25], $0x40, s1, s11, $0xb8;
	[tilespmem:$0x1DF98] =	vst v63  }
0x387: {  	p3 =	por $0x1, $0x1;
	s13 =	sadd.s32 $0x14E18, s13;
	_ =	swait.ge [sflag:s28], $0x2000  }
0x388: {  	s9 =	simm.s32 $0x400;
	s1 =	simm.s32 $0x800;
	[sflag:s28] =	ssyncset.done $0x0  }
.LBB2_9:
0x389: {  	s14 =	simm.s32 @p3 $0x3;
	s15 =	smov.u32 s30  }
0x38a: {  	[sflag:s28] =	ssyncadd.s32 $0xFFFFE000;
	s16 =	smov.u32 s1;
	s15 =	simm.s32 @!p3 $0x0  }
0x38b: {  	[spmem:s29] =	stream.indirect.scatter.add.f32 [tilespmem:s8], [sflag:$0x3], $0x40, s13, s11, $0xb8;
	[tilespmem:$0x1DF98] =	vst v63  }
0x38c: {  	s17 =	simm.s32 @p3 $0x2;
	s13 =	sshra.s32 s15, $0x2;
	_ =	swait.ge @p3 [sflag:s14], $0x2000  }
0x38d: {  	s18 =	simm.s32 @p3 $0x15B18;
	s15 =	sshra.s32 @p3 s30, $0x2;
	[sflag:s14] =	ssyncset.done @p3 $0x0  }
0x38e: {  	s19 =	simm.s32 @p3 $0x80;
	[sflag:s14] =	ssyncadd.s32 @p3 $0xFFFFE000;
	s14 =	sadd.s32 @p3 $0x13B18, s15  }
0x38f: {  	[tilespmem:s18], [sflag:$0x1] =	stream.indirect.gather @p3 [spmem:s25], $0x40, s14, s19, $0xb8;
	[tilespmem:$0x1DF98] =	vst v63  }
0x390: {  	s1 =	sadd.s32 $0x400, s1;
	s14 =	sadd.s32 @p3 $0x14A98, s15;
	_ =	swait.ge @p3 [sflag:s17], $0x2000  }
0x391: {  	p4 =	sne.s32 s1, $0x1000;
	[sflag:s17] =	ssyncset.done @p3 $0x0  }
0x392: {  	s15 =	simm.s32 @p3 $0x19B18;
	[sflag:s17] =	ssyncadd.s32 @p3 $0xFFFFE000;
	s17 =	simm.s32 @p3 $0x4  }
0x393: {  	[spmem:s29] =	stream.indirect.scatter.add.f32 @p3 [tilespmem:s15], [sflag:$0x4], $0x40, s14, s19, $0xb8;
	[tilespmem:$0x1DF98] =	vst v63  }
0x394: {  	s14 =	smov.u32 s9;
	_ =	swait.ge @p3 [sflag:s17], $0x2000  }
0x395: {  	s15 =	simm.s32 @!p3 $0x15B18;
	s14 =	simm.s32 @!p3 $0x0;
	[sflag:s17] =	ssyncset.done @p3 $0x0  }
0x396: {  	s9 =	simm.s32 @!p3 $0x80;
	[sflag:s17] =	ssyncadd.s32 @p3 $0xFFFFE000;
	s17 =	simm.s32 @!p3 $0x13B18  }
0x397: {  	[tilespmem:s15], [sflag:$0x1] =	stream.indirect.gather @!p3 [spmem:s25], $0x40, s17, s9, $0xb8;
	[tilespmem:$0x1DF98] =	vst v63  }
0x398: {  	s15 =	sadd.s32 $0x13B98, s14;
	s9 =	smov.u32 s16  }
0x399: {  	[tilespmem:s12], [sflag:$0x2] =	stream.indirect.gather [spmem:s25], $0x40, s15, s11, $0xb8;
	[tilespmem:$0x1DF98] =	vst v63  }
0x39a: {  	_ =	swait.ge [sflag:s28], $0x2000  }
0x39b: {  	[sflag:s28] =	ssyncset.done $0x0  }
0x39c: {  	s15 =	sadd.s32 $0x14B18, s14;
	[sflag:s28] =	ssyncadd.s32 $0xFFFFE000  }
0x39d: {  	[spmem:s29] =	stream.indirect.scatter.add.f32 [tilespmem:s8], [sflag:$0x3], $0x40, s15, s11, $0xb8;
	[tilespmem:$0x1DF98] =	vst v63  }
0x39e: {  	_ =	swait.ge [sflag:s2], $0x2000  }
0x39f: {  	[sflag:s2] =	ssyncset.done $0x0  }
0x3a0: {  	s15 =	sadd.s32 $0x13C18, s14;
	[sflag:s2] =	ssyncadd.s32 $0xFFFFE000  }
0x3a1: {  	[tilespmem:s8], [sflag:$0x1] =	stream.indirect.gather [spmem:s25], $0x40, s15, s11, $0xb8;
	[tilespmem:$0x1DF98] =	vst v63  }
0x3a2: {  	_ =	swait.ge [sflag:s7], $0x2000  }
0x3a3: {  	[sflag:s7] =	ssyncset.done $0x0  }
0x3a4: {  	s15 =	sadd.s32 $0x14B98, s14;
	[sflag:s7] =	ssyncadd.s32 $0xFFFFE000  }
0x3a5: {  	[spmem:s29] =	stream.indirect.scatter.add.f32 [tilespmem:s12], [sflag:$0x4], $0x40, s15, s11, $0xb8;
	[tilespmem:$0x1DF98] =	vst v63  }
0x3a6: {  	_ =	swait.ge [sflag:s26], $0x2000  }
0x3a7: {  	[sflag:s26] =	ssyncset.done $0x0  }
0x3a8: {  	s15 =	sadd.s32 $0x13C98, s14;
	[sflag:s26] =	ssyncadd.s32 $0xFFFFE000  }
0x3a9: {  	[tilespmem:s12], [sflag:$0x2] =	stream.indirect.gather [spmem:s25], $0x40, s15, s11, $0xb8;
	[tilespmem:$0x1DF98] =	vst v63  }
0x3aa: {  	_ =	swait.ge [sflag:s28], $0x2000  }
0x3ab: {  	[sflag:s28] =	ssyncset.done $0x0  }
0x3ac: {  	s15 =	sadd.s32 $0x14C18, s14;
	[sflag:s28] =	ssyncadd.s32 $0xFFFFE000  }
0x3ad: {  	[spmem:s29] =	stream.indirect.scatter.add.f32 [tilespmem:s8], [sflag:$0x3], $0x40, s15, s11, $0xb8;
	[tilespmem:$0x1DF98] =	vst v63  }
0x3ae: {  	_ =	swait.ge [sflag:s2], $0x2000  }
0x3af: {  	[sflag:s2] =	ssyncset.done $0x0  }
0x3b0: {  	s15 =	sadd.s32 $0x13D18, s14;
	[sflag:s2] =	ssyncadd.s32 $0xFFFFE000  }
0x3b1: {  	[tilespmem:s8], [sflag:$0x1] =	stream.indirect.gather [spmem:s25], $0x40, s15, s11, $0xb8;
	[tilespmem:$0x1DF98] =	vst v63  }
0x3b2: {  	_ =	swait.ge [sflag:s7], $0x2000  }
0x3b3: {  	[sflag:s7] =	ssyncset.done $0x0  }
0x3b4: {  	s15 =	sadd.s32 $0x14C98, s14;
	[sflag:s7] =	ssyncadd.s32 $0xFFFFE000  }
0x3b5: {  	[spmem:s29] =	stream.indirect.scatter.add.f32 [tilespmem:s12], [sflag:$0x4], $0x40, s15, s11, $0xb8;
	[tilespmem:$0x1DF98] =	vst v63  }
0x3b6: {  	_ =	swait.ge [sflag:s26], $0x2000  }
0x3b7: {  	[sflag:s26] =	ssyncset.done $0x0  }
0x3b8: {  	s15 =	sadd.s32 $0x13D98, s14;
	[sflag:s26] =	ssyncadd.s32 $0xFFFFE000  }
0x3b9: {  	[tilespmem:s12], [sflag:$0x2] =	stream.indirect.gather [spmem:s25], $0x40, s15, s11, $0xb8;
	[tilespmem:$0x1DF98] =	vst v63  }
0x3ba: {  	_ =	swait.ge [sflag:s28], $0x2000  }
0x3bb: {  	[sflag:s28] =	ssyncset.done $0x0  }
0x3bc: {  	s15 =	sadd.s32 $0x14D18, s14;
	[sflag:s28] =	ssyncadd.s32 $0xFFFFE000  }
0x3bd: {  	[spmem:s29] =	stream.indirect.scatter.add.f32 [tilespmem:s8], [sflag:$0x3], $0x40, s15, s11, $0xb8;
	[tilespmem:$0x1DF98] =	vst v63  }
0x3be: {  	_ =	swait.ge [sflag:s2], $0x2000  }
0x3bf: {  	[sflag:s2] =	ssyncset.done $0x0  }
0x3c0: {  	s15 =	sadd.s32 $0x13E18, s14;
	[sflag:s2] =	ssyncadd.s32 $0xFFFFE000  }
0x3c1: {  	[tilespmem:s8], [sflag:$0x1] =	stream.indirect.gather [spmem:s25], $0x40, s15, s11, $0xb8;
	[tilespmem:$0x1DF98] =	vst v63  }
0x3c2: {  	_ =	swait.ge [sflag:s7], $0x2000  }
0x3c3: {  	[sflag:s7] =	ssyncset.done $0x0  }
0x3c4: {  	s15 =	sadd.s32 $0x14D98, s14;
	[sflag:s7] =	ssyncadd.s32 $0xFFFFE000  }
0x3c5: {  	[spmem:s29] =	stream.indirect.scatter.add.f32 [tilespmem:s12], [sflag:$0x4], $0x40, s15, s11, $0xb8;
	[tilespmem:$0x1DF98] =	vst v63  }
0x3c6: {  	_ =	swait.ge [sflag:s26], $0x2000  }
.Ltmp6:
0x3c7: {  	[sflag:s26] =	ssyncset.done $0x0;
	(pc) =	sbr.rel @p4 .LBB2_9-.Ltmp6, $4  }
0x3c8: {  	s13 =	sadd.s32 $0x13E98, s13;
	[sflag:s26] =	ssyncadd.s32 $0xFFFFE000  }
0x3c9: {  	[tilespmem:s12], [sflag:$0x2] =	stream.indirect.gather [spmem:s25], $0x40, s13, s11, $0xb8;
	[tilespmem:$0x1DF98] =	vst v63  }
0x3ca: {  	s30 =	sadd.s32 $0x1000, s30;
	_ =	swait.ge [sflag:s28], $0x2000  }
0x3cb: {  	p3 =	sne.s32 s9, $0x0;
	s13 =	sadd.s32 $0x14E18, s14;
	[sflag:s28] =	ssyncset.done $0x0  }
0x3cc: {  	s1 =	simm.s32 @p3 $0x3;
	[sflag:s28] =	ssyncadd.s32 $0xFFFFE000  }
0x3cd: {  	[spmem:s29] =	stream.indirect.scatter.add.f32 [tilespmem:s8], [sflag:$0x3], $0x40, s13, s11, $0xb8;
	[tilespmem:$0x1DF98] =	vst v63  }
0x3ce: {  	_ =	swait.ge @p3 [sflag:s1], $0x2000  }
0x3cf: {  	s14 =	simm.s32 @p3 $0x15B18;
	s13 =	sshra.s32 @p3 s30, $0x2;
	[sflag:s1] =	ssyncset.done @p3 $0x0  }
0x3d0: {  	s15 =	simm.s32 @p3 $0x80;
	[sflag:s1] =	ssyncadd.s32 @p3 $0xFFFFE000;
	s1 =	sadd.s32 @p3 $0x13B18, s13  }
0x3d1: {  	[tilespmem:s14], [sflag:$0x1] =	stream.indirect.gather @p3 [spmem:s25], $0x40, s1, s15, $0xb8;
	[tilespmem:$0x1DF98] =	vst v63  }
0x3d2: {  	s1 =	simm.s32 @p3 $0x2  }
0x3d3: {  	_ =	swait.ge @p3 [sflag:s1], $0x2000  }
0x3d4: {  	[sflag:s1] =	ssyncset.done @p3 $0x0  }
0x3d5: {  	s13 =	sadd.s32 @p3 $0x14A98, s13;
	[sflag:s1] =	ssyncadd.s32 @p3 $0xFFFFE000;
	s1 =	simm.s32 @p3 $0x19B18  }
0x3d6: {  	[spmem:s29] =	stream.indirect.scatter.add.f32 @p3 [tilespmem:s1], [sflag:$0x4], $0x40, s13, s15, $0xb8;
	[tilespmem:$0x1DF98] =	vst v63  }
0x3d7: {  	s1 =	simm.s32 @p3 $0x4  }
0x3d8: {  	_ =	swait.ge @p3 [sflag:s1], $0x2000  }
0x3d9: {  	s9 =	simm.s32 @!p3 $0x0;
	s14 =	simm.s32 @!p3 $0x13B18;
	[sflag:s1] =	ssyncset.done @p3 $0x0  }
0x3da: {  	s13 =	simm.s32 @!p3 $0x15B18;
	[sflag:s1] =	ssyncadd.s32 @p3 $0xFFFFE000;
	s1 =	simm.s32 @!p3 $0x80  }
0x3db: {  	[tilespmem:s13], [sflag:$0x1] =	stream.indirect.gather @!p3 [spmem:s25], $0x40, s14, s1, $0xb8;
	[tilespmem:$0x1DF98] =	vst v63  }
0x3dc: {  	s16 =	sadd.s32 $0x13B98, s9  }
0x3dd: {  	[tilespmem:s12], [sflag:$0x2] =	stream.indirect.gather [spmem:s25], $0x40, s16, s11, $0xb8;
	[tilespmem:$0x1DF98] =	vst v63  }
0x3de: {  	_ =	swait.ge [sflag:s28], $0x2000  }
0x3df: {  	[sflag:s28] =	ssyncset.done $0x0  }
0x3e0: {  	s17 =	sadd.s32 $0x14B18, s9;
	[sflag:s28] =	ssyncadd.s32 $0xFFFFE000  }
0x3e1: {  	[spmem:s29] =	stream.indirect.scatter.add.f32 [tilespmem:s8], [sflag:$0x3], $0x40, s17, s11, $0xb8;
	[tilespmem:$0x1DF98] =	vst v63  }
0x3e2: {  	_ =	swait.ge [sflag:s2], $0x2000  }
0x3e3: {  	[sflag:s2] =	ssyncset.done $0x0  }
0x3e4: {  	s18 =	sadd.s32 $0x13C18, s9;
	[sflag:s2] =	ssyncadd.s32 $0xFFFFE000  }
0x3e5: {  	[tilespmem:s8], [sflag:$0x1] =	stream.indirect.gather [spmem:s25], $0x40, s18, s11, $0xb8;
	[tilespmem:$0x1DF98] =	vst v63  }
0x3e6: {  	_ =	swait.ge [sflag:s7], $0x2000  }
0x3e7: {  	[sflag:s7] =	ssyncset.done $0x0  }
0x3e8: {  	s19 =	sadd.s32 $0x14B98, s9;
	[sflag:s7] =	ssyncadd.s32 $0xFFFFE000  }
0x3e9: {  	[spmem:s29] =	stream.indirect.scatter.add.f32 [tilespmem:s12], [sflag:$0x4], $0x40, s19, s11, $0xb8;
	[tilespmem:$0x1DF98] =	vst v63  }
0x3ea: {  	_ =	swait.ge [sflag:s26], $0x2000  }
0x3eb: {  	[sflag:s26] =	ssyncset.done $0x0  }
0x3ec: {  	s13 =	sadd.s32 $0x13C98, s9;
	[sflag:s26] =	ssyncadd.s32 $0xFFFFE000  }
0x3ed: {  	[tilespmem:s12], [sflag:$0x2] =	stream.indirect.gather [spmem:s25], $0x40, s13, s11, $0xb8;
	[tilespmem:$0x1DF98] =	vst v63  }
0x3ee: {  	_ =	swait.ge [sflag:s28], $0x2000  }
0x3ef: {  	[sflag:s28] =	ssyncset.done $0x0  }
0x3f0: {  	s14 =	sadd.s32 $0x14C18, s9;
	[sflag:s28] =	ssyncadd.s32 $0xFFFFE000  }
0x3f1: {  	[spmem:s29] =	stream.indirect.scatter.add.f32 [tilespmem:s8], [sflag:$0x3], $0x40, s14, s11, $0xb8;
	[tilespmem:$0x1DF98] =	vst v63  }
0x3f2: {  	_ =	swait.ge [sflag:s2], $0x2000  }
0x3f3: {  	[sflag:s2] =	ssyncset.done $0x0  }
0x3f4: {  	s15 =	sadd.s32 $0x13D18, s9;
	[sflag:s2] =	ssyncadd.s32 $0xFFFFE000  }
0x3f5: {  	[tilespmem:s8], [sflag:$0x1] =	stream.indirect.gather [spmem:s25], $0x40, s15, s11, $0xb8;
	[tilespmem:$0x1DF98] =	vst v63  }
0x3f6: {  	_ =	swait.ge [sflag:s7], $0x2000  }
0x3f7: {  	[sflag:s7] =	ssyncset.done $0x0  }
0x3f8: {  	s16 =	sadd.s32 $0x14C98, s9;
	[sflag:s7] =	ssyncadd.s32 $0xFFFFE000  }
0x3f9: {  	[spmem:s29] =	stream.indirect.scatter.add.f32 [tilespmem:s12], [sflag:$0x4], $0x40, s16, s11, $0xb8;
	[tilespmem:$0x1DF98] =	vst v63  }
0x3fa: {  	_ =	swait.ge [sflag:s26], $0x2000  }
0x3fb: {  	[sflag:s26] =	ssyncset.done $0x0  }
0x3fc: {  	s17 =	sadd.s32 $0x13D98, s9;
	[sflag:s26] =	ssyncadd.s32 $0xFFFFE000  }
0x3fd: {  	[tilespmem:s12], [sflag:$0x2] =	stream.indirect.gather [spmem:s25], $0x40, s17, s11, $0xb8;
	[tilespmem:$0x1DF98] =	vst v63  }
0x3fe: {  	_ =	swait.ge [sflag:s28], $0x2000  }
0x3ff: {  	[sflag:s28] =	ssyncset.done $0x0  }
0x400: {  	s18 =	sadd.s32 $0x14D18, s9;
	[sflag:s28] =	ssyncadd.s32 $0xFFFFE000  }
0x401: {  	[spmem:s29] =	stream.indirect.scatter.add.f32 [tilespmem:s8], [sflag:$0x3], $0x40, s18, s11, $0xb8;
	[tilespmem:$0x1DF98] =	vst v63  }
0x402: {  	_ =	swait.ge [sflag:s2], $0x2000  }
0x403: {  	[sflag:s2] =	ssyncset.done $0x0  }
0x404: {  	s19 =	sadd.s32 $0x13E18, s9;
	[sflag:s2] =	ssyncadd.s32 $0xFFFFE000  }
0x405: {  	[tilespmem:s8], [sflag:$0x1] =	stream.indirect.gather [spmem:s25], $0x40, s19, s11, $0xb8;
	[tilespmem:$0x1DF98] =	vst v63  }
0x406: {  	_ =	swait.ge [sflag:s7], $0x2000  }
0x407: {  	[sflag:s7] =	ssyncset.done $0x0  }
0x408: {  	s13 =	sadd.s32 $0x14D98, s9;
	[sflag:s7] =	ssyncadd.s32 $0xFFFFE000  }
0x409: {  	[spmem:s29] =	stream.indirect.scatter.add.f32 [tilespmem:s12], [sflag:$0x4], $0x40, s13, s11, $0xb8;
	[tilespmem:$0x1DF98] =	vst v63  }
0x40a: {  	s30 =	simm.s32 @!p3 $0x0;
	_ =	swait.ge [sflag:s26], $0x2000  }
0x40b: {  	s14 =	sshra.s32 s30, $0x2;
	[sflag:s26] =	ssyncset.done $0x0  }
0x40c: {  	s1 =	sadd.s32 $0x13E98, s14;
	[sflag:s26] =	ssyncadd.s32 $0xFFFFE000  }
0x40d: {  	[tilespmem:s12], [sflag:$0x2] =	stream.indirect.gather [spmem:s25], $0x40, s1, s11, $0xb8;
	[tilespmem:$0x1DF98] =	vst v63  }
0x40e: {  	_ =	swait.ge [sflag:s28], $0x2000  }
0x40f: {  	[sflag:s28] =	ssyncset.done $0x0  }
0x410: {  	s15 =	sadd.s32 $0x14E18, s9;
	[sflag:s28] =	ssyncadd.s32 $0xFFFFE000  }
0x411: {  	[spmem:s29] =	stream.indirect.scatter.add.f32 [tilespmem:s8], [sflag:$0x3], $0x40, s15, s11, $0xb8;
	[tilespmem:$0x1DF98] =	vst v63  }
0x412: {  	_ =	swait.ge [sflag:s7], $0x2000  }
0x413: {  	[sflag:s7] =	ssyncset.done $0x0  }
0x414: {  	s16 =	simm.s32 $0x15A98;
	[sflag:s7] =	ssyncadd.s32 $0xFFFFE000  }
0x415: {  	[spmem:s29] =	stream.indirect.scatter.add.f32 [tilespmem:s12], [sflag:$0x4], $0x40, s16, s11, $0xb8;
	[tilespmem:$0x1DF98] =	vst v63  }
0x416: {  	_ =	swait.ge [sflag:s2], $0x2000  }
0x417: {  	[sflag:s2] =	ssyncset.done $0x0  }
0x418: {  	[sflag:s2] =	ssyncadd.s32 $0xFFFFE000  }
0x419: {  	_ =	swait.ge [sflag:s26], $0x2000  }
0x41a: {  	s17 =	sld [smem:$0x7F3]  }
0x41b: {  	[sflag:s26] =	ssyncset.done $0x0  }
0x41c: {  	[sflag:s26] =	ssyncadd.s32 $0xFFFFE000  }
0x41d: {  	[spmem:s31] =	stream.indirect.scatter.add.f32 [tilespmem:s5], [sflag:$0x5], $0x1, s17, s11, $0xb8;
	[tilespmem:$0x1DF98] =	vst v63  }
0x41e: {  	_ =	swait.ge [sflag:s6], $0x80  }
0x41f: {  	s18 =	sld [smem:$0x7F4]  }
0x420: {  	[sflag:s6] =	ssyncset.done $0x0  }
0x421: {  	[sflag:s6] =	ssyncadd.s32 $0xFFFFFF80  }
0x422: {  	[spmem:s31] =	stream.indirect.scatter.add.f32 [tilespmem:s5], [sflag:$0x5], $0x1, s18, s11, $0xb8;
	[tilespmem:$0x1DF98] =	vst v63  }
0x423: {  	_ =	swait.ge [sflag:s6], $0x80  }
0x424: {  	s19 =	sld [smem:$0x7F5]  }
0x425: {  	[sflag:s6] =	ssyncset.done $0x0  }
0x426: {  	[sflag:s6] =	ssyncadd.s32 $0xFFFFFF80  }
0x427: {  	[spmem:s31] =	stream.indirect.scatter.add.f32 [tilespmem:s5], [sflag:$0x5], $0x1, s19, s11, $0xb8;
	[tilespmem:$0x1DF98] =	vst v63  }
0x428: {  	_ =	swait.ge [sflag:s6], $0x80  }
0x429: {  	s9 =	sld [smem:$0x7F6]  }
0x42a: {  	[sflag:s6] =	ssyncset.done $0x0  }
0x42b: {  	[sflag:s6] =	ssyncadd.s32 $0xFFFFFF80  }
0x42c: {  	[spmem:s31] =	stream.indirect.scatter.add.f32 [tilespmem:s5], [sflag:$0x5], $0x1, s9, s11, $0xb8;
	[tilespmem:$0x1DF98] =	vst v63  }
0x42d: {  	_ =	swait.ge [sflag:s6], $0x80  }
0x42e: {  	s13 =	sld [smem:$0x7F7]  }
0x42f: {  	[sflag:s6] =	ssyncset.done $0x0  }
0x430: {  	[sflag:s6] =	ssyncadd.s32 $0xFFFFFF80  }
0x431: {  	[spmem:s31] =	stream.indirect.scatter.add.f32 [tilespmem:s5], [sflag:$0x5], $0x1, s13, s11, $0xb8;
	[tilespmem:$0x1DF98] =	vst v63  }
0x432: {  	_ =	swait.ge [sflag:s6], $0x80  }
0x433: {  	s14 =	sld [smem:$0x7F8]  }
0x434: {  	[sflag:s6] =	ssyncset.done $0x0  }
0x435: {  	[sflag:s6] =	ssyncadd.s32 $0xFFFFFF80  }
0x436: {  	[spmem:s31] =	stream.indirect.scatter.add.f32 [tilespmem:s5], [sflag:$0x5], $0x1, s14, s11, $0xb8;
	[tilespmem:$0x1DF98] =	vst v63  }
0x437: {  	_ =	swait.ge [sflag:s6], $0x80  }
0x438: {  	s15 =	sld [smem:$0x7F9]  }
0x439: {  	[sflag:s6] =	ssyncset.done $0x0  }
0x43a: {  	[sflag:s6] =	ssyncadd.s32 $0xFFFFFF80  }
0x43b: {  	[spmem:s31] =	stream.indirect.scatter.add.f32 [tilespmem:s5], [sflag:$0x5], $0x1, s15, s11, $0xb8;
	[tilespmem:$0x1DF98] =	vst v63  }
0x43c: {  	_ =	swait.ge [sflag:s6], $0x80  }
0x43d: {  	s16 =	sld [smem:$0x7FA]  }
0x43e: {  	[sflag:s6] =	ssyncset.done $0x0  }
0x43f: {  	[sflag:s6] =	ssyncadd.s32 $0xFFFFFF80  }
0x440: {  	[spmem:s31] =	stream.indirect.scatter.add.f32 [tilespmem:s5], [sflag:$0x5], $0x1, s16, s11, $0xb8;
	[tilespmem:$0x1DF98] =	vst v63  }
0x441: {  	_ =	swait.ge [sflag:s6], $0x80  }
0x442: {  	s17 =	sld [smem:$0x7FB]  }
0x443: {  	[sflag:s6] =	ssyncset.done $0x0  }
0x444: {  	[sflag:s6] =	ssyncadd.s32 $0xFFFFFF80  }
0x445: {  	[spmem:s31] =	stream.indirect.scatter.add.f32 [tilespmem:s5], [sflag:$0x5], $0x1, s17, s11, $0xb8;
	[tilespmem:$0x1DF98] =	vst v63  }
0x446: {  	_ =	swait.ge [sflag:s6], $0x80  }
0x447: {  	[sflag:s6] =	ssyncset.done $0x0  }
0x448: {  	[sflag:s6] =	ssyncadd.s32 $0xFFFFFF80  }
0x449: {  	[spmem:s31] =	stream.indirect.scatter.add.f32 [tilespmem:s5], [sflag:$0x5], $0x1, s20, s11, $0xb8;
	[tilespmem:$0x1DF98] =	vst v63  }
0x44a: {  	_ =	swait.ge [sflag:s6], $0x80  }
0x44b: {  	[sflag:s6] =	ssyncset.done $0x0  }
0x44c: {  	[sflag:s6] =	ssyncadd.s32 $0xFFFFFF80  }
0x44d: {  	[spmem:s31] =	stream.indirect.scatter.add.f32 [tilespmem:s5], [sflag:$0x5], $0x1, s21, s11, $0xb8;
	[tilespmem:$0x1DF98] =	vst v63  }
0x44e: {  	_ =	swait.ge [sflag:s6], $0x80  }
0x44f: {  	[sflag:s6] =	ssyncset.done $0x0  }
0x450: {  	[sflag:s6] =	ssyncadd.s32 $0xFFFFFF80  }
0x451: {  	[spmem:s31] =	stream.indirect.scatter.add.f32 [tilespmem:s5], [sflag:$0x5], $0x1, s22, s11, $0xb8;
	[tilespmem:$0x1DF98] =	vst v63  }
0x452: {  	_ =	swait.ge [sflag:s6], $0x80  }
0x453: {  	[sflag:s6] =	ssyncset.done $0x0  }
0x454: {  	[sflag:s6] =	ssyncadd.s32 $0xFFFFFF80  }
0x455: {  	[spmem:s31] =	stream.indirect.scatter.add.f32 [tilespmem:s5], [sflag:$0x5], $0x1, s23, s11, $0xb8;
	[tilespmem:$0x1DF98] =	vst v63  }
0x456: {  	_ =	swait.ge [sflag:s6], $0x80  }
0x457: {  	[sflag:s6] =	ssyncset.done $0x0  }
0x458: {  	[sflag:s6] =	ssyncadd.s32 $0xFFFFFF80  }
0x459: {  	[spmem:s31] =	stream.indirect.scatter.add.f32 [tilespmem:s5], [sflag:$0x5], $0x1, s24, s11, $0xb8;
	[tilespmem:$0x1DF98] =	vst v63  }
0x45a: {  	_ =	swait.ge [sflag:s6], $0x80  }
0x45b: {  	[sflag:s6] =	ssyncset.done $0x0  }
0x45c: {  	[sflag:s6] =	ssyncadd.s32 $0xFFFFFF80  }
0x45d: {  	[spmem:s31] =	stream.indirect.scatter.add.f32 [tilespmem:s5], [sflag:$0x5], $0x1, s3, s11, $0xb8;
	[tilespmem:$0x1DF98] =	vst v63  }
0x45e: {  	_ =	swait.ge [sflag:s6], $0x80  }
0x45f: {  	[sflag:s6] =	ssyncset.done $0x0  }
0x460: {  	[sflag:s6] =	ssyncadd.s32 $0xFFFFFF80  }
0x461: {  	[spmem:s31] =	stream.indirect.scatter.add.f32 [tilespmem:s5], [sflag:$0x5], $0x1, s4, s11, $0xb8;
	[tilespmem:$0x1DF98] =	vst v63  }
0x462: {  	_ =	swait.ge [sflag:s6], $0x80  }
0x463: {  	s19 =	simm.s32 $0x13B18;
	[sflag:s6] =	ssyncset.done $0x0  }
0x464: {  	s13 =	simm.s32 $0x0;
	s18 =	rddreg [dreg:$0xe];
	[sflag:s6] =	ssyncadd.s32 $0xFFFFFF80  }
0x465: {  	[tilespmem:s19], [sflag:$0x5] =	stream.linear.gather [hbm4b:s18+s13], $0x1000, $0x38;
	[tilespmem:$0x1DF98] =	vst v63  }
0x466: {  	_ =	swait.ge [sflag:s6], $0x1000  }
0x467: {  	[sflag:s6] =	ssyncset.done $0x0  }
0x468: {  	s14 =	simm.s32 $0x14B18;
	s9 =	rddreg [dreg:$0xf];
	[sflag:s6] =	ssyncadd.s32 $0xFFFFF000  }
0x469: {  	[tilespmem:s14], [sflag:$0x5] =	stream.linear.gather [hbm4b:s9+s13], $0x1000, $0x38;
	[tilespmem:$0x1DF98] =	vst v63  }
0x46a: {  	_ =	swait.ge [sflag:s6], $0x1000  }
0x46b: {  	p3 =	por $0x0, $0x0;
	[sflag:s6] =	ssyncset.done $0x0  }
0x46c: {  	s1 =	simm.s32 @p3 $0x3;
	[sflag:s6] =	ssyncadd.s32 $0xFFFFF000  }
0x46d: {  	_ =	swait.ge @p3 [sflag:s1], $0x2000  }
0x46e: {  	s9 =	simm.s32 @p3 $0x15B18;
	[sflag:s1] =	ssyncset.done @p3 $0x0  }
0x46f: {  	s14 =	simm.s32 @p3 $0x80;
	[sflag:s1] =	ssyncadd.s32 @p3 $0xFFFFE000;
	s1 =	simm.s32 @p3 $0x13B18  }
0x470: {  	[tilespmem:s9], [sflag:$0x1] =	stream.indirect.gather @p3 [spmem:s25], $0x40, s1, s14, $0xb8;
	[tilespmem:$0x1DF98] =	vst v63  }
0x471: {  	s1 =	simm.s32 @p3 $0x2  }
0x472: {  	_ =	swait.ge @p3 [sflag:s1], $0x2000  }
0x473: {  	[sflag:s1] =	ssyncset.done @p3 $0x0  }
0x474: {  	s9 =	simm.s32 @p3 $0x14A98;
	[sflag:s1] =	ssyncadd.s32 @p3 $0xFFFFE000;
	s1 =	simm.s32 @p3 $0x19B18  }
0x475: {  	[spmem:s29] =	stream.indirect.scatter.add.f32 @p3 [tilespmem:s1], [sflag:$0x4], $0x40, s9, s14, $0xb8;
	[tilespmem:$0x1DF98] =	vst v63  }
0x476: {  	s1 =	simm.s32 @p3 $0x4  }
0x477: {  	_ =	swait.ge @p3 [sflag:s1], $0x2000  }
0x478: {  	s13 =	simm.s32 @!p3 $0x0;
	s9 =	simm.s32 @!p3 $0x15B18;
	[sflag:s1] =	ssyncset.done @p3 $0x0  }
0x479: {  	s14 =	simm.s32 @!p3 $0x13B18;
	[sflag:s1] =	ssyncadd.s32 @p3 $0xFFFFE000;
	s1 =	simm.s32 @!p3 $0x80  }
0x47a: {  	[tilespmem:s9], [sflag:$0x1] =	stream.indirect.gather @!p3 [spmem:s25], $0x40, s14, s1, $0xb8;
	[tilespmem:$0x1DF98] =	vst v63  }
0x47b: {  	s15 =	sadd.s32 $0x13B98, s13  }
0x47c: {  	[tilespmem:s12], [sflag:$0x2] =	stream.indirect.gather [spmem:s25], $0x40, s15, s11, $0xb8;
	[tilespmem:$0x1DF98] =	vst v63  }
0x47d: {  	_ =	swait.ge [sflag:s28], $0x2000  }
0x47e: {  	[sflag:s28] =	ssyncset.done $0x0  }
0x47f: {  	s16 =	sadd.s32 $0x14B18, s13;
	[sflag:s28] =	ssyncadd.s32 $0xFFFFE000  }
0x480: {  	[spmem:s29] =	stream.indirect.scatter.add.f32 [tilespmem:s8], [sflag:$0x3], $0x40, s16, s11, $0xb8;
	[tilespmem:$0x1DF98] =	vst v63  }
0x481: {  	_ =	swait.ge [sflag:s2], $0x2000  }
0x482: {  	[sflag:s2] =	ssyncset.done $0x0  }
0x483: {  	s17 =	sadd.s32 $0x13C18, s13;
	[sflag:s2] =	ssyncadd.s32 $0xFFFFE000  }
0x484: {  	[tilespmem:s8], [sflag:$0x1] =	stream.indirect.gather [spmem:s25], $0x40, s17, s11, $0xb8;
	[tilespmem:$0x1DF98] =	vst v63  }
0x485: {  	_ =	swait.ge [sflag:s7], $0x2000  }
0x486: {  	[sflag:s7] =	ssyncset.done $0x0  }
0x487: {  	s18 =	sadd.s32 $0x14B98, s13;
	[sflag:s7] =	ssyncadd.s32 $0xFFFFE000  }
0x488: {  	[spmem:s29] =	stream.indirect.scatter.add.f32 [tilespmem:s12], [sflag:$0x4], $0x40, s18, s11, $0xb8;
	[tilespmem:$0x1DF98] =	vst v63  }
0x489: {  	_ =	swait.ge [sflag:s26], $0x2000  }
0x48a: {  	[sflag:s26] =	ssyncset.done $0x0  }
0x48b: {  	s19 =	sadd.s32 $0x13C98, s13;
	[sflag:s26] =	ssyncadd.s32 $0xFFFFE000  }
0x48c: {  	[tilespmem:s12], [sflag:$0x2] =	stream.indirect.gather [spmem:s25], $0x40, s19, s11, $0xb8;
	[tilespmem:$0x1DF98] =	vst v63  }
0x48d: {  	_ =	swait.ge [sflag:s28], $0x2000  }
0x48e: {  	[sflag:s28] =	ssyncset.done $0x0  }
0x48f: {  	s9 =	sadd.s32 $0x14C18, s13;
	[sflag:s28] =	ssyncadd.s32 $0xFFFFE000  }
0x490: {  	[spmem:s29] =	stream.indirect.scatter.add.f32 [tilespmem:s8], [sflag:$0x3], $0x40, s9, s11, $0xb8;
	[tilespmem:$0x1DF98] =	vst v63  }
0x491: {  	_ =	swait.ge [sflag:s2], $0x2000  }
0x492: {  	[sflag:s2] =	ssyncset.done $0x0  }
0x493: {  	s14 =	sadd.s32 $0x13D18, s13;
	[sflag:s2] =	ssyncadd.s32 $0xFFFFE000  }
0x494: {  	[tilespmem:s8], [sflag:$0x1] =	stream.indirect.gather [spmem:s25], $0x40, s14, s11, $0xb8;
	[tilespmem:$0x1DF98] =	vst v63  }
0x495: {  	_ =	swait.ge [sflag:s7], $0x2000  }
0x496: {  	[sflag:s7] =	ssyncset.done $0x0  }
0x497: {  	s15 =	sadd.s32 $0x14C98, s13;
	[sflag:s7] =	ssyncadd.s32 $0xFFFFE000  }
0x498: {  	[spmem:s29] =	stream.indirect.scatter.add.f32 [tilespmem:s12], [sflag:$0x4], $0x40, s15, s11, $0xb8;
	[tilespmem:$0x1DF98] =	vst v63  }
0x499: {  	_ =	swait.ge [sflag:s26], $0x2000  }
0x49a: {  	[sflag:s26] =	ssyncset.done $0x0  }
0x49b: {  	s16 =	sadd.s32 $0x13D98, s13;
	[sflag:s26] =	ssyncadd.s32 $0xFFFFE000  }
0x49c: {  	[tilespmem:s12], [sflag:$0x2] =	stream.indirect.gather [spmem:s25], $0x40, s16, s11, $0xb8;
	[tilespmem:$0x1DF98] =	vst v63  }
0x49d: {  	_ =	swait.ge [sflag:s28], $0x2000  }
0x49e: {  	[sflag:s28] =	ssyncset.done $0x0  }
0x49f: {  	s17 =	sadd.s32 $0x14D18, s13;
	[sflag:s28] =	ssyncadd.s32 $0xFFFFE000  }
0x4a0: {  	[spmem:s29] =	stream.indirect.scatter.add.f32 [tilespmem:s8], [sflag:$0x3], $0x40, s17, s11, $0xb8;
	[tilespmem:$0x1DF98] =	vst v63  }
0x4a1: {  	_ =	swait.ge [sflag:s2], $0x2000  }
0x4a2: {  	[sflag:s2] =	ssyncset.done $0x0  }
0x4a3: {  	s18 =	sadd.s32 $0x13E18, s13;
	[sflag:s2] =	ssyncadd.s32 $0xFFFFE000  }
0x4a4: {  	[tilespmem:s8], [sflag:$0x1] =	stream.indirect.gather [spmem:s25], $0x40, s18, s11, $0xb8;
	[tilespmem:$0x1DF98] =	vst v63  }
0x4a5: {  	_ =	swait.ge [sflag:s7], $0x2000  }
0x4a6: {  	[sflag:s7] =	ssyncset.done $0x0  }
0x4a7: {  	s1 =	simm.s32 $0x0;
	s19 =	sadd.s32 $0x14D98, s13;
	[sflag:s7] =	ssyncadd.s32 $0xFFFFE000  }
0x4a8: {  	[spmem:s29] =	stream.indirect.scatter.add.f32 [tilespmem:s12], [sflag:$0x4], $0x40, s19, s11, $0xb8;
	[tilespmem:$0x1DF98] =	vst v63  }
0x4a9: {  	s1 =	simm.s32 @!p3 $0x0;
	_ =	swait.ge [sflag:s26], $0x2000  }
0x4aa: {  	s1 =	sshra.s32 s1, $0x2;
	[sflag:s26] =	ssyncset.done $0x0  }
0x4ab: {  	s30 =	simm.s32 $0x1000;
	s1 =	sadd.s32 $0x13E98, s1;
	[sflag:s26] =	ssyncadd.s32 $0xFFFFE000  }
0x4ac: {  	[tilespmem:s12], [sflag:$0x2] =	stream.indirect.gather [spmem:s25], $0x40, s1, s11, $0xb8;
	[tilespmem:$0x1DF98] =	vst v63  }
0x4ad: {  	p3 =	por $0x1, $0x1;
	s13 =	sadd.s32 $0x14E18, s13;
	_ =	swait.ge [sflag:s28], $0x2000  }
0x4ae: {  	s9 =	simm.s32 $0x400;
	s1 =	simm.s32 $0x800;
	[sflag:s28] =	ssyncset.done $0x0  }
.LBB2_11:
0x4af: {  	s14 =	simm.s32 @p3 $0x3;
	s15 =	smov.u32 s30  }
0x4b0: {  	[sflag:s28] =	ssyncadd.s32 $0xFFFFE000;
	s16 =	smov.u32 s1;
	s15 =	simm.s32 @!p3 $0x0  }
0x4b1: {  	[spmem:s29] =	stream.indirect.scatter.add.f32 [tilespmem:s8], [sflag:$0x3], $0x40, s13, s11, $0xb8;
	[tilespmem:$0x1DF98] =	vst v63  }
0x4b2: {  	s17 =	simm.s32 @p3 $0x2;
	s13 =	sshra.s32 s15, $0x2;
	_ =	swait.ge @p3 [sflag:s14], $0x2000  }
0x4b3: {  	s18 =	simm.s32 @p3 $0x15B18;
	s15 =	sshra.s32 @p3 s30, $0x2;
	[sflag:s14] =	ssyncset.done @p3 $0x0  }
0x4b4: {  	s19 =	simm.s32 @p3 $0x80;
	[sflag:s14] =	ssyncadd.s32 @p3 $0xFFFFE000;
	s14 =	sadd.s32 @p3 $0x13B18, s15  }
0x4b5: {  	[tilespmem:s18], [sflag:$0x1] =	stream.indirect.gather @p3 [spmem:s25], $0x40, s14, s19, $0xb8;
	[tilespmem:$0x1DF98] =	vst v63  }
0x4b6: {  	s1 =	sadd.s32 $0x400, s1;
	s14 =	sadd.s32 @p3 $0x14A98, s15;
	_ =	swait.ge @p3 [sflag:s17], $0x2000  }
0x4b7: {  	p4 =	sne.s32 s1, $0x1000;
	[sflag:s17] =	ssyncset.done @p3 $0x0  }
0x4b8: {  	s15 =	simm.s32 @p3 $0x19B18;
	[sflag:s17] =	ssyncadd.s32 @p3 $0xFFFFE000;
	s17 =	simm.s32 @p3 $0x4  }
0x4b9: {  	[spmem:s29] =	stream.indirect.scatter.add.f32 @p3 [tilespmem:s15], [sflag:$0x4], $0x40, s14, s19, $0xb8;
	[tilespmem:$0x1DF98] =	vst v63  }
0x4ba: {  	s14 =	smov.u32 s9;
	_ =	swait.ge @p3 [sflag:s17], $0x2000  }
0x4bb: {  	s15 =	simm.s32 @!p3 $0x15B18;
	s14 =	simm.s32 @!p3 $0x0;
	[sflag:s17] =	ssyncset.done @p3 $0x0  }
0x4bc: {  	s9 =	simm.s32 @!p3 $0x80;
	[sflag:s17] =	ssyncadd.s32 @p3 $0xFFFFE000;
	s17 =	simm.s32 @!p3 $0x13B18  }
0x4bd: {  	[tilespmem:s15], [sflag:$0x1] =	stream.indirect.gather @!p3 [spmem:s25], $0x40, s17, s9, $0xb8;
	[tilespmem:$0x1DF98] =	vst v63  }
0x4be: {  	s15 =	sadd.s32 $0x13B98, s14;
	s9 =	smov.u32 s16  }
0x4bf: {  	[tilespmem:s12], [sflag:$0x2] =	stream.indirect.gather [spmem:s25], $0x40, s15, s11, $0xb8;
	[tilespmem:$0x1DF98] =	vst v63  }
0x4c0: {  	_ =	swait.ge [sflag:s28], $0x2000  }
0x4c1: {  	[sflag:s28] =	ssyncset.done $0x0  }
0x4c2: {  	s15 =	sadd.s32 $0x14B18, s14;
	[sflag:s28] =	ssyncadd.s32 $0xFFFFE000  }
0x4c3: {  	[spmem:s29] =	stream.indirect.scatter.add.f32 [tilespmem:s8], [sflag:$0x3], $0x40, s15, s11, $0xb8;
	[tilespmem:$0x1DF98] =	vst v63  }
0x4c4: {  	_ =	swait.ge [sflag:s2], $0x2000  }
0x4c5: {  	[sflag:s2] =	ssyncset.done $0x0  }
0x4c6: {  	s15 =	sadd.s32 $0x13C18, s14;
	[sflag:s2] =	ssyncadd.s32 $0xFFFFE000  }
0x4c7: {  	[tilespmem:s8], [sflag:$0x1] =	stream.indirect.gather [spmem:s25], $0x40, s15, s11, $0xb8;
	[tilespmem:$0x1DF98] =	vst v63  }
0x4c8: {  	_ =	swait.ge [sflag:s7], $0x2000  }
0x4c9: {  	[sflag:s7] =	ssyncset.done $0x0  }
0x4ca: {  	s15 =	sadd.s32 $0x14B98, s14;
	[sflag:s7] =	ssyncadd.s32 $0xFFFFE000  }
0x4cb: {  	[spmem:s29] =	stream.indirect.scatter.add.f32 [tilespmem:s12], [sflag:$0x4], $0x40, s15, s11, $0xb8;
	[tilespmem:$0x1DF98] =	vst v63  }
0x4cc: {  	_ =	swait.ge [sflag:s26], $0x2000  }
0x4cd: {  	[sflag:s26] =	ssyncset.done $0x0  }
0x4ce: {  	s15 =	sadd.s32 $0x13C98, s14;
	[sflag:s26] =	ssyncadd.s32 $0xFFFFE000  }
0x4cf: {  	[tilespmem:s12], [sflag:$0x2] =	stream.indirect.gather [spmem:s25], $0x40, s15, s11, $0xb8;
	[tilespmem:$0x1DF98] =	vst v63  }
0x4d0: {  	_ =	swait.ge [sflag:s28], $0x2000  }
0x4d1: {  	[sflag:s28] =	ssyncset.done $0x0  }
0x4d2: {  	s15 =	sadd.s32 $0x14C18, s14;
	[sflag:s28] =	ssyncadd.s32 $0xFFFFE000  }
0x4d3: {  	[spmem:s29] =	stream.indirect.scatter.add.f32 [tilespmem:s8], [sflag:$0x3], $0x40, s15, s11, $0xb8;
	[tilespmem:$0x1DF98] =	vst v63  }
0x4d4: {  	_ =	swait.ge [sflag:s2], $0x2000  }
0x4d5: {  	[sflag:s2] =	ssyncset.done $0x0  }
0x4d6: {  	s15 =	sadd.s32 $0x13D18, s14;
	[sflag:s2] =	ssyncadd.s32 $0xFFFFE000  }
0x4d7: {  	[tilespmem:s8], [sflag:$0x1] =	stream.indirect.gather [spmem:s25], $0x40, s15, s11, $0xb8;
	[tilespmem:$0x1DF98] =	vst v63  }
0x4d8: {  	_ =	swait.ge [sflag:s7], $0x2000  }
0x4d9: {  	[sflag:s7] =	ssyncset.done $0x0  }
0x4da: {  	s15 =	sadd.s32 $0x14C98, s14;
	[sflag:s7] =	ssyncadd.s32 $0xFFFFE000  }
0x4db: {  	[spmem:s29] =	stream.indirect.scatter.add.f32 [tilespmem:s12], [sflag:$0x4], $0x40, s15, s11, $0xb8;
	[tilespmem:$0x1DF98] =	vst v63  }
0x4dc: {  	_ =	swait.ge [sflag:s26], $0x2000  }
0x4dd: {  	[sflag:s26] =	ssyncset.done $0x0  }
0x4de: {  	s15 =	sadd.s32 $0x13D98, s14;
	[sflag:s26] =	ssyncadd.s32 $0xFFFFE000  }
0x4df: {  	[tilespmem:s12], [sflag:$0x2] =	stream.indirect.gather [spmem:s25], $0x40, s15, s11, $0xb8;
	[tilespmem:$0x1DF98] =	vst v63  }
0x4e0: {  	_ =	swait.ge [sflag:s28], $0x2000  }
0x4e1: {  	[sflag:s28] =	ssyncset.done $0x0  }
0x4e2: {  	s15 =	sadd.s32 $0x14D18, s14;
	[sflag:s28] =	ssyncadd.s32 $0xFFFFE000  }
0x4e3: {  	[spmem:s29] =	stream.indirect.scatter.add.f32 [tilespmem:s8], [sflag:$0x3], $0x40, s15, s11, $0xb8;
	[tilespmem:$0x1DF98] =	vst v63  }
0x4e4: {  	_ =	swait.ge [sflag:s2], $0x2000  }
0x4e5: {  	[sflag:s2] =	ssyncset.done $0x0  }
0x4e6: {  	s15 =	sadd.s32 $0x13E18, s14;
	[sflag:s2] =	ssyncadd.s32 $0xFFFFE000  }
0x4e7: {  	[tilespmem:s8], [sflag:$0x1] =	stream.indirect.gather [spmem:s25], $0x40, s15, s11, $0xb8;
	[tilespmem:$0x1DF98] =	vst v63  }
0x4e8: {  	_ =	swait.ge [sflag:s7], $0x2000  }
0x4e9: {  	[sflag:s7] =	ssyncset.done $0x0  }
0x4ea: {  	s15 =	sadd.s32 $0x14D98, s14;
	[sflag:s7] =	ssyncadd.s32 $0xFFFFE000  }
0x4eb: {  	[spmem:s29] =	stream.indirect.scatter.add.f32 [tilespmem:s12], [sflag:$0x4], $0x40, s15, s11, $0xb8;
	[tilespmem:$0x1DF98] =	vst v63  }
0x4ec: {  	_ =	swait.ge [sflag:s26], $0x2000  }
.Ltmp7:
0x4ed: {  	[sflag:s26] =	ssyncset.done $0x0;
	(pc) =	sbr.rel @p4 .LBB2_11-.Ltmp7, $4  }
0x4ee: {  	s13 =	sadd.s32 $0x13E98, s13;
	[sflag:s26] =	ssyncadd.s32 $0xFFFFE000  }
0x4ef: {  	[tilespmem:s12], [sflag:$0x2] =	stream.indirect.gather [spmem:s25], $0x40, s13, s11, $0xb8;
	[tilespmem:$0x1DF98] =	vst v63  }
0x4f0: {  	s30 =	sadd.s32 $0x1000, s30;
	_ =	swait.ge [sflag:s28], $0x2000  }
0x4f1: {  	p3 =	sne.s32 s9, $0x0;
	s13 =	sadd.s32 $0x14E18, s14;
	[sflag:s28] =	ssyncset.done $0x0  }
0x4f2: {  	s1 =	simm.s32 @p3 $0x3;
	[sflag:s28] =	ssyncadd.s32 $0xFFFFE000  }
0x4f3: {  	[spmem:s29] =	stream.indirect.scatter.add.f32 [tilespmem:s8], [sflag:$0x3], $0x40, s13, s11, $0xb8;
	[tilespmem:$0x1DF98] =	vst v63  }
0x4f4: {  	_ =	swait.ge @p3 [sflag:s1], $0x2000  }
0x4f5: {  	s14 =	simm.s32 @p3 $0x15B18;
	s13 =	sshra.s32 @p3 s30, $0x2;
	[sflag:s1] =	ssyncset.done @p3 $0x0  }
0x4f6: {  	s15 =	simm.s32 @p3 $0x80;
	[sflag:s1] =	ssyncadd.s32 @p3 $0xFFFFE000;
	s1 =	sadd.s32 @p3 $0x13B18, s13  }
0x4f7: {  	[tilespmem:s14], [sflag:$0x1] =	stream.indirect.gather @p3 [spmem:s25], $0x40, s1, s15, $0xb8;
	[tilespmem:$0x1DF98] =	vst v63  }
0x4f8: {  	s1 =	simm.s32 @p3 $0x2  }
0x4f9: {  	_ =	swait.ge @p3 [sflag:s1], $0x2000  }
0x4fa: {  	[sflag:s1] =	ssyncset.done @p3 $0x0  }
0x4fb: {  	s13 =	sadd.s32 @p3 $0x14A98, s13;
	[sflag:s1] =	ssyncadd.s32 @p3 $0xFFFFE000;
	s1 =	simm.s32 @p3 $0x19B18  }
0x4fc: {  	[spmem:s29] =	stream.indirect.scatter.add.f32 @p3 [tilespmem:s1], [sflag:$0x4], $0x40, s13, s15, $0xb8;
	[tilespmem:$0x1DF98] =	vst v63  }
0x4fd: {  	s1 =	simm.s32 @p3 $0x4  }
0x4fe: {  	_ =	swait.ge @p3 [sflag:s1], $0x2000  }
0x4ff: {  	s9 =	simm.s32 @!p3 $0x0;
	s14 =	simm.s32 @!p3 $0x13B18;
	[sflag:s1] =	ssyncset.done @p3 $0x0  }
0x500: {  	s13 =	simm.s32 @!p3 $0x15B18;
	[sflag:s1] =	ssyncadd.s32 @p3 $0xFFFFE000;
	s1 =	simm.s32 @!p3 $0x80  }
0x501: {  	[tilespmem:s13], [sflag:$0x1] =	stream.indirect.gather @!p3 [spmem:s25], $0x40, s14, s1, $0xb8;
	[tilespmem:$0x1DF98] =	vst v63  }
0x502: {  	s16 =	sadd.s32 $0x13B98, s9  }
0x503: {  	[tilespmem:s12], [sflag:$0x2] =	stream.indirect.gather [spmem:s25], $0x40, s16, s11, $0xb8;
	[tilespmem:$0x1DF98] =	vst v63  }
0x504: {  	_ =	swait.ge [sflag:s28], $0x2000  }
0x505: {  	[sflag:s28] =	ssyncset.done $0x0  }
0x506: {  	s17 =	sadd.s32 $0x14B18, s9;
	[sflag:s28] =	ssyncadd.s32 $0xFFFFE000  }
0x507: {  	[spmem:s29] =	stream.indirect.scatter.add.f32 [tilespmem:s8], [sflag:$0x3], $0x40, s17, s11, $0xb8;
	[tilespmem:$0x1DF98] =	vst v63  }
0x508: {  	_ =	swait.ge [sflag:s2], $0x2000  }
0x509: {  	[sflag:s2] =	ssyncset.done $0x0  }
0x50a: {  	s18 =	sadd.s32 $0x13C18, s9;
	[sflag:s2] =	ssyncadd.s32 $0xFFFFE000  }
0x50b: {  	[tilespmem:s8], [sflag:$0x1] =	stream.indirect.gather [spmem:s25], $0x40, s18, s11, $0xb8;
	[tilespmem:$0x1DF98] =	vst v63  }
0x50c: {  	_ =	swait.ge [sflag:s7], $0x2000  }
0x50d: {  	[sflag:s7] =	ssyncset.done $0x0  }
0x50e: {  	s19 =	sadd.s32 $0x14B98, s9;
	[sflag:s7] =	ssyncadd.s32 $0xFFFFE000  }
0x50f: {  	[spmem:s29] =	stream.indirect.scatter.add.f32 [tilespmem:s12], [sflag:$0x4], $0x40, s19, s11, $0xb8;
	[tilespmem:$0x1DF98] =	vst v63  }
0x510: {  	_ =	swait.ge [sflag:s26], $0x2000  }
0x511: {  	[sflag:s26] =	ssyncset.done $0x0  }
0x512: {  	s13 =	sadd.s32 $0x13C98, s9;
	[sflag:s26] =	ssyncadd.s32 $0xFFFFE000  }
0x513: {  	[tilespmem:s12], [sflag:$0x2] =	stream.indirect.gather [spmem:s25], $0x40, s13, s11, $0xb8;
	[tilespmem:$0x1DF98] =	vst v63  }
0x514: {  	_ =	swait.ge [sflag:s28], $0x2000  }
0x515: {  	[sflag:s28] =	ssyncset.done $0x0  }
0x516: {  	s14 =	sadd.s32 $0x14C18, s9;
	[sflag:s28] =	ssyncadd.s32 $0xFFFFE000  }
0x517: {  	[spmem:s29] =	stream.indirect.scatter.add.f32 [tilespmem:s8], [sflag:$0x3], $0x40, s14, s11, $0xb8;
	[tilespmem:$0x1DF98] =	vst v63  }
0x518: {  	_ =	swait.ge [sflag:s2], $0x2000  }
0x519: {  	[sflag:s2] =	ssyncset.done $0x0  }
0x51a: {  	s15 =	sadd.s32 $0x13D18, s9;
	[sflag:s2] =	ssyncadd.s32 $0xFFFFE000  }
0x51b: {  	[tilespmem:s8], [sflag:$0x1] =	stream.indirect.gather [spmem:s25], $0x40, s15, s11, $0xb8;
	[tilespmem:$0x1DF98] =	vst v63  }
0x51c: {  	_ =	swait.ge [sflag:s7], $0x2000  }
0x51d: {  	[sflag:s7] =	ssyncset.done $0x0  }
0x51e: {  	s16 =	sadd.s32 $0x14C98, s9;
	[sflag:s7] =	ssyncadd.s32 $0xFFFFE000  }
0x51f: {  	[spmem:s29] =	stream.indirect.scatter.add.f32 [tilespmem:s12], [sflag:$0x4], $0x40, s16, s11, $0xb8;
	[tilespmem:$0x1DF98] =	vst v63  }
0x520: {  	_ =	swait.ge [sflag:s26], $0x2000  }
0x521: {  	[sflag:s26] =	ssyncset.done $0x0  }
0x522: {  	s17 =	sadd.s32 $0x13D98, s9;
	[sflag:s26] =	ssyncadd.s32 $0xFFFFE000  }
0x523: {  	[tilespmem:s12], [sflag:$0x2] =	stream.indirect.gather [spmem:s25], $0x40, s17, s11, $0xb8;
	[tilespmem:$0x1DF98] =	vst v63  }
0x524: {  	_ =	swait.ge [sflag:s28], $0x2000  }
0x525: {  	[sflag:s28] =	ssyncset.done $0x0  }
0x526: {  	s18 =	sadd.s32 $0x14D18, s9;
	[sflag:s28] =	ssyncadd.s32 $0xFFFFE000  }
0x527: {  	[spmem:s29] =	stream.indirect.scatter.add.f32 [tilespmem:s8], [sflag:$0x3], $0x40, s18, s11, $0xb8;
	[tilespmem:$0x1DF98] =	vst v63  }
0x528: {  	_ =	swait.ge [sflag:s2], $0x2000  }
0x529: {  	[sflag:s2] =	ssyncset.done $0x0  }
0x52a: {  	s19 =	sadd.s32 $0x13E18, s9;
	[sflag:s2] =	ssyncadd.s32 $0xFFFFE000  }
0x52b: {  	[tilespmem:s8], [sflag:$0x1] =	stream.indirect.gather [spmem:s25], $0x40, s19, s11, $0xb8;
	[tilespmem:$0x1DF98] =	vst v63  }
0x52c: {  	_ =	swait.ge [sflag:s7], $0x2000  }
0x52d: {  	[sflag:s7] =	ssyncset.done $0x0  }
0x52e: {  	s13 =	sadd.s32 $0x14D98, s9;
	[sflag:s7] =	ssyncadd.s32 $0xFFFFE000  }
0x52f: {  	[spmem:s29] =	stream.indirect.scatter.add.f32 [tilespmem:s12], [sflag:$0x4], $0x40, s13, s11, $0xb8;
	[tilespmem:$0x1DF98] =	vst v63  }
0x530: {  	s30 =	simm.s32 @!p3 $0x0;
	_ =	swait.ge [sflag:s26], $0x2000  }
0x531: {  	s14 =	sshra.s32 s30, $0x2;
	[sflag:s26] =	ssyncset.done $0x0  }
0x532: {  	s1 =	sadd.s32 $0x13E98, s14;
	[sflag:s26] =	ssyncadd.s32 $0xFFFFE000  }
0x533: {  	[tilespmem:s12], [sflag:$0x2] =	stream.indirect.gather [spmem:s25], $0x40, s1, s11, $0xb8;
	[tilespmem:$0x1DF98] =	vst v63  }
0x534: {  	_ =	swait.ge [sflag:s28], $0x2000  }
0x535: {  	[sflag:s28] =	ssyncset.done $0x0  }
0x536: {  	s15 =	sadd.s32 $0x14E18, s9;
	[sflag:s28] =	ssyncadd.s32 $0xFFFFE000  }
0x537: {  	[spmem:s29] =	stream.indirect.scatter.add.f32 [tilespmem:s8], [sflag:$0x3], $0x40, s15, s11, $0xb8;
	[tilespmem:$0x1DF98] =	vst v63  }
0x538: {  	_ =	swait.ge [sflag:s7], $0x2000  }
0x539: {  	[sflag:s7] =	ssyncset.done $0x0  }
0x53a: {  	s16 =	simm.s32 $0x15A98;
	[sflag:s7] =	ssyncadd.s32 $0xFFFFE000  }
0x53b: {  	[spmem:s29] =	stream.indirect.scatter.add.f32 [tilespmem:s12], [sflag:$0x4], $0x40, s16, s11, $0xb8;
	[tilespmem:$0x1DF98] =	vst v63  }
0x53c: {  	_ =	swait.ge [sflag:s2], $0x2000  }
0x53d: {  	[sflag:s2] =	ssyncset.done $0x0  }
0x53e: {  	[sflag:s2] =	ssyncadd.s32 $0xFFFFE000  }
0x53f: {  	_ =	swait.ge [sflag:s26], $0x2000  }
0x540: {  	s17 =	sld [smem:$0x7F3]  }
0x541: {  	[sflag:s26] =	ssyncset.done $0x0  }
0x542: {  	[sflag:s26] =	ssyncadd.s32 $0xFFFFE000  }
0x543: {  	[spmem:s31] =	stream.indirect.scatter.add.f32 [tilespmem:s5], [sflag:$0x5], $0x1, s17, s11, $0xb8;
	[tilespmem:$0x1DF98] =	vst v63  }
0x544: {  	_ =	swait.ge [sflag:s6], $0x80  }
0x545: {  	s18 =	sld [smem:$0x7F4]  }
0x546: {  	[sflag:s6] =	ssyncset.done $0x0  }
0x547: {  	[sflag:s6] =	ssyncadd.s32 $0xFFFFFF80  }
0x548: {  	[spmem:s31] =	stream.indirect.scatter.add.f32 [tilespmem:s5], [sflag:$0x5], $0x1, s18, s11, $0xb8;
	[tilespmem:$0x1DF98] =	vst v63  }
0x549: {  	_ =	swait.ge [sflag:s6], $0x80  }
0x54a: {  	s19 =	sld [smem:$0x7F5]  }
0x54b: {  	[sflag:s6] =	ssyncset.done $0x0  }
0x54c: {  	[sflag:s6] =	ssyncadd.s32 $0xFFFFFF80  }
0x54d: {  	[spmem:s31] =	stream.indirect.scatter.add.f32 [tilespmem:s5], [sflag:$0x5], $0x1, s19, s11, $0xb8;
	[tilespmem:$0x1DF98] =	vst v63  }
0x54e: {  	_ =	swait.ge [sflag:s6], $0x80  }
0x54f: {  	s9 =	sld [smem:$0x7F6]  }
0x550: {  	[sflag:s6] =	ssyncset.done $0x0  }
0x551: {  	[sflag:s6] =	ssyncadd.s32 $0xFFFFFF80  }
0x552: {  	[spmem:s31] =	stream.indirect.scatter.add.f32 [tilespmem:s5], [sflag:$0x5], $0x1, s9, s11, $0xb8;
	[tilespmem:$0x1DF98] =	vst v63  }
0x553: {  	_ =	swait.ge [sflag:s6], $0x80  }
0x554: {  	s13 =	sld [smem:$0x7F7]  }
0x555: {  	[sflag:s6] =	ssyncset.done $0x0  }
0x556: {  	[sflag:s6] =	ssyncadd.s32 $0xFFFFFF80  }
0x557: {  	[spmem:s31] =	stream.indirect.scatter.add.f32 [tilespmem:s5], [sflag:$0x5], $0x1, s13, s11, $0xb8;
	[tilespmem:$0x1DF98] =	vst v63  }
0x558: {  	_ =	swait.ge [sflag:s6], $0x80  }
0x559: {  	s14 =	sld [smem:$0x7F8]  }
0x55a: {  	[sflag:s6] =	ssyncset.done $0x0  }
0x55b: {  	[sflag:s6] =	ssyncadd.s32 $0xFFFFFF80  }
0x55c: {  	[spmem:s31] =	stream.indirect.scatter.add.f32 [tilespmem:s5], [sflag:$0x5], $0x1, s14, s11, $0xb8;
	[tilespmem:$0x1DF98] =	vst v63  }
0x55d: {  	_ =	swait.ge [sflag:s6], $0x80  }
0x55e: {  	s15 =	sld [smem:$0x7F9]  }
0x55f: {  	[sflag:s6] =	ssyncset.done $0x0  }
0x560: {  	[sflag:s6] =	ssyncadd.s32 $0xFFFFFF80  }
0x561: {  	[spmem:s31] =	stream.indirect.scatter.add.f32 [tilespmem:s5], [sflag:$0x5], $0x1, s15, s11, $0xb8;
	[tilespmem:$0x1DF98] =	vst v63  }
0x562: {  	_ =	swait.ge [sflag:s6], $0x80  }
0x563: {  	s16 =	sld [smem:$0x7FA]  }
0x564: {  	[sflag:s6] =	ssyncset.done $0x0  }
0x565: {  	[sflag:s6] =	ssyncadd.s32 $0xFFFFFF80  }
0x566: {  	[spmem:s31] =	stream.indirect.scatter.add.f32 [tilespmem:s5], [sflag:$0x5], $0x1, s16, s11, $0xb8;
	[tilespmem:$0x1DF98] =	vst v63  }
0x567: {  	_ =	swait.ge [sflag:s6], $0x80  }
0x568: {  	s17 =	sld [smem:$0x7FB]  }
0x569: {  	[sflag:s6] =	ssyncset.done $0x0  }
0x56a: {  	[sflag:s6] =	ssyncadd.s32 $0xFFFFFF80  }
0x56b: {  	[spmem:s31] =	stream.indirect.scatter.add.f32 [tilespmem:s5], [sflag:$0x5], $0x1, s17, s11, $0xb8;
	[tilespmem:$0x1DF98] =	vst v63  }
0x56c: {  	_ =	swait.ge [sflag:s6], $0x80  }
0x56d: {  	[sflag:s6] =	ssyncset.done $0x0  }
0x56e: {  	[sflag:s6] =	ssyncadd.s32 $0xFFFFFF80  }
0x56f: {  	[spmem:s31] =	stream.indirect.scatter.add.f32 [tilespmem:s5], [sflag:$0x5], $0x1, s20, s11, $0xb8;
	[tilespmem:$0x1DF98] =	vst v63  }
0x570: {  	_ =	swait.ge [sflag:s6], $0x80  }
0x571: {  	[sflag:s6] =	ssyncset.done $0x0  }
0x572: {  	[sflag:s6] =	ssyncadd.s32 $0xFFFFFF80  }
0x573: {  	[spmem:s31] =	stream.indirect.scatter.add.f32 [tilespmem:s5], [sflag:$0x5], $0x1, s21, s11, $0xb8;
	[tilespmem:$0x1DF98] =	vst v63  }
0x574: {  	_ =	swait.ge [sflag:s6], $0x80  }
0x575: {  	[sflag:s6] =	ssyncset.done $0x0  }
0x576: {  	[sflag:s6] =	ssyncadd.s32 $0xFFFFFF80  }
0x577: {  	[spmem:s31] =	stream.indirect.scatter.add.f32 [tilespmem:s5], [sflag:$0x5], $0x1, s22, s11, $0xb8;
	[tilespmem:$0x1DF98] =	vst v63  }
0x578: {  	_ =	swait.ge [sflag:s6], $0x80  }
0x579: {  	[sflag:s6] =	ssyncset.done $0x0  }
0x57a: {  	[sflag:s6] =	ssyncadd.s32 $0xFFFFFF80  }
0x57b: {  	[spmem:s31] =	stream.indirect.scatter.add.f32 [tilespmem:s5], [sflag:$0x5], $0x1, s23, s11, $0xb8;
	[tilespmem:$0x1DF98] =	vst v63  }
0x57c: {  	_ =	swait.ge [sflag:s6], $0x80  }
0x57d: {  	[sflag:s6] =	ssyncset.done $0x0  }
0x57e: {  	[sflag:s6] =	ssyncadd.s32 $0xFFFFFF80  }
0x57f: {  	[spmem:s31] =	stream.indirect.scatter.add.f32 [tilespmem:s5], [sflag:$0x5], $0x1, s24, s11, $0xb8;
	[tilespmem:$0x1DF98] =	vst v63  }
0x580: {  	_ =	swait.ge [sflag:s6], $0x80  }
0x581: {  	[sflag:s6] =	ssyncset.done $0x0  }
0x582: {  	[sflag:s6] =	ssyncadd.s32 $0xFFFFFF80  }
0x583: {  	[spmem:s31] =	stream.indirect.scatter.add.f32 [tilespmem:s5], [sflag:$0x5], $0x1, s3, s11, $0xb8;
	[tilespmem:$0x1DF98] =	vst v63  }
0x584: {  	_ =	swait.ge [sflag:s6], $0x80  }
0x585: {  	[sflag:s6] =	ssyncset.done $0x0  }
0x586: {  	[sflag:s6] =	ssyncadd.s32 $0xFFFFFF80  }
0x587: {  	[spmem:s31] =	stream.indirect.scatter.add.f32 [tilespmem:s5], [sflag:$0x5], $0x1, s4, s11, $0xb8;
	[tilespmem:$0x1DF98] =	vst v63  }
0x588: {  	_ =	swait.ge [sflag:s6], $0x80  }
0x589: {  	s19 =	simm.s32 $0x13B18;
	[sflag:s6] =	ssyncset.done $0x0  }
0x58a: {  	s13 =	simm.s32 $0x0;
	s18 =	rddreg [dreg:$0x10];
	[sflag:s6] =	ssyncadd.s32 $0xFFFFFF80  }
0x58b: {  	[tilespmem:s19], [sflag:$0x5] =	stream.linear.gather [hbm4b:s18+s13], $0x1000, $0x38;
	[tilespmem:$0x1DF98] =	vst v63  }
0x58c: {  	_ =	swait.ge [sflag:s6], $0x1000  }
0x58d: {  	[sflag:s6] =	ssyncset.done $0x0  }
0x58e: {  	s14 =	simm.s32 $0x14B18;
	s9 =	rddreg [dreg:$0x11];
	[sflag:s6] =	ssyncadd.s32 $0xFFFFF000  }
0x58f: {  	[tilespmem:s14], [sflag:$0x5] =	stream.linear.gather [hbm4b:s9+s13], $0x1000, $0x38;
	[tilespmem:$0x1DF98] =	vst v63  }
0x590: {  	_ =	swait.ge [sflag:s6], $0x1000  }
0x591: {  	p3 =	por $0x0, $0x0;
	[sflag:s6] =	ssyncset.done $0x0  }
0x592: {  	s1 =	simm.s32 @p3 $0x3;
	[sflag:s6] =	ssyncadd.s32 $0xFFFFF000  }
0x593: {  	_ =	swait.ge @p3 [sflag:s1], $0x2000  }
0x594: {  	s9 =	simm.s32 @p3 $0x15B18;
	[sflag:s1] =	ssyncset.done @p3 $0x0  }
0x595: {  	s14 =	simm.s32 @p3 $0x80;
	[sflag:s1] =	ssyncadd.s32 @p3 $0xFFFFE000;
	s1 =	simm.s32 @p3 $0x13B18  }
0x596: {  	[tilespmem:s9], [sflag:$0x1] =	stream.indirect.gather @p3 [spmem:s25], $0x40, s1, s14, $0xb8;
	[tilespmem:$0x1DF98] =	vst v63  }
0x597: {  	s1 =	simm.s32 @p3 $0x2  }
0x598: {  	_ =	swait.ge @p3 [sflag:s1], $0x2000  }
0x599: {  	[sflag:s1] =	ssyncset.done @p3 $0x0  }
0x59a: {  	s9 =	simm.s32 @p3 $0x14A98;
	[sflag:s1] =	ssyncadd.s32 @p3 $0xFFFFE000;
	s1 =	simm.s32 @p3 $0x19B18  }
0x59b: {  	[spmem:s29] =	stream.indirect.scatter.add.f32 @p3 [tilespmem:s1], [sflag:$0x4], $0x40, s9, s14, $0xb8;
	[tilespmem:$0x1DF98] =	vst v63  }
0x59c: {  	s1 =	simm.s32 @p3 $0x4  }
0x59d: {  	_ =	swait.ge @p3 [sflag:s1], $0x2000  }
0x59e: {  	s13 =	simm.s32 @!p3 $0x0;
	s9 =	simm.s32 @!p3 $0x15B18;
	[sflag:s1] =	ssyncset.done @p3 $0x0  }
0x59f: {  	s14 =	simm.s32 @!p3 $0x13B18;
	[sflag:s1] =	ssyncadd.s32 @p3 $0xFFFFE000;
	s1 =	simm.s32 @!p3 $0x80  }
0x5a0: {  	[tilespmem:s9], [sflag:$0x1] =	stream.indirect.gather @!p3 [spmem:s25], $0x40, s14, s1, $0xb8;
	[tilespmem:$0x1DF98] =	vst v63  }
0x5a1: {  	s15 =	sadd.s32 $0x13B98, s13  }
0x5a2: {  	[tilespmem:s12], [sflag:$0x2] =	stream.indirect.gather [spmem:s25], $0x40, s15, s11, $0xb8;
	[tilespmem:$0x1DF98] =	vst v63  }
0x5a3: {  	_ =	swait.ge [sflag:s28], $0x2000  }
0x5a4: {  	[sflag:s28] =	ssyncset.done $0x0  }
0x5a5: {  	s16 =	sadd.s32 $0x14B18, s13;
	[sflag:s28] =	ssyncadd.s32 $0xFFFFE000  }
0x5a6: {  	[spmem:s29] =	stream.indirect.scatter.add.f32 [tilespmem:s8], [sflag:$0x3], $0x40, s16, s11, $0xb8;
	[tilespmem:$0x1DF98] =	vst v63  }
0x5a7: {  	_ =	swait.ge [sflag:s2], $0x2000  }
0x5a8: {  	[sflag:s2] =	ssyncset.done $0x0  }
0x5a9: {  	s17 =	sadd.s32 $0x13C18, s13;
	[sflag:s2] =	ssyncadd.s32 $0xFFFFE000  }
0x5aa: {  	[tilespmem:s8], [sflag:$0x1] =	stream.indirect.gather [spmem:s25], $0x40, s17, s11, $0xb8;
	[tilespmem:$0x1DF98] =	vst v63  }
0x5ab: {  	_ =	swait.ge [sflag:s7], $0x2000  }
0x5ac: {  	[sflag:s7] =	ssyncset.done $0x0  }
0x5ad: {  	s18 =	sadd.s32 $0x14B98, s13;
	[sflag:s7] =	ssyncadd.s32 $0xFFFFE000  }
0x5ae: {  	[spmem:s29] =	stream.indirect.scatter.add.f32 [tilespmem:s12], [sflag:$0x4], $0x40, s18, s11, $0xb8;
	[tilespmem:$0x1DF98] =	vst v63  }
0x5af: {  	_ =	swait.ge [sflag:s26], $0x2000  }
0x5b0: {  	[sflag:s26] =	ssyncset.done $0x0  }
0x5b1: {  	s19 =	sadd.s32 $0x13C98, s13;
	[sflag:s26] =	ssyncadd.s32 $0xFFFFE000  }
0x5b2: {  	[tilespmem:s12], [sflag:$0x2] =	stream.indirect.gather [spmem:s25], $0x40, s19, s11, $0xb8;
	[tilespmem:$0x1DF98] =	vst v63  }
0x5b3: {  	_ =	swait.ge [sflag:s28], $0x2000  }
0x5b4: {  	[sflag:s28] =	ssyncset.done $0x0  }
0x5b5: {  	s9 =	sadd.s32 $0x14C18, s13;
	[sflag:s28] =	ssyncadd.s32 $0xFFFFE000  }
0x5b6: {  	[spmem:s29] =	stream.indirect.scatter.add.f32 [tilespmem:s8], [sflag:$0x3], $0x40, s9, s11, $0xb8;
	[tilespmem:$0x1DF98] =	vst v63  }
0x5b7: {  	_ =	swait.ge [sflag:s2], $0x2000  }
0x5b8: {  	[sflag:s2] =	ssyncset.done $0x0  }
0x5b9: {  	s14 =	sadd.s32 $0x13D18, s13;
	[sflag:s2] =	ssyncadd.s32 $0xFFFFE000  }
0x5ba: {  	[tilespmem:s8], [sflag:$0x1] =	stream.indirect.gather [spmem:s25], $0x40, s14, s11, $0xb8;
	[tilespmem:$0x1DF98] =	vst v63  }
0x5bb: {  	_ =	swait.ge [sflag:s7], $0x2000  }
0x5bc: {  	[sflag:s7] =	ssyncset.done $0x0  }
0x5bd: {  	s15 =	sadd.s32 $0x14C98, s13;
	[sflag:s7] =	ssyncadd.s32 $0xFFFFE000  }
0x5be: {  	[spmem:s29] =	stream.indirect.scatter.add.f32 [tilespmem:s12], [sflag:$0x4], $0x40, s15, s11, $0xb8;
	[tilespmem:$0x1DF98] =	vst v63  }
0x5bf: {  	_ =	swait.ge [sflag:s26], $0x2000  }
0x5c0: {  	[sflag:s26] =	ssyncset.done $0x0  }
0x5c1: {  	s16 =	sadd.s32 $0x13D98, s13;
	[sflag:s26] =	ssyncadd.s32 $0xFFFFE000  }
0x5c2: {  	[tilespmem:s12], [sflag:$0x2] =	stream.indirect.gather [spmem:s25], $0x40, s16, s11, $0xb8;
	[tilespmem:$0x1DF98] =	vst v63  }
0x5c3: {  	_ =	swait.ge [sflag:s28], $0x2000  }
0x5c4: {  	[sflag:s28] =	ssyncset.done $0x0  }
0x5c5: {  	s17 =	sadd.s32 $0x14D18, s13;
	[sflag:s28] =	ssyncadd.s32 $0xFFFFE000  }
0x5c6: {  	[spmem:s29] =	stream.indirect.scatter.add.f32 [tilespmem:s8], [sflag:$0x3], $0x40, s17, s11, $0xb8;
	[tilespmem:$0x1DF98] =	vst v63  }
0x5c7: {  	_ =	swait.ge [sflag:s2], $0x2000  }
0x5c8: {  	[sflag:s2] =	ssyncset.done $0x0  }
0x5c9: {  	s18 =	sadd.s32 $0x13E18, s13;
	[sflag:s2] =	ssyncadd.s32 $0xFFFFE000  }
0x5ca: {  	[tilespmem:s8], [sflag:$0x1] =	stream.indirect.gather [spmem:s25], $0x40, s18, s11, $0xb8;
	[tilespmem:$0x1DF98] =	vst v63  }
0x5cb: {  	_ =	swait.ge [sflag:s7], $0x2000  }
0x5cc: {  	[sflag:s7] =	ssyncset.done $0x0  }
0x5cd: {  	s1 =	simm.s32 $0x0;
	s19 =	sadd.s32 $0x14D98, s13;
	[sflag:s7] =	ssyncadd.s32 $0xFFFFE000  }
0x5ce: {  	[spmem:s29] =	stream.indirect.scatter.add.f32 [tilespmem:s12], [sflag:$0x4], $0x40, s19, s11, $0xb8;
	[tilespmem:$0x1DF98] =	vst v63  }
0x5cf: {  	s1 =	simm.s32 @!p3 $0x0;
	_ =	swait.ge [sflag:s26], $0x2000  }
0x5d0: {  	s1 =	sshra.s32 s1, $0x2;
	[sflag:s26] =	ssyncset.done $0x0  }
0x5d1: {  	s30 =	simm.s32 $0x1000;
	s1 =	sadd.s32 $0x13E98, s1;
	[sflag:s26] =	ssyncadd.s32 $0xFFFFE000  }
0x5d2: {  	[tilespmem:s12], [sflag:$0x2] =	stream.indirect.gather [spmem:s25], $0x40, s1, s11, $0xb8;
	[tilespmem:$0x1DF98] =	vst v63  }
0x5d3: {  	p3 =	por $0x1, $0x1;
	s13 =	sadd.s32 $0x14E18, s13;
	_ =	swait.ge [sflag:s28], $0x2000  }
0x5d4: {  	s9 =	simm.s32 $0x400;
	s1 =	simm.s32 $0x800;
	[sflag:s28] =	ssyncset.done $0x0  }
.LBB2_13:
0x5d5: {  	s14 =	simm.s32 @p3 $0x3;
	s15 =	smov.u32 s30  }
0x5d6: {  	[sflag:s28] =	ssyncadd.s32 $0xFFFFE000;
	s16 =	smov.u32 s1;
	s15 =	simm.s32 @!p3 $0x0  }
0x5d7: {  	[spmem:s29] =	stream.indirect.scatter.add.f32 [tilespmem:s8], [sflag:$0x3], $0x40, s13, s11, $0xb8;
	[tilespmem:$0x1DF98] =	vst v63  }
0x5d8: {  	s17 =	simm.s32 @p3 $0x2;
	s13 =	sshra.s32 s15, $0x2;
	_ =	swait.ge @p3 [sflag:s14], $0x2000  }
0x5d9: {  	s18 =	simm.s32 @p3 $0x15B18;
	s15 =	sshra.s32 @p3 s30, $0x2;
	[sflag:s14] =	ssyncset.done @p3 $0x0  }
0x5da: {  	s19 =	simm.s32 @p3 $0x80;
	[sflag:s14] =	ssyncadd.s32 @p3 $0xFFFFE000;
	s14 =	sadd.s32 @p3 $0x13B18, s15  }
0x5db: {  	[tilespmem:s18], [sflag:$0x1] =	stream.indirect.gather @p3 [spmem:s25], $0x40, s14, s19, $0xb8;
	[tilespmem:$0x1DF98] =	vst v63  }
0x5dc: {  	s1 =	sadd.s32 $0x400, s1;
	s14 =	sadd.s32 @p3 $0x14A98, s15;
	_ =	swait.ge @p3 [sflag:s17], $0x2000  }
0x5dd: {  	p4 =	sne.s32 s1, $0x1000;
	[sflag:s17] =	ssyncset.done @p3 $0x0  }
0x5de: {  	s15 =	simm.s32 @p3 $0x19B18;
	[sflag:s17] =	ssyncadd.s32 @p3 $0xFFFFE000;
	s17 =	simm.s32 @p3 $0x4  }
0x5df: {  	[spmem:s29] =	stream.indirect.scatter.add.f32 @p3 [tilespmem:s15], [sflag:$0x4], $0x40, s14, s19, $0xb8;
	[tilespmem:$0x1DF98] =	vst v63  }
0x5e0: {  	s14 =	smov.u32 s9;
	_ =	swait.ge @p3 [sflag:s17], $0x2000  }
0x5e1: {  	s15 =	simm.s32 @!p3 $0x15B18;
	s14 =	simm.s32 @!p3 $0x0;
	[sflag:s17] =	ssyncset.done @p3 $0x0  }
0x5e2: {  	s9 =	simm.s32 @!p3 $0x80;
	[sflag:s17] =	ssyncadd.s32 @p3 $0xFFFFE000;
	s17 =	simm.s32 @!p3 $0x13B18  }
0x5e3: {  	[tilespmem:s15], [sflag:$0x1] =	stream.indirect.gather @!p3 [spmem:s25], $0x40, s17, s9, $0xb8;
	[tilespmem:$0x1DF98] =	vst v63  }
0x5e4: {  	s15 =	sadd.s32 $0x13B98, s14;
	s9 =	smov.u32 s16  }
0x5e5: {  	[tilespmem:s12], [sflag:$0x2] =	stream.indirect.gather [spmem:s25], $0x40, s15, s11, $0xb8;
	[tilespmem:$0x1DF98] =	vst v63  }
0x5e6: {  	_ =	swait.ge [sflag:s28], $0x2000  }
0x5e7: {  	[sflag:s28] =	ssyncset.done $0x0  }
0x5e8: {  	s15 =	sadd.s32 $0x14B18, s14;
	[sflag:s28] =	ssyncadd.s32 $0xFFFFE000  }
0x5e9: {  	[spmem:s29] =	stream.indirect.scatter.add.f32 [tilespmem:s8], [sflag:$0x3], $0x40, s15, s11, $0xb8;
	[tilespmem:$0x1DF98] =	vst v63  }
0x5ea: {  	_ =	swait.ge [sflag:s2], $0x2000  }
0x5eb: {  	[sflag:s2] =	ssyncset.done $0x0  }
0x5ec: {  	s15 =	sadd.s32 $0x13C18, s14;
	[sflag:s2] =	ssyncadd.s32 $0xFFFFE000  }
0x5ed: {  	[tilespmem:s8], [sflag:$0x1] =	stream.indirect.gather [spmem:s25], $0x40, s15, s11, $0xb8;
	[tilespmem:$0x1DF98] =	vst v63  }
0x5ee: {  	_ =	swait.ge [sflag:s7], $0x2000  }
0x5ef: {  	[sflag:s7] =	ssyncset.done $0x0  }
0x5f0: {  	s15 =	sadd.s32 $0x14B98, s14;
	[sflag:s7] =	ssyncadd.s32 $0xFFFFE000  }
0x5f1: {  	[spmem:s29] =	stream.indirect.scatter.add.f32 [tilespmem:s12], [sflag:$0x4], $0x40, s15, s11, $0xb8;
	[tilespmem:$0x1DF98] =	vst v63  }
0x5f2: {  	_ =	swait.ge [sflag:s26], $0x2000  }
0x5f3: {  	[sflag:s26] =	ssyncset.done $0x0  }
0x5f4: {  	s15 =	sadd.s32 $0x13C98, s14;
	[sflag:s26] =	ssyncadd.s32 $0xFFFFE000  }
0x5f5: {  	[tilespmem:s12], [sflag:$0x2] =	stream.indirect.gather [spmem:s25], $0x40, s15, s11, $0xb8;
	[tilespmem:$0x1DF98] =	vst v63  }
0x5f6: {  	_ =	swait.ge [sflag:s28], $0x2000  }
0x5f7: {  	[sflag:s28] =	ssyncset.done $0x0  }
0x5f8: {  	s15 =	sadd.s32 $0x14C18, s14;
	[sflag:s28] =	ssyncadd.s32 $0xFFFFE000  }
0x5f9: {  	[spmem:s29] =	stream.indirect.scatter.add.f32 [tilespmem:s8], [sflag:$0x3], $0x40, s15, s11, $0xb8;
	[tilespmem:$0x1DF98] =	vst v63  }
0x5fa: {  	_ =	swait.ge [sflag:s2], $0x2000  }
0x5fb: {  	[sflag:s2] =	ssyncset.done $0x0  }
0x5fc: {  	s15 =	sadd.s32 $0x13D18, s14;
	[sflag:s2] =	ssyncadd.s32 $0xFFFFE000  }
0x5fd: {  	[tilespmem:s8], [sflag:$0x1] =	stream.indirect.gather [spmem:s25], $0x40, s15, s11, $0xb8;
	[tilespmem:$0x1DF98] =	vst v63  }
0x5fe: {  	_ =	swait.ge [sflag:s7], $0x2000  }
0x5ff: {  	[sflag:s7] =	ssyncset.done $0x0  }
0x600: {  	s15 =	sadd.s32 $0x14C98, s14;
	[sflag:s7] =	ssyncadd.s32 $0xFFFFE000  }
0x601: {  	[spmem:s29] =	stream.indirect.scatter.add.f32 [tilespmem:s12], [sflag:$0x4], $0x40, s15, s11, $0xb8;
	[tilespmem:$0x1DF98] =	vst v63  }
0x602: {  	_ =	swait.ge [sflag:s26], $0x2000  }
0x603: {  	[sflag:s26] =	ssyncset.done $0x0  }
0x604: {  	s15 =	sadd.s32 $0x13D98, s14;
	[sflag:s26] =	ssyncadd.s32 $0xFFFFE000  }
0x605: {  	[tilespmem:s12], [sflag:$0x2] =	stream.indirect.gather [spmem:s25], $0x40, s15, s11, $0xb8;
	[tilespmem:$0x1DF98] =	vst v63  }
0x606: {  	_ =	swait.ge [sflag:s28], $0x2000  }
0x607: {  	[sflag:s28] =	ssyncset.done $0x0  }
0x608: {  	s15 =	sadd.s32 $0x14D18, s14;
	[sflag:s28] =	ssyncadd.s32 $0xFFFFE000  }
0x609: {  	[spmem:s29] =	stream.indirect.scatter.add.f32 [tilespmem:s8], [sflag:$0x3], $0x40, s15, s11, $0xb8;
	[tilespmem:$0x1DF98] =	vst v63  }
0x60a: {  	_ =	swait.ge [sflag:s2], $0x2000  }
0x60b: {  	[sflag:s2] =	ssyncset.done $0x0  }
0x60c: {  	s15 =	sadd.s32 $0x13E18, s14;
	[sflag:s2] =	ssyncadd.s32 $0xFFFFE000  }
0x60d: {  	[tilespmem:s8], [sflag:$0x1] =	stream.indirect.gather [spmem:s25], $0x40, s15, s11, $0xb8;
	[tilespmem:$0x1DF98] =	vst v63  }
0x60e: {  	_ =	swait.ge [sflag:s7], $0x2000  }
0x60f: {  	[sflag:s7] =	ssyncset.done $0x0  }
0x610: {  	s15 =	sadd.s32 $0x14D98, s14;
	[sflag:s7] =	ssyncadd.s32 $0xFFFFE000  }
0x611: {  	[spmem:s29] =	stream.indirect.scatter.add.f32 [tilespmem:s12], [sflag:$0x4], $0x40, s15, s11, $0xb8;
	[tilespmem:$0x1DF98] =	vst v63  }
0x612: {  	_ =	swait.ge [sflag:s26], $0x2000  }
.Ltmp8:
0x613: {  	[sflag:s26] =	ssyncset.done $0x0;
	(pc) =	sbr.rel @p4 .LBB2_13-.Ltmp8, $4  }
0x614: {  	s13 =	sadd.s32 $0x13E98, s13;
	[sflag:s26] =	ssyncadd.s32 $0xFFFFE000  }
0x615: {  	[tilespmem:s12], [sflag:$0x2] =	stream.indirect.gather [spmem:s25], $0x40, s13, s11, $0xb8;
	[tilespmem:$0x1DF98] =	vst v63  }
0x616: {  	s30 =	sadd.s32 $0x1000, s30;
	_ =	swait.ge [sflag:s28], $0x2000  }
0x617: {  	p3 =	sne.s32 s9, $0x0;
	s13 =	sadd.s32 $0x14E18, s14;
	[sflag:s28] =	ssyncset.done $0x0  }
0x618: {  	s1 =	simm.s32 @p3 $0x3;
	[sflag:s28] =	ssyncadd.s32 $0xFFFFE000  }
0x619: {  	[spmem:s29] =	stream.indirect.scatter.add.f32 [tilespmem:s8], [sflag:$0x3], $0x40, s13, s11, $0xb8;
	[tilespmem:$0x1DF98] =	vst v63  }
0x61a: {  	_ =	swait.ge @p3 [sflag:s1], $0x2000  }
0x61b: {  	s14 =	simm.s32 @p3 $0x15B18;
	s13 =	sshra.s32 @p3 s30, $0x2;
	[sflag:s1] =	ssyncset.done @p3 $0x0  }
0x61c: {  	s15 =	simm.s32 @p3 $0x80;
	[sflag:s1] =	ssyncadd.s32 @p3 $0xFFFFE000;
	s1 =	sadd.s32 @p3 $0x13B18, s13  }
0x61d: {  	[tilespmem:s14], [sflag:$0x1] =	stream.indirect.gather @p3 [spmem:s25], $0x40, s1, s15, $0xb8;
	[tilespmem:$0x1DF98] =	vst v63  }
0x61e: {  	s1 =	simm.s32 @p3 $0x2  }
0x61f: {  	_ =	swait.ge @p3 [sflag:s1], $0x2000  }
0x620: {  	[sflag:s1] =	ssyncset.done @p3 $0x0  }
0x621: {  	s13 =	sadd.s32 @p3 $0x14A98, s13;
	[sflag:s1] =	ssyncadd.s32 @p3 $0xFFFFE000;
	s1 =	simm.s32 @p3 $0x19B18  }
0x622: {  	[spmem:s29] =	stream.indirect.scatter.add.f32 @p3 [tilespmem:s1], [sflag:$0x4], $0x40, s13, s15, $0xb8;
	[tilespmem:$0x1DF98] =	vst v63  }
0x623: {  	s1 =	simm.s32 @p3 $0x4  }
0x624: {  	_ =	swait.ge @p3 [sflag:s1], $0x2000  }
0x625: {  	s9 =	simm.s32 @!p3 $0x0;
	s14 =	simm.s32 @!p3 $0x13B18;
	[sflag:s1] =	ssyncset.done @p3 $0x0  }
0x626: {  	s13 =	simm.s32 @!p3 $0x15B18;
	[sflag:s1] =	ssyncadd.s32 @p3 $0xFFFFE000;
	s1 =	simm.s32 @!p3 $0x80  }
0x627: {  	[tilespmem:s13], [sflag:$0x1] =	stream.indirect.gather @!p3 [spmem:s25], $0x40, s14, s1, $0xb8;
	[tilespmem:$0x1DF98] =	vst v63  }
0x628: {  	s13 =	sadd.s32 $0x13B98, s9  }
0x629: {  	[tilespmem:s12], [sflag:$0x2] =	stream.indirect.gather [spmem:s25], $0x40, s13, s11, $0xb8;
	[tilespmem:$0x1DF98] =	vst v63  }
0x62a: {  	_ =	swait.ge [sflag:s28], $0x2000  }
0x62b: {  	[sflag:s28] =	ssyncset.done $0x0  }
0x62c: {  	s14 =	sadd.s32 $0x14B18, s9;
	[sflag:s28] =	ssyncadd.s32 $0xFFFFE000  }
0x62d: {  	[spmem:s29] =	stream.indirect.scatter.add.f32 [tilespmem:s8], [sflag:$0x3], $0x40, s14, s11, $0xb8;
	[tilespmem:$0x1DF98] =	vst v63  }
0x62e: {  	_ =	swait.ge [sflag:s2], $0x2000  }
0x62f: {  	[sflag:s2] =	ssyncset.done $0x0  }
0x630: {  	s15 =	sadd.s32 $0x13C18, s9;
	[sflag:s2] =	ssyncadd.s32 $0xFFFFE000  }
0x631: {  	[tilespmem:s8], [sflag:$0x1] =	stream.indirect.gather [spmem:s25], $0x40, s15, s11, $0xb8;
	[tilespmem:$0x1DF98] =	vst v63  }
0x632: {  	_ =	swait.ge [sflag:s7], $0x2000  }
0x633: {  	[sflag:s7] =	ssyncset.done $0x0  }
0x634: {  	s16 =	sadd.s32 $0x14B98, s9;
	[sflag:s7] =	ssyncadd.s32 $0xFFFFE000  }
0x635: {  	[spmem:s29] =	stream.indirect.scatter.add.f32 [tilespmem:s12], [sflag:$0x4], $0x40, s16, s11, $0xb8;
	[tilespmem:$0x1DF98] =	vst v63  }
0x636: {  	_ =	swait.ge [sflag:s26], $0x2000  }
0x637: {  	[sflag:s26] =	ssyncset.done $0x0  }
0x638: {  	s17 =	sadd.s32 $0x13C98, s9;
	[sflag:s26] =	ssyncadd.s32 $0xFFFFE000  }
0x639: {  	[tilespmem:s12], [sflag:$0x2] =	stream.indirect.gather [spmem:s25], $0x40, s17, s11, $0xb8;
	[tilespmem:$0x1DF98] =	vst v63  }
0x63a: {  	_ =	swait.ge [sflag:s28], $0x2000  }
0x63b: {  	[sflag:s28] =	ssyncset.done $0x0  }
0x63c: {  	s18 =	sadd.s32 $0x14C18, s9;
	[sflag:s28] =	ssyncadd.s32 $0xFFFFE000  }
0x63d: {  	[spmem:s29] =	stream.indirect.scatter.add.f32 [tilespmem:s8], [sflag:$0x3], $0x40, s18, s11, $0xb8;
	[tilespmem:$0x1DF98] =	vst v63  }
0x63e: {  	_ =	swait.ge [sflag:s2], $0x2000  }
0x63f: {  	[sflag:s2] =	ssyncset.done $0x0  }
0x640: {  	s19 =	sadd.s32 $0x13D18, s9;
	[sflag:s2] =	ssyncadd.s32 $0xFFFFE000  }
0x641: {  	[tilespmem:s8], [sflag:$0x1] =	stream.indirect.gather [spmem:s25], $0x40, s19, s11, $0xb8;
	[tilespmem:$0x1DF98] =	vst v63  }
0x642: {  	_ =	swait.ge [sflag:s7], $0x2000  }
0x643: {  	[sflag:s7] =	ssyncset.done $0x0  }
0x644: {  	s13 =	sadd.s32 $0x14C98, s9;
	[sflag:s7] =	ssyncadd.s32 $0xFFFFE000  }
0x645: {  	[spmem:s29] =	stream.indirect.scatter.add.f32 [tilespmem:s12], [sflag:$0x4], $0x40, s13, s11, $0xb8;
	[tilespmem:$0x1DF98] =	vst v63  }
0x646: {  	_ =	swait.ge [sflag:s26], $0x2000  }
0x647: {  	[sflag:s26] =	ssyncset.done $0x0  }
0x648: {  	s14 =	sadd.s32 $0x13D98, s9;
	[sflag:s26] =	ssyncadd.s32 $0xFFFFE000  }
0x649: {  	[tilespmem:s12], [sflag:$0x2] =	stream.indirect.gather [spmem:s25], $0x40, s14, s11, $0xb8;
	[tilespmem:$0x1DF98] =	vst v63  }
0x64a: {  	_ =	swait.ge [sflag:s28], $0x2000  }
0x64b: {  	[sflag:s28] =	ssyncset.done $0x0  }
0x64c: {  	s15 =	sadd.s32 $0x14D18, s9;
	[sflag:s28] =	ssyncadd.s32 $0xFFFFE000  }
0x64d: {  	[spmem:s29] =	stream.indirect.scatter.add.f32 [tilespmem:s8], [sflag:$0x3], $0x40, s15, s11, $0xb8;
	[tilespmem:$0x1DF98] =	vst v63  }
0x64e: {  	_ =	swait.ge [sflag:s2], $0x2000  }
0x64f: {  	[sflag:s2] =	ssyncset.done $0x0  }
0x650: {  	s16 =	sadd.s32 $0x13E18, s9;
	[sflag:s2] =	ssyncadd.s32 $0xFFFFE000  }
0x651: {  	[tilespmem:s8], [sflag:$0x1] =	stream.indirect.gather [spmem:s25], $0x40, s16, s11, $0xb8;
	[tilespmem:$0x1DF98] =	vst v63  }
0x652: {  	_ =	swait.ge [sflag:s7], $0x2000  }
0x653: {  	[sflag:s7] =	ssyncset.done $0x0  }
0x654: {  	s17 =	sadd.s32 $0x14D98, s9;
	[sflag:s7] =	ssyncadd.s32 $0xFFFFE000  }
0x655: {  	[spmem:s29] =	stream.indirect.scatter.add.f32 [tilespmem:s12], [sflag:$0x4], $0x40, s17, s11, $0xb8;
	[tilespmem:$0x1DF98] =	vst v63  }
0x656: {  	s30 =	simm.s32 @!p3 $0x0;
	_ =	swait.ge [sflag:s26], $0x2000  }
0x657: {  	s18 =	sshra.s32 s30, $0x2;
	[sflag:s26] =	ssyncset.done $0x0  }
0x658: {  	s1 =	sadd.s32 $0x13E98, s18;
	[sflag:s26] =	ssyncadd.s32 $0xFFFFE000  }
0x659: {  	[tilespmem:s12], [sflag:$0x2] =	stream.indirect.gather [spmem:s25], $0x40, s1, s11, $0xb8;
	[tilespmem:$0x1DF98] =	vst v63  }
0x65a: {  	_ =	swait.ge [sflag:s28], $0x2000  }
0x65b: {  	[sflag:s28] =	ssyncset.done $0x0  }
0x65c: {  	s19 =	sadd.s32 $0x14E18, s9;
	[sflag:s28] =	ssyncadd.s32 $0xFFFFE000  }
0x65d: {  	[spmem:s29] =	stream.indirect.scatter.add.f32 [tilespmem:s8], [sflag:$0x3], $0x40, s19, s11, $0xb8;
	[tilespmem:$0x1DF98] =	vst v63  }
0x65e: {  	_ =	swait.ge [sflag:s7], $0x2000  }
0x65f: {  	[sflag:s7] =	ssyncset.done $0x0  }
0x660: {  	s30 =	simm.s32 $0x15A98;
	[sflag:s7] =	ssyncadd.s32 $0xFFFFE000  }
0x661: {  	[spmem:s29] =	stream.indirect.scatter.add.f32 [tilespmem:s12], [sflag:$0x4], $0x40, s30, s11, $0xb8;
	[tilespmem:$0x1DF98] =	vst v63  }
0x662: {  	_ =	swait.ge [sflag:s2], $0x2000  }
0x663: {  	[sflag:s2] =	ssyncset.done $0x0  }
0x664: {  	[sflag:s2] =	ssyncadd.s32 $0xFFFFE000  }
0x665: {  	_ =	swait.ge [sflag:s26], $0x2000  }
0x666: {  	s9 =	sld [smem:$0x7F3]  }
0x667: {  	[sflag:s26] =	ssyncset.done $0x0  }
0x668: {  	[sflag:s26] =	ssyncadd.s32 $0xFFFFE000  }
0x669: {  	[spmem:s31] =	stream.indirect.scatter.add.f32 [tilespmem:s5], [sflag:$0x5], $0x1, s9, s11, $0xb8;
	[tilespmem:$0x1DF98] =	vst v63  }
0x66a: {  	_ =	swait.ge [sflag:s6], $0x80  }
0x66b: {  	s13 =	sld [smem:$0x7F4]  }
0x66c: {  	[sflag:s6] =	ssyncset.done $0x0  }
0x66d: {  	[sflag:s6] =	ssyncadd.s32 $0xFFFFFF80  }
0x66e: {  	[spmem:s31] =	stream.indirect.scatter.add.f32 [tilespmem:s5], [sflag:$0x5], $0x1, s13, s11, $0xb8;
	[tilespmem:$0x1DF98] =	vst v63  }
0x66f: {  	_ =	swait.ge [sflag:s6], $0x80  }
0x670: {  	s14 =	sld [smem:$0x7F5]  }
0x671: {  	[sflag:s6] =	ssyncset.done $0x0  }
0x672: {  	[sflag:s6] =	ssyncadd.s32 $0xFFFFFF80  }
0x673: {  	[spmem:s31] =	stream.indirect.scatter.add.f32 [tilespmem:s5], [sflag:$0x5], $0x1, s14, s11, $0xb8;
	[tilespmem:$0x1DF98] =	vst v63  }
0x674: {  	_ =	swait.ge [sflag:s6], $0x80  }
0x675: {  	s15 =	sld [smem:$0x7F6]  }
0x676: {  	[sflag:s6] =	ssyncset.done $0x0  }
0x677: {  	[sflag:s6] =	ssyncadd.s32 $0xFFFFFF80  }
0x678: {  	[spmem:s31] =	stream.indirect.scatter.add.f32 [tilespmem:s5], [sflag:$0x5], $0x1, s15, s11, $0xb8;
	[tilespmem:$0x1DF98] =	vst v63  }
0x679: {  	_ =	swait.ge [sflag:s6], $0x80  }
0x67a: {  	s16 =	sld [smem:$0x7F7]  }
0x67b: {  	[sflag:s6] =	ssyncset.done $0x0  }
0x67c: {  	[sflag:s6] =	ssyncadd.s32 $0xFFFFFF80  }
0x67d: {  	[spmem:s31] =	stream.indirect.scatter.add.f32 [tilespmem:s5], [sflag:$0x5], $0x1, s16, s11, $0xb8;
	[tilespmem:$0x1DF98] =	vst v63  }
0x67e: {  	_ =	swait.ge [sflag:s6], $0x80  }
0x67f: {  	s17 =	sld [smem:$0x7F8]  }
0x680: {  	[sflag:s6] =	ssyncset.done $0x0  }
0x681: {  	[sflag:s6] =	ssyncadd.s32 $0xFFFFFF80  }
0x682: {  	[spmem:s31] =	stream.indirect.scatter.add.f32 [tilespmem:s5], [sflag:$0x5], $0x1, s17, s11, $0xb8;
	[tilespmem:$0x1DF98] =	vst v63  }
0x683: {  	_ =	swait.ge [sflag:s6], $0x80  }
0x684: {  	s18 =	sld [smem:$0x7F9]  }
0x685: {  	[sflag:s6] =	ssyncset.done $0x0  }
0x686: {  	[sflag:s6] =	ssyncadd.s32 $0xFFFFFF80  }
0x687: {  	[spmem:s31] =	stream.indirect.scatter.add.f32 [tilespmem:s5], [sflag:$0x5], $0x1, s18, s11, $0xb8;
	[tilespmem:$0x1DF98] =	vst v63  }
0x688: {  	_ =	swait.ge [sflag:s6], $0x80  }
0x689: {  	s19 =	sld [smem:$0x7FA]  }
0x68a: {  	[sflag:s6] =	ssyncset.done $0x0  }
0x68b: {  	[sflag:s6] =	ssyncadd.s32 $0xFFFFFF80  }
0x68c: {  	[spmem:s31] =	stream.indirect.scatter.add.f32 [tilespmem:s5], [sflag:$0x5], $0x1, s19, s11, $0xb8;
	[tilespmem:$0x1DF98] =	vst v63  }
0x68d: {  	_ =	swait.ge [sflag:s6], $0x80  }
0x68e: {  	s30 =	sld [smem:$0x7FB]  }
0x68f: {  	[sflag:s6] =	ssyncset.done $0x0  }
0x690: {  	[sflag:s6] =	ssyncadd.s32 $0xFFFFFF80  }
0x691: {  	[spmem:s31] =	stream.indirect.scatter.add.f32 [tilespmem:s5], [sflag:$0x5], $0x1, s30, s11, $0xb8;
	[tilespmem:$0x1DF98] =	vst v63  }
0x692: {  	_ =	swait.ge [sflag:s6], $0x80  }
0x693: {  	[sflag:s6] =	ssyncset.done $0x0  }
0x694: {  	[sflag:s6] =	ssyncadd.s32 $0xFFFFFF80  }
0x695: {  	[spmem:s31] =	stream.indirect.scatter.add.f32 [tilespmem:s5], [sflag:$0x5], $0x1, s20, s11, $0xb8;
	[tilespmem:$0x1DF98] =	vst v63  }
0x696: {  	_ =	swait.ge [sflag:s6], $0x80  }
0x697: {  	[sflag:s6] =	ssyncset.done $0x0  }
0x698: {  	[sflag:s6] =	ssyncadd.s32 $0xFFFFFF80  }
0x699: {  	[spmem:s31] =	stream.indirect.scatter.add.f32 [tilespmem:s5], [sflag:$0x5], $0x1, s21, s11, $0xb8;
	[tilespmem:$0x1DF98] =	vst v63  }
0x69a: {  	_ =	swait.ge [sflag:s6], $0x80  }
0x69b: {  	[sflag:s6] =	ssyncset.done $0x0  }
0x69c: {  	[sflag:s6] =	ssyncadd.s32 $0xFFFFFF80  }
0x69d: {  	[spmem:s31] =	stream.indirect.scatter.add.f32 [tilespmem:s5], [sflag:$0x5], $0x1, s22, s11, $0xb8;
	[tilespmem:$0x1DF98] =	vst v63  }
0x69e: {  	_ =	swait.ge [sflag:s6], $0x80  }
0x69f: {  	[sflag:s6] =	ssyncset.done $0x0  }
0x6a0: {  	[sflag:s6] =	ssyncadd.s32 $0xFFFFFF80  }
0x6a1: {  	[spmem:s31] =	stream.indirect.scatter.add.f32 [tilespmem:s5], [sflag:$0x5], $0x1, s23, s11, $0xb8;
	[tilespmem:$0x1DF98] =	vst v63  }
0x6a2: {  	_ =	swait.ge [sflag:s6], $0x80  }
0x6a3: {  	[sflag:s6] =	ssyncset.done $0x0  }
0x6a4: {  	[sflag:s6] =	ssyncadd.s32 $0xFFFFFF80  }
0x6a5: {  	[spmem:s31] =	stream.indirect.scatter.add.f32 [tilespmem:s5], [sflag:$0x5], $0x1, s24, s11, $0xb8;
	[tilespmem:$0x1DF98] =	vst v63  }
0x6a6: {  	_ =	swait.ge [sflag:s6], $0x80  }
0x6a7: {  	[sflag:s6] =	ssyncset.done $0x0  }
0x6a8: {  	[sflag:s6] =	ssyncadd.s32 $0xFFFFFF80  }
0x6a9: {  	[spmem:s31] =	stream.indirect.scatter.add.f32 [tilespmem:s5], [sflag:$0x5], $0x1, s3, s11, $0xb8;
	[tilespmem:$0x1DF98] =	vst v63  }
0x6aa: {  	_ =	swait.ge [sflag:s6], $0x80  }
0x6ab: {  	[sflag:s6] =	ssyncset.done $0x0  }
0x6ac: {  	[sflag:s6] =	ssyncadd.s32 $0xFFFFFF80  }
0x6ad: {  	[spmem:s31] =	stream.indirect.scatter.add.f32 [tilespmem:s5], [sflag:$0x5], $0x1, s4, s11, $0xb8;
	[tilespmem:$0x1DF98] =	vst v63  }
.Ltmp9:
0x6ae: {  	_ =	swait.ge [sflag:s6], $0x80;
	(pc) =	sbr.rel @p2 .LBB2_16-.Ltmp9, $3  }
0x6af: {  	[sflag:s6] =	ssyncset.done $0x0  }
0x6b0: {  	[sflag:s6] =	ssyncadd.s32 $0xFFFFFF80  }
0x6b1: {  	[bflag:$0x0] =	sbarrier.arrive $0xFFFF;
	_ =	sdelay $0x1  }
0x6b2: {  	s1 =	sld [smem:$0x7E8];
	_ =	sdelay $0x1  }
0x6b3: {  	s9 =	simm.s32 $0x1DB98  }
0x6b4: {  	[tilespmem:s9], [sflag:$0x5] =	stream.linear.gather [spmem:s1], $0x3E8, $0x38;
	[tilespmem:$0x1DF98] =	vst v63  }
0x6b5: {  	_ =	swait.ge [sflag:s6], $0x3E8  }
0x6b6: {  	s13 =	sld [smem:$0x7E9]  }
0x6b7: {  	[sflag:s6] =	ssyncset.done $0x0  }
0x6b8: {  	[sflag:s6] =	ssyncadd.s32 $0xFFFFFC18  }
0x6b9: {  	[hbm4b:s13+s0] =	stream.linear.scatter [tilespmem:s9], [sflag:$0x5], $0x3E8, $0x38;
	[tilespmem:$0x1DF98] =	vst v63  }
0x6ba: {  	_ =	swait.ge [sflag:s6], $0x3E8  }
0x6bb: {  	s14 =	sld [smem:$0x7EA]  }
0x6bc: {  	[sflag:s6] =	ssyncset.done $0x0  }
0x6bd: {  	[sflag:s6] =	ssyncadd.s32 $0xFFFFFC18  }
0x6be: {  	[tilespmem:s12], [sflag:$0x5] =	stream.linear.gather [spmem:s14], $0x4000, $0x38;
	[tilespmem:$0x1DF98] =	vst v63  }
0x6bf: {  	_ =	swait.ge [sflag:s6], $0x4000  }
0x6c0: {  	[sflag:s6] =	ssyncset.done $0x0  }
0x6c1: {  	s15 =	rddreg [dreg:$0x18];
	[sflag:s6] =	ssyncadd.s32 $0xFFFFC000  }
0x6c2: {  	[hbm4b:s15+s0] =	stream.linear.scatter [tilespmem:s12], [sflag:$0x5], $0x4000, $0x38;
	[tilespmem:$0x1DF98] =	vst v63  }
0x6c3: {  	_ =	swait.ge [sflag:s6], $0x4000  }
0x6c4: {  	s16 =	sld [smem:$0x7EB]  }
0x6c5: {  	[sflag:s6] =	ssyncset.done $0x0  }
0x6c6: {  	[sflag:s6] =	ssyncadd.s32 $0xFFFFC000  }
0x6c7: {  	[tilespmem:s12], [sflag:$0x5] =	stream.linear.gather [spmem:s16], $0x4000, $0x38;
	[tilespmem:$0x1DF98] =	vst v63  }
0x6c8: {  	_ =	swait.ge [sflag:s6], $0x4000  }
0x6c9: {  	[sflag:s6] =	ssyncset.done $0x0  }
0x6ca: {  	s17 =	rddreg [dreg:$0x19];
	[sflag:s6] =	ssyncadd.s32 $0xFFFFC000  }
0x6cb: {  	[hbm4b:s17+s0] =	stream.linear.scatter [tilespmem:s12], [sflag:$0x5], $0x4000, $0x38;
	[tilespmem:$0x1DF98] =	vst v63  }
0x6cc: {  	_ =	swait.ge [sflag:s6], $0x4000  }
0x6cd: {  	s18 =	sld [smem:$0x7EC]  }
0x6ce: {  	[sflag:s6] =	ssyncset.done $0x0  }
0x6cf: {  	[sflag:s6] =	ssyncadd.s32 $0xFFFFC000  }
0x6d0: {  	[tilespmem:s12], [sflag:$0x5] =	stream.linear.gather [spmem:s18], $0x4000, $0x38;
	[tilespmem:$0x1DF98] =	vst v63  }
0x6d1: {  	_ =	swait.ge [sflag:s6], $0x4000  }
0x6d2: {  	[sflag:s6] =	ssyncset.done $0x0  }
0x6d3: {  	s19 =	rddreg [dreg:$0x1a];
	[sflag:s6] =	ssyncadd.s32 $0xFFFFC000  }
0x6d4: {  	[hbm4b:s19+s0] =	stream.linear.scatter [tilespmem:s12], [sflag:$0x5], $0x4000, $0x38;
	[tilespmem:$0x1DF98] =	vst v63  }
0x6d5: {  	_ =	swait.ge [sflag:s6], $0x4000  }
0x6d6: {  	s30 =	sld [smem:$0x7ED]  }
0x6d7: {  	[sflag:s6] =	ssyncset.done $0x0  }
0x6d8: {  	[sflag:s6] =	ssyncadd.s32 $0xFFFFC000  }
0x6d9: {  	[tilespmem:s12], [sflag:$0x5] =	stream.linear.gather [spmem:s30], $0x4000, $0x38;
	[tilespmem:$0x1DF98] =	vst v63  }
0x6da: {  	_ =	swait.ge [sflag:s6], $0x4000  }
0x6db: {  	[sflag:s6] =	ssyncset.done $0x0  }
0x6dc: {  	s9 =	rddreg [dreg:$0x1b];
	[sflag:s6] =	ssyncadd.s32 $0xFFFFC000  }
0x6dd: {  	[hbm4b:s9+s0] =	stream.linear.scatter [tilespmem:s12], [sflag:$0x5], $0x4000, $0x38;
	[tilespmem:$0x1DF98] =	vst v63  }
0x6de: {  	_ =	swait.ge [sflag:s6], $0x4000  }
0x6df: {  	s13 =	sld [smem:$0x7EE]  }
0x6e0: {  	[sflag:s6] =	ssyncset.done $0x0  }
0x6e1: {  	[sflag:s6] =	ssyncadd.s32 $0xFFFFC000  }
0x6e2: {  	[tilespmem:s12], [sflag:$0x5] =	stream.linear.gather [spmem:s13], $0x4000, $0x38;
	[tilespmem:$0x1DF98] =	vst v63  }
0x6e3: {  	_ =	swait.ge [sflag:s6], $0x4000  }
0x6e4: {  	[sflag:s6] =	ssyncset.done $0x0  }
0x6e5: {  	s14 =	rddreg [dreg:$0x1c];
	[sflag:s6] =	ssyncadd.s32 $0xFFFFC000  }
0x6e6: {  	[hbm4b:s14+s0] =	stream.linear.scatter [tilespmem:s12], [sflag:$0x5], $0x4000, $0x38;
	[tilespmem:$0x1DF98] =	vst v63  }
0x6e7: {  	_ =	swait.ge [sflag:s6], $0x4000  }
0x6e8: {  	s15 =	sld [smem:$0x7EF]  }
0x6e9: {  	[sflag:s6] =	ssyncset.done $0x0  }
0x6ea: {  	[sflag:s6] =	ssyncadd.s32 $0xFFFFC000  }
0x6eb: {  	[tilespmem:s12], [sflag:$0x5] =	stream.linear.gather [spmem:s15], $0x4000, $0x38;
	[tilespmem:$0x1DF98] =	vst v63  }
0x6ec: {  	_ =	swait.ge [sflag:s6], $0x4000  }
0x6ed: {  	[sflag:s6] =	ssyncset.done $0x0  }
0x6ee: {  	s16 =	rddreg [dreg:$0x1d];
	[sflag:s6] =	ssyncadd.s32 $0xFFFFC000  }
0x6ef: {  	[hbm4b:s16+s0] =	stream.linear.scatter [tilespmem:s12], [sflag:$0x5], $0x4000, $0x38;
	[tilespmem:$0x1DF98] =	vst v63  }
0x6f0: {  	_ =	swait.ge [sflag:s6], $0x4000  }
0x6f1: {  	s17 =	sld [smem:$0x7F0]  }
0x6f2: {  	[sflag:s6] =	ssyncset.done $0x0  }
0x6f3: {  	[sflag:s6] =	ssyncadd.s32 $0xFFFFC000  }
0x6f4: {  	[tilespmem:s12], [sflag:$0x5] =	stream.linear.gather [spmem:s17], $0x4000, $0x38;
	[tilespmem:$0x1DF98] =	vst v63  }
0x6f5: {  	_ =	swait.ge [sflag:s6], $0x4000  }
0x6f6: {  	[sflag:s6] =	ssyncset.done $0x0  }
0x6f7: {  	s18 =	rddreg [dreg:$0x1e];
	[sflag:s6] =	ssyncadd.s32 $0xFFFFC000  }
0x6f8: {  	[hbm4b:s18+s0] =	stream.linear.scatter [tilespmem:s12], [sflag:$0x5], $0x4000, $0x38;
	[tilespmem:$0x1DF98] =	vst v63  }
0x6f9: {  	_ =	swait.ge [sflag:s6], $0x4000  }
0x6fa: {  	s19 =	sld [smem:$0x7F1]  }
0x6fb: {  	[sflag:s6] =	ssyncset.done $0x0  }
0x6fc: {  	[sflag:s6] =	ssyncadd.s32 $0xFFFFC000  }
0x6fd: {  	[tilespmem:s12], [sflag:$0x5] =	stream.linear.gather [spmem:s19], $0x3400, $0x38;
	[tilespmem:$0x1DF98] =	vst v63  }
0x6fe: {  	_ =	swait.ge [sflag:s6], $0x3400  }
0x6ff: {  	[sflag:s6] =	ssyncset.done $0x0  }
.Ltmp10:
0x700: {  	s30 =	rddreg [dreg:$0x1f];
	[sflag:s6] =	ssyncadd.s32 $0xFFFFCC00;
	(pc) =	sbr.rel .LBB2_16-.Ltmp10, $4  }
0x701: {  	[hbm4b:s30+s0] =	stream.linear.scatter [tilespmem:s12], [sflag:$0x5], $0x3400, $0x38;
	[tilespmem:$0x1DF98] =	vst v63  }
0x702: {  	_ =	swait.ge [sflag:s6], $0x3400  }
0x703: {  	[sflag:s6] =	ssyncset.done $0x0  }
0x704: {  	[sflag:s6] =	ssyncadd.s32 $0xFFFFCC00  }
.LBB2_17:
0x705: {  	_ =	sfence.sel $0x180000  }
0x706: {  	[bflag:$0x0] =	sbarrier.arrive $0xFFFF  }
0x707: {  	_ =	strace $0x90000047  }
0x708: {  	[bflag:$0x2] =	sbarrier.arrive $0xFFFF  }
0x709: {  	s0 =	rddreg [dreg:$0x5]  }
0x70a: {  	s0 =	sadd.s32 @!p0 $0x100000, s0  }
0x70b: {  	[sflag:s0] =	ssyncadd.tile.s32 @!p0 $0x1;
	_ =	shalt  }
.Lfunc_end2:
_tile_overlayer_lowered:
.L_overlay_start_2:
0x70c: {  	(tag) =	ssettag $0x2  }
0x70d: {  	s0 =	rddreg [dreg:$0x0];
	s2 =	stileid.u32  }
0x70e: {  	s1 =	rddreg [dreg:$0x1];
	p0 =	sne.s32 s2, $0x0  }
0x70f: {  	s3 =	rddreg [dreg:$0x2];
	[bflag:$0x3] =	sbarrier.arrive $0xFFFF;
	s2 =	simm.s32 @!p0 $0x1C05  }
0x710: {  	[timem:s3], [sflag:s2] =	dma.local @!p0 [hbm:s0], s1  }
0x711: {  	s0 =	simm.s32 @!p0 $0x5  }
0x712: {  	_ =	swait.ge @!p0 [sflag:s0], s1  }
0x713: {  	s1 =	ssub.s32 @!p0 $0x0, s1;
	[sflag:s0] =	ssyncset.done @!p0 $0x0  }
0x714: {  	[sflag:s0] =	ssyncadd.s32 @!p0 s1  }
0x715: {  	[bflag:$0x3] =	sbarrier.arrive $0xFFFF  }
0x716: {  	_ =	shalt  }

</sc_bundles>
